<compile_context>
chip_gen: v7x
topology: tpu7x:2x2x1
jax: 0.10.2.dev20260603
libtpu: 0.0.44.dev20260713+nightly
codegen_flags: <defaults>
</compile_context>

<pallas_src>
import functools

import jax
import jax.numpy as jnp
from jax import lax
from jax.experimental import pallas as pl
from jax.experimental.pallas import tpu as pltpu
from jax.experimental.pallas import tpu_sc as plsc

C = 256
OUT = 7
NPTS = OUT * OUT
NPTS2 = (NPTS + 1) // 2
NC = 2
NS = 16
NW = NC * NS
GRP = 16
FINEST = 56.0

_T1 = (FINEST * (2.0 - 1e-6)) ** 2
_T2 = (FINEST * (4.0 - 1e-6)) ** 2
_T3 = (FINEST * (8.0 - 1e-6)) ** 2


@functools.lru_cache(maxsize=None)
def _build_sc_kernel(npad, h0, off0, off1, off2, off3):
    per_w = npad // NW
    ngrp = per_w // GRP
    mesh = plsc.VectorSubcoreMesh(core_axis_name="c", subcore_axis_name="s")

    @functools.partial(
        pl.kernel,
        mesh=mesh,
        out_type=jax.ShapeDtypeStruct((NPTS * npad, C), jnp.float32),
        scratch_types=[
            pltpu.VMEM((5, per_w), jnp.float32),
            pltpu.VMEM((NPTS2 * 128,), jnp.int32),
            pltpu.VMEM((2 * NPTS2, 4, 32), jnp.float32),
            pltpu.VMEM((64, C), jnp.float32),
            pltpu.VMEM((64, C), jnp.float32),
            pltpu.VMEM((64, C), jnp.float32),
            pltpu.VMEM((64, C), jnp.float32),
            pltpu.VMEM((GRP, C), jnp.float32),
            pltpu.VMEM((GRP, C), jnp.float32),
            pltpu.SemaphoreType.DMA,
            pltpu.SemaphoreType.DMA,
            pltpu.SemaphoreType.DMA,
            pltpu.SemaphoreType.DMA,
            pltpu.SemaphoreType.DMA,
            pltpu.SemaphoreType.DMA,
        ],
    )
    def sc_kernel(table_h, rois_h, out_h, rois_v, idx_v, wts_v, rows0_v,
                  rows1_v, rows2_v, rows3_v, out0_v, out1_v, sem0, sem1,
                  sem2, sem3, osem0, osem1):
        wid = lax.axis_index("s") * NC + lax.axis_index("c")
        base = wid * per_w
        pltpu.sync_copy(rois_h.at[wid], rois_v)

        def g_body(g, carry):
            s16 = pl.ds(g * GRP, GRP)
            bf = rois_v[0, s16]
            x1 = rois_v[1, s16]
            y1 = rois_v[2, s16]
            x2 = rois_v[3, s16]
            y2 = rois_v[4, s16]

            area = jnp.maximum((x2 - x1) * (y2 - y1), 1e-12)
            one_i = jnp.full((GRP,), 1, jnp.int32)
            zero_i = jnp.full((GRP,), 0, jnp.int32)
            lvl = (jnp.where(area >= _T1, one_i, zero_i)
                   + jnp.where(area >= _T2, one_i, zero_i)
                   + jnp.where(area >= _T3, one_i, zero_i))
            hi = jnp.right_shift(jnp.full((GRP,), h0, jnp.int32), lvl)
            hf = hi.astype(jnp.float32)
            inv = 1.0 / jnp.left_shift(jnp.full((GRP,), 4, jnp.int32),
                                       lvl).astype(jnp.float32)
            lvl_off = jnp.where(
                lvl == 0, jnp.full((GRP,), off0, jnp.int32),
                jnp.where(lvl == 1, jnp.full((GRP,), off1, jnp.int32),
                          jnp.where(lvl == 2, jnp.full((GRP,), off2, jnp.int32),
                                    jnp.full((GRP,), off3, jnp.int32))))
            cbase = lvl_off + bf.astype(jnp.int32) * (hi * hi)

            x1s = x1 * inv - 0.5
            y1s = y1 * inv - 0.5
            x2s = x2 * inv - 0.5
            y2s = y2 * inv - 0.5
            bw = (x2s - x1s) / float(OUT)
            bh = (y2s - y1s) / float(OUT)

            def p_body(p, carry2):
                pp = jnp.minimum(p, NPTS - 1)
                py = pp // OUT
                px = pp - py * OUT
                ox = jnp.broadcast_to(px.astype(jnp.float32) + 0.5, (GRP,))
                oy = jnp.broadcast_to(py.astype(jnp.float32) + 0.5, (GRP,))
                gx = x1s + bw * ox
                gy = y1s + bh * oy
                valid = ((gy > -1.0) & (gy < hf) & (gx > -1.0) & (gx < hf))
                yc = jnp.clip(gy, 0.0, hf - 1.0)
                xc = jnp.clip(gx, 0.0, hf - 1.0)
                y0 = jnp.minimum(yc.astype(jnp.int32), hi - 2)
                x0 = jnp.minimum(xc.astype(jnp.int32), hi - 2)
                ly = yc - y0.astype(jnp.float32)
                lx = xc - x0.astype(jnp.float32)
                hy = 1.0 - ly
                hx = 1.0 - lx
                vf = jnp.where(valid, jnp.full((GRP,), 1.0, jnp.float32),
                               jnp.full((GRP,), 0.0, jnp.float32))
                i00 = cbase + y0 * hi + x0
                idx_v[pl.ds(p * 64, 16)] = i00
                idx_v[pl.ds(p * 64 + 16, 16)] = i00 + 1
                idx_v[pl.ds(p * 64 + 32, 16)] = i00 + hi
                idx_v[pl.ds(p * 64 + 48, 16)] = i00 + hi + 1
                wts_v[p, 0, pl.ds(0, 16)] = (hy * hx) * vf
                wts_v[p, 1, pl.ds(0, 16)] = (hy * lx) * vf
                wts_v[p, 2, pl.ds(0, 16)] = (ly * hx) * vf
                wts_v[p, 3, pl.ds(0, 16)] = (ly * lx) * vf
                return carry2
            lax.fori_loop(0, 2 * NPTS2, p_body, 0)

            def fire(p, rows_ref, sem):
                return pltpu.async_copy(
                    table_h.at[idx_v.at[pl.ds(p * 64, 64)]], rows_ref, sem)

            def drain(p, rows_ref, sem):
                pltpu.make_async_copy(
                    table_h.at[idx_v.at[pl.ds(p * 64, 64)]], rows_ref,
                    sem).wait()

            def out_slot(p):
                return out_h.at[pl.ds(p * npad + base + g * GRP, GRP), :]

            def combine(p, rows_ref, off, out_ref, osem):
                @pl.when(p >= 2)
                def _():
                    pltpu.make_async_copy(out_ref, out_slot(p - 2),
                                          osem).wait()

                def r_body(r, carry3):
                    s00 = wts_v[p, 0, pl.ds(r, 16)][0]
                    s01 = wts_v[p, 1, pl.ds(r, 16)][0]
                    s10 = wts_v[p, 2, pl.ds(r, 16)][0]
                    s11 = wts_v[p, 3, pl.ds(r, 16)][0]
                    for cb in range(C // 16):
                        s = pl.ds(cb * 16, 16)
                        out_ref[r, s] = (rows_ref[off + r, s] * s00
                                         + rows_ref[off + 16 + r, s] * s01
                                         + rows_ref[off + 32 + r, s] * s10
                                         + rows_ref[off + 48 + r, s] * s11)
                    return carry3
                lax.fori_loop(0, GRP, r_body, 0)
                pltpu.async_copy(out_ref, out_slot(p), osem)

            bufs = ((rows0_v, sem0), (rows1_v, sem1), (rows2_v, sem2),
                    (rows3_v, sem3))
            outs = ((out0_v, osem0), (out1_v, osem1))
            fire(0, rows0_v, sem0)
            fire(1, rows1_v, sem1)
            fire(2, rows2_v, sem2)

            def q_body(q, carry2):
                qm = q % 4
                for m in range(4):
                    rows_m, sem_m = bufs[m]
                    rows_n, sem_n = bufs[(m + 3) % 4]
                    out_m, osem_m = outs[m % 2]

                    @pl.when(jnp.logical_and(qm == m, q + 3 < NPTS))
                    def _(rows_n=rows_n, sem_n=sem_n):
                        fire(q + 3, rows_n, sem_n)

                    @pl.when(qm == m)
                    def _(rows_m=rows_m, sem_m=sem_m, out_m=out_m,
                          osem_m=osem_m):
                        drain(q, rows_m, sem_m)
                        combine(q, rows_m, 0, out_m, osem_m)
                return carry2
            lax.fori_loop(0, NPTS, q_body, 0)
            pltpu.make_async_copy(out1_v, out_slot(NPTS - 2), osem1).wait()
            pltpu.make_async_copy(out0_v, out_slot(NPTS - 1), osem0).wait()
            return carry
        lax.fori_loop(0, ngrp, g_body, 0)

    return sc_kernel


def kernel(feat0, feat1, feat2, feat3, rois):
    feats = (feat0, feat1, feat2, feat3)
    tables = []
    offs = []
    row = 0
    for f in feats:
        b, c, h, w = f.shape
        offs.append(row)
        row += b * h * w
        tables.append(jnp.transpose(f, (0, 2, 3, 1)).reshape(b * h * w, c))
    table = jnp.concatenate(tables, axis=0)

    n = rois.shape[0]
    npad = ((n + (NW * GRP) - 1) // (NW * GRP)) * (NW * GRP)
    rois_t = jnp.zeros((5, npad), jnp.float32).at[:, :n].set(rois.T)
    rois_t = rois_t.reshape(5, NW, npad // NW).transpose(1, 0, 2)

    h0 = feat0.shape[2]
    sc = _build_sc_kernel(npad, h0, offs[0], offs[1], offs[2], offs[3])
    out = sc(table, rois_t)
    out = out.reshape(NPTS, npad, C)[:, :n]
    return out.transpose(1, 2, 0).reshape(n, C, OUT, OUT)

# --- scband reference (transcript-rebuilt; emitter-appended) ---
"""Pipeline reference for scband-roi-align-extractor-1202590843770 (READ-ONLY COPY).

The authoritative reference and input builder live on the scoring server;
editing this copy changes nothing except your own understanding.
"""

import jax, jax.numpy as jnp
import numpy as np

OUT_SIZE = 7
SR = 1
FEATMAP_STRIDES = [4, 8, 16, 32]
FINEST_SCALE = 56.0
C = 256
IMG = 800
N_ROIS = 5000
BATCH = 2


def setup_inputs(seed: int = 0):
    key = jax.random.key(seed)
    ks = jax.random.split(key, 9)
    inp = {}
    for i, s in enumerate(FEATMAP_STRIDES):
        h = IMG // s
        inp['feat%d' % i] = jax.random.normal(ks[i], (BATCH, C, h, h), dtype=jnp.float32)
    bidx = jax.random.randint(ks[4], (N_ROIS,), 0, BATCH).astype(jnp.float32)
    cx = jax.random.uniform(ks[5], (N_ROIS,), minval=0.0, maxval=float(IMG))
    cy = jax.random.uniform(ks[6], (N_ROIS,), minval=0.0, maxval=float(IMG))
    wh = jax.random.uniform(ks[7], (N_ROIS, 2), minval=8.0, maxval=400.0)
    x1 = jnp.clip(cx - wh[:, 0] / 2.0, 0.0, IMG - 2.0)
    y1 = jnp.clip(cy - wh[:, 1] / 2.0, 0.0, IMG - 2.0)
    x2 = jnp.minimum(jnp.maximum(cx + wh[:, 0] / 2.0, x1 + 1.0), float(IMG))
    y2 = jnp.minimum(jnp.maximum(cy + wh[:, 1] / 2.0, y1 + 1.0), float(IMG))
    inp['rois'] = jnp.stack([bidx, x1, y1, x2, y2], axis=1)
    return inp


def _roi_align_level(feat, rois, spatial_scale):
    B, Cc, H, W = feat.shape
    n = rois.shape[0]
    b = rois[:, 0].astype(jnp.int32)
    x1 = rois[:, 1] * spatial_scale - 0.5
    y1 = rois[:, 2] * spatial_scale - 0.5
    x2 = rois[:, 3] * spatial_scale - 0.5
    y2 = rois[:, 4] * spatial_scale - 0.5
    bin_w = (x2 - x1) / OUT_SIZE
    bin_h = (y2 - y1) / OUT_SIZE
    P = OUT_SIZE * SR
    offs = (jnp.arange(P, dtype=jnp.float32) + 0.5) / SR
    gx = x1[:, None] + bin_w[:, None] * offs[None, :]
    gy = y1[:, None] + bin_h[:, None] * offs[None, :]
    yy = jnp.broadcast_to(gy[:, :, None], (n, P, P))
    xx = jnp.broadcast_to(gx[:, None, :], (n, P, P))
    valid = (yy > -1.0) & (yy < float(H)) & (xx > -1.0) & (xx < float(W))
    yyc = jnp.clip(yy, 0.0, H - 1.0)
    xxc = jnp.clip(xx, 0.0, W - 1.0)
    y0i = jnp.clip(jnp.floor(yyc).astype(jnp.int32), 0, H - 2)
    x0i = jnp.clip(jnp.floor(xxc).astype(jnp.int32), 0, W - 2)
    ly = yyc - y0i.astype(jnp.float32)
    lx = xxc - x0i.astype(jnp.float32)
    hy = 1.0 - ly
    hx = 1.0 - lx
    bb = b[:, None, None]
    v00 = feat[bb, :, y0i, x0i]
    v01 = feat[bb, :, y0i, x0i + 1]
    v10 = feat[bb, :, y0i + 1, x0i]
    v11 = feat[bb, :, y0i + 1, x0i + 1]
    val = (v00 * (hy * hx)[..., None] + v01 * (hy * lx)[..., None]
           + v10 * (ly * hx)[..., None] + v11 * (ly * lx)[..., None])
    val = val * valid[..., None].astype(val.dtype)
    val = val.reshape(n, OUT_SIZE, SR, OUT_SIZE, SR, Cc).mean(axis=(2, 4))
    return jnp.transpose(val, (0, 3, 1, 2))


def _forward(feat0, feat1, feat2, feat3, rois):
    feats = [feat0, feat1, feat2, feat3]
    num_levels = len(feats)
    scale = jnp.sqrt(jnp.maximum((rois[:, 3] - rois[:, 1]) * (rois[:, 4] - rois[:, 2]), 1e-12))
    target_lvls = jnp.floor(jnp.log2(scale / FINEST_SCALE + 1e-6))
    target_lvls = jnp.clip(target_lvls, 0, num_levels - 1).astype(jnp.int32)
    roi_feats = jnp.zeros((rois.shape[0], C, OUT_SIZE, OUT_SIZE), dtype=jnp.float32)
    for i in range(num_levels):
        mask = (target_lvls == i).astype(jnp.float32)[:, None, None, None]
        roi_feats = roi_feats + mask * _roi_align_level(feats[i], rois, 1.0 / FEATMAP_STRIDES[i])
    return roi_feats


def reference(feat0, feat1, feat2, feat3, rois):
    return _forward(feat0, feat1, feat2, feat3, rois)

if __name__ == "__main__":
    import jax
    _d = setup_inputs()
    print(jax.jit(kernel)(*tuple(_d.values())))

</pallas_src>

<mosaic_0001>
#map = affine_map<(d0, d1) -> (0, 0)>
#map1 = affine_map<(d0, d1) -> (0, 0, 0)>
module attributes {stable_mosaic.version = 14 : i64} {
  func.func @sc_kernel(%arg0: i32, %arg1: i32, %arg2: memref<106250x256xf32, #tpu.memory_space<hbm>>, %arg3: memref<32x5x160xf32, #tpu.memory_space<hbm>>, %arg4: memref<250880x256xf32, #tpu.memory_space<hbm>>, %arg5: memref<5x160xf32, #tpu.memory_space<vmem>>, %arg6: memref<3200xi32, #tpu.memory_space<vmem>>, %arg7: memref<50x4x32xf32, #tpu.memory_space<vmem>>, %arg8: memref<64x256xf32, #tpu.memory_space<vmem>>, %arg9: memref<64x256xf32, #tpu.memory_space<vmem>>, %arg10: memref<64x256xf32, #tpu.memory_space<vmem>>, %arg11: memref<64x256xf32, #tpu.memory_space<vmem>>, %arg12: memref<16x256xf32, #tpu.memory_space<vmem>>, %arg13: memref<16x256xf32, #tpu.memory_space<vmem>>, %arg14: memref<!tpu.dma_semaphore, #tpu.memory_space<semaphore_mem>>, %arg15: memref<!tpu.dma_semaphore, #tpu.memory_space<semaphore_mem>>, %arg16: memref<!tpu.dma_semaphore, #tpu.memory_space<semaphore_mem>>, %arg17: memref<!tpu.dma_semaphore, #tpu.memory_space<semaphore_mem>>, %arg18: memref<!tpu.dma_semaphore, #tpu.memory_space<semaphore_mem>>, %arg19: memref<!tpu.dma_semaphore, #tpu.memory_space<semaphore_mem>>) attributes {dimension_semantics = [#tpu.dimension_semantics<core_parallel>, #tpu.dimension_semantics<subcore_parallel>], iteration_bounds = array<i64: 2, 16>, scalar_prefetch = 0 : i64, scratch_operands = 15 : i64, tpu.core_type = #tpu.core_type<sc_vector_subcore>, window_params = [{transform_indices = #map}, {transform_indices = #map1}, {transform_indices = #map}]} {
    %mul3A = arith.constant 2 : i32
    %mul3A_0 = arith.muli %arg1, %mul3A : i32
    %add3A = arith.addi %mul3A_0, %arg0 : i32
    %mul3A_1 = arith.constant 160 : i32
    %mul3A_2 = arith.muli %add3A, %mul3A_1 : i32
    "tpu.region"() ({
      %run_scoped3A = tpu.sem_alloc : memref<!tpu.dma_semaphore, #tpu.memory_space<semaphore_mem>>
      %dma_start3A = arith.constant 0 : i32
      %dma_start3A_8 = arith.constant 0 : i32
      %dma_start3A_9 = tpu.memref_slice %arg3[%add3A, %dma_start3A, %dma_start3A_8] : memref<32x5x160xf32, #tpu.memory_space<hbm>> -> memref<1x5x160xf32, #tpu.memory_space<hbm>>
      %dma_start3A_10 = tpu.memref_squeeze %dma_start3A_9 : memref<1x5x160xf32, #tpu.memory_space<hbm>> -> memref<5x160xf32, #tpu.memory_space<hbm>>
      %dma_start3A_11 = arith.constant 0 : i32
      %dma_start3A_12 = arith.constant 0 : i32
      %dma_start3A_13 = tpu.memref_slice %arg3[%add3A, %dma_start3A_11, %dma_start3A_12] : memref<32x5x160xf32, #tpu.memory_space<hbm>> -> memref<1x5x160xf32, #tpu.memory_space<hbm>>
      %dma_start3A_14 = tpu.memref_squeeze %dma_start3A_13 : memref<1x5x160xf32, #tpu.memory_space<hbm>> -> memref<5x160xf32, #tpu.memory_space<hbm>>
      tpu.enqueue_dma source(%dma_start3A_14 : memref<5x160xf32, #tpu.memory_space<hbm>>) target(%arg5 : memref<5x160xf32, #tpu.memory_space<vmem>>) target_semaphore(%run_scoped3A : memref<!tpu.dma_semaphore, #tpu.memory_space<semaphore_mem>>)
      %dma_wait3A = arith.constant 0 : i32
      %dma_wait3A_15 = arith.constant 0 : i32
      %dma_wait3A_16 = tpu.memref_slice %arg3[%add3A, %dma_wait3A, %dma_wait3A_15] : memref<32x5x160xf32, #tpu.memory_space<hbm>> -> memref<1x5x160xf32, #tpu.memory_space<hbm>>
      %dma_wait3A_17 = tpu.memref_squeeze %dma_wait3A_16 : memref<1x5x160xf32, #tpu.memory_space<hbm>> -> memref<5x160xf32, #tpu.memory_space<hbm>>
      %dma_wait3A_18 = arith.constant 0 : i32
      %dma_wait3A_19 = arith.constant 0 : i32
      %dma_wait3A_20 = tpu.memref_slice %arg3[%add3A, %dma_wait3A_18, %dma_wait3A_19] : memref<32x5x160xf32, #tpu.memory_space<hbm>> -> memref<1x5x160xf32, #tpu.memory_space<hbm>>
      %dma_wait3A_21 = tpu.memref_squeeze %dma_wait3A_20 : memref<1x5x160xf32, #tpu.memory_space<hbm>> -> memref<5x160xf32, #tpu.memory_space<hbm>>
      tpu.wait_dma2 semaphore(%run_scoped3A : memref<!tpu.dma_semaphore, #tpu.memory_space<semaphore_mem>>) src(%dma_wait3A_21 : memref<5x160xf32, #tpu.memory_space<hbm>>) dst(%arg5 : memref<5x160xf32, #tpu.memory_space<vmem>>)
      tpu.yield
    }) : () -> ()
    %scan3A = arith.constant 0 : i32
    %scan3A_3 = arith.constant 0 : i32
    %scan3A_4 = arith.constant 10 : i32
    %scan3A_5 = arith.addi %scan3A_3, %scan3A_4 : i32
    %scan3A_6 = arith.constant 1 : i32
    scf.for %scan3A_8 = %scan3A_3 to %scan3A_5 step %scan3A_6  : i32 {
      %mul3A_9 = arith.constant 16 : i32
      %mul3A_10 = arith.muli %scan3A_8, %mul3A_9 : i32
      %get3A = arith.constant 0 : i32
      %get3A_11 = arith.index_cast %get3A : i32 to index
      %get3A_12 = arith.index_cast %mul3A_10 : i32 to index
      %get3A_13 = tpu.vector_load %arg5[%get3A_11, %get3A_12] {strides = array<i32>} : memref<5x160xf32, #tpu.memory_space<vmem>>, vector<1x16xf32>,
      %get3A_14 = vector.shape_cast %get3A_13 : vector<1x16xf32> to vector<16xf32>
      %get3A_15 = arith.constant 1 : i32
      %get3A_16 = arith.index_cast %get3A_15 : i32 to index
      %get3A_17 = arith.index_cast %mul3A_10 : i32 to index
      %get3A_18 = tpu.vector_load %arg5[%get3A_16, %get3A_17] {strides = array<i32>} : memref<5x160xf32, #tpu.memory_space<vmem>>, vector<1x16xf32>,
      %get3A_19 = vector.shape_cast %get3A_18 : vector<1x16xf32> to vector<16xf32>
      %get3A_20 = arith.constant 2 : i32
      %get3A_21 = arith.index_cast %get3A_20 : i32 to index
      %get3A_22 = arith.index_cast %mul3A_10 : i32 to index
      %get3A_23 = tpu.vector_load %arg5[%get3A_21, %get3A_22] {strides = array<i32>} : memref<5x160xf32, #tpu.memory_space<vmem>>, vector<1x16xf32>,
      %get3A_24 = vector.shape_cast %get3A_23 : vector<1x16xf32> to vector<16xf32>
      %get3A_25 = arith.constant 3 : i32
      %get3A_26 = arith.index_cast %get3A_25 : i32 to index
      %get3A_27 = arith.index_cast %mul3A_10 : i32 to index
      %get3A_28 = tpu.vector_load %arg5[%get3A_26, %get3A_27] {strides = array<i32>} : memref<5x160xf32, #tpu.memory_space<vmem>>, vector<1x16xf32>,
      %get3A_29 = vector.shape_cast %get3A_28 : vector<1x16xf32> to vector<16xf32>
      %get3A_30 = arith.constant 4 : i32
      %get3A_31 = arith.index_cast %get3A_30 : i32 to index
      %get3A_32 = arith.index_cast %mul3A_10 : i32 to index
      %get3A_33 = tpu.vector_load %arg5[%get3A_31, %get3A_32] {strides = array<i32>} : memref<5x160xf32, #tpu.memory_space<vmem>>, vector<1x16xf32>,
      %get3A_34 = vector.shape_cast %get3A_33 : vector<1x16xf32> to vector<16xf32>
      %sub3A = arith.subf %get3A_29, %get3A_19 : vector<16xf32>
      %sub3A_35 = arith.subf %get3A_34, %get3A_24 : vector<16xf32>
      %mul3A_36 = arith.mulf %sub3A, %sub3A_35 : vector<16xf32>
      %max3A = arith.constant 9.99999996E-13 : f32
      %max3A_37 = vector.broadcast %max3A : f32 to vector<16xf32>
      %max3A_38 = arith.maximumf %mul3A_36, %max3A_37 : vector<16xf32>
      %broadcast_in_dim3A = arith.constant 1 : i32
      %broadcast_in_dim3A_39 = vector.broadcast %broadcast_in_dim3A : i32 to vector<16xi32>
      %broadcast_in_dim3A_40 = arith.constant 0 : i32
      %broadcast_in_dim3A_41 = vector.broadcast %broadcast_in_dim3A_40 : i32 to vector<16xi32>
      %ge3A = arith.constant 12543.9873 : f32
      %ge3A_42 = vector.broadcast %ge3A : f32 to vector<16xf32>
      %ge3A_43 = arith.cmpf oge, %max3A_38, %ge3A_42 : vector<16xf32>
      %select_n3A = arith.select %ge3A_43, %broadcast_in_dim3A_39, %broadcast_in_dim3A_41 : vector<16xi1>, vector<16xi32>
      %ge3A_44 = arith.constant 50175.9766 : f32
      %ge3A_45 = vector.broadcast %ge3A_44 : f32 to vector<16xf32>
      %ge3A_46 = arith.cmpf oge, %max3A_38, %ge3A_45 : vector<16xf32>
      %select_n3A_47 = arith.select %ge3A_46, %broadcast_in_dim3A_39, %broadcast_in_dim3A_41 : vector<16xi1>, vector<16xi32>
      %add3A_48 = arith.addi %select_n3A, %select_n3A_47 : vector<16xi32>
      %ge3A_49 = arith.constant 200703.953 : f32
      %ge3A_50 = vector.broadcast %ge3A_49 : f32 to vector<16xf32>
      %ge3A_51 = arith.cmpf oge, %max3A_38, %ge3A_50 : vector<16xf32>
      %select_n3A_52 = arith.select %ge3A_51, %broadcast_in_dim3A_39, %broadcast_in_dim3A_41 : vector<16xi1>, vector<16xi32>
      %add3A_53 = arith.addi %add3A_48, %select_n3A_52 : vector<16xi32>
      %broadcast_in_dim3A_54 = arith.constant 200 : i32
      %broadcast_in_dim3A_55 = vector.broadcast %broadcast_in_dim3A_54 : i32 to vector<16xi32>
      %shift_right_arithmetic3A = arith.shrsi %broadcast_in_dim3A_55, %add3A_53 : vector<16xi32>
      %convert_element_type3A = arith.sitofp %shift_right_arithmetic3A : vector<16xi32> to vector<16xf32>
      %broadcast_in_dim3A_56 = arith.constant 4 : i32
      %broadcast_in_dim3A_57 = vector.broadcast %broadcast_in_dim3A_56 : i32 to vector<16xi32>
      %shift_left3A = arith.shli %broadcast_in_dim3A_57, %add3A_53 : vector<16xi32>
      %convert_element_type3A_58 = arith.sitofp %shift_left3A : vector<16xi32> to vector<16xf32>
      %div3A = arith.constant 1.000000e+00 : f32
      %div3A_59 = vector.broadcast %div3A : f32 to vector<16xf32>
      %div3A_60 = arith.divf %div3A_59, %convert_element_type3A_58 : vector<16xf32>
      %eq3A = arith.constant 0 : i32
      %eq3A_61 = vector.broadcast %eq3A : i32 to vector<16xi32>
      %eq3A_62 = arith.cmpi eq, %add3A_53, %eq3A_61 : vector<16xi32>
      %broadcast_in_dim3A_63 = arith.constant 0 : i32
      %broadcast_in_dim3A_64 = vector.broadcast %broadcast_in_dim3A_63 : i32 to vector<16xi32>
      %eq3A_65 = arith.constant 1 : i32
      %eq3A_66 = vector.broadcast %eq3A_65 : i32 to vector<16xi32>
      %eq3A_67 = arith.cmpi eq, %add3A_53, %eq3A_66 : vector<16xi32>
      %broadcast_in_dim3A_68 = arith.constant 80000 : i32
      %broadcast_in_dim3A_69 = vector.broadcast %broadcast_in_dim3A_68 : i32 to vector<16xi32>
      %eq3A_70 = arith.constant 2 : i32
      %eq3A_71 = vector.broadcast %eq3A_70 : i32 to vector<16xi32>
      %eq3A_72 = arith.cmpi eq, %add3A_53, %eq3A_71 : vector<16xi32>
      %broadcast_in_dim3A_73 = arith.constant 100000 : i32
      %broadcast_in_dim3A_74 = vector.broadcast %broadcast_in_dim3A_73 : i32 to vector<16xi32>
      %broadcast_in_dim3A_75 = arith.constant 105000 : i32
      %broadcast_in_dim3A_76 = vector.broadcast %broadcast_in_dim3A_75 : i32 to vector<16xi32>
      %select_n3A_77 = arith.select %eq3A_72, %broadcast_in_dim3A_74, %broadcast_in_dim3A_76 : vector<16xi1>, vector<16xi32>
      %select_n3A_78 = arith.select %eq3A_67, %broadcast_in_dim3A_69, %select_n3A_77 : vector<16xi1>, vector<16xi32>
      %select_n3A_79 = arith.select %eq3A_62, %broadcast_in_dim3A_64, %select_n3A_78 : vector<16xi1>, vector<16xi32>
      %convert_element_type3A_80 = arith.fptosi %get3A_14 : vector<16xf32> to vector<16xi32>
      %mul3A_81 = arith.muli %shift_right_arithmetic3A, %shift_right_arithmetic3A : vector<16xi32>
      %mul3A_82 = arith.muli %convert_element_type3A_80, %mul3A_81 : vector<16xi32>
      %add3A_83 = arith.addi %select_n3A_79, %mul3A_82 : vector<16xi32>
      %mul3A_84 = arith.mulf %get3A_19, %div3A_60 : vector<16xf32>
      %sub3A_85 = arith.constant 5.000000e-01 : f32
      %sub3A_86 = vector.broadcast %sub3A_85 : f32 to vector<16xf32>
      %sub3A_87 = arith.subf %mul3A_84, %sub3A_86 : vector<16xf32>
      %mul3A_88 = arith.mulf %get3A_24, %div3A_60 : vector<16xf32>
      %sub3A_89 = arith.constant 5.000000e-01 : f32
      %sub3A_90 = vector.broadcast %sub3A_89 : f32 to vector<16xf32>
      %sub3A_91 = arith.subf %mul3A_88, %sub3A_90 : vector<16xf32>
      %mul3A_92 = arith.mulf %get3A_29, %div3A_60 : vector<16xf32>
      %sub3A_93 = arith.constant 5.000000e-01 : f32
      %sub3A_94 = vector.broadcast %sub3A_93 : f32 to vector<16xf32>
      %sub3A_95 = arith.subf %mul3A_92, %sub3A_94 : vector<16xf32>
      %mul3A_96 = arith.mulf %get3A_34, %div3A_60 : vector<16xf32>
      %sub3A_97 = arith.constant 5.000000e-01 : f32
      %sub3A_98 = vector.broadcast %sub3A_97 : f32 to vector<16xf32>
      %sub3A_99 = arith.subf %mul3A_96, %sub3A_98 : vector<16xf32>
      %sub3A_100 = arith.subf %sub3A_95, %sub3A_87 : vector<16xf32>
      %div3A_101 = arith.constant 7.000000e+00 : f32
      %div3A_102 = vector.broadcast %div3A_101 : f32 to vector<16xf32>
      %div3A_103 = arith.divf %sub3A_100, %div3A_102 : vector<16xf32>
      %sub3A_104 = arith.subf %sub3A_99, %sub3A_91 : vector<16xf32>
      %div3A_105 = arith.constant 7.000000e+00 : f32
      %div3A_106 = vector.broadcast %div3A_105 : f32 to vector<16xf32>
      %div3A_107 = arith.divf %sub3A_104, %div3A_106 : vector<16xf32>
      %scan3A_108 = arith.constant 0 : i32
      %scan3A_109 = arith.constant 0 : i32
      %scan3A_110 = arith.constant 50 : i32
      %scan3A_111 = arith.addi %scan3A_109, %scan3A_110 : i32
      %scan3A_112 = arith.constant 1 : i32
      scf.for %scan3A_151 = %scan3A_109 to %scan3A_111 step %scan3A_112  : i32 {
        %min3A = arith.constant 48 : i32
        %min3A_152 = arith.minsi %scan3A_151, %min3A : i32
        %jit3A = arith.constant 7 : i32
        %div3A_153 = arith.divsi %min3A_152, %jit3A : i32
        %sign3A = arith.constant 0 : i32
        %sign3A_154 = arith.cmpi sgt, %min3A_152, %sign3A : i32
        %sign3A_155 = arith.extui %sign3A_154 : i1 to i32
        %sign3A_156 = arith.constant 0 : i32
        %sign3A_157 = arith.cmpi slt, %min3A_152, %sign3A_156 : i32
        %sign3A_158 = arith.extui %sign3A_157 : i1 to i32
        %sign3A_159 = arith.subi %sign3A_155, %sign3A_158 : i32
        %sign3A_160 = arith.constant 0 : i32
        %sign3A_161 = arith.cmpi sgt, %jit3A, %sign3A_160 : i32
        %sign3A_162 = arith.extui %sign3A_161 : i1 to i32
        %sign3A_163 = arith.constant 0 : i32
        %sign3A_164 = arith.cmpi slt, %jit3A, %sign3A_163 : i32
        %sign3A_165 = arith.extui %sign3A_164 : i1 to i32
        %sign3A_166 = arith.subi %sign3A_162, %sign3A_165 : i32
        %ne3A = arith.cmpi ne, %sign3A_159, %sign3A_166 : i32
        %rem3A = arith.remsi %min3A_152, %jit3A : i32
        %ne3A_167 = arith.constant 0 : i32
        %ne3A_168 = arith.cmpi ne, %rem3A, %ne3A_167 : i32
        %and3A = arith.andi %ne3A, %ne3A_168 : i1
        %sub3A_169 = arith.constant 1 : i32
        %sub3A_170 = arith.subi %div3A_153, %sub3A_169 : i32
        %select_n3A_171 = arith.select %and3A, %sub3A_170, %div3A_153 : i32
        %mul3A_172 = arith.constant 7 : i32
        %mul3A_173 = arith.muli %select_n3A_171, %mul3A_172 : i32
        %sub3A_174 = arith.subi %min3A_152, %mul3A_173 : i32
        %convert_element_type3A_175 = arith.sitofp %sub3A_174 : i32 to f32
        %add3A_176 = arith.constant 5.000000e-01 : f32
        %add3A_177 = arith.addf %convert_element_type3A_175, %add3A_176 : f32
        %broadcast_in_dim3A_178 = vector.broadcast %add3A_177 : f32 to vector<16xf32>
        %convert_element_type3A_179 = arith.sitofp %select_n3A_171 : i32 to f32
        %add3A_180 = arith.constant 5.000000e-01 : f32
        %add3A_181 = arith.addf %convert_element_type3A_179, %add3A_180 : f32
        %broadcast_in_dim3A_182 = vector.broadcast %add3A_181 : f32 to vector<16xf32>
        %mul3A_183 = arith.mulf %div3A_103, %broadcast_in_dim3A_178 : vector<16xf32>
        %add3A_184 = arith.addf %sub3A_87, %mul3A_183 : vector<16xf32>
        %mul3A_185 = arith.mulf %div3A_107, %broadcast_in_dim3A_182 : vector<16xf32>
        %add3A_186 = arith.addf %sub3A_91, %mul3A_185 : vector<16xf32>
        %gt3A = arith.constant -1.000000e+00 : f32
        %gt3A_187 = vector.broadcast %gt3A : f32 to vector<16xf32>
        %gt3A_188 = arith.cmpf ogt, %add3A_186, %gt3A_187 : vector<16xf32>
        %lt3A = arith.cmpf olt, %add3A_186, %convert_element_type3A : vector<16xf32>
        %and3A_189 = arith.andi %gt3A_188, %lt3A : vector<16xi1>
        %gt3A_190 = arith.constant -1.000000e+00 : f32
        %gt3A_191 = vector.broadcast %gt3A_190 : f32 to vector<16xf32>
        %gt3A_192 = arith.cmpf ogt, %add3A_184, %gt3A_191 : vector<16xf32>
        %and3A_193 = arith.andi %and3A_189, %gt3A_192 : vector<16xi1>
        %lt3A_194 = arith.cmpf olt, %add3A_184, %convert_element_type3A : vector<16xf32>
        %and3A_195 = arith.andi %and3A_193, %lt3A_194 : vector<16xi1>
        %sub3A_196 = arith.constant 1.000000e+00 : f32
        %sub3A_197 = vector.broadcast %sub3A_196 : f32 to vector<16xf32>
        %sub3A_198 = arith.subf %convert_element_type3A, %sub3A_197 : vector<16xf32>
        %jit3A_199 = arith.constant 0.000000e+00 : f32
        %max3A_200 = vector.broadcast %jit3A_199 : f32 to vector<16xf32>
        %max3A_201 = arith.maximumf %max3A_200, %add3A_186 : vector<16xf32>
        %min3A_202 = arith.minimumf %sub3A_198, %max3A_201 : vector<16xf32>
        %sub3A_203 = arith.constant 1.000000e+00 : f32
        %sub3A_204 = vector.broadcast %sub3A_203 : f32 to vector<16xf32>
        %sub3A_205 = arith.subf %convert_element_type3A, %sub3A_204 : vector<16xf32>
        %jit3A_206 = arith.constant 0.000000e+00 : f32
        %max3A_207 = vector.broadcast %jit3A_206 : f32 to vector<16xf32>
        %max3A_208 = arith.maximumf %max3A_207, %add3A_184 : vector<16xf32>
        %min3A_209 = arith.minimumf %sub3A_205, %max3A_208 : vector<16xf32>
        %convert_element_type3A_210 = arith.fptosi %min3A_202 : vector<16xf32> to vector<16xi32>
        %sub3A_211 = arith.constant 2 : i32
        %sub3A_212 = vector.broadcast %sub3A_211 : i32 to vector<16xi32>
        %sub3A_213 = arith.subi %shift_right_arithmetic3A, %sub3A_212 : vector<16xi32>
        %min3A_214 = arith.minsi %convert_element_type3A_210, %sub3A_213 : vector<16xi32>
        %convert_element_type3A_215 = arith.fptosi %min3A_209 : vector<16xf32> to vector<16xi32>
        %sub3A_216 = arith.constant 2 : i32
        %sub3A_217 = vector.broadcast %sub3A_216 : i32 to vector<16xi32>
        %sub3A_218 = arith.subi %shift_right_arithmetic3A, %sub3A_217 : vector<16xi32>
        %min3A_219 = arith.minsi %convert_element_type3A_215, %sub3A_218 : vector<16xi32>
        %convert_element_type3A_220 = arith.sitofp %min3A_214 : vector<16xi32> to vector<16xf32>
        %sub3A_221 = arith.subf %min3A_202, %convert_element_type3A_220 : vector<16xf32>
        %convert_element_type3A_222 = arith.sitofp %min3A_219 : vector<16xi32> to vector<16xf32>
        %sub3A_223 = arith.subf %min3A_209, %convert_element_type3A_222 : vector<16xf32>
        %sub3A_224 = arith.constant 1.000000e+00 : f32
        %sub3A_225 = vector.broadcast %sub3A_224 : f32 to vector<16xf32>
        %sub3A_226 = arith.subf %sub3A_225, %sub3A_221 : vector<16xf32>
        %sub3A_227 = arith.constant 1.000000e+00 : f32
        %sub3A_228 = vector.broadcast %sub3A_227 : f32 to vector<16xf32>
        %sub3A_229 = arith.subf %sub3A_228, %sub3A_223 : vector<16xf32>
        %broadcast_in_dim3A_230 = arith.constant 1.000000e+00 : f32
        %broadcast_in_dim3A_231 = vector.broadcast %broadcast_in_dim3A_230 : f32 to vector<16xf32>
        %broadcast_in_dim3A_232 = arith.constant 0.000000e+00 : f32
        %broadcast_in_dim3A_233 = vector.broadcast %broadcast_in_dim3A_232 : f32 to vector<16xf32>
        %select_n3A_234 = arith.select %and3A_195, %broadcast_in_dim3A_231, %broadcast_in_dim3A_233 : vector<16xi1>, vector<16xf32>
        %mul3A_235 = arith.muli %min3A_214, %shift_right_arithmetic3A : vector<16xi32>
        %add3A_236 = arith.addi %add3A_83, %mul3A_235 : vector<16xi32>
        %add3A_237 = arith.addi %add3A_236, %min3A_219 : vector<16xi32>
        %mul3A_238 = arith.constant 64 : i32
        %mul3A_239 = arith.muli %scan3A_151, %mul3A_238 : i32
        %swap3A = arith.index_cast %mul3A_239 : i32 to index
        %swap3A_240 = tpu.vector_load %arg6[%swap3A] {strides = array<i32>} : memref<3200xi32, #tpu.memory_space<vmem>>, vector<16xi32>,
        %swap3A_241 = vector.shape_cast %swap3A_240 : vector<16xi32> to vector<16xi32>
        %swap3A_242 = vector.shape_cast %add3A_237 : vector<16xi32> to vector<16xi32>
        tpu.vector_store %arg6[%swap3A], %swap3A_242 {strides = array<i32>} : memref<3200xi32, #tpu.memory_space<vmem>>, vector<16xi32>,
        %add3A_243 = arith.constant 1 : i32
        %add3A_244 = vector.broadcast %add3A_243 : i32 to vector<16xi32>
        %add3A_245 = arith.addi %add3A_237, %add3A_244 : vector<16xi32>
        %mul3A_246 = arith.constant 64 : i32
        %mul3A_247 = arith.muli %scan3A_151, %mul3A_246 : i32
        %add3A_248 = arith.constant 16 : i32
        %add3A_249 = arith.addi %mul3A_247, %add3A_248 : i32
        %swap3A_250 = arith.index_cast %add3A_249 : i32 to index
        %swap3A_251 = tpu.vector_load %arg6[%swap3A_250] {strides = array<i32>} : memref<3200xi32, #tpu.memory_space<vmem>>, vector<16xi32>,
        %swap3A_252 = vector.shape_cast %swap3A_251 : vector<16xi32> to vector<16xi32>
        %swap3A_253 = vector.shape_cast %add3A_245 : vector<16xi32> to vector<16xi32>
        tpu.vector_store %arg6[%swap3A_250], %swap3A_253 {strides = array<i32>} : memref<3200xi32, #tpu.memory_space<vmem>>, vector<16xi32>,
        %add3A_254 = arith.addi %add3A_237, %shift_right_arithmetic3A : vector<16xi32>
        %mul3A_255 = arith.constant 64 : i32
        %mul3A_256 = arith.muli %scan3A_151, %mul3A_255 : i32
        %add3A_257 = arith.constant 32 : i32
        %add3A_258 = arith.addi %mul3A_256, %add3A_257 : i32
        %swap3A_259 = arith.index_cast %add3A_258 : i32 to index
        %swap3A_260 = tpu.vector_load %arg6[%swap3A_259] {strides = array<i32>} : memref<3200xi32, #tpu.memory_space<vmem>>, vector<16xi32>,
        %swap3A_261 = vector.shape_cast %swap3A_260 : vector<16xi32> to vector<16xi32>
        %swap3A_262 = vector.shape_cast %add3A_254 : vector<16xi32> to vector<16xi32>
        tpu.vector_store %arg6[%swap3A_259], %swap3A_262 {strides = array<i32>} : memref<3200xi32, #tpu.memory_space<vmem>>, vector<16xi32>,
        %add3A_263 = arith.addi %add3A_237, %shift_right_arithmetic3A : vector<16xi32>
        %add3A_264 = arith.constant 1 : i32
        %add3A_265 = vector.broadcast %add3A_264 : i32 to vector<16xi32>
        %add3A_266 = arith.addi %add3A_263, %add3A_265 : vector<16xi32>
        %mul3A_267 = arith.constant 64 : i32
        %mul3A_268 = arith.muli %scan3A_151, %mul3A_267 : i32
        %add3A_269 = arith.constant 48 : i32
        %add3A_270 = arith.addi %mul3A_268, %add3A_269 : i32
        %swap3A_271 = arith.index_cast %add3A_270 : i32 to index
        %swap3A_272 = tpu.vector_load %arg6[%swap3A_271] {strides = array<i32>} : memref<3200xi32, #tpu.memory_space<vmem>>, vector<16xi32>,
        %swap3A_273 = vector.shape_cast %swap3A_272 : vector<16xi32> to vector<16xi32>
        %swap3A_274 = vector.shape_cast %add3A_266 : vector<16xi32> to vector<16xi32>
        tpu.vector_store %arg6[%swap3A_271], %swap3A_274 {strides = array<i32>} : memref<3200xi32, #tpu.memory_space<vmem>>, vector<16xi32>,
        %mul3A_275 = arith.mulf %sub3A_226, %sub3A_229 : vector<16xf32>
        %mul3A_276 = arith.mulf %mul3A_275, %select_n3A_234 : vector<16xf32>
        %swap3A_277 = arith.constant 0 : i32
        %swap3A_278 = arith.index_cast %scan3A_151 : i32 to index
        %swap3A_279 = arith.index_cast %swap3A_277 : i32 to index
        %swap3A_280 = arith.constant 0 : index
        %swap3A_281 = tpu.vector_load %arg7[%swap3A_278, %swap3A_279, %swap3A_280] {strides = array<i32>} : memref<50x4x32xf32, #tpu.memory_space<vmem>>, vector<1x1x16xf32>,
        %swap3A_282 = vector.shape_cast %swap3A_281 : vector<1x1x16xf32> to vector<16xf32>
        %swap3A_283 = vector.shape_cast %mul3A_276 : vector<16xf32> to vector<1x1x16xf32>
        tpu.vector_store %arg7[%swap3A_278, %swap3A_279, %swap3A_280], %swap3A_283 {strides = array<i32>} : memref<50x4x32xf32, #tpu.memory_space<vmem>>, vector<1x1x16xf32>,
        %mul3A_284 = arith.mulf %sub3A_226, %sub3A_223 : vector<16xf32>
        %mul3A_285 = arith.mulf %mul3A_284, %select_n3A_234 : vector<16xf32>
        %swap3A_286 = arith.constant 1 : i32
        %swap3A_287 = arith.index_cast %scan3A_151 : i32 to index
        %swap3A_288 = arith.index_cast %swap3A_286 : i32 to index
        %swap3A_289 = arith.constant 0 : index
        %swap3A_290 = tpu.vector_load %arg7[%swap3A_287, %swap3A_288, %swap3A_289] {strides = array<i32>} : memref<50x4x32xf32, #tpu.memory_space<vmem>>, vector<1x1x16xf32>,
        %swap3A_291 = vector.shape_cast %swap3A_290 : vector<1x1x16xf32> to vector<16xf32>
        %swap3A_292 = vector.shape_cast %mul3A_285 : vector<16xf32> to vector<1x1x16xf32>
        tpu.vector_store %arg7[%swap3A_287, %swap3A_288, %swap3A_289], %swap3A_292 {strides = array<i32>} : memref<50x4x32xf32, #tpu.memory_space<vmem>>, vector<1x1x16xf32>,
        %mul3A_293 = arith.mulf %sub3A_221, %sub3A_229 : vector<16xf32>
        %mul3A_294 = arith.mulf %mul3A_293, %select_n3A_234 : vector<16xf32>
        %swap3A_295 = arith.constant 2 : i32
        %swap3A_296 = arith.index_cast %scan3A_151 : i32 to index
        %swap3A_297 = arith.index_cast %swap3A_295 : i32 to index
        %swap3A_298 = arith.constant 0 : index
        %swap3A_299 = tpu.vector_load %arg7[%swap3A_296, %swap3A_297, %swap3A_298] {strides = array<i32>} : memref<50x4x32xf32, #tpu.memory_space<vmem>>, vector<1x1x16xf32>,
        %swap3A_300 = vector.shape_cast %swap3A_299 : vector<1x1x16xf32> to vector<16xf32>
        %swap3A_301 = vector.shape_cast %mul3A_294 : vector<16xf32> to vector<1x1x16xf32>
        tpu.vector_store %arg7[%swap3A_296, %swap3A_297, %swap3A_298], %swap3A_301 {strides = array<i32>} : memref<50x4x32xf32, #tpu.memory_space<vmem>>, vector<1x1x16xf32>,
        %mul3A_302 = arith.mulf %sub3A_221, %sub3A_223 : vector<16xf32>
        %mul3A_303 = arith.mulf %mul3A_302, %select_n3A_234 : vector<16xf32>
        %swap3A_304 = arith.constant 3 : i32
        %swap3A_305 = arith.index_cast %scan3A_151 : i32 to index
        %swap3A_306 = arith.index_cast %swap3A_304 : i32 to index
        %swap3A_307 = arith.constant 0 : index
        %swap3A_308 = tpu.vector_load %arg7[%swap3A_305, %swap3A_306, %swap3A_307] {strides = array<i32>} : memref<50x4x32xf32, #tpu.memory_space<vmem>>, vector<1x1x16xf32>,
        %swap3A_309 = vector.shape_cast %swap3A_308 : vector<1x1x16xf32> to vector<16xf32>
        %swap3A_310 = vector.shape_cast %mul3A_303 : vector<16xf32> to vector<1x1x16xf32>
        tpu.vector_store %arg7[%swap3A_305, %swap3A_306, %swap3A_307], %swap3A_310 {strides = array<i32>} : memref<50x4x32xf32, #tpu.memory_space<vmem>>, vector<1x1x16xf32>,
      }
      %scan3A_113 = arith.constant 50 : i32
      %dma_start3A = arith.constant 0 : i32
      %dma_start3A_114 = tpu.memref_slice %arg6[%dma_start3A] : memref<3200xi32, #tpu.memory_space<vmem>> -> memref<64xi32, #tpu.memory_space<vmem>>
      %dma_start3A_115 = arith.constant 0 : i32
      %dma_start3A_116 = arith.constant 0 : i32
      %dma_start3A_117 = tpu.memref_slice %arg2[%dma_start3A_115, %dma_start3A_116] : memref<106250x256xf32, #tpu.memory_space<hbm>> -> memref<106250x256xf32, #tpu.memory_space<hbm>>
      tpu.enqueue_indirect_dma source(%dma_start3A_117 : memref<106250x256xf32, #tpu.memory_space<hbm>>) target(%arg8 : memref<64x256xf32, #tpu.memory_space<vmem>>) offsets(%dma_start3A_114 : memref<64xi32, #tpu.memory_space<vmem>>) semaphore(%arg14 : memref<!tpu.dma_semaphore, #tpu.memory_space<semaphore_mem>>)
      %dma_start3A_118 = arith.constant 64 : i32
      %dma_start3A_119 = tpu.memref_slice %arg6[%dma_start3A_118] : memref<3200xi32, #tpu.memory_space<vmem>> -> memref<64xi32, #tpu.memory_space<vmem>>
      %dma_start3A_120 = arith.constant 0 : i32
      %dma_start3A_121 = arith.constant 0 : i32
      %dma_start3A_122 = tpu.memref_slice %arg2[%dma_start3A_120, %dma_start3A_121] : memref<106250x256xf32, #tpu.memory_space<hbm>> -> memref<106250x256xf32, #tpu.memory_space<hbm>>
      tpu.enqueue_indirect_dma source(%dma_start3A_122 : memref<106250x256xf32, #tpu.memory_space<hbm>>) target(%arg9 : memref<64x256xf32, #tpu.memory_space<vmem>>) offsets(%dma_start3A_119 : memref<64xi32, #tpu.memory_space<vmem>>) semaphore(%arg15 : memref<!tpu.dma_semaphore, #tpu.memory_space<semaphore_mem>>)
      %dma_start3A_123 = arith.constant 128 : i32
      %dma_start3A_124 = tpu.memref_slice %arg6[%dma_start3A_123] : memref<3200xi32, #tpu.memory_space<vmem>> -> memref<64xi32, #tpu.memory_space<vmem>>
      %dma_start3A_125 = arith.constant 0 : i32
      %dma_start3A_126 = arith.constant 0 : i32
      %dma_start3A_127 = tpu.memref_slice %arg2[%dma_start3A_125, %dma_start3A_126] : memref<106250x256xf32, #tpu.memory_space<hbm>> -> memref<106250x256xf32, #tpu.memory_space<hbm>>
      tpu.enqueue_indirect_dma source(%dma_start3A_127 : memref<106250x256xf32, #tpu.memory_space<hbm>>) target(%arg10 : memref<64x256xf32, #tpu.memory_space<vmem>>) offsets(%dma_start3A_124 : memref<64xi32, #tpu.memory_space<vmem>>) semaphore(%arg16 : memref<!tpu.dma_semaphore, #tpu.memory_space<semaphore_mem>>)
      %scan3A_128 = arith.constant 0 : i32
      %scan3A_129 = arith.constant 0 : i32
      %scan3A_130 = arith.constant 49 : i32
      %scan3A_131 = arith.addi %scan3A_129, %scan3A_130 : i32
      %scan3A_132 = arith.constant 1 : i32
      scf.for %scan3A_151 = %scan3A_129 to %scan3A_131 step %scan3A_132  : i32 {
        %jit3A = arith.constant 4 : i32
        %eq3A_152 = arith.constant 0 : i32
        %eq3A_153 = arith.cmpi eq, %jit3A, %eq3A_152 : i32
        %jit3A_154 = arith.constant 1 : i32
        %select_n3A_155 = arith.select %eq3A_153, %jit3A_154, %jit3A : i32
        %rem3A = arith.remsi %scan3A_151, %select_n3A_155 : i32
        %ne3A = arith.constant 0 : i32
        %ne3A_156 = arith.cmpi ne, %rem3A, %ne3A : i32
        %lt3A = arith.constant 0 : i32
        %lt3A_157 = arith.cmpi slt, %rem3A, %lt3A : i32
        %lt3A_158 = arith.constant 0 : i32
        %lt3A_159 = arith.cmpi slt, %select_n3A_155, %lt3A_158 : i32
        %ne3A_160 = arith.xori %lt3A_157, %lt3A_159 : i1
        %and3A = arith.andi %ne3A_160, %ne3A_156 : i1
        %add3A_161 = arith.addi %rem3A, %select_n3A_155 : i32
        %select_n3A_162 = arith.select %and3A, %add3A_161, %rem3A : i32
        %eq3A_163 = arith.constant 0 : i32
        %eq3A_164 = arith.cmpi eq, %select_n3A_162, %eq3A_163 : i32
        %add3A_165 = arith.constant 3 : i32
        %add3A_166 = arith.addi %scan3A_151, %add3A_165 : i32
        %lt3A_167 = arith.constant 49 : i32
        %lt3A_168 = arith.cmpi slt, %add3A_166, %lt3A_167 : i32
        %and3A_169 = arith.andi %eq3A_164, %lt3A_168 : i1
        %convert_element_type3A_170 = arith.extui %and3A_169 : i1 to i32
        %cond3A = arith.constant 0 : i32
        %cond3A_171 = arith.cmpi ne, %convert_element_type3A_170, %cond3A : i32
        scf.if %cond3A_171 {
          %add3A_222 = arith.constant 3 : i32
          %add3A_223 = arith.addi %scan3A_151, %add3A_222 : i32
          %mul3A_224 = arith.constant 64 : i32
          %mul3A_225 = arith.muli %add3A_223, %mul3A_224 : i32
          %dma_start3A_226 = tpu.memref_slice %arg6[%mul3A_225] : memref<3200xi32, #tpu.memory_space<vmem>> -> memref<64xi32, #tpu.memory_space<vmem>>
          %dma_start3A_227 = arith.constant 0 : i32
          %dma_start3A_228 = arith.constant 0 : i32
          %dma_start3A_229 = tpu.memref_slice %arg2[%dma_start3A_227, %dma_start3A_228] : memref<106250x256xf32, #tpu.memory_space<hbm>> -> memref<106250x256xf32, #tpu.memory_space<hbm>>
          tpu.enqueue_indirect_dma source(%dma_start3A_229 : memref<106250x256xf32, #tpu.memory_space<hbm>>) target(%arg11 : memref<64x256xf32, #tpu.memory_space<vmem>>) offsets(%dma_start3A_226 : memref<64xi32, #tpu.memory_space<vmem>>) semaphore(%arg17 : memref<!tpu.dma_semaphore, #tpu.memory_space<semaphore_mem>>)
        } else {
        }
        %eq3A_172 = arith.constant 0 : i32
        %eq3A_173 = arith.cmpi eq, %select_n3A_162, %eq3A_172 : i32
        %convert_element_type3A_174 = arith.extui %eq3A_173 : i1 to i32
        %cond3A_175 = arith.constant 0 : i32
        %cond3A_176 = arith.cmpi ne, %convert_element_type3A_174, %cond3A_175 : i32
        scf.if %cond3A_176 {
          %mul3A_222 = arith.constant 64 : i32
          %mul3A_223 = arith.muli %scan3A_151, %mul3A_222 : i32
          %dma_wait3A_224 = tpu.memref_slice %arg6[%mul3A_223] : memref<3200xi32, #tpu.memory_space<vmem>> -> memref<64xi32, #tpu.memory_space<vmem>>
          %dma_wait3A_225 = arith.constant 0 : i32
          %dma_wait3A_226 = arith.constant 0 : i32
          %dma_wait3A_227 = tpu.memref_slice %arg2[%dma_wait3A_225, %dma_wait3A_226] : memref<106250x256xf32, #tpu.memory_space<hbm>> -> memref<106250x256xf32, #tpu.memory_space<hbm>>
          tpu.wait_indirect_dma semaphore(%arg14 : memref<!tpu.dma_semaphore, #tpu.memory_space<semaphore_mem>>) src(%dma_wait3A_227 : memref<106250x256xf32, #tpu.memory_space<hbm>>) dst(%arg8 : memref<64x256xf32, #tpu.memory_space<vmem>>)
          %ge3A_228 = arith.constant 2 : i32
          %ge3A_229 = arith.cmpi sge, %scan3A_151, %ge3A_228 : i32
          %convert_element_type3A_230 = arith.extui %ge3A_229 : i1 to i32
          %cond3A_231 = arith.constant 0 : i32
          %cond3A_232 = arith.cmpi ne, %convert_element_type3A_230, %cond3A_231 : i32
          scf.if %cond3A_232 {
            %sub3A_249 = arith.constant 2 : i32
            %sub3A_250 = arith.subi %scan3A_151, %sub3A_249 : i32
            %mul3A_251 = arith.constant 5120 : i32
            %mul3A_252 = arith.muli %sub3A_250, %mul3A_251 : i32
            %add3A_253 = arith.addi %mul3A_252, %mul3A_2 : i32
            %mul3A_254 = arith.constant 16 : i32
            %mul3A_255 = arith.muli %scan3A_8, %mul3A_254 : i32
            %add3A_256 = arith.addi %add3A_253, %mul3A_255 : i32
            %dma_wait3A_257 = arith.constant 0 : i32
            %dma_wait3A_258 = tpu.memref_slice %arg4[%add3A_256, %dma_wait3A_257] : memref<250880x256xf32, #tpu.memory_space<hbm>> -> memref<16x256xf32, #tpu.memory_space<hbm>>
            %dma_wait3A_259 = arith.constant 0 : i32
            %dma_wait3A_260 = tpu.memref_slice %arg4[%add3A_256, %dma_wait3A_259] : memref<250880x256xf32, #tpu.memory_space<hbm>> -> memref<16x256xf32, #tpu.memory_space<hbm>>
            tpu.wait_dma2 semaphore(%arg18 : memref<!tpu.dma_semaphore, #tpu.memory_space<semaphore_mem>>) src(%arg12 : memref<16x256xf32, #tpu.memory_space<vmem>>) dst(%dma_wait3A_260 : memref<16x256xf32, #tpu.memory_space<hbm>>)
          } else {
          }
          %scan3A_233 = arith.constant 0 : i32
          %scan3A_234 = arith.constant 0 : i32
          %scan3A_235 = arith.constant 16 : i32
          %scan3A_236 = arith.addi %scan3A_234, %scan3A_235 : i32
          %scan3A_237 = arith.constant 1 : i32
          scf.for %scan3A_249 = %scan3A_234 to %scan3A_236 step %scan3A_237  : i32 {
            %get3A_250 = arith.constant 0 : i32
            %get3A_251 = arith.index_cast %scan3A_151 : i32 to index
            %get3A_252 = arith.index_cast %get3A_250 : i32 to index
            %get3A_253 = arith.index_cast %scan3A_249 : i32 to index
            %get3A_254 = tpu.vector_load %arg7[%get3A_251, %get3A_252, %get3A_253] {strides = array<i32>} : memref<50x4x32xf32, #tpu.memory_space<vmem>>, vector<1x1x16xf32>,
            %get3A_255 = vector.shape_cast %get3A_254 : vector<1x1x16xf32> to vector<16xf32>
            %slice3A = vector.extract_strided_slice %get3A_255 {offsets = [0], sizes = [1], strides = [1]} : vector<16xf32> to vector<1xf32>
            %squeeze3A = vector.extract %slice3A[0] : f32 from vector<1xf32>
            %get3A_256 = arith.constant 1 : i32
            %get3A_257 = arith.index_cast %scan3A_151 : i32 to index
            %get3A_258 = arith.index_cast %get3A_256 : i32 to index
            %get3A_259 = arith.index_cast %scan3A_249 : i32 to index
            %get3A_260 = tpu.vector_load %arg7[%get3A_257, %get3A_258, %get3A_259] {strides = array<i32>} : memref<50x4x32xf32, #tpu.memory_space<vmem>>, vector<1x1x16xf32>,
            %get3A_261 = vector.shape_cast %get3A_260 : vector<1x1x16xf32> to vector<16xf32>
            %slice3A_262 = vector.extract_strided_slice %get3A_261 {offsets = [0], sizes = [1], strides = [1]} : vector<16xf32> to vector<1xf32>
            %squeeze3A_263 = vector.extract %slice3A_262[0] : f32 from vector<1xf32>
            %get3A_264 = arith.constant 2 : i32
            %get3A_265 = arith.index_cast %scan3A_151 : i32 to index
            %get3A_266 = arith.index_cast %get3A_264 : i32 to index
            %get3A_267 = arith.index_cast %scan3A_249 : i32 to index
            %get3A_268 = tpu.vector_load %arg7[%get3A_265, %get3A_266, %get3A_267] {strides = array<i32>} : memref<50x4x32xf32, #tpu.memory_space<vmem>>, vector<1x1x16xf32>,
            %get3A_269 = vector.shape_cast %get3A_268 : vector<1x1x16xf32> to vector<16xf32>
            %slice3A_270 = vector.extract_strided_slice %get3A_269 {offsets = [0], sizes = [1], strides = [1]} : vector<16xf32> to vector<1xf32>
            %squeeze3A_271 = vector.extract %slice3A_270[0] : f32 from vector<1xf32>
            %get3A_272 = arith.constant 3 : i32
            %get3A_273 = arith.index_cast %scan3A_151 : i32 to index
            %get3A_274 = arith.index_cast %get3A_272 : i32 to index
            %get3A_275 = arith.index_cast %scan3A_249 : i32 to index
            %get3A_276 = tpu.vector_load %arg7[%get3A_273, %get3A_274, %get3A_275] {strides = array<i32>} : memref<50x4x32xf32, #tpu.memory_space<vmem>>, vector<1x1x16xf32>,
            %get3A_277 = vector.shape_cast %get3A_276 : vector<1x1x16xf32> to vector<16xf32>
            %slice3A_278 = vector.extract_strided_slice %get3A_277 {offsets = [0], sizes = [1], strides = [1]} : vector<16xf32> to vector<1xf32>
            %squeeze3A_279 = vector.extract %slice3A_278[0] : f32 from vector<1xf32>
            %add3A_280 = arith.constant 0 : i32
            %add3A_281 = arith.addi %add3A_280, %scan3A_249 : i32
            %get3A_282 = arith.index_cast %add3A_281 : i32 to index
            %get3A_283 = arith.constant 0 : index
            %get3A_284 = tpu.vector_load %arg8[%get3A_282, %get3A_283] {strides = array<i32>} : memref<64x256xf32, #tpu.memory_space<vmem>>, vector<1x16xf32>,
            %get3A_285 = vector.shape_cast %get3A_284 : vector<1x16xf32> to vector<16xf32>
            %mul3A_286 = vector.broadcast %squeeze3A : f32 to vector<16xf32>
            %mul3A_287 = arith.mulf %get3A_285, %mul3A_286 : vector<16xf32>
            %add3A_288 = arith.constant 16 : i32
            %add3A_289 = arith.addi %add3A_288, %scan3A_249 : i32
            %get3A_290 = arith.index_cast %add3A_289 : i32 to index
            %get3A_291 = arith.constant 0 : index
            %get3A_292 = tpu.vector_load %arg8[%get3A_290, %get3A_291] {strides = array<i32>} : memref<64x256xf32, #tpu.memory_space<vmem>>, vector<1x16xf32>,
            %get3A_293 = vector.shape_cast %get3A_292 : vector<1x16xf32> to vector<16xf32>
            %mul3A_294 = vector.broadcast %squeeze3A_263 : f32 to vector<16xf32>
            %mul3A_295 = arith.mulf %get3A_293, %mul3A_294 : vector<16xf32>
            %add3A_296 = arith.addf %mul3A_287, %mul3A_295 : vector<16xf32>
            %add3A_297 = arith.constant 32 : i32
            %add3A_298 = arith.addi %add3A_297, %scan3A_249 : i32
            %get3A_299 = arith.index_cast %add3A_298 : i32 to index
            %get3A_300 = arith.constant 0 : index
            %get3A_301 = tpu.vector_load %arg8[%get3A_299, %get3A_300] {strides = array<i32>} : memref<64x256xf32, #tpu.memory_space<vmem>>, vector<1x16xf32>,
            %get3A_302 = vector.shape_cast %get3A_301 : vector<1x16xf32> to vector<16xf32>
            %mul3A_303 = vector.broadcast %squeeze3A_271 : f32 to vector<16xf32>
            %mul3A_304 = arith.mulf %get3A_302, %mul3A_303 : vector<16xf32>
            %add3A_305 = arith.addf %add3A_296, %mul3A_304 : vector<16xf32>
            %add3A_306 = arith.constant 48 : i32
            %add3A_307 = arith.addi %add3A_306, %scan3A_249 : i32
            %get3A_308 = arith.index_cast %add3A_307 : i32 to index
            %get3A_309 = arith.constant 0 : index
            %get3A_310 = tpu.vector_load %arg8[%get3A_308, %get3A_309] {strides = array<i32>} : memref<64x256xf32, #tpu.memory_space<vmem>>, vector<1x16xf32>,
            %get3A_311 = vector.shape_cast %get3A_310 : vector<1x16xf32> to vector<16xf32>
            %mul3A_312 = vector.broadcast %squeeze3A_279 : f32 to vector<16xf32>
            %mul3A_313 = arith.mulf %get3A_311, %mul3A_312 : vector<16xf32>
            %add3A_314 = arith.addf %add3A_305, %mul3A_313 : vector<16xf32>
            %swap3A = arith.index_cast %scan3A_249 : i32 to index
            %swap3A_315 = arith.constant 0 : index
            %swap3A_316 = tpu.vector_load %arg12[%swap3A, %swap3A_315] {strides = array<i32>} : memref<16x256xf32, #tpu.memory_space<vmem>>, vector<1x16xf32>,
            %swap3A_317 = vector.shape_cast %swap3A_316 : vector<1x16xf32> to vector<16xf32>
            %swap3A_318 = vector.shape_cast %add3A_314 : vector<16xf32> to vector<1x16xf32>
            tpu.vector_store %arg12[%swap3A, %swap3A_315], %swap3A_318 {strides = array<i32>} : memref<16x256xf32, #tpu.memory_space<vmem>>, vector<1x16xf32>,
            %add3A_319 = arith.constant 0 : i32
            %add3A_320 = arith.addi %add3A_319, %scan3A_249 : i32
            %get3A_321 = arith.index_cast %add3A_320 : i32 to index
            %get3A_322 = arith.constant 16 : index
            %get3A_323 = tpu.vector_load %arg8[%get3A_321, %get3A_322] {strides = array<i32>} : memref<64x256xf32, #tpu.memory_space<vmem>>, vector<1x16xf32>,
            %get3A_324 = vector.shape_cast %get3A_323 : vector<1x16xf32> to vector<16xf32>
            %mul3A_325 = vector.broadcast %squeeze3A : f32 to vector<16xf32>
            %mul3A_326 = arith.mulf %get3A_324, %mul3A_325 : vector<16xf32>
            %add3A_327 = arith.constant 16 : i32
            %add3A_328 = arith.addi %add3A_327, %scan3A_249 : i32
            %get3A_329 = arith.index_cast %add3A_328 : i32 to index
            %get3A_330 = arith.constant 16 : index
            %get3A_331 = tpu.vector_load %arg8[%get3A_329, %get3A_330] {strides = array<i32>} : memref<64x256xf32, #tpu.memory_space<vmem>>, vector<1x16xf32>,
            %get3A_332 = vector.shape_cast %get3A_331 : vector<1x16xf32> to vector<16xf32>
            %mul3A_333 = vector.broadcast %squeeze3A_263 : f32 to vector<16xf32>
            %mul3A_334 = arith.mulf %get3A_332, %mul3A_333 : vector<16xf32>
            %add3A_335 = arith.addf %mul3A_326, %mul3A_334 : vector<16xf32>
            %add3A_336 = arith.constant 32 : i32
            %add3A_337 = arith.addi %add3A_336, %scan3A_249 : i32
            %get3A_338 = arith.index_cast %add3A_337 : i32 to index
            %get3A_339 = arith.constant 16 : index
            %get3A_340 = tpu.vector_load %arg8[%get3A_338, %get3A_339] {strides = array<i32>} : memref<64x256xf32, #tpu.memory_space<vmem>>, vector<1x16xf32>,
            %get3A_341 = vector.shape_cast %get3A_340 : vector<1x16xf32> to vector<16xf32>
            %mul3A_342 = vector.broadcast %squeeze3A_271 : f32 to vector<16xf32>
            %mul3A_343 = arith.mulf %get3A_341, %mul3A_342 : vector<16xf32>
            %add3A_344 = arith.addf %add3A_335, %mul3A_343 : vector<16xf32>
            %add3A_345 = arith.constant 48 : i32
            %add3A_346 = arith.addi %add3A_345, %scan3A_249 : i32
            %get3A_347 = arith.index_cast %add3A_346 : i32 to index
            %get3A_348 = arith.constant 16 : index
            %get3A_349 = tpu.vector_load %arg8[%get3A_347, %get3A_348] {strides = array<i32>} : memref<64x256xf32, #tpu.memory_space<vmem>>, vector<1x16xf32>,
            %get3A_350 = vector.shape_cast %get3A_349 : vector<1x16xf32> to vector<16xf32>
            %mul3A_351 = vector.broadcast %squeeze3A_279 : f32 to vector<16xf32>
            %mul3A_352 = arith.mulf %get3A_350, %mul3A_351 : vector<16xf32>
            %add3A_353 = arith.addf %add3A_344, %mul3A_352 : vector<16xf32>
            %swap3A_354 = arith.index_cast %scan3A_249 : i32 to index
            %swap3A_355 = arith.constant 16 : index
            %swap3A_356 = tpu.vector_load %arg12[%swap3A_354, %swap3A_355] {strides = array<i32>} : memref<16x256xf32, #tpu.memory_space<vmem>>, vector<1x16xf32>,
            %swap3A_357 = vector.shape_cast %swap3A_356 : vector<1x16xf32> to vector<16xf32>
            %swap3A_358 = vector.shape_cast %add3A_353 : vector<16xf32> to vector<1x16xf32>
            tpu.vector_store %arg12[%swap3A_354, %swap3A_355], %swap3A_358 {strides = array<i32>} : memref<16x256xf32, #tpu.memory_space<vmem>>, vector<1x16xf32>,
            %add3A_359 = arith.constant 0 : i32
            %add3A_360 = arith.addi %add3A_359, %scan3A_249 : i32
            %get3A_361 = arith.index_cast %add3A_360 : i32 to index
            %get3A_362 = arith.constant 32 : index
            %get3A_363 = tpu.vector_load %arg8[%get3A_361, %get3A_362] {strides = array<i32>} : memref<64x256xf32, #tpu.memory_space<vmem>>, vector<1x16xf32>,
            %get3A_364 = vector.shape_cast %get3A_363 : vector<1x16xf32> to vector<16xf32>
            %mul3A_365 = vector.broadcast %squeeze3A : f32 to vector<16xf32>
            %mul3A_366 = arith.mulf %get3A_364, %mul3A_365 : vector<16xf32>
            %add3A_367 = arith.constant 16 : i32
            %add3A_368 = arith.addi %add3A_367, %scan3A_249 : i32
            %get3A_369 = arith.index_cast %add3A_368 : i32 to index
            %get3A_370 = arith.constant 32 : index
            %get3A_371 = tpu.vector_load %arg8[%get3A_369, %get3A_370] {strides = array<i32>} : memref<64x256xf32, #tpu.memory_space<vmem>>, vector<1x16xf32>,
            %get3A_372 = vector.shape_cast %get3A_371 : vector<1x16xf32> to vector<16xf32>
            %mul3A_373 = vector.broadcast %squeeze3A_263 : f32 to vector<16xf32>
            %mul3A_374 = arith.mulf %get3A_372, %mul3A_373 : vector<16xf32>
            %add3A_375 = arith.addf %mul3A_366, %mul3A_374 : vector<16xf32>
            %add3A_376 = arith.constant 32 : i32
            %add3A_377 = arith.addi %add3A_376, %scan3A_249 : i32
            %get3A_378 = arith.index_cast %add3A_377 : i32 to index
            %get3A_379 = arith.constant 32 : index
            %get3A_380 = tpu.vector_load %arg8[%get3A_378, %get3A_379] {strides = array<i32>} : memref<64x256xf32, #tpu.memory_space<vmem>>, vector<1x16xf32>,
            %get3A_381 = vector.shape_cast %get3A_380 : vector<1x16xf32> to vector<16xf32>
            %mul3A_382 = vector.broadcast %squeeze3A_271 : f32 to vector<16xf32>
            %mul3A_383 = arith.mulf %get3A_381, %mul3A_382 : vector<16xf32>
            %add3A_384 = arith.addf %add3A_375, %mul3A_383 : vector<16xf32>
            %add3A_385 = arith.constant 48 : i32
            %add3A_386 = arith.addi %add3A_385, %scan3A_249 : i32
            %get3A_387 = arith.index_cast %add3A_386 : i32 to index
            %get3A_388 = arith.constant 32 : index
            %get3A_389 = tpu.vector_load %arg8[%get3A_387, %get3A_388] {strides = array<i32>} : memref<64x256xf32, #tpu.memory_space<vmem>>, vector<1x16xf32>,
            %get3A_390 = vector.shape_cast %get3A_389 : vector<1x16xf32> to vector<16xf32>
            %mul3A_391 = vector.broadcast %squeeze3A_279 : f32 to vector<16xf32>
            %mul3A_392 = arith.mulf %get3A_390, %mul3A_391 : vector<16xf32>
            %add3A_393 = arith.addf %add3A_384, %mul3A_392 : vector<16xf32>
            %swap3A_394 = arith.index_cast %scan3A_249 : i32 to index
            %swap3A_395 = arith.constant 32 : index
            %swap3A_396 = tpu.vector_load %arg12[%swap3A_394, %swap3A_395] {strides = array<i32>} : memref<16x256xf32, #tpu.memory_space<vmem>>, vector<1x16xf32>,
            %swap3A_397 = vector.shape_cast %swap3A_396 : vector<1x16xf32> to vector<16xf32>
            %swap3A_398 = vector.shape_cast %add3A_393 : vector<16xf32> to vector<1x16xf32>
            tpu.vector_store %arg12[%swap3A_394, %swap3A_395], %swap3A_398 {strides = array<i32>} : memref<16x256xf32, #tpu.memory_space<vmem>>, vector<1x16xf32>,
            %add3A_399 = arith.constant 0 : i32
            %add3A_400 = arith.addi %add3A_399, %scan3A_249 : i32
            %get3A_401 = arith.index_cast %add3A_400 : i32 to index
            %get3A_402 = arith.constant 48 : index
            %get3A_403 = tpu.vector_load %arg8[%get3A_401, %get3A_402] {strides = array<i32>} : memref<64x256xf32, #tpu.memory_space<vmem>>, vector<1x16xf32>,
            %get3A_404 = vector.shape_cast %get3A_403 : vector<1x16xf32> to vector<16xf32>
            %mul3A_405 = vector.broadcast %squeeze3A : f32 to vector<16xf32>
            %mul3A_406 = arith.mulf %get3A_404, %mul3A_405 : vector<16xf32>
            %add3A_407 = arith.constant 16 : i32
            %add3A_408 = arith.addi %add3A_407, %scan3A_249 : i32
            %get3A_409 = arith.index_cast %add3A_408 : i32 to index
            %get3A_410 = arith.constant 48 : index
            %get3A_411 = tpu.vector_load %arg8[%get3A_409, %get3A_410] {strides = array<i32>} : memref<64x256xf32, #tpu.memory_space<vmem>>, vector<1x16xf32>,
            %get3A_412 = vector.shape_cast %get3A_411 : vector<1x16xf32> to vector<16xf32>
            %mul3A_413 = vector.broadcast %squeeze3A_263 : f32 to vector<16xf32>
            %mul3A_414 = arith.mulf %get3A_412, %mul3A_413 : vector<16xf32>
            %add3A_415 = arith.addf %mul3A_406, %mul3A_414 : vector<16xf32>
            %add3A_416 = arith.constant 32 : i32
            %add3A_417 = arith.addi %add3A_416, %scan3A_249 : i32
            %get3A_418 = arith.index_cast %add3A_417 : i32 to index
            %get3A_419 = arith.constant 48 : index
            %get3A_420 = tpu.vector_load %arg8[%get3A_418, %get3A_419] {strides = array<i32>} : memref<64x256xf32, #tpu.memory_space<vmem>>, vector<1x16xf32>,
            %get3A_421 = vector.shape_cast %get3A_420 : vector<1x16xf32> to vector<16xf32>
            %mul3A_422 = vector.broadcast %squeeze3A_271 : f32 to vector<16xf32>
            %mul3A_423 = arith.mulf %get3A_421, %mul3A_422 : vector<16xf32>
            %add3A_424 = arith.addf %add3A_415, %mul3A_423 : vector<16xf32>
            %add3A_425 = arith.constant 48 : i32
            %add3A_426 = arith.addi %add3A_425, %scan3A_249 : i32
            %get3A_427 = arith.index_cast %add3A_426 : i32 to index
            %get3A_428 = arith.constant 48 : index
            %get3A_429 = tpu.vector_load %arg8[%get3A_427, %get3A_428] {strides = array<i32>} : memref<64x256xf32, #tpu.memory_space<vmem>>, vector<1x16xf32>,
            %get3A_430 = vector.shape_cast %get3A_429 : vector<1x16xf32> to vector<16xf32>
            %mul3A_431 = vector.broadcast %squeeze3A_279 : f32 to vector<16xf32>
            %mul3A_432 = arith.mulf %get3A_430, %mul3A_431 : vector<16xf32>
            %add3A_433 = arith.addf %add3A_424, %mul3A_432 : vector<16xf32>
            %swap3A_434 = arith.index_cast %scan3A_249 : i32 to index
            %swap3A_435 = arith.constant 48 : index
            %swap3A_436 = tpu.vector_load %arg12[%swap3A_434, %swap3A_435] {strides = array<i32>} : memref<16x256xf32, #tpu.memory_space<vmem>>, vector<1x16xf32>,
            %swap3A_437 = vector.shape_cast %swap3A_436 : vector<1x16xf32> to vector<16xf32>
            %swap3A_438 = vector.shape_cast %add3A_433 : vector<16xf32> to vector<1x16xf32>
            tpu.vector_store %arg12[%swap3A_434, %swap3A_435], %swap3A_438 {strides = array<i32>} : memref<16x256xf32, #tpu.memory_space<vmem>>, vector<1x16xf32>,
            %add3A_439 = arith.constant 0 : i32
            %add3A_440 = arith.addi %add3A_439, %scan3A_249 : i32
            %get3A_441 = arith.index_cast %add3A_440 : i32 to index
            %get3A_442 = arith.constant 64 : index
            %get3A_443 = tpu.vector_load %arg8[%get3A_441, %get3A_442] {strides = array<i32>} : memref<64x256xf32, #tpu.memory_space<vmem>>, vector<1x16xf32>,
            %get3A_444 = vector.shape_cast %get3A_443 : vector<1x16xf32> to vector<16xf32>
            %mul3A_445 = vector.broadcast %squeeze3A : f32 to vector<16xf32>
            %mul3A_446 = arith.mulf %get3A_444, %mul3A_445 : vector<16xf32>
            %add3A_447 = arith.constant 16 : i32
            %add3A_448 = arith.addi %add3A_447, %scan3A_249 : i32
            %get3A_449 = arith.index_cast %add3A_448 : i32 to index
            %get3A_450 = arith.constant 64 : index
            %get3A_451 = tpu.vector_load %arg8[%get3A_449, %get3A_450] {strides = array<i32>} : memref<64x256xf32, #tpu.memory_space<vmem>>, vector<1x16xf32>,
            %get3A_452 = vector.shape_cast %get3A_451 : vector<1x16xf32> to vector<16xf32>
            %mul3A_453 = vector.broadcast %squeeze3A_263 : f32 to vector<16xf32>
            %mul3A_454 = arith.mulf %get3A_452, %mul3A_453 : vector<16xf32>
            %add3A_455 = arith.addf %mul3A_446, %mul3A_454 : vector<16xf32>
            %add3A_456 = arith.constant 32 : i32
            %add3A_457 = arith.addi %add3A_456, %scan3A_249 : i32
            %get3A_458 = arith.index_cast %add3A_457 : i32 to index
            %get3A_459 = arith.constant 64 : index
            %get3A_460 = tpu.vector_load %arg8[%get3A_458, %get3A_459] {strides = array<i32>} : memref<64x256xf32, #tpu.memory_space<vmem>>, vector<1x16xf32>,
            %get3A_461 = vector.shape_cast %get3A_460 : vector<1x16xf32> to vector<16xf32>
            %mul3A_462 = vector.broadcast %squeeze3A_271 : f32 to vector<16xf32>
            %mul3A_463 = arith.mulf %get3A_461, %mul3A_462 : vector<16xf32>
            %add3A_464 = arith.addf %add3A_455, %mul3A_463 : vector<16xf32>
            %add3A_465 = arith.constant 48 : i32
            %add3A_466 = arith.addi %add3A_465, %scan3A_249 : i32
            %get3A_467 = arith.index_cast %add3A_466 : i32 to index
            %get3A_468 = arith.constant 64 : index
            %get3A_469 = tpu.vector_load %arg8[%get3A_467, %get3A_468] {strides = array<i32>} : memref<64x256xf32, #tpu.memory_space<vmem>>, vector<1x16xf32>,
            %get3A_470 = vector.shape_cast %get3A_469 : vector<1x16xf32> to vector<16xf32>
            %mul3A_471 = vector.broadcast %squeeze3A_279 : f32 to vector<16xf32>
            %mul3A_472 = arith.mulf %get3A_470, %mul3A_471 : vector<16xf32>
            %add3A_473 = arith.addf %add3A_464, %mul3A_472 : vector<16xf32>
            %swap3A_474 = arith.index_cast %scan3A_249 : i32 to index
            %swap3A_475 = arith.constant 64 : index
            %swap3A_476 = tpu.vector_load %arg12[%swap3A_474, %swap3A_475] {strides = array<i32>} : memref<16x256xf32, #tpu.memory_space<vmem>>, vector<1x16xf32>,
            %swap3A_477 = vector.shape_cast %swap3A_476 : vector<1x16xf32> to vector<16xf32>
            %swap3A_478 = vector.shape_cast %add3A_473 : vector<16xf32> to vector<1x16xf32>
            tpu.vector_store %arg12[%swap3A_474, %swap3A_475], %swap3A_478 {strides = array<i32>} : memref<16x256xf32, #tpu.memory_space<vmem>>, vector<1x16xf32>,
            %add3A_479 = arith.constant 0 : i32
            %add3A_480 = arith.addi %add3A_479, %scan3A_249 : i32
            %get3A_481 = arith.index_cast %add3A_480 : i32 to index
            %get3A_482 = arith.constant 80 : index
            %get3A_483 = tpu.vector_load %arg8[%get3A_481, %get3A_482] {strides = array<i32>} : memref<64x256xf32, #tpu.memory_space<vmem>>, vector<1x16xf32>,
            %get3A_484 = vector.shape_cast %get3A_483 : vector<1x16xf32> to vector<16xf32>
            %mul3A_485 = vector.broadcast %squeeze3A : f32 to vector<16xf32>
            %mul3A_486 = arith.mulf %get3A_484, %mul3A_485 : vector<16xf32>
            %add3A_487 = arith.constant 16 : i32
            %add3A_488 = arith.addi %add3A_487, %scan3A_249 : i32
            %get3A_489 = arith.index_cast %add3A_488 : i32 to index
            %get3A_490 = arith.constant 80 : index
            %get3A_491 = tpu.vector_load %arg8[%get3A_489, %get3A_490] {strides = array<i32>} : memref<64x256xf32, #tpu.memory_space<vmem>>, vector<1x16xf32>,
            %get3A_492 = vector.shape_cast %get3A_491 : vector<1x16xf32> to vector<16xf32>
            %mul3A_493 = vector.broadcast %squeeze3A_263 : f32 to vector<16xf32>
            %mul3A_494 = arith.mulf %get3A_492, %mul3A_493 : vector<16xf32>
            %add3A_495 = arith.addf %mul3A_486, %mul3A_494 : vector<16xf32>
            %add3A_496 = arith.constant 32 : i32
            %add3A_497 = arith.addi %add3A_496, %scan3A_249 : i32
            %get3A_498 = arith.index_cast %add3A_497 : i32 to index
            %get3A_499 = arith.constant 80 : index
            %get3A_500 = tpu.vector_load %arg8[%get3A_498, %get3A_499] {strides = array<i32>} : memref<64x256xf32, #tpu.memory_space<vmem>>, vector<1x16xf32>,
            %get3A_501 = vector.shape_cast %get3A_500 : vector<1x16xf32> to vector<16xf32>
            %mul3A_502 = vector.broadcast %squeeze3A_271 : f32 to vector<16xf32>
            %mul3A_503 = arith.mulf %get3A_501, %mul3A_502 : vector<16xf32>
            %add3A_504 = arith.addf %add3A_495, %mul3A_503 : vector<16xf32>
            %add3A_505 = arith.constant 48 : i32
            %add3A_506 = arith.addi %add3A_505, %scan3A_249 : i32
            %get3A_507 = arith.index_cast %add3A_506 : i32 to index
            %get3A_508 = arith.constant 80 : index
            %get3A_509 = tpu.vector_load %arg8[%get3A_507, %get3A_508] {strides = array<i32>} : memref<64x256xf32, #tpu.memory_space<vmem>>, vector<1x16xf32>,
            %get3A_510 = vector.shape_cast %get3A_509 : vector<1x16xf32> to vector<16xf32>
            %mul3A_511 = vector.broadcast %squeeze3A_279 : f32 to vector<16xf32>
            %mul3A_512 = arith.mulf %get3A_510, %mul3A_511 : vector<16xf32>
            %add3A_513 = arith.addf %add3A_504, %mul3A_512 : vector<16xf32>
            %swap3A_514 = arith.index_cast %scan3A_249 : i32 to index
            %swap3A_515 = arith.constant 80 : index
            %swap3A_516 = tpu.vector_load %arg12[%swap3A_514, %swap3A_515] {strides = array<i32>} : memref<16x256xf32, #tpu.memory_space<vmem>>, vector<1x16xf32>,
            %swap3A_517 = vector.shape_cast %swap3A_516 : vector<1x16xf32> to vector<16xf32>
            %swap3A_518 = vector.shape_cast %add3A_513 : vector<16xf32> to vector<1x16xf32>
            tpu.vector_store %arg12[%swap3A_514, %swap3A_515], %swap3A_518 {strides = array<i32>} : memref<16x256xf32, #tpu.memory_space<vmem>>, vector<1x16xf32>,
            %add3A_519 = arith.constant 0 : i32
            %add3A_520 = arith.addi %add3A_519, %scan3A_249 : i32
            %get3A_521 = arith.index_cast %add3A_520 : i32 to index
            %get3A_522 = arith.constant 96 : index
            %get3A_523 = tpu.vector_load %arg8[%get3A_521, %get3A_522] {strides = array<i32>} : memref<64x256xf32, #tpu.memory_space<vmem>>, vector<1x16xf32>,
            %get3A_524 = vector.shape_cast %get3A_523 : vector<1x16xf32> to vector<16xf32>
            %mul3A_525 = vector.broadcast %squeeze3A : f32 to vector<16xf32>
            %mul3A_526 = arith.mulf %get3A_524, %mul3A_525 : vector<16xf32>
            %add3A_527 = arith.constant 16 : i32
            %add3A_528 = arith.addi %add3A_527, %scan3A_249 : i32
            %get3A_529 = arith.index_cast %add3A_528 : i32 to index
            %get3A_530 = arith.constant 96 : index
            %get3A_531 = tpu.vector_load %arg8[%get3A_529, %get3A_530] {strides = array<i32>} : memref<64x256xf32, #tpu.memory_space<vmem>>, vector<1x16xf32>,
            %get3A_532 = vector.shape_cast %get3A_531 : vector<1x16xf32> to vector<16xf32>
            %mul3A_533 = vector.broadcast %squeeze3A_263 : f32 to vector<16xf32>
            %mul3A_534 = arith.mulf %get3A_532, %mul3A_533 : vector<16xf32>
            %add3A_535 = arith.addf %mul3A_526, %mul3A_534 : vector<16xf32>
            %add3A_536 = arith.constant 32 : i32
            %add3A_537 = arith.addi %add3A_536, %scan3A_249 : i32
            %get3A_538 = arith.index_cast %add3A_537 : i32 to index
            %get3A_539 = arith.constant 96 : index
            %get3A_540 = tpu.vector_load %arg8[%get3A_538, %get3A_539] {strides = array<i32>} : memref<64x256xf32, #tpu.memory_space<vmem>>, vector<1x16xf32>,
            %get3A_541 = vector.shape_cast %get3A_540 : vector<1x16xf32> to vector<16xf32>
            %mul3A_542 = vector.broadcast %squeeze3A_271 : f32 to vector<16xf32>
            %mul3A_543 = arith.mulf %get3A_541, %mul3A_542 : vector<16xf32>
            %add3A_544 = arith.addf %add3A_535, %mul3A_543 : vector<16xf32>
            %add3A_545 = arith.constant 48 : i32
            %add3A_546 = arith.addi %add3A_545, %scan3A_249 : i32
            %get3A_547 = arith.index_cast %add3A_546 : i32 to index
            %get3A_548 = arith.constant 96 : index
            %get3A_549 = tpu.vector_load %arg8[%get3A_547, %get3A_548] {strides = array<i32>} : memref<64x256xf32, #tpu.memory_space<vmem>>, vector<1x16xf32>,
            %get3A_550 = vector.shape_cast %get3A_549 : vector<1x16xf32> to vector<16xf32>
            %mul3A_551 = vector.broadcast %squeeze3A_279 : f32 to vector<16xf32>
            %mul3A_552 = arith.mulf %get3A_550, %mul3A_551 : vector<16xf32>
            %add3A_553 = arith.addf %add3A_544, %mul3A_552 : vector<16xf32>
            %swap3A_554 = arith.index_cast %scan3A_249 : i32 to index
            %swap3A_555 = arith.constant 96 : index
            %swap3A_556 = tpu.vector_load %arg12[%swap3A_554, %swap3A_555] {strides = array<i32>} : memref<16x256xf32, #tpu.memory_space<vmem>>, vector<1x16xf32>,
            %swap3A_557 = vector.shape_cast %swap3A_556 : vector<1x16xf32> to vector<16xf32>
            %swap3A_558 = vector.shape_cast %add3A_553 : vector<16xf32> to vector<1x16xf32>
            tpu.vector_store %arg12[%swap3A_554, %swap3A_555], %swap3A_558 {strides = array<i32>} : memref<16x256xf32, #tpu.memory_space<vmem>>, vector<1x16xf32>,
            %add3A_559 = arith.constant 0 : i32
            %add3A_560 = arith.addi %add3A_559, %scan3A_249 : i32
            %get3A_561 = arith.index_cast %add3A_560 : i32 to index
            %get3A_562 = arith.constant 112 : index
            %get3A_563 = tpu.vector_load %arg8[%get3A_561, %get3A_562] {strides = array<i32>} : memref<64x256xf32, #tpu.memory_space<vmem>>, vector<1x16xf32>,
            %get3A_564 = vector.shape_cast %get3A_563 : vector<1x16xf32> to vector<16xf32>
            %mul3A_565 = vector.broadcast %squeeze3A : f32 to vector<16xf32>
            %mul3A_566 = arith.mulf %get3A_564, %mul3A_565 : vector<16xf32>
            %add3A_567 = arith.constant 16 : i32
            %add3A_568 = arith.addi %add3A_567, %scan3A_249 : i32
            %get3A_569 = arith.index_cast %add3A_568 : i32 to index
            %get3A_570 = arith.constant 112 : index
            %get3A_571 = tpu.vector_load %arg8[%get3A_569, %get3A_570] {strides = array<i32>} : memref<64x256xf32, #tpu.memory_space<vmem>>, vector<1x16xf32>,
            %get3A_572 = vector.shape_cast %get3A_571 : vector<1x16xf32> to vector<16xf32>
            %mul3A_573 = vector.broadcast %squeeze3A_263 : f32 to vector<16xf32>
            %mul3A_574 = arith.mulf %get3A_572, %mul3A_573 : vector<16xf32>
            %add3A_575 = arith.addf %mul3A_566, %mul3A_574 : vector<16xf32>
            %add3A_576 = arith.constant 32 : i32
            %add3A_577 = arith.addi %add3A_576, %scan3A_249 : i32
            %get3A_578 = arith.index_cast %add3A_577 : i32 to index
            %get3A_579 = arith.constant 112 : index
            %get3A_580 = tpu.vector_load %arg8[%get3A_578, %get3A_579] {strides = array<i32>} : memref<64x256xf32, #tpu.memory_space<vmem>>, vector<1x16xf32>,
            %get3A_581 = vector.shape_cast %get3A_580 : vector<1x16xf32> to vector<16xf32>
            %mul3A_582 = vector.broadcast %squeeze3A_271 : f32 to vector<16xf32>
            %mul3A_583 = arith.mulf %get3A_581, %mul3A_582 : vector<16xf32>
            %add3A_584 = arith.addf %add3A_575, %mul3A_583 : vector<16xf32>
            %add3A_585 = arith.constant 48 : i32
            %add3A_586 = arith.addi %add3A_585, %scan3A_249 : i32
            %get3A_587 = arith.index_cast %add3A_586 : i32 to index
            %get3A_588 = arith.constant 112 : index
            %get3A_589 = tpu.vector_load %arg8[%get3A_587, %get3A_588] {strides = array<i32>} : memref<64x256xf32, #tpu.memory_space<vmem>>, vector<1x16xf32>,
            %get3A_590 = vector.shape_cast %get3A_589 : vector<1x16xf32> to vector<16xf32>
            %mul3A_591 = vector.broadcast %squeeze3A_279 : f32 to vector<16xf32>
            %mul3A_592 = arith.mulf %get3A_590, %mul3A_591 : vector<16xf32>
            %add3A_593 = arith.addf %add3A_584, %mul3A_592 : vector<16xf32>
            %swap3A_594 = arith.index_cast %scan3A_249 : i32 to index
            %swap3A_595 = arith.constant 112 : index
            %swap3A_596 = tpu.vector_load %arg12[%swap3A_594, %swap3A_595] {strides = array<i32>} : memref<16x256xf32, #tpu.memory_space<vmem>>, vector<1x16xf32>,
            %swap3A_597 = vector.shape_cast %swap3A_596 : vector<1x16xf32> to vector<16xf32>
            %swap3A_598 = vector.shape_cast %add3A_593 : vector<16xf32> to vector<1x16xf32>
            tpu.vector_store %arg12[%swap3A_594, %swap3A_595], %swap3A_598 {strides = array<i32>} : memref<16x256xf32, #tpu.memory_space<vmem>>, vector<1x16xf32>,
            %add3A_599 = arith.constant 0 : i32
            %add3A_600 = arith.addi %add3A_599, %scan3A_249 : i32
            %get3A_601 = arith.index_cast %add3A_600 : i32 to index
            %get3A_602 = arith.constant 128 : index
            %get3A_603 = tpu.vector_load %arg8[%get3A_601, %get3A_602] {strides = array<i32>} : memref<64x256xf32, #tpu.memory_space<vmem>>, vector<1x16xf32>,
            %get3A_604 = vector.shape_cast %get3A_603 : vector<1x16xf32> to vector<16xf32>
            %mul3A_605 = vector.broadcast %squeeze3A : f32 to vector<16xf32>
            %mul3A_606 = arith.mulf %get3A_604, %mul3A_605 : vector<16xf32>
            %add3A_607 = arith.constant 16 : i32
            %add3A_608 = arith.addi %add3A_607, %scan3A_249 : i32
            %get3A_609 = arith.index_cast %add3A_608 : i32 to index
            %get3A_610 = arith.constant 128 : index
            %get3A_611 = tpu.vector_load %arg8[%get3A_609, %get3A_610] {strides = array<i32>} : memref<64x256xf32, #tpu.memory_space<vmem>>, vector<1x16xf32>,
            %get3A_612 = vector.shape_cast %get3A_611 : vector<1x16xf32> to vector<16xf32>
            %mul3A_613 = vector.broadcast %squeeze3A_263 : f32 to vector<16xf32>
            %mul3A_614 = arith.mulf %get3A_612, %mul3A_613 : vector<16xf32>
            %add3A_615 = arith.addf %mul3A_606, %mul3A_614 : vector<16xf32>
            %add3A_616 = arith.constant 32 : i32
            %add3A_617 = arith.addi %add3A_616, %scan3A_249 : i32
            %get3A_618 = arith.index_cast %add3A_617 : i32 to index
            %get3A_619 = arith.constant 128 : index
            %get3A_620 = tpu.vector_load %arg8[%get3A_618, %get3A_619] {strides = array<i32>} : memref<64x256xf32, #tpu.memory_space<vmem>>, vector<1x16xf32>,
            %get3A_621 = vector.shape_cast %get3A_620 : vector<1x16xf32> to vector<16xf32>
            %mul3A_622 = vector.broadcast %squeeze3A_271 : f32 to vector<16xf32>
            %mul3A_623 = arith.mulf %get3A_621, %mul3A_622 : vector<16xf32>
            %add3A_624 = arith.addf %add3A_615, %mul3A_623 : vector<16xf32>
            %add3A_625 = arith.constant 48 : i32
            %add3A_626 = arith.addi %add3A_625, %scan3A_249 : i32
            %get3A_627 = arith.index_cast %add3A_626 : i32 to index
            %get3A_628 = arith.constant 128 : index
            %get3A_629 = tpu.vector_load %arg8[%get3A_627, %get3A_628] {strides = array<i32>} : memref<64x256xf32, #tpu.memory_space<vmem>>, vector<1x16xf32>,
            %get3A_630 = vector.shape_cast %get3A_629 : vector<1x16xf32> to vector<16xf32>
            %mul3A_631 = vector.broadcast %squeeze3A_279 : f32 to vector<16xf32>
            %mul3A_632 = arith.mulf %get3A_630, %mul3A_631 : vector<16xf32>
            %add3A_633 = arith.addf %add3A_624, %mul3A_632 : vector<16xf32>
            %swap3A_634 = arith.index_cast %scan3A_249 : i32 to index
            %swap3A_635 = arith.constant 128 : index
            %swap3A_636 = tpu.vector_load %arg12[%swap3A_634, %swap3A_635] {strides = array<i32>} : memref<16x256xf32, #tpu.memory_space<vmem>>, vector<1x16xf32>,
            %swap3A_637 = vector.shape_cast %swap3A_636 : vector<1x16xf32> to vector<16xf32>
            %swap3A_638 = vector.shape_cast %add3A_633 : vector<16xf32> to vector<1x16xf32>
            tpu.vector_store %arg12[%swap3A_634, %swap3A_635], %swap3A_638 {strides = array<i32>} : memref<16x256xf32, #tpu.memory_space<vmem>>, vector<1x16xf32>,
            %add3A_639 = arith.constant 0 : i32
            %add3A_640 = arith.addi %add3A_639, %scan3A_249 : i32
            %get3A_641 = arith.index_cast %add3A_640 : i32 to index
            %get3A_642 = arith.constant 144 : index
            %get3A_643 = tpu.vector_load %arg8[%get3A_641, %get3A_642] {strides = array<i32>} : memref<64x256xf32, #tpu.memory_space<vmem>>, vector<1x16xf32>,
            %get3A_644 = vector.shape_cast %get3A_643 : vector<1x16xf32> to vector<16xf32>
            %mul3A_645 = vector.broadcast %squeeze3A : f32 to vector<16xf32>
            %mul3A_646 = arith.mulf %get3A_644, %mul3A_645 : vector<16xf32>
            %add3A_647 = arith.constant 16 : i32
            %add3A_648 = arith.addi %add3A_647, %scan3A_249 : i32
            %get3A_649 = arith.index_cast %add3A_648 : i32 to index
            %get3A_650 = arith.constant 144 : index
            %get3A_651 = tpu.vector_load %arg8[%get3A_649, %get3A_650] {strides = array<i32>} : memref<64x256xf32, #tpu.memory_space<vmem>>, vector<1x16xf32>,
            %get3A_652 = vector.shape_cast %get3A_651 : vector<1x16xf32> to vector<16xf32>
            %mul3A_653 = vector.broadcast %squeeze3A_263 : f32 to vector<16xf32>
            %mul3A_654 = arith.mulf %get3A_652, %mul3A_653 : vector<16xf32>
            %add3A_655 = arith.addf %mul3A_646, %mul3A_654 : vector<16xf32>
            %add3A_656 = arith.constant 32 : i32
            %add3A_657 = arith.addi %add3A_656, %scan3A_249 : i32
            %get3A_658 = arith.index_cast %add3A_657 : i32 to index
            %get3A_659 = arith.constant 144 : index
            %get3A_660 = tpu.vector_load %arg8[%get3A_658, %get3A_659] {strides = array<i32>} : memref<64x256xf32, #tpu.memory_space<vmem>>, vector<1x16xf32>,
            %get3A_661 = vector.shape_cast %get3A_660 : vector<1x16xf32> to vector<16xf32>
            %mul3A_662 = vector.broadcast %squeeze3A_271 : f32 to vector<16xf32>
            %mul3A_663 = arith.mulf %get3A_661, %mul3A_662 : vector<16xf32>
            %add3A_664 = arith.addf %add3A_655, %mul3A_663 : vector<16xf32>
            %add3A_665 = arith.constant 48 : i32
            %add3A_666 = arith.addi %add3A_665, %scan3A_249 : i32
            %get3A_667 = arith.index_cast %add3A_666 : i32 to index
            %get3A_668 = arith.constant 144 : index
            %get3A_669 = tpu.vector_load %arg8[%get3A_667, %get3A_668] {strides = array<i32>} : memref<64x256xf32, #tpu.memory_space<vmem>>, vector<1x16xf32>,
            %get3A_670 = vector.shape_cast %get3A_669 : vector<1x16xf32> to vector<16xf32>
            %mul3A_671 = vector.broadcast %squeeze3A_279 : f32 to vector<16xf32>
            %mul3A_672 = arith.mulf %get3A_670, %mul3A_671 : vector<16xf32>
            %add3A_673 = arith.addf %add3A_664, %mul3A_672 : vector<16xf32>
            %swap3A_674 = arith.index_cast %scan3A_249 : i32 to index
            %swap3A_675 = arith.constant 144 : index
            %swap3A_676 = tpu.vector_load %arg12[%swap3A_674, %swap3A_675] {strides = array<i32>} : memref<16x256xf32, #tpu.memory_space<vmem>>, vector<1x16xf32>,
            %swap3A_677 = vector.shape_cast %swap3A_676 : vector<1x16xf32> to vector<16xf32>
            %swap3A_678 = vector.shape_cast %add3A_673 : vector<16xf32> to vector<1x16xf32>
            tpu.vector_store %arg12[%swap3A_674, %swap3A_675], %swap3A_678 {strides = array<i32>} : memref<16x256xf32, #tpu.memory_space<vmem>>, vector<1x16xf32>,
            %add3A_679 = arith.constant 0 : i32
            %add3A_680 = arith.addi %add3A_679, %scan3A_249 : i32
            %get3A_681 = arith.index_cast %add3A_680 : i32 to index
            %get3A_682 = arith.constant 160 : index
            %get3A_683 = tpu.vector_load %arg8[%get3A_681, %get3A_682] {strides = array<i32>} : memref<64x256xf32, #tpu.memory_space<vmem>>, vector<1x16xf32>,
            %get3A_684 = vector.shape_cast %get3A_683 : vector<1x16xf32> to vector<16xf32>
            %mul3A_685 = vector.broadcast %squeeze3A : f32 to vector<16xf32>
            %mul3A_686 = arith.mulf %get3A_684, %mul3A_685 : vector<16xf32>
            %add3A_687 = arith.constant 16 : i32
            %add3A_688 = arith.addi %add3A_687, %scan3A_249 : i32
            %get3A_689 = arith.index_cast %add3A_688 : i32 to index
            %get3A_690 = arith.constant 160 : index
            %get3A_691 = tpu.vector_load %arg8[%get3A_689, %get3A_690] {strides = array<i32>} : memref<64x256xf32, #tpu.memory_space<vmem>>, vector<1x16xf32>,
            %get3A_692 = vector.shape_cast %get3A_691 : vector<1x16xf32> to vector<16xf32>
            %mul3A_693 = vector.broadcast %squeeze3A_263 : f32 to vector<16xf32>
            %mul3A_694 = arith.mulf %get3A_692, %mul3A_693 : vector<16xf32>
            %add3A_695 = arith.addf %mul3A_686, %mul3A_694 : vector<16xf32>
            %add3A_696 = arith.constant 32 : i32
            %add3A_697 = arith.addi %add3A_696, %scan3A_249 : i32
            %get3A_698 = arith.index_cast %add3A_697 : i32 to index
            %get3A_699 = arith.constant 160 : index
            %get3A_700 = tpu.vector_load %arg8[%get3A_698, %get3A_699] {strides = array<i32>} : memref<64x256xf32, #tpu.memory_space<vmem>>, vector<1x16xf32>,
            %get3A_701 = vector.shape_cast %get3A_700 : vector<1x16xf32> to vector<16xf32>
            %mul3A_702 = vector.broadcast %squeeze3A_271 : f32 to vector<16xf32>
            %mul3A_703 = arith.mulf %get3A_701, %mul3A_702 : vector<16xf32>
            %add3A_704 = arith.addf %add3A_695, %mul3A_703 : vector<16xf32>
            %add3A_705 = arith.constant 48 : i32
            %add3A_706 = arith.addi %add3A_705, %scan3A_249 : i32
            %get3A_707 = arith.index_cast %add3A_706 : i32 to index
            %get3A_708 = arith.constant 160 : index
            %get3A_709 = tpu.vector_load %arg8[%get3A_707, %get3A_708] {strides = array<i32>} : memref<64x256xf32, #tpu.memory_space<vmem>>, vector<1x16xf32>,
            %get3A_710 = vector.shape_cast %get3A_709 : vector<1x16xf32> to vector<16xf32>
            %mul3A_711 = vector.broadcast %squeeze3A_279 : f32 to vector<16xf32>
            %mul3A_712 = arith.mulf %get3A_710, %mul3A_711 : vector<16xf32>
            %add3A_713 = arith.addf %add3A_704, %mul3A_712 : vector<16xf32>
            %swap3A_714 = arith.index_cast %scan3A_249 : i32 to index
            %swap3A_715 = arith.constant 160 : index
            %swap3A_716 = tpu.vector_load %arg12[%swap3A_714, %swap3A_715] {strides = array<i32>} : memref<16x256xf32, #tpu.memory_space<vmem>>, vector<1x16xf32>,
            %swap3A_717 = vector.shape_cast %swap3A_716 : vector<1x16xf32> to vector<16xf32>
            %swap3A_718 = vector.shape_cast %add3A_713 : vector<16xf32> to vector<1x16xf32>
            tpu.vector_store %arg12[%swap3A_714, %swap3A_715], %swap3A_718 {strides = array<i32>} : memref<16x256xf32, #tpu.memory_space<vmem>>, vector<1x16xf32>,
            %add3A_719 = arith.constant 0 : i32
            %add3A_720 = arith.addi %add3A_719, %scan3A_249 : i32
            %get3A_721 = arith.index_cast %add3A_720 : i32 to index
            %get3A_722 = arith.constant 176 : index
            %get3A_723 = tpu.vector_load %arg8[%get3A_721, %get3A_722] {strides = array<i32>} : memref<64x256xf32, #tpu.memory_space<vmem>>, vector<1x16xf32>,
            %get3A_724 = vector.shape_cast %get3A_723 : vector<1x16xf32> to vector<16xf32>
            %mul3A_725 = vector.broadcast %squeeze3A : f32 to vector<16xf32>
            %mul3A_726 = arith.mulf %get3A_724, %mul3A_725 : vector<16xf32>
            %add3A_727 = arith.constant 16 : i32
            %add3A_728 = arith.addi %add3A_727, %scan3A_249 : i32
            %get3A_729 = arith.index_cast %add3A_728 : i32 to index
            %get3A_730 = arith.constant 176 : index
            %get3A_731 = tpu.vector_load %arg8[%get3A_729, %get3A_730] {strides = array<i32>} : memref<64x256xf32, #tpu.memory_space<vmem>>, vector<1x16xf32>,
            %get3A_732 = vector.shape_cast %get3A_731 : vector<1x16xf32> to vector<16xf32>
            %mul3A_733 = vector.broadcast %squeeze3A_263 : f32 to vector<16xf32>
            %mul3A_734 = arith.mulf %get3A_732, %mul3A_733 : vector<16xf32>
            %add3A_735 = arith.addf %mul3A_726, %mul3A_734 : vector<16xf32>
            %add3A_736 = arith.constant 32 : i32
            %add3A_737 = arith.addi %add3A_736, %scan3A_249 : i32
            %get3A_738 = arith.index_cast %add3A_737 : i32 to index
            %get3A_739 = arith.constant 176 : index
            %get3A_740 = tpu.vector_load %arg8[%get3A_738, %get3A_739] {strides = array<i32>} : memref<64x256xf32, #tpu.memory_space<vmem>>, vector<1x16xf32>,
            %get3A_741 = vector.shape_cast %get3A_740 : vector<1x16xf32> to vector<16xf32>
            %mul3A_742 = vector.broadcast %squeeze3A_271 : f32 to vector<16xf32>
            %mul3A_743 = arith.mulf %get3A_741, %mul3A_742 : vector<16xf32>
            %add3A_744 = arith.addf %add3A_735, %mul3A_743 : vector<16xf32>
            %add3A_745 = arith.constant 48 : i32
            %add3A_746 = arith.addi %add3A_745, %scan3A_249 : i32
            %get3A_747 = arith.index_cast %add3A_746 : i32 to index
            %get3A_748 = arith.constant 176 : index
            %get3A_749 = tpu.vector_load %arg8[%get3A_747, %get3A_748] {strides = array<i32>} : memref<64x256xf32, #tpu.memory_space<vmem>>, vector<1x16xf32>,
            %get3A_750 = vector.shape_cast %get3A_749 : vector<1x16xf32> to vector<16xf32>
            %mul3A_751 = vector.broadcast %squeeze3A_279 : f32 to vector<16xf32>
            %mul3A_752 = arith.mulf %get3A_750, %mul3A_751 : vector<16xf32>
            %add3A_753 = arith.addf %add3A_744, %mul3A_752 : vector<16xf32>
            %swap3A_754 = arith.index_cast %scan3A_249 : i32 to index
            %swap3A_755 = arith.constant 176 : index
            %swap3A_756 = tpu.vector_load %arg12[%swap3A_754, %swap3A_755] {strides = array<i32>} : memref<16x256xf32, #tpu.memory_space<vmem>>, vector<1x16xf32>,
            %swap3A_757 = vector.shape_cast %swap3A_756 : vector<1x16xf32> to vector<16xf32>
            %swap3A_758 = vector.shape_cast %add3A_753 : vector<16xf32> to vector<1x16xf32>
            tpu.vector_store %arg12[%swap3A_754, %swap3A_755], %swap3A_758 {strides = array<i32>} : memref<16x256xf32, #tpu.memory_space<vmem>>, vector<1x16xf32>,
            %add3A_759 = arith.constant 0 : i32
            %add3A_760 = arith.addi %add3A_759, %scan3A_249 : i32
            %get3A_761 = arith.index_cast %add3A_760 : i32 to index
            %get3A_762 = arith.constant 192 : index
            %get3A_763 = tpu.vector_load %arg8[%get3A_761, %get3A_762] {strides = array<i32>} : memref<64x256xf32, #tpu.memory_space<vmem>>, vector<1x16xf32>,
            %get3A_764 = vector.shape_cast %get3A_763 : vector<1x16xf32> to vector<16xf32>
            %mul3A_765 = vector.broadcast %squeeze3A : f32 to vector<16xf32>
            %mul3A_766 = arith.mulf %get3A_764, %mul3A_765 : vector<16xf32>
            %add3A_767 = arith.constant 16 : i32
            %add3A_768 = arith.addi %add3A_767, %scan3A_249 : i32
            %get3A_769 = arith.index_cast %add3A_768 : i32 to index
            %get3A_770 = arith.constant 192 : index
            %get3A_771 = tpu.vector_load %arg8[%get3A_769, %get3A_770] {strides = array<i32>} : memref<64x256xf32, #tpu.memory_space<vmem>>, vector<1x16xf32>,
            %get3A_772 = vector.shape_cast %get3A_771 : vector<1x16xf32> to vector<16xf32>
            %mul3A_773 = vector.broadcast %squeeze3A_263 : f32 to vector<16xf32>
            %mul3A_774 = arith.mulf %get3A_772, %mul3A_773 : vector<16xf32>
            %add3A_775 = arith.addf %mul3A_766, %mul3A_774 : vector<16xf32>
            %add3A_776 = arith.constant 32 : i32
            %add3A_777 = arith.addi %add3A_776, %scan3A_249 : i32
            %get3A_778 = arith.index_cast %add3A_777 : i32 to index
            %get3A_779 = arith.constant 192 : index
            %get3A_780 = tpu.vector_load %arg8[%get3A_778, %get3A_779] {strides = array<i32>} : memref<64x256xf32, #tpu.memory_space<vmem>>, vector<1x16xf32>,
            %get3A_781 = vector.shape_cast %get3A_780 : vector<1x16xf32> to vector<16xf32>
            %mul3A_782 = vector.broadcast %squeeze3A_271 : f32 to vector<16xf32>
            %mul3A_783 = arith.mulf %get3A_781, %mul3A_782 : vector<16xf32>
            %add3A_784 = arith.addf %add3A_775, %mul3A_783 : vector<16xf32>
            %add3A_785 = arith.constant 48 : i32
            %add3A_786 = arith.addi %add3A_785, %scan3A_249 : i32
            %get3A_787 = arith.index_cast %add3A_786 : i32 to index
            %get3A_788 = arith.constant 192 : index
            %get3A_789 = tpu.vector_load %arg8[%get3A_787, %get3A_788] {strides = array<i32>} : memref<64x256xf32, #tpu.memory_space<vmem>>, vector<1x16xf32>,
            %get3A_790 = vector.shape_cast %get3A_789 : vector<1x16xf32> to vector<16xf32>
            %mul3A_791 = vector.broadcast %squeeze3A_279 : f32 to vector<16xf32>
            %mul3A_792 = arith.mulf %get3A_790, %mul3A_791 : vector<16xf32>
            %add3A_793 = arith.addf %add3A_784, %mul3A_792 : vector<16xf32>
            %swap3A_794 = arith.index_cast %scan3A_249 : i32 to index
            %swap3A_795 = arith.constant 192 : index
            %swap3A_796 = tpu.vector_load %arg12[%swap3A_794, %swap3A_795] {strides = array<i32>} : memref<16x256xf32, #tpu.memory_space<vmem>>, vector<1x16xf32>,
            %swap3A_797 = vector.shape_cast %swap3A_796 : vector<1x16xf32> to vector<16xf32>
            %swap3A_798 = vector.shape_cast %add3A_793 : vector<16xf32> to vector<1x16xf32>
            tpu.vector_store %arg12[%swap3A_794, %swap3A_795], %swap3A_798 {strides = array<i32>} : memref<16x256xf32, #tpu.memory_space<vmem>>, vector<1x16xf32>,
            %add3A_799 = arith.constant 0 : i32
            %add3A_800 = arith.addi %add3A_799, %scan3A_249 : i32
            %get3A_801 = arith.index_cast %add3A_800 : i32 to index
            %get3A_802 = arith.constant 208 : index
            %get3A_803 = tpu.vector_load %arg8[%get3A_801, %get3A_802] {strides = array<i32>} : memref<64x256xf32, #tpu.memory_space<vmem>>, vector<1x16xf32>,
            %get3A_804 = vector.shape_cast %get3A_803 : vector<1x16xf32> to vector<16xf32>
            %mul3A_805 = vector.broadcast %squeeze3A : f32 to vector<16xf32>
            %mul3A_806 = arith.mulf %get3A_804, %mul3A_805 : vector<16xf32>
            %add3A_807 = arith.constant 16 : i32
            %add3A_808 = arith.addi %add3A_807, %scan3A_249 : i32
            %get3A_809 = arith.index_cast %add3A_808 : i32 to index
            %get3A_810 = arith.constant 208 : index
            %get3A_811 = tpu.vector_load %arg8[%get3A_809, %get3A_810] {strides = array<i32>} : memref<64x256xf32, #tpu.memory_space<vmem>>, vector<1x16xf32>,
            %get3A_812 = vector.shape_cast %get3A_811 : vector<1x16xf32> to vector<16xf32>
            %mul3A_813 = vector.broadcast %squeeze3A_263 : f32 to vector<16xf32>
            %mul3A_814 = arith.mulf %get3A_812, %mul3A_813 : vector<16xf32>
            %add3A_815 = arith.addf %mul3A_806, %mul3A_814 : vector<16xf32>
            %add3A_816 = arith.constant 32 : i32
            %add3A_817 = arith.addi %add3A_816, %scan3A_249 : i32
            %get3A_818 = arith.index_cast %add3A_817 : i32 to index
            %get3A_819 = arith.constant 208 : index
            %get3A_820 = tpu.vector_load %arg8[%get3A_818, %get3A_819] {strides = array<i32>} : memref<64x256xf32, #tpu.memory_space<vmem>>, vector<1x16xf32>,
            %get3A_821 = vector.shape_cast %get3A_820 : vector<1x16xf32> to vector<16xf32>
            %mul3A_822 = vector.broadcast %squeeze3A_271 : f32 to vector<16xf32>
            %mul3A_823 = arith.mulf %get3A_821, %mul3A_822 : vector<16xf32>
            %add3A_824 = arith.addf %add3A_815, %mul3A_823 : vector<16xf32>
            %add3A_825 = arith.constant 48 : i32
            %add3A_826 = arith.addi %add3A_825, %scan3A_249 : i32
            %get3A_827 = arith.index_cast %add3A_826 : i32 to index
            %get3A_828 = arith.constant 208 : index
            %get3A_829 = tpu.vector_load %arg8[%get3A_827, %get3A_828] {strides = array<i32>} : memref<64x256xf32, #tpu.memory_space<vmem>>, vector<1x16xf32>,
            %get3A_830 = vector.shape_cast %get3A_829 : vector<1x16xf32> to vector<16xf32>
            %mul3A_831 = vector.broadcast %squeeze3A_279 : f32 to vector<16xf32>
            %mul3A_832 = arith.mulf %get3A_830, %mul3A_831 : vector<16xf32>
            %add3A_833 = arith.addf %add3A_824, %mul3A_832 : vector<16xf32>
            %swap3A_834 = arith.index_cast %scan3A_249 : i32 to index
            %swap3A_835 = arith.constant 208 : index
            %swap3A_836 = tpu.vector_load %arg12[%swap3A_834, %swap3A_835] {strides = array<i32>} : memref<16x256xf32, #tpu.memory_space<vmem>>, vector<1x16xf32>,
            %swap3A_837 = vector.shape_cast %swap3A_836 : vector<1x16xf32> to vector<16xf32>
            %swap3A_838 = vector.shape_cast %add3A_833 : vector<16xf32> to vector<1x16xf32>
            tpu.vector_store %arg12[%swap3A_834, %swap3A_835], %swap3A_838 {strides = array<i32>} : memref<16x256xf32, #tpu.memory_space<vmem>>, vector<1x16xf32>,
            %add3A_839 = arith.constant 0 : i32
            %add3A_840 = arith.addi %add3A_839, %scan3A_249 : i32
            %get3A_841 = arith.index_cast %add3A_840 : i32 to index
            %get3A_842 = arith.constant 224 : index
            %get3A_843 = tpu.vector_load %arg8[%get3A_841, %get3A_842] {strides = array<i32>} : memref<64x256xf32, #tpu.memory_space<vmem>>, vector<1x16xf32>,
            %get3A_844 = vector.shape_cast %get3A_843 : vector<1x16xf32> to vector<16xf32>
            %mul3A_845 = vector.broadcast %squeeze3A : f32 to vector<16xf32>
            %mul3A_846 = arith.mulf %get3A_844, %mul3A_845 : vector<16xf32>
            %add3A_847 = arith.constant 16 : i32
            %add3A_848 = arith.addi %add3A_847, %scan3A_249 : i32
            %get3A_849 = arith.index_cast %add3A_848 : i32 to index
            %get3A_850 = arith.constant 224 : index
            %get3A_851 = tpu.vector_load %arg8[%get3A_849, %get3A_850] {strides = array<i32>} : memref<64x256xf32, #tpu.memory_space<vmem>>, vector<1x16xf32>,
            %get3A_852 = vector.shape_cast %get3A_851 : vector<1x16xf32> to vector<16xf32>
            %mul3A_853 = vector.broadcast %squeeze3A_263 : f32 to vector<16xf32>
            %mul3A_854 = arith.mulf %get3A_852, %mul3A_853 : vector<16xf32>
            %add3A_855 = arith.addf %mul3A_846, %mul3A_854 : vector<16xf32>
            %add3A_856 = arith.constant 32 : i32
            %add3A_857 = arith.addi %add3A_856, %scan3A_249 : i32
            %get3A_858 = arith.index_cast %add3A_857 : i32 to index
            %get3A_859 = arith.constant 224 : index
            %get3A_860 = tpu.vector_load %arg8[%get3A_858, %get3A_859] {strides = array<i32>} : memref<64x256xf32, #tpu.memory_space<vmem>>, vector<1x16xf32>,
            %get3A_861 = vector.shape_cast %get3A_860 : vector<1x16xf32> to vector<16xf32>
            %mul3A_862 = vector.broadcast %squeeze3A_271 : f32 to vector<16xf32>
            %mul3A_863 = arith.mulf %get3A_861, %mul3A_862 : vector<16xf32>
            %add3A_864 = arith.addf %add3A_855, %mul3A_863 : vector<16xf32>
            %add3A_865 = arith.constant 48 : i32
            %add3A_866 = arith.addi %add3A_865, %scan3A_249 : i32
            %get3A_867 = arith.index_cast %add3A_866 : i32 to index
            %get3A_868 = arith.constant 224 : index
            %get3A_869 = tpu.vector_load %arg8[%get3A_867, %get3A_868] {strides = array<i32>} : memref<64x256xf32, #tpu.memory_space<vmem>>, vector<1x16xf32>,
            %get3A_870 = vector.shape_cast %get3A_869 : vector<1x16xf32> to vector<16xf32>
            %mul3A_871 = vector.broadcast %squeeze3A_279 : f32 to vector<16xf32>
            %mul3A_872 = arith.mulf %get3A_870, %mul3A_871 : vector<16xf32>
            %add3A_873 = arith.addf %add3A_864, %mul3A_872 : vector<16xf32>
            %swap3A_874 = arith.index_cast %scan3A_249 : i32 to index
            %swap3A_875 = arith.constant 224 : index
            %swap3A_876 = tpu.vector_load %arg12[%swap3A_874, %swap3A_875] {strides = array<i32>} : memref<16x256xf32, #tpu.memory_space<vmem>>, vector<1x16xf32>,
            %swap3A_877 = vector.shape_cast %swap3A_876 : vector<1x16xf32> to vector<16xf32>
            %swap3A_878 = vector.shape_cast %add3A_873 : vector<16xf32> to vector<1x16xf32>
            tpu.vector_store %arg12[%swap3A_874, %swap3A_875], %swap3A_878 {strides = array<i32>} : memref<16x256xf32, #tpu.memory_space<vmem>>, vector<1x16xf32>,
            %add3A_879 = arith.constant 0 : i32
            %add3A_880 = arith.addi %add3A_879, %scan3A_249 : i32
            %get3A_881 = arith.index_cast %add3A_880 : i32 to index
            %get3A_882 = arith.constant 240 : index
            %get3A_883 = tpu.vector_load %arg8[%get3A_881, %get3A_882] {strides = array<i32>} : memref<64x256xf32, #tpu.memory_space<vmem>>, vector<1x16xf32>,
            %get3A_884 = vector.shape_cast %get3A_883 : vector<1x16xf32> to vector<16xf32>
            %mul3A_885 = vector.broadcast %squeeze3A : f32 to vector<16xf32>
            %mul3A_886 = arith.mulf %get3A_884, %mul3A_885 : vector<16xf32>
            %add3A_887 = arith.constant 16 : i32
            %add3A_888 = arith.addi %add3A_887, %scan3A_249 : i32
            %get3A_889 = arith.index_cast %add3A_888 : i32 to index
            %get3A_890 = arith.constant 240 : index
            %get3A_891 = tpu.vector_load %arg8[%get3A_889, %get3A_890] {strides = array<i32>} : memref<64x256xf32, #tpu.memory_space<vmem>>, vector<1x16xf32>,
            %get3A_892 = vector.shape_cast %get3A_891 : vector<1x16xf32> to vector<16xf32>
            %mul3A_893 = vector.broadcast %squeeze3A_263 : f32 to vector<16xf32>
            %mul3A_894 = arith.mulf %get3A_892, %mul3A_893 : vector<16xf32>
            %add3A_895 = arith.addf %mul3A_886, %mul3A_894 : vector<16xf32>
            %add3A_896 = arith.constant 32 : i32
            %add3A_897 = arith.addi %add3A_896, %scan3A_249 : i32
            %get3A_898 = arith.index_cast %add3A_897 : i32 to index
            %get3A_899 = arith.constant 240 : index
            %get3A_900 = tpu.vector_load %arg8[%get3A_898, %get3A_899] {strides = array<i32>} : memref<64x256xf32, #tpu.memory_space<vmem>>, vector<1x16xf32>,
            %get3A_901 = vector.shape_cast %get3A_900 : vector<1x16xf32> to vector<16xf32>
            %mul3A_902 = vector.broadcast %squeeze3A_271 : f32 to vector<16xf32>
            %mul3A_903 = arith.mulf %get3A_901, %mul3A_902 : vector<16xf32>
            %add3A_904 = arith.addf %add3A_895, %mul3A_903 : vector<16xf32>
            %add3A_905 = arith.constant 48 : i32
            %add3A_906 = arith.addi %add3A_905, %scan3A_249 : i32
            %get3A_907 = arith.index_cast %add3A_906 : i32 to index
            %get3A_908 = arith.constant 240 : index
            %get3A_909 = tpu.vector_load %arg8[%get3A_907, %get3A_908] {strides = array<i32>} : memref<64x256xf32, #tpu.memory_space<vmem>>, vector<1x16xf32>,
            %get3A_910 = vector.shape_cast %get3A_909 : vector<1x16xf32> to vector<16xf32>
            %mul3A_911 = vector.broadcast %squeeze3A_279 : f32 to vector<16xf32>
            %mul3A_912 = arith.mulf %get3A_910, %mul3A_911 : vector<16xf32>
            %add3A_913 = arith.addf %add3A_904, %mul3A_912 : vector<16xf32>
            %swap3A_914 = arith.index_cast %scan3A_249 : i32 to index
            %swap3A_915 = arith.constant 240 : index
            %swap3A_916 = tpu.vector_load %arg12[%swap3A_914, %swap3A_915] {strides = array<i32>} : memref<16x256xf32, #tpu.memory_space<vmem>>, vector<1x16xf32>,
            %swap3A_917 = vector.shape_cast %swap3A_916 : vector<1x16xf32> to vector<16xf32>
            %swap3A_918 = vector.shape_cast %add3A_913 : vector<16xf32> to vector<1x16xf32>
            tpu.vector_store %arg12[%swap3A_914, %swap3A_915], %swap3A_918 {strides = array<i32>} : memref<16x256xf32, #tpu.memory_space<vmem>>, vector<1x16xf32>,
          }
          %scan3A_238 = arith.constant 16 : i32
          %mul3A_239 = arith.constant 5120 : i32
          %mul3A_240 = arith.muli %scan3A_151, %mul3A_239 : i32
          %add3A_241 = arith.addi %mul3A_240, %mul3A_2 : i32
          %mul3A_242 = arith.constant 16 : i32
          %mul3A_243 = arith.muli %scan3A_8, %mul3A_242 : i32
          %add3A_244 = arith.addi %add3A_241, %mul3A_243 : i32
          %dma_start3A_245 = arith.constant 0 : i32
          %dma_start3A_246 = tpu.memref_slice %arg4[%add3A_244, %dma_start3A_245] : memref<250880x256xf32, #tpu.memory_space<hbm>> -> memref<16x256xf32, #tpu.memory_space<hbm>>
          %dma_start3A_247 = arith.constant 0 : i32
          %dma_start3A_248 = tpu.memref_slice %arg4[%add3A_244, %dma_start3A_247] : memref<250880x256xf32, #tpu.memory_space<hbm>> -> memref<16x256xf32, #tpu.memory_space<hbm>>
          tpu.enqueue_dma source(%arg12 : memref<16x256xf32, #tpu.memory_space<vmem>>) target(%dma_start3A_248 : memref<16x256xf32, #tpu.memory_space<hbm>>) target_semaphore(%arg18 : memref<!tpu.dma_semaphore, #tpu.memory_space<semaphore_mem>>)
        } else {
        }
        %eq3A_177 = arith.constant 1 : i32
        %eq3A_178 = arith.cmpi eq, %select_n3A_162, %eq3A_177 : i32
        %add3A_179 = arith.constant 3 : i32
        %add3A_180 = arith.addi %scan3A_151, %add3A_179 : i32
        %lt3A_181 = arith.constant 49 : i32
        %lt3A_182 = arith.cmpi slt, %add3A_180, %lt3A_181 : i32
        %and3A_183 = arith.andi %eq3A_178, %lt3A_182 : i1
        %convert_element_type3A_184 = arith.extui %and3A_183 : i1 to i32
        %cond3A_185 = arith.constant 0 : i32
        %cond3A_186 = arith.cmpi ne, %convert_element_type3A_184, %cond3A_185 : i32
        scf.if %cond3A_186 {
          %add3A_222 = arith.constant 3 : i32
          %add3A_223 = arith.addi %scan3A_151, %add3A_222 : i32
          %mul3A_224 = arith.constant 64 : i32
          %mul3A_225 = arith.muli %add3A_223, %mul3A_224 : i32
          %dma_start3A_226 = tpu.memref_slice %arg6[%mul3A_225] : memref<3200xi32, #tpu.memory_space<vmem>> -> memref<64xi32, #tpu.memory_space<vmem>>
          %dma_start3A_227 = arith.constant 0 : i32
          %dma_start3A_228 = arith.constant 0 : i32
          %dma_start3A_229 = tpu.memref_slice %arg2[%dma_start3A_227, %dma_start3A_228] : memref<106250x256xf32, #tpu.memory_space<hbm>> -> memref<106250x256xf32, #tpu.memory_space<hbm>>
          tpu.enqueue_indirect_dma source(%dma_start3A_229 : memref<106250x256xf32, #tpu.memory_space<hbm>>) target(%arg8 : memref<64x256xf32, #tpu.memory_space<vmem>>) offsets(%dma_start3A_226 : memref<64xi32, #tpu.memory_space<vmem>>) semaphore(%arg14 : memref<!tpu.dma_semaphore, #tpu.memory_space<semaphore_mem>>)
        } else {
        }
        %eq3A_187 = arith.constant 1 : i32
        %eq3A_188 = arith.cmpi eq, %select_n3A_162, %eq3A_187 : i32
        %convert_element_type3A_189 = arith.extui %eq3A_188 : i1 to i32
        %cond3A_190 = arith.constant 0 : i32
        %cond3A_191 = arith.cmpi ne, %convert_element_type3A_189, %cond3A_190 : i32
        scf.if %cond3A_191 {
          %mul3A_222 = arith.constant 64 : i32
          %mul3A_223 = arith.muli %scan3A_151, %mul3A_222 : i32
          %dma_wait3A_224 = tpu.memref_slice %arg6[%mul3A_223] : memref<3200xi32, #tpu.memory_space<vmem>> -> memref<64xi32, #tpu.memory_space<vmem>>
          %dma_wait3A_225 = arith.constant 0 : i32
          %dma_wait3A_226 = arith.constant 0 : i32
          %dma_wait3A_227 = tpu.memref_slice %arg2[%dma_wait3A_225, %dma_wait3A_226] : memref<106250x256xf32, #tpu.memory_space<hbm>> -> memref<106250x256xf32, #tpu.memory_space<hbm>>
          tpu.wait_indirect_dma semaphore(%arg15 : memref<!tpu.dma_semaphore, #tpu.memory_space<semaphore_mem>>) src(%dma_wait3A_227 : memref<106250x256xf32, #tpu.memory_space<hbm>>) dst(%arg9 : memref<64x256xf32, #tpu.memory_space<vmem>>)
          %ge3A_228 = arith.constant 2 : i32
          %ge3A_229 = arith.cmpi sge, %scan3A_151, %ge3A_228 : i32
          %convert_element_type3A_230 = arith.extui %ge3A_229 : i1 to i32
          %cond3A_231 = arith.constant 0 : i32
          %cond3A_232 = arith.cmpi ne, %convert_element_type3A_230, %cond3A_231 : i32
          scf.if %cond3A_232 {
            %sub3A_249 = arith.constant 2 : i32
            %sub3A_250 = arith.subi %scan3A_151, %sub3A_249 : i32
            %mul3A_251 = arith.constant 5120 : i32
            %mul3A_252 = arith.muli %sub3A_250, %mul3A_251 : i32
            %add3A_253 = arith.addi %mul3A_252, %mul3A_2 : i32
            %mul3A_254 = arith.constant 16 : i32
            %mul3A_255 = arith.muli %scan3A_8, %mul3A_254 : i32
            %add3A_256 = arith.addi %add3A_253, %mul3A_255 : i32
            %dma_wait3A_257 = arith.constant 0 : i32
            %dma_wait3A_258 = tpu.memref_slice %arg4[%add3A_256, %dma_wait3A_257] : memref<250880x256xf32, #tpu.memory_space<hbm>> -> memref<16x256xf32, #tpu.memory_space<hbm>>
            %dma_wait3A_259 = arith.constant 0 : i32
            %dma_wait3A_260 = tpu.memref_slice %arg4[%add3A_256, %dma_wait3A_259] : memref<250880x256xf32, #tpu.memory_space<hbm>> -> memref<16x256xf32, #tpu.memory_space<hbm>>
            tpu.wait_dma2 semaphore(%arg19 : memref<!tpu.dma_semaphore, #tpu.memory_space<semaphore_mem>>) src(%arg13 : memref<16x256xf32, #tpu.memory_space<vmem>>) dst(%dma_wait3A_260 : memref<16x256xf32, #tpu.memory_space<hbm>>)
          } else {
          }
          %scan3A_233 = arith.constant 0 : i32
          %scan3A_234 = arith.constant 0 : i32
          %scan3A_235 = arith.constant 16 : i32
          %scan3A_236 = arith.addi %scan3A_234, %scan3A_235 : i32
          %scan3A_237 = arith.constant 1 : i32
          scf.for %scan3A_249 = %scan3A_234 to %scan3A_236 step %scan3A_237  : i32 {
            %get3A_250 = arith.constant 0 : i32
            %get3A_251 = arith.index_cast %scan3A_151 : i32 to index
            %get3A_252 = arith.index_cast %get3A_250 : i32 to index
            %get3A_253 = arith.index_cast %scan3A_249 : i32 to index
            %get3A_254 = tpu.vector_load %arg7[%get3A_251, %get3A_252, %get3A_253] {strides = array<i32>} : memref<50x4x32xf32, #tpu.memory_space<vmem>>, vector<1x1x16xf32>,
            %get3A_255 = vector.shape_cast %get3A_254 : vector<1x1x16xf32> to vector<16xf32>
            %slice3A = vector.extract_strided_slice %get3A_255 {offsets = [0], sizes = [1], strides = [1]} : vector<16xf32> to vector<1xf32>
            %squeeze3A = vector.extract %slice3A[0] : f32 from vector<1xf32>
            %get3A_256 = arith.constant 1 : i32
            %get3A_257 = arith.index_cast %scan3A_151 : i32 to index
            %get3A_258 = arith.index_cast %get3A_256 : i32 to index
            %get3A_259 = arith.index_cast %scan3A_249 : i32 to index
            %get3A_260 = tpu.vector_load %arg7[%get3A_257, %get3A_258, %get3A_259] {strides = array<i32>} : memref<50x4x32xf32, #tpu.memory_space<vmem>>, vector<1x1x16xf32>,
            %get3A_261 = vector.shape_cast %get3A_260 : vector<1x1x16xf32> to vector<16xf32>
            %slice3A_262 = vector.extract_strided_slice %get3A_261 {offsets = [0], sizes = [1], strides = [1]} : vector<16xf32> to vector<1xf32>
            %squeeze3A_263 = vector.extract %slice3A_262[0] : f32 from vector<1xf32>
            %get3A_264 = arith.constant 2 : i32
            %get3A_265 = arith.index_cast %scan3A_151 : i32 to index
            %get3A_266 = arith.index_cast %get3A_264 : i32 to index
            %get3A_267 = arith.index_cast %scan3A_249 : i32 to index
            %get3A_268 = tpu.vector_load %arg7[%get3A_265, %get3A_266, %get3A_267] {strides = array<i32>} : memref<50x4x32xf32, #tpu.memory_space<vmem>>, vector<1x1x16xf32>,
            %get3A_269 = vector.shape_cast %get3A_268 : vector<1x1x16xf32> to vector<16xf32>
            %slice3A_270 = vector.extract_strided_slice %get3A_269 {offsets = [0], sizes = [1], strides = [1]} : vector<16xf32> to vector<1xf32>
            %squeeze3A_271 = vector.extract %slice3A_270[0] : f32 from vector<1xf32>
            %get3A_272 = arith.constant 3 : i32
            %get3A_273 = arith.index_cast %scan3A_151 : i32 to index
            %get3A_274 = arith.index_cast %get3A_272 : i32 to index
            %get3A_275 = arith.index_cast %scan3A_249 : i32 to index
            %get3A_276 = tpu.vector_load %arg7[%get3A_273, %get3A_274, %get3A_275] {strides = array<i32>} : memref<50x4x32xf32, #tpu.memory_space<vmem>>, vector<1x1x16xf32>,
            %get3A_277 = vector.shape_cast %get3A_276 : vector<1x1x16xf32> to vector<16xf32>
            %slice3A_278 = vector.extract_strided_slice %get3A_277 {offsets = [0], sizes = [1], strides = [1]} : vector<16xf32> to vector<1xf32>
            %squeeze3A_279 = vector.extract %slice3A_278[0] : f32 from vector<1xf32>
            %add3A_280 = arith.constant 0 : i32
            %add3A_281 = arith.addi %add3A_280, %scan3A_249 : i32
            %get3A_282 = arith.index_cast %add3A_281 : i32 to index
            %get3A_283 = arith.constant 0 : index
            %get3A_284 = tpu.vector_load %arg9[%get3A_282, %get3A_283] {strides = array<i32>} : memref<64x256xf32, #tpu.memory_space<vmem>>, vector<1x16xf32>,
            %get3A_285 = vector.shape_cast %get3A_284 : vector<1x16xf32> to vector<16xf32>
            %mul3A_286 = vector.broadcast %squeeze3A : f32 to vector<16xf32>
            %mul3A_287 = arith.mulf %get3A_285, %mul3A_286 : vector<16xf32>
            %add3A_288 = arith.constant 16 : i32
            %add3A_289 = arith.addi %add3A_288, %scan3A_249 : i32
            %get3A_290 = arith.index_cast %add3A_289 : i32 to index
            %get3A_291 = arith.constant 0 : index
            %get3A_292 = tpu.vector_load %arg9[%get3A_290, %get3A_291] {strides = array<i32>} : memref<64x256xf32, #tpu.memory_space<vmem>>, vector<1x16xf32>,
            %get3A_293 = vector.shape_cast %get3A_292 : vector<1x16xf32> to vector<16xf32>
            %mul3A_294 = vector.broadcast %squeeze3A_263 : f32 to vector<16xf32>
            %mul3A_295 = arith.mulf %get3A_293, %mul3A_294 : vector<16xf32>
            %add3A_296 = arith.addf %mul3A_287, %mul3A_295 : vector<16xf32>
            %add3A_297 = arith.constant 32 : i32
            %add3A_298 = arith.addi %add3A_297, %scan3A_249 : i32
            %get3A_299 = arith.index_cast %add3A_298 : i32 to index
            %get3A_300 = arith.constant 0 : index
            %get3A_301 = tpu.vector_load %arg9[%get3A_299, %get3A_300] {strides = array<i32>} : memref<64x256xf32, #tpu.memory_space<vmem>>, vector<1x16xf32>,
            %get3A_302 = vector.shape_cast %get3A_301 : vector<1x16xf32> to vector<16xf32>
            %mul3A_303 = vector.broadcast %squeeze3A_271 : f32 to vector<16xf32>
            %mul3A_304 = arith.mulf %get3A_302, %mul3A_303 : vector<16xf32>
            %add3A_305 = arith.addf %add3A_296, %mul3A_304 : vector<16xf32>
            %add3A_306 = arith.constant 48 : i32
            %add3A_307 = arith.addi %add3A_306, %scan3A_249 : i32
            %get3A_308 = arith.index_cast %add3A_307 : i32 to index
            %get3A_309 = arith.constant 0 : index
            %get3A_310 = tpu.vector_load %arg9[%get3A_308, %get3A_309] {strides = array<i32>} : memref<64x256xf32, #tpu.memory_space<vmem>>, vector<1x16xf32>,
            %get3A_311 = vector.shape_cast %get3A_310 : vector<1x16xf32> to vector<16xf32>
            %mul3A_312 = vector.broadcast %squeeze3A_279 : f32 to vector<16xf32>
            %mul3A_313 = arith.mulf %get3A_311, %mul3A_312 : vector<16xf32>
            %add3A_314 = arith.addf %add3A_305, %mul3A_313 : vector<16xf32>
            %swap3A = arith.index_cast %scan3A_249 : i32 to index
            %swap3A_315 = arith.constant 0 : index
            %swap3A_316 = tpu.vector_load %arg13[%swap3A, %swap3A_315] {strides = array<i32>} : memref<16x256xf32, #tpu.memory_space<vmem>>, vector<1x16xf32>,
            %swap3A_317 = vector.shape_cast %swap3A_316 : vector<1x16xf32> to vector<16xf32>
            %swap3A_318 = vector.shape_cast %add3A_314 : vector<16xf32> to vector<1x16xf32>
            tpu.vector_store %arg13[%swap3A, %swap3A_315], %swap3A_318 {strides = array<i32>} : memref<16x256xf32, #tpu.memory_space<vmem>>, vector<1x16xf32>,
            %add3A_319 = arith.constant 0 : i32
            %add3A_320 = arith.addi %add3A_319, %scan3A_249 : i32
            %get3A_321 = arith.index_cast %add3A_320 : i32 to index
            %get3A_322 = arith.constant 16 : index
            %get3A_323 = tpu.vector_load %arg9[%get3A_321, %get3A_322] {strides = array<i32>} : memref<64x256xf32, #tpu.memory_space<vmem>>, vector<1x16xf32>,
            %get3A_324 = vector.shape_cast %get3A_323 : vector<1x16xf32> to vector<16xf32>
            %mul3A_325 = vector.broadcast %squeeze3A : f32 to vector<16xf32>
            %mul3A_326 = arith.mulf %get3A_324, %mul3A_325 : vector<16xf32>
            %add3A_327 = arith.constant 16 : i32
            %add3A_328 = arith.addi %add3A_327, %scan3A_249 : i32
            %get3A_329 = arith.index_cast %add3A_328 : i32 to index
            %get3A_330 = arith.constant 16 : index
            %get3A_331 = tpu.vector_load %arg9[%get3A_329, %get3A_330] {strides = array<i32>} : memref<64x256xf32, #tpu.memory_space<vmem>>, vector<1x16xf32>,
            %get3A_332 = vector.shape_cast %get3A_331 : vector<1x16xf32> to vector<16xf32>
            %mul3A_333 = vector.broadcast %squeeze3A_263 : f32 to vector<16xf32>
            %mul3A_334 = arith.mulf %get3A_332, %mul3A_333 : vector<16xf32>
            %add3A_335 = arith.addf %mul3A_326, %mul3A_334 : vector<16xf32>
            %add3A_336 = arith.constant 32 : i32
            %add3A_337 = arith.addi %add3A_336, %scan3A_249 : i32
            %get3A_338 = arith.index_cast %add3A_337 : i32 to index
            %get3A_339 = arith.constant 16 : index
            %get3A_340 = tpu.vector_load %arg9[%get3A_338, %get3A_339] {strides = array<i32>} : memref<64x256xf32, #tpu.memory_space<vmem>>, vector<1x16xf32>,
            %get3A_341 = vector.shape_cast %get3A_340 : vector<1x16xf32> to vector<16xf32>
            %mul3A_342 = vector.broadcast %squeeze3A_271 : f32 to vector<16xf32>
            %mul3A_343 = arith.mulf %get3A_341, %mul3A_342 : vector<16xf32>
            %add3A_344 = arith.addf %add3A_335, %mul3A_343 : vector<16xf32>
            %add3A_345 = arith.constant 48 : i32
            %add3A_346 = arith.addi %add3A_345, %scan3A_249 : i32
            %get3A_347 = arith.index_cast %add3A_346 : i32 to index
            %get3A_348 = arith.constant 16 : index
            %get3A_349 = tpu.vector_load %arg9[%get3A_347, %get3A_348] {strides = array<i32>} : memref<64x256xf32, #tpu.memory_space<vmem>>, vector<1x16xf32>,
            %get3A_350 = vector.shape_cast %get3A_349 : vector<1x16xf32> to vector<16xf32>
            %mul3A_351 = vector.broadcast %squeeze3A_279 : f32 to vector<16xf32>
            %mul3A_352 = arith.mulf %get3A_350, %mul3A_351 : vector<16xf32>
            %add3A_353 = arith.addf %add3A_344, %mul3A_352 : vector<16xf32>
            %swap3A_354 = arith.index_cast %scan3A_249 : i32 to index
            %swap3A_355 = arith.constant 16 : index
            %swap3A_356 = tpu.vector_load %arg13[%swap3A_354, %swap3A_355] {strides = array<i32>} : memref<16x256xf32, #tpu.memory_space<vmem>>, vector<1x16xf32>,
            %swap3A_357 = vector.shape_cast %swap3A_356 : vector<1x16xf32> to vector<16xf32>
            %swap3A_358 = vector.shape_cast %add3A_353 : vector<16xf32> to vector<1x16xf32>
            tpu.vector_store %arg13[%swap3A_354, %swap3A_355], %swap3A_358 {strides = array<i32>} : memref<16x256xf32, #tpu.memory_space<vmem>>, vector<1x16xf32>,
            %add3A_359 = arith.constant 0 : i32
            %add3A_360 = arith.addi %add3A_359, %scan3A_249 : i32
            %get3A_361 = arith.index_cast %add3A_360 : i32 to index
            %get3A_362 = arith.constant 32 : index
            %get3A_363 = tpu.vector_load %arg9[%get3A_361, %get3A_362] {strides = array<i32>} : memref<64x256xf32, #tpu.memory_space<vmem>>, vector<1x16xf32>,
            %get3A_364 = vector.shape_cast %get3A_363 : vector<1x16xf32> to vector<16xf32>
            %mul3A_365 = vector.broadcast %squeeze3A : f32 to vector<16xf32>
            %mul3A_366 = arith.mulf %get3A_364, %mul3A_365 : vector<16xf32>
            %add3A_367 = arith.constant 16 : i32
            %add3A_368 = arith.addi %add3A_367, %scan3A_249 : i32
            %get3A_369 = arith.index_cast %add3A_368 : i32 to index
            %get3A_370 = arith.constant 32 : index
            %get3A_371 = tpu.vector_load %arg9[%get3A_369, %get3A_370] {strides = array<i32>} : memref<64x256xf32, #tpu.memory_space<vmem>>, vector<1x16xf32>,
            %get3A_372 = vector.shape_cast %get3A_371 : vector<1x16xf32> to vector<16xf32>
            %mul3A_373 = vector.broadcast %squeeze3A_263 : f32 to vector<16xf32>
            %mul3A_374 = arith.mulf %get3A_372, %mul3A_373 : vector<16xf32>
            %add3A_375 = arith.addf %mul3A_366, %mul3A_374 : vector<16xf32>
            %add3A_376 = arith.constant 32 : i32
            %add3A_377 = arith.addi %add3A_376, %scan3A_249 : i32
            %get3A_378 = arith.index_cast %add3A_377 : i32 to index
            %get3A_379 = arith.constant 32 : index
            %get3A_380 = tpu.vector_load %arg9[%get3A_378, %get3A_379] {strides = array<i32>} : memref<64x256xf32, #tpu.memory_space<vmem>>, vector<1x16xf32>,
            %get3A_381 = vector.shape_cast %get3A_380 : vector<1x16xf32> to vector<16xf32>
            %mul3A_382 = vector.broadcast %squeeze3A_271 : f32 to vector<16xf32>
            %mul3A_383 = arith.mulf %get3A_381, %mul3A_382 : vector<16xf32>
            %add3A_384 = arith.addf %add3A_375, %mul3A_383 : vector<16xf32>
            %add3A_385 = arith.constant 48 : i32
            %add3A_386 = arith.addi %add3A_385, %scan3A_249 : i32
            %get3A_387 = arith.index_cast %add3A_386 : i32 to index
            %get3A_388 = arith.constant 32 : index
            %get3A_389 = tpu.vector_load %arg9[%get3A_387, %get3A_388] {strides = array<i32>} : memref<64x256xf32, #tpu.memory_space<vmem>>, vector<1x16xf32>,
            %get3A_390 = vector.shape_cast %get3A_389 : vector<1x16xf32> to vector<16xf32>
            %mul3A_391 = vector.broadcast %squeeze3A_279 : f32 to vector<16xf32>
            %mul3A_392 = arith.mulf %get3A_390, %mul3A_391 : vector<16xf32>
            %add3A_393 = arith.addf %add3A_384, %mul3A_392 : vector<16xf32>
            %swap3A_394 = arith.index_cast %scan3A_249 : i32 to index
            %swap3A_395 = arith.constant 32 : index
            %swap3A_396 = tpu.vector_load %arg13[%swap3A_394, %swap3A_395] {strides = array<i32>} : memref<16x256xf32, #tpu.memory_space<vmem>>, vector<1x16xf32>,
            %swap3A_397 = vector.shape_cast %swap3A_396 : vector<1x16xf32> to vector<16xf32>
            %swap3A_398 = vector.shape_cast %add3A_393 : vector<16xf32> to vector<1x16xf32>
            tpu.vector_store %arg13[%swap3A_394, %swap3A_395], %swap3A_398 {strides = array<i32>} : memref<16x256xf32, #tpu.memory_space<vmem>>, vector<1x16xf32>,
            %add3A_399 = arith.constant 0 : i32
            %add3A_400 = arith.addi %add3A_399, %scan3A_249 : i32
            %get3A_401 = arith.index_cast %add3A_400 : i32 to index
            %get3A_402 = arith.constant 48 : index
            %get3A_403 = tpu.vector_load %arg9[%get3A_401, %get3A_402] {strides = array<i32>} : memref<64x256xf32, #tpu.memory_space<vmem>>, vector<1x16xf32>,
            %get3A_404 = vector.shape_cast %get3A_403 : vector<1x16xf32> to vector<16xf32>
            %mul3A_405 = vector.broadcast %squeeze3A : f32 to vector<16xf32>
            %mul3A_406 = arith.mulf %get3A_404, %mul3A_405 : vector<16xf32>
            %add3A_407 = arith.constant 16 : i32
            %add3A_408 = arith.addi %add3A_407, %scan3A_249 : i32
            %get3A_409 = arith.index_cast %add3A_408 : i32 to index
            %get3A_410 = arith.constant 48 : index
            %get3A_411 = tpu.vector_load %arg9[%get3A_409, %get3A_410] {strides = array<i32>} : memref<64x256xf32, #tpu.memory_space<vmem>>, vector<1x16xf32>,
            %get3A_412 = vector.shape_cast %get3A_411 : vector<1x16xf32> to vector<16xf32>
            %mul3A_413 = vector.broadcast %squeeze3A_263 : f32 to vector<16xf32>
            %mul3A_414 = arith.mulf %get3A_412, %mul3A_413 : vector<16xf32>
            %add3A_415 = arith.addf %mul3A_406, %mul3A_414 : vector<16xf32>
            %add3A_416 = arith.constant 32 : i32
            %add3A_417 = arith.addi %add3A_416, %scan3A_249 : i32
            %get3A_418 = arith.index_cast %add3A_417 : i32 to index
            %get3A_419 = arith.constant 48 : index
            %get3A_420 = tpu.vector_load %arg9[%get3A_418, %get3A_419] {strides = array<i32>} : memref<64x256xf32, #tpu.memory_space<vmem>>, vector<1x16xf32>,
            %get3A_421 = vector.shape_cast %get3A_420 : vector<1x16xf32> to vector<16xf32>
            %mul3A_422 = vector.broadcast %squeeze3A_271 : f32 to vector<16xf32>
            %mul3A_423 = arith.mulf %get3A_421, %mul3A_422 : vector<16xf32>
            %add3A_424 = arith.addf %add3A_415, %mul3A_423 : vector<16xf32>
            %add3A_425 = arith.constant 48 : i32
            %add3A_426 = arith.addi %add3A_425, %scan3A_249 : i32
            %get3A_427 = arith.index_cast %add3A_426 : i32 to index
            %get3A_428 = arith.constant 48 : index
            %get3A_429 = tpu.vector_load %arg9[%get3A_427, %get3A_428] {strides = array<i32>} : memref<64x256xf32, #tpu.memory_space<vmem>>, vector<1x16xf32>,
            %get3A_430 = vector.shape_cast %get3A_429 : vector<1x16xf32> to vector<16xf32>
            %mul3A_431 = vector.broadcast %squeeze3A_279 : f32 to vector<16xf32>
            %mul3A_432 = arith.mulf %get3A_430, %mul3A_431 : vector<16xf32>
            %add3A_433 = arith.addf %add3A_424, %mul3A_432 : vector<16xf32>
            %swap3A_434 = arith.index_cast %scan3A_249 : i32 to index
            %swap3A_435 = arith.constant 48 : index
            %swap3A_436 = tpu.vector_load %arg13[%swap3A_434, %swap3A_435] {strides = array<i32>} : memref<16x256xf32, #tpu.memory_space<vmem>>, vector<1x16xf32>,
            %swap3A_437 = vector.shape_cast %swap3A_436 : vector<1x16xf32> to vector<16xf32>
            %swap3A_438 = vector.shape_cast %add3A_433 : vector<16xf32> to vector<1x16xf32>
            tpu.vector_store %arg13[%swap3A_434, %swap3A_435], %swap3A_438 {strides = array<i32>} : memref<16x256xf32, #tpu.memory_space<vmem>>, vector<1x16xf32>,
            %add3A_439 = arith.constant 0 : i32
            %add3A_440 = arith.addi %add3A_439, %scan3A_249 : i32
            %get3A_441 = arith.index_cast %add3A_440 : i32 to index
            %get3A_442 = arith.constant 64 : index
            %get3A_443 = tpu.vector_load %arg9[%get3A_441, %get3A_442] {strides = array<i32>} : memref<64x256xf32, #tpu.memory_space<vmem>>, vector<1x16xf32>,
            %get3A_444 = vector.shape_cast %get3A_443 : vector<1x16xf32> to vector<16xf32>
            %mul3A_445 = vector.broadcast %squeeze3A : f32 to vector<16xf32>
            %mul3A_446 = arith.mulf %get3A_444, %mul3A_445 : vector<16xf32>
            %add3A_447 = arith.constant 16 : i32
            %add3A_448 = arith.addi %add3A_447, %scan3A_249 : i32
            %get3A_449 = arith.index_cast %add3A_448 : i32 to index
            %get3A_450 = arith.constant 64 : index
            %get3A_451 = tpu.vector_load %arg9[%get3A_449, %get3A_450] {strides = array<i32>} : memref<64x256xf32, #tpu.memory_space<vmem>>, vector<1x16xf32>,
            %get3A_452 = vector.shape_cast %get3A_451 : vector<1x16xf32> to vector<16xf32>
            %mul3A_453 = vector.broadcast %squeeze3A_263 : f32 to vector<16xf32>
            %mul3A_454 = arith.mulf %get3A_452, %mul3A_453 : vector<16xf32>
            %add3A_455 = arith.addf %mul3A_446, %mul3A_454 : vector<16xf32>
            %add3A_456 = arith.constant 32 : i32
            %add3A_457 = arith.addi %add3A_456, %scan3A_249 : i32
            %get3A_458 = arith.index_cast %add3A_457 : i32 to index
            %get3A_459 = arith.constant 64 : index
            %get3A_460 = tpu.vector_load %arg9[%get3A_458, %get3A_459] {strides = array<i32>} : memref<64x256xf32, #tpu.memory_space<vmem>>, vector<1x16xf32>,
            %get3A_461 = vector.shape_cast %get3A_460 : vector<1x16xf32> to vector<16xf32>
            %mul3A_462 = vector.broadcast %squeeze3A_271 : f32 to vector<16xf32>
            %mul3A_463 = arith.mulf %get3A_461, %mul3A_462 : vector<16xf32>
            %add3A_464 = arith.addf %add3A_455, %mul3A_463 : vector<16xf32>
            %add3A_465 = arith.constant 48 : i32
            %add3A_466 = arith.addi %add3A_465, %scan3A_249 : i32
            %get3A_467 = arith.index_cast %add3A_466 : i32 to index
            %get3A_468 = arith.constant 64 : index
            %get3A_469 = tpu.vector_load %arg9[%get3A_467, %get3A_468] {strides = array<i32>} : memref<64x256xf32, #tpu.memory_space<vmem>>, vector<1x16xf32>,
            %get3A_470 = vector.shape_cast %get3A_469 : vector<1x16xf32> to vector<16xf32>
            %mul3A_471 = vector.broadcast %squeeze3A_279 : f32 to vector<16xf32>
            %mul3A_472 = arith.mulf %get3A_470, %mul3A_471 : vector<16xf32>
            %add3A_473 = arith.addf %add3A_464, %mul3A_472 : vector<16xf32>
            %swap3A_474 = arith.index_cast %scan3A_249 : i32 to index
            %swap3A_475 = arith.constant 64 : index
            %swap3A_476 = tpu.vector_load %arg13[%swap3A_474, %swap3A_475] {strides = array<i32>} : memref<16x256xf32, #tpu.memory_space<vmem>>, vector<1x16xf32>,
            %swap3A_477 = vector.shape_cast %swap3A_476 : vector<1x16xf32> to vector<16xf32>
            %swap3A_478 = vector.shape_cast %add3A_473 : vector<16xf32> to vector<1x16xf32>
            tpu.vector_store %arg13[%swap3A_474, %swap3A_475], %swap3A_478 {strides = array<i32>} : memref<16x256xf32, #tpu.memory_space<vmem>>, vector<1x16xf32>,
            %add3A_479 = arith.constant 0 : i32
            %add3A_480 = arith.addi %add3A_479, %scan3A_249 : i32
            %get3A_481 = arith.index_cast %add3A_480 : i32 to index
            %get3A_482 = arith.constant 80 : index
            %get3A_483 = tpu.vector_load %arg9[%get3A_481, %get3A_482] {strides = array<i32>} : memref<64x256xf32, #tpu.memory_space<vmem>>, vector<1x16xf32>,
            %get3A_484 = vector.shape_cast %get3A_483 : vector<1x16xf32> to vector<16xf32>
            %mul3A_485 = vector.broadcast %squeeze3A : f32 to vector<16xf32>
            %mul3A_486 = arith.mulf %get3A_484, %mul3A_485 : vector<16xf32>
            %add3A_487 = arith.constant 16 : i32
            %add3A_488 = arith.addi %add3A_487, %scan3A_249 : i32
            %get3A_489 = arith.index_cast %add3A_488 : i32 to index
            %get3A_490 = arith.constant 80 : index
            %get3A_491 = tpu.vector_load %arg9[%get3A_489, %get3A_490] {strides = array<i32>} : memref<64x256xf32, #tpu.memory_space<vmem>>, vector<1x16xf32>,
            %get3A_492 = vector.shape_cast %get3A_491 : vector<1x16xf32> to vector<16xf32>
            %mul3A_493 = vector.broadcast %squeeze3A_263 : f32 to vector<16xf32>
            %mul3A_494 = arith.mulf %get3A_492, %mul3A_493 : vector<16xf32>
            %add3A_495 = arith.addf %mul3A_486, %mul3A_494 : vector<16xf32>
            %add3A_496 = arith.constant 32 : i32
            %add3A_497 = arith.addi %add3A_496, %scan3A_249 : i32
            %get3A_498 = arith.index_cast %add3A_497 : i32 to index
            %get3A_499 = arith.constant 80 : index
            %get3A_500 = tpu.vector_load %arg9[%get3A_498, %get3A_499] {strides = array<i32>} : memref<64x256xf32, #tpu.memory_space<vmem>>, vector<1x16xf32>,
            %get3A_501 = vector.shape_cast %get3A_500 : vector<1x16xf32> to vector<16xf32>
            %mul3A_502 = vector.broadcast %squeeze3A_271 : f32 to vector<16xf32>
            %mul3A_503 = arith.mulf %get3A_501, %mul3A_502 : vector<16xf32>
            %add3A_504 = arith.addf %add3A_495, %mul3A_503 : vector<16xf32>
            %add3A_505 = arith.constant 48 : i32
            %add3A_506 = arith.addi %add3A_505, %scan3A_249 : i32
            %get3A_507 = arith.index_cast %add3A_506 : i32 to index
            %get3A_508 = arith.constant 80 : index
            %get3A_509 = tpu.vector_load %arg9[%get3A_507, %get3A_508] {strides = array<i32>} : memref<64x256xf32, #tpu.memory_space<vmem>>, vector<1x16xf32>,
            %get3A_510 = vector.shape_cast %get3A_509 : vector<1x16xf32> to vector<16xf32>
            %mul3A_511 = vector.broadcast %squeeze3A_279 : f32 to vector<16xf32>
            %mul3A_512 = arith.mulf %get3A_510, %mul3A_511 : vector<16xf32>
            %add3A_513 = arith.addf %add3A_504, %mul3A_512 : vector<16xf32>
            %swap3A_514 = arith.index_cast %scan3A_249 : i32 to index
            %swap3A_515 = arith.constant 80 : index
            %swap3A_516 = tpu.vector_load %arg13[%swap3A_514, %swap3A_515] {strides = array<i32>} : memref<16x256xf32, #tpu.memory_space<vmem>>, vector<1x16xf32>,
            %swap3A_517 = vector.shape_cast %swap3A_516 : vector<1x16xf32> to vector<16xf32>
            %swap3A_518 = vector.shape_cast %add3A_513 : vector<16xf32> to vector<1x16xf32>
            tpu.vector_store %arg13[%swap3A_514, %swap3A_515], %swap3A_518 {strides = array<i32>} : memref<16x256xf32, #tpu.memory_space<vmem>>, vector<1x16xf32>,
            %add3A_519 = arith.constant 0 : i32
            %add3A_520 = arith.addi %add3A_519, %scan3A_249 : i32
            %get3A_521 = arith.index_cast %add3A_520 : i32 to index
            %get3A_522 = arith.constant 96 : index
            %get3A_523 = tpu.vector_load %arg9[%get3A_521, %get3A_522] {strides = array<i32>} : memref<64x256xf32, #tpu.memory_space<vmem>>, vector<1x16xf32>,
            %get3A_524 = vector.shape_cast %get3A_523 : vector<1x16xf32> to vector<16xf32>
            %mul3A_525 = vector.broadcast %squeeze3A : f32 to vector<16xf32>
            %mul3A_526 = arith.mulf %get3A_524, %mul3A_525 : vector<16xf32>
            %add3A_527 = arith.constant 16 : i32
            %add3A_528 = arith.addi %add3A_527, %scan3A_249 : i32
            %get3A_529 = arith.index_cast %add3A_528 : i32 to index
            %get3A_530 = arith.constant 96 : index
            %get3A_531 = tpu.vector_load %arg9[%get3A_529, %get3A_530] {strides = array<i32>} : memref<64x256xf32, #tpu.memory_space<vmem>>, vector<1x16xf32>,
            %get3A_532 = vector.shape_cast %get3A_531 : vector<1x16xf32> to vector<16xf32>
            %mul3A_533 = vector.broadcast %squeeze3A_263 : f32 to vector<16xf32>
            %mul3A_534 = arith.mulf %get3A_532, %mul3A_533 : vector<16xf32>
            %add3A_535 = arith.addf %mul3A_526, %mul3A_534 : vector<16xf32>
            %add3A_536 = arith.constant 32 : i32
            %add3A_537 = arith.addi %add3A_536, %scan3A_249 : i32
            %get3A_538 = arith.index_cast %add3A_537 : i32 to index
            %get3A_539 = arith.constant 96 : index
            %get3A_540 = tpu.vector_load %arg9[%get3A_538, %get3A_539] {strides = array<i32>} : memref<64x256xf32, #tpu.memory_space<vmem>>, vector<1x16xf32>,
            %get3A_541 = vector.shape_cast %get3A_540 : vector<1x16xf32> to vector<16xf32>
            %mul3A_542 = vector.broadcast %squeeze3A_271 : f32 to vector<16xf32>
            %mul3A_543 = arith.mulf %get3A_541, %mul3A_542 : vector<16xf32>
            %add3A_544 = arith.addf %add3A_535, %mul3A_543 : vector<16xf32>
            %add3A_545 = arith.constant 48 : i32
            %add3A_546 = arith.addi %add3A_545, %scan3A_249 : i32
            %get3A_547 = arith.index_cast %add3A_546 : i32 to index
            %get3A_548 = arith.constant 96 : index
            %get3A_549 = tpu.vector_load %arg9[%get3A_547, %get3A_548] {strides = array<i32>} : memref<64x256xf32, #tpu.memory_space<vmem>>, vector<1x16xf32>,
            %get3A_550 = vector.shape_cast %get3A_549 : vector<1x16xf32> to vector<16xf32>
            %mul3A_551 = vector.broadcast %squeeze3A_279 : f32 to vector<16xf32>
            %mul3A_552 = arith.mulf %get3A_550, %mul3A_551 : vector<16xf32>
            %add3A_553 = arith.addf %add3A_544, %mul3A_552 : vector<16xf32>
            %swap3A_554 = arith.index_cast %scan3A_249 : i32 to index
            %swap3A_555 = arith.constant 96 : index
            %swap3A_556 = tpu.vector_load %arg13[%swap3A_554, %swap3A_555] {strides = array<i32>} : memref<16x256xf32, #tpu.memory_space<vmem>>, vector<1x16xf32>,
            %swap3A_557 = vector.shape_cast %swap3A_556 : vector<1x16xf32> to vector<16xf32>
            %swap3A_558 = vector.shape_cast %add3A_553 : vector<16xf32> to vector<1x16xf32>
            tpu.vector_store %arg13[%swap3A_554, %swap3A_555], %swap3A_558 {strides = array<i32>} : memref<16x256xf32, #tpu.memory_space<vmem>>, vector<1x16xf32>,
            %add3A_559 = arith.constant 0 : i32
            %add3A_560 = arith.addi %add3A_559, %scan3A_249 : i32
            %get3A_561 = arith.index_cast %add3A_560 : i32 to index
            %get3A_562 = arith.constant 112 : index
            %get3A_563 = tpu.vector_load %arg9[%get3A_561, %get3A_562] {strides = array<i32>} : memref<64x256xf32, #tpu.memory_space<vmem>>, vector<1x16xf32>,
            %get3A_564 = vector.shape_cast %get3A_563 : vector<1x16xf32> to vector<16xf32>
            %mul3A_565 = vector.broadcast %squeeze3A : f32 to vector<16xf32>
            %mul3A_566 = arith.mulf %get3A_564, %mul3A_565 : vector<16xf32>
            %add3A_567 = arith.constant 16 : i32
            %add3A_568 = arith.addi %add3A_567, %scan3A_249 : i32
            %get3A_569 = arith.index_cast %add3A_568 : i32 to index
            %get3A_570 = arith.constant 112 : index
            %get3A_571 = tpu.vector_load %arg9[%get3A_569, %get3A_570] {strides = array<i32>} : memref<64x256xf32, #tpu.memory_space<vmem>>, vector<1x16xf32>,
            %get3A_572 = vector.shape_cast %get3A_571 : vector<1x16xf32> to vector<16xf32>
            %mul3A_573 = vector.broadcast %squeeze3A_263 : f32 to vector<16xf32>
            %mul3A_574 = arith.mulf %get3A_572, %mul3A_573 : vector<16xf32>
            %add3A_575 = arith.addf %mul3A_566, %mul3A_574 : vector<16xf32>
            %add3A_576 = arith.constant 32 : i32
            %add3A_577 = arith.addi %add3A_576, %scan3A_249 : i32
            %get3A_578 = arith.index_cast %add3A_577 : i32 to index
            %get3A_579 = arith.constant 112 : index
            %get3A_580 = tpu.vector_load %arg9[%get3A_578, %get3A_579] {strides = array<i32>} : memref<64x256xf32, #tpu.memory_space<vmem>>, vector<1x16xf32>,
            %get3A_581 = vector.shape_cast %get3A_580 : vector<1x16xf32> to vector<16xf32>
            %mul3A_582 = vector.broadcast %squeeze3A_271 : f32 to vector<16xf32>
            %mul3A_583 = arith.mulf %get3A_581, %mul3A_582 : vector<16xf32>
            %add3A_584 = arith.addf %add3A_575, %mul3A_583 : vector<16xf32>
            %add3A_585 = arith.constant 48 : i32
            %add3A_586 = arith.addi %add3A_585, %scan3A_249 : i32
            %get3A_587 = arith.index_cast %add3A_586 : i32 to index
            %get3A_588 = arith.constant 112 : index
            %get3A_589 = tpu.vector_load %arg9[%get3A_587, %get3A_588] {strides = array<i32>} : memref<64x256xf32, #tpu.memory_space<vmem>>, vector<1x16xf32>,
            %get3A_590 = vector.shape_cast %get3A_589 : vector<1x16xf32> to vector<16xf32>
            %mul3A_591 = vector.broadcast %squeeze3A_279 : f32 to vector<16xf32>
            %mul3A_592 = arith.mulf %get3A_590, %mul3A_591 : vector<16xf32>
            %add3A_593 = arith.addf %add3A_584, %mul3A_592 : vector<16xf32>
            %swap3A_594 = arith.index_cast %scan3A_249 : i32 to index
            %swap3A_595 = arith.constant 112 : index
            %swap3A_596 = tpu.vector_load %arg13[%swap3A_594, %swap3A_595] {strides = array<i32>} : memref<16x256xf32, #tpu.memory_space<vmem>>, vector<1x16xf32>,
            %swap3A_597 = vector.shape_cast %swap3A_596 : vector<1x16xf32> to vector<16xf32>
            %swap3A_598 = vector.shape_cast %add3A_593 : vector<16xf32> to vector<1x16xf32>
            tpu.vector_store %arg13[%swap3A_594, %swap3A_595], %swap3A_598 {strides = array<i32>} : memref<16x256xf32, #tpu.memory_space<vmem>>, vector<1x16xf32>,
            %add3A_599 = arith.constant 0 : i32
            %add3A_600 = arith.addi %add3A_599, %scan3A_249 : i32
            %get3A_601 = arith.index_cast %add3A_600 : i32 to index
            %get3A_602 = arith.constant 128 : index
            %get3A_603 = tpu.vector_load %arg9[%get3A_601, %get3A_602] {strides = array<i32>} : memref<64x256xf32, #tpu.memory_space<vmem>>, vector<1x16xf32>,
            %get3A_604 = vector.shape_cast %get3A_603 : vector<1x16xf32> to vector<16xf32>
            %mul3A_605 = vector.broadcast %squeeze3A : f32 to vector<16xf32>
            %mul3A_606 = arith.mulf %get3A_604, %mul3A_605 : vector<16xf32>
            %add3A_607 = arith.constant 16 : i32
            %add3A_608 = arith.addi %add3A_607, %scan3A_249 : i32
            %get3A_609 = arith.index_cast %add3A_608 : i32 to index
            %get3A_610 = arith.constant 128 : index
            %get3A_611 = tpu.vector_load %arg9[%get3A_609, %get3A_610] {strides = array<i32>} : memref<64x256xf32, #tpu.memory_space<vmem>>, vector<1x16xf32>,
            %get3A_612 = vector.shape_cast %get3A_611 : vector<1x16xf32> to vector<16xf32>
            %mul3A_613 = vector.broadcast %squeeze3A_263 : f32 to vector<16xf32>
            %mul3A_614 = arith.mulf %get3A_612, %mul3A_613 : vector<16xf32>
            %add3A_615 = arith.addf %mul3A_606, %mul3A_614 : vector<16xf32>
            %add3A_616 = arith.constant 32 : i32
            %add3A_617 = arith.addi %add3A_616, %scan3A_249 : i32
            %get3A_618 = arith.index_cast %add3A_617 : i32 to index
            %get3A_619 = arith.constant 128 : index
            %get3A_620 = tpu.vector_load %arg9[%get3A_618, %get3A_619] {strides = array<i32>} : memref<64x256xf32, #tpu.memory_space<vmem>>, vector<1x16xf32>,
            %get3A_621 = vector.shape_cast %get3A_620 : vector<1x16xf32> to vector<16xf32>
            %mul3A_622 = vector.broadcast %squeeze3A_271 : f32 to vector<16xf32>
            %mul3A_623 = arith.mulf %get3A_621, %mul3A_622 : vector<16xf32>
            %add3A_624 = arith.addf %add3A_615, %mul3A_623 : vector<16xf32>
            %add3A_625 = arith.constant 48 : i32
            %add3A_626 = arith.addi %add3A_625, %scan3A_249 : i32
            %get3A_627 = arith.index_cast %add3A_626 : i32 to index
            %get3A_628 = arith.constant 128 : index
            %get3A_629 = tpu.vector_load %arg9[%get3A_627, %get3A_628] {strides = array<i32>} : memref<64x256xf32, #tpu.memory_space<vmem>>, vector<1x16xf32>,
            %get3A_630 = vector.shape_cast %get3A_629 : vector<1x16xf32> to vector<16xf32>
            %mul3A_631 = vector.broadcast %squeeze3A_279 : f32 to vector<16xf32>
            %mul3A_632 = arith.mulf %get3A_630, %mul3A_631 : vector<16xf32>
            %add3A_633 = arith.addf %add3A_624, %mul3A_632 : vector<16xf32>
            %swap3A_634 = arith.index_cast %scan3A_249 : i32 to index
            %swap3A_635 = arith.constant 128 : index
            %swap3A_636 = tpu.vector_load %arg13[%swap3A_634, %swap3A_635] {strides = array<i32>} : memref<16x256xf32, #tpu.memory_space<vmem>>, vector<1x16xf32>,
            %swap3A_637 = vector.shape_cast %swap3A_636 : vector<1x16xf32> to vector<16xf32>
            %swap3A_638 = vector.shape_cast %add3A_633 : vector<16xf32> to vector<1x16xf32>
            tpu.vector_store %arg13[%swap3A_634, %swap3A_635], %swap3A_638 {strides = array<i32>} : memref<16x256xf32, #tpu.memory_space<vmem>>, vector<1x16xf32>,
            %add3A_639 = arith.constant 0 : i32
            %add3A_640 = arith.addi %add3A_639, %scan3A_249 : i32
            %get3A_641 = arith.index_cast %add3A_640 : i32 to index
            %get3A_642 = arith.constant 144 : index
            %get3A_643 = tpu.vector_load %arg9[%get3A_641, %get3A_642] {strides = array<i32>} : memref<64x256xf32, #tpu.memory_space<vmem>>, vector<1x16xf32>,
            %get3A_644 = vector.shape_cast %get3A_643 : vector<1x16xf32> to vector<16xf32>
            %mul3A_645 = vector.broadcast %squeeze3A : f32 to vector<16xf32>
            %mul3A_646 = arith.mulf %get3A_644, %mul3A_645 : vector<16xf32>
            %add3A_647 = arith.constant 16 : i32
            %add3A_648 = arith.addi %add3A_647, %scan3A_249 : i32
            %get3A_649 = arith.index_cast %add3A_648 : i32 to index
            %get3A_650 = arith.constant 144 : index
            %get3A_651 = tpu.vector_load %arg9[%get3A_649, %get3A_650] {strides = array<i32>} : memref<64x256xf32, #tpu.memory_space<vmem>>, vector<1x16xf32>,
            %get3A_652 = vector.shape_cast %get3A_651 : vector<1x16xf32> to vector<16xf32>
            %mul3A_653 = vector.broadcast %squeeze3A_263 : f32 to vector<16xf32>
            %mul3A_654 = arith.mulf %get3A_652, %mul3A_653 : vector<16xf32>
            %add3A_655 = arith.addf %mul3A_646, %mul3A_654 : vector<16xf32>
            %add3A_656 = arith.constant 32 : i32
            %add3A_657 = arith.addi %add3A_656, %scan3A_249 : i32
            %get3A_658 = arith.index_cast %add3A_657 : i32 to index
            %get3A_659 = arith.constant 144 : index
            %get3A_660 = tpu.vector_load %arg9[%get3A_658, %get3A_659] {strides = array<i32>} : memref<64x256xf32, #tpu.memory_space<vmem>>, vector<1x16xf32>,
            %get3A_661 = vector.shape_cast %get3A_660 : vector<1x16xf32> to vector<16xf32>
            %mul3A_662 = vector.broadcast %squeeze3A_271 : f32 to vector<16xf32>
            %mul3A_663 = arith.mulf %get3A_661, %mul3A_662 : vector<16xf32>
            %add3A_664 = arith.addf %add3A_655, %mul3A_663 : vector<16xf32>
            %add3A_665 = arith.constant 48 : i32
            %add3A_666 = arith.addi %add3A_665, %scan3A_249 : i32
            %get3A_667 = arith.index_cast %add3A_666 : i32 to index
            %get3A_668 = arith.constant 144 : index
            %get3A_669 = tpu.vector_load %arg9[%get3A_667, %get3A_668] {strides = array<i32>} : memref<64x256xf32, #tpu.memory_space<vmem>>, vector<1x16xf32>,
            %get3A_670 = vector.shape_cast %get3A_669 : vector<1x16xf32> to vector<16xf32>
            %mul3A_671 = vector.broadcast %squeeze3A_279 : f32 to vector<16xf32>
            %mul3A_672 = arith.mulf %get3A_670, %mul3A_671 : vector<16xf32>
            %add3A_673 = arith.addf %add3A_664, %mul3A_672 : vector<16xf32>
            %swap3A_674 = arith.index_cast %scan3A_249 : i32 to index
            %swap3A_675 = arith.constant 144 : index
            %swap3A_676 = tpu.vector_load %arg13[%swap3A_674, %swap3A_675] {strides = array<i32>} : memref<16x256xf32, #tpu.memory_space<vmem>>, vector<1x16xf32>,
            %swap3A_677 = vector.shape_cast %swap3A_676 : vector<1x16xf32> to vector<16xf32>
            %swap3A_678 = vector.shape_cast %add3A_673 : vector<16xf32> to vector<1x16xf32>
            tpu.vector_store %arg13[%swap3A_674, %swap3A_675], %swap3A_678 {strides = array<i32>} : memref<16x256xf32, #tpu.memory_space<vmem>>, vector<1x16xf32>,
            %add3A_679 = arith.constant 0 : i32
            %add3A_680 = arith.addi %add3A_679, %scan3A_249 : i32
            %get3A_681 = arith.index_cast %add3A_680 : i32 to index
            %get3A_682 = arith.constant 160 : index
            %get3A_683 = tpu.vector_load %arg9[%get3A_681, %get3A_682] {strides = array<i32>} : memref<64x256xf32, #tpu.memory_space<vmem>>, vector<1x16xf32>,
            %get3A_684 = vector.shape_cast %get3A_683 : vector<1x16xf32> to vector<16xf32>
            %mul3A_685 = vector.broadcast %squeeze3A : f32 to vector<16xf32>
            %mul3A_686 = arith.mulf %get3A_684, %mul3A_685 : vector<16xf32>
            %add3A_687 = arith.constant 16 : i32
            %add3A_688 = arith.addi %add3A_687, %scan3A_249 : i32
            %get3A_689 = arith.index_cast %add3A_688 : i32 to index
            %get3A_690 = arith.constant 160 : index
            %get3A_691 = tpu.vector_load %arg9[%get3A_689, %get3A_690] {strides = array<i32>} : memref<64x256xf32, #tpu.memory_space<vmem>>, vector<1x16xf32>,
            %get3A_692 = vector.shape_cast %get3A_691 : vector<1x16xf32> to vector<16xf32>
            %mul3A_693 = vector.broadcast %squeeze3A_263 : f32 to vector<16xf32>
            %mul3A_694 = arith.mulf %get3A_692, %mul3A_693 : vector<16xf32>
            %add3A_695 = arith.addf %mul3A_686, %mul3A_694 : vector<16xf32>
            %add3A_696 = arith.constant 32 : i32
            %add3A_697 = arith.addi %add3A_696, %scan3A_249 : i32
            %get3A_698 = arith.index_cast %add3A_697 : i32 to index
            %get3A_699 = arith.constant 160 : index
            %get3A_700 = tpu.vector_load %arg9[%get3A_698, %get3A_699] {strides = array<i32>} : memref<64x256xf32, #tpu.memory_space<vmem>>, vector<1x16xf32>,
            %get3A_701 = vector.shape_cast %get3A_700 : vector<1x16xf32> to vector<16xf32>
            %mul3A_702 = vector.broadcast %squeeze3A_271 : f32 to vector<16xf32>
            %mul3A_703 = arith.mulf %get3A_701, %mul3A_702 : vector<16xf32>
            %add3A_704 = arith.addf %add3A_695, %mul3A_703 : vector<16xf32>
            %add3A_705 = arith.constant 48 : i32
            %add3A_706 = arith.addi %add3A_705, %scan3A_249 : i32
            %get3A_707 = arith.index_cast %add3A_706 : i32 to index
            %get3A_708 = arith.constant 160 : index
            %get3A_709 = tpu.vector_load %arg9[%get3A_707, %get3A_708] {strides = array<i32>} : memref<64x256xf32, #tpu.memory_space<vmem>>, vector<1x16xf32>,
            %get3A_710 = vector.shape_cast %get3A_709 : vector<1x16xf32> to vector<16xf32>
            %mul3A_711 = vector.broadcast %squeeze3A_279 : f32 to vector<16xf32>
            %mul3A_712 = arith.mulf %get3A_710, %mul3A_711 : vector<16xf32>
            %add3A_713 = arith.addf %add3A_704, %mul3A_712 : vector<16xf32>
            %swap3A_714 = arith.index_cast %scan3A_249 : i32 to index
            %swap3A_715 = arith.constant 160 : index
            %swap3A_716 = tpu.vector_load %arg13[%swap3A_714, %swap3A_715] {strides = array<i32>} : memref<16x256xf32, #tpu.memory_space<vmem>>, vector<1x16xf32>,
            %swap3A_717 = vector.shape_cast %swap3A_716 : vector<1x16xf32> to vector<16xf32>
            %swap3A_718 = vector.shape_cast %add3A_713 : vector<16xf32> to vector<1x16xf32>
            tpu.vector_store %arg13[%swap3A_714, %swap3A_715], %swap3A_718 {strides = array<i32>} : memref<16x256xf32, #tpu.memory_space<vmem>>, vector<1x16xf32>,
            %add3A_719 = arith.constant 0 : i32
            %add3A_720 = arith.addi %add3A_719, %scan3A_249 : i32
            %get3A_721 = arith.index_cast %add3A_720 : i32 to index
            %get3A_722 = arith.constant 176 : index
            %get3A_723 = tpu.vector_load %arg9[%get3A_721, %get3A_722] {strides = array<i32>} : memref<64x256xf32, #tpu.memory_space<vmem>>, vector<1x16xf32>,
            %get3A_724 = vector.shape_cast %get3A_723 : vector<1x16xf32> to vector<16xf32>
            %mul3A_725 = vector.broadcast %squeeze3A : f32 to vector<16xf32>
            %mul3A_726 = arith.mulf %get3A_724, %mul3A_725 : vector<16xf32>
            %add3A_727 = arith.constant 16 : i32
            %add3A_728 = arith.addi %add3A_727, %scan3A_249 : i32
            %get3A_729 = arith.index_cast %add3A_728 : i32 to index
            %get3A_730 = arith.constant 176 : index
            %get3A_731 = tpu.vector_load %arg9[%get3A_729, %get3A_730] {strides = array<i32>} : memref<64x256xf32, #tpu.memory_space<vmem>>, vector<1x16xf32>,
            %get3A_732 = vector.shape_cast %get3A_731 : vector<1x16xf32> to vector<16xf32>
            %mul3A_733 = vector.broadcast %squeeze3A_263 : f32 to vector<16xf32>
            %mul3A_734 = arith.mulf %get3A_732, %mul3A_733 : vector<16xf32>
            %add3A_735 = arith.addf %mul3A_726, %mul3A_734 : vector<16xf32>
            %add3A_736 = arith.constant 32 : i32
            %add3A_737 = arith.addi %add3A_736, %scan3A_249 : i32
            %get3A_738 = arith.index_cast %add3A_737 : i32 to index
            %get3A_739 = arith.constant 176 : index
            %get3A_740 = tpu.vector_load %arg9[%get3A_738, %get3A_739] {strides = array<i32>} : memref<64x256xf32, #tpu.memory_space<vmem>>, vector<1x16xf32>,
            %get3A_741 = vector.shape_cast %get3A_740 : vector<1x16xf32> to vector<16xf32>
            %mul3A_742 = vector.broadcast %squeeze3A_271 : f32 to vector<16xf32>
            %mul3A_743 = arith.mulf %get3A_741, %mul3A_742 : vector<16xf32>
            %add3A_744 = arith.addf %add3A_735, %mul3A_743 : vector<16xf32>
            %add3A_745 = arith.constant 48 : i32
            %add3A_746 = arith.addi %add3A_745, %scan3A_249 : i32
            %get3A_747 = arith.index_cast %add3A_746 : i32 to index
            %get3A_748 = arith.constant 176 : index
            %get3A_749 = tpu.vector_load %arg9[%get3A_747, %get3A_748] {strides = array<i32>} : memref<64x256xf32, #tpu.memory_space<vmem>>, vector<1x16xf32>,
            %get3A_750 = vector.shape_cast %get3A_749 : vector<1x16xf32> to vector<16xf32>
            %mul3A_751 = vector.broadcast %squeeze3A_279 : f32 to vector<16xf32>
            %mul3A_752 = arith.mulf %get3A_750, %mul3A_751 : vector<16xf32>
            %add3A_753 = arith.addf %add3A_744, %mul3A_752 : vector<16xf32>
            %swap3A_754 = arith.index_cast %scan3A_249 : i32 to index
            %swap3A_755 = arith.constant 176 : index
            %swap3A_756 = tpu.vector_load %arg13[%swap3A_754, %swap3A_755] {strides = array<i32>} : memref<16x256xf32, #tpu.memory_space<vmem>>, vector<1x16xf32>,
            %swap3A_757 = vector.shape_cast %swap3A_756 : vector<1x16xf32> to vector<16xf32>
            %swap3A_758 = vector.shape_cast %add3A_753 : vector<16xf32> to vector<1x16xf32>
            tpu.vector_store %arg13[%swap3A_754, %swap3A_755], %swap3A_758 {strides = array<i32>} : memref<16x256xf32, #tpu.memory_space<vmem>>, vector<1x16xf32>,
            %add3A_759 = arith.constant 0 : i32
            %add3A_760 = arith.addi %add3A_759, %scan3A_249 : i32
            %get3A_761 = arith.index_cast %add3A_760 : i32 to index
            %get3A_762 = arith.constant 192 : index
            %get3A_763 = tpu.vector_load %arg9[%get3A_761, %get3A_762] {strides = array<i32>} : memref<64x256xf32, #tpu.memory_space<vmem>>, vector<1x16xf32>,
            %get3A_764 = vector.shape_cast %get3A_763 : vector<1x16xf32> to vector<16xf32>
            %mul3A_765 = vector.broadcast %squeeze3A : f32 to vector<16xf32>
            %mul3A_766 = arith.mulf %get3A_764, %mul3A_765 : vector<16xf32>
            %add3A_767 = arith.constant 16 : i32
            %add3A_768 = arith.addi %add3A_767, %scan3A_249 : i32
            %get3A_769 = arith.index_cast %add3A_768 : i32 to index
            %get3A_770 = arith.constant 192 : index
            %get3A_771 = tpu.vector_load %arg9[%get3A_769, %get3A_770] {strides = array<i32>} : memref<64x256xf32, #tpu.memory_space<vmem>>, vector<1x16xf32>,
            %get3A_772 = vector.shape_cast %get3A_771 : vector<1x16xf32> to vector<16xf32>
            %mul3A_773 = vector.broadcast %squeeze3A_263 : f32 to vector<16xf32>
            %mul3A_774 = arith.mulf %get3A_772, %mul3A_773 : vector<16xf32>
            %add3A_775 = arith.addf %mul3A_766, %mul3A_774 : vector<16xf32>
            %add3A_776 = arith.constant 32 : i32
            %add3A_777 = arith.addi %add3A_776, %scan3A_249 : i32
            %get3A_778 = arith.index_cast %add3A_777 : i32 to index
            %get3A_779 = arith.constant 192 : index
            %get3A_780 = tpu.vector_load %arg9[%get3A_778, %get3A_779] {strides = array<i32>} : memref<64x256xf32, #tpu.memory_space<vmem>>, vector<1x16xf32>,
            %get3A_781 = vector.shape_cast %get3A_780 : vector<1x16xf32> to vector<16xf32>
            %mul3A_782 = vector.broadcast %squeeze3A_271 : f32 to vector<16xf32>
            %mul3A_783 = arith.mulf %get3A_781, %mul3A_782 : vector<16xf32>
            %add3A_784 = arith.addf %add3A_775, %mul3A_783 : vector<16xf32>
            %add3A_785 = arith.constant 48 : i32
            %add3A_786 = arith.addi %add3A_785, %scan3A_249 : i32
            %get3A_787 = arith.index_cast %add3A_786 : i32 to index
            %get3A_788 = arith.constant 192 : index
            %get3A_789 = tpu.vector_load %arg9[%get3A_787, %get3A_788] {strides = array<i32>} : memref<64x256xf32, #tpu.memory_space<vmem>>, vector<1x16xf32>,
            %get3A_790 = vector.shape_cast %get3A_789 : vector<1x16xf32> to vector<16xf32>
            %mul3A_791 = vector.broadcast %squeeze3A_279 : f32 to vector<16xf32>
            %mul3A_792 = arith.mulf %get3A_790, %mul3A_791 : vector<16xf32>
            %add3A_793 = arith.addf %add3A_784, %mul3A_792 : vector<16xf32>
            %swap3A_794 = arith.index_cast %scan3A_249 : i32 to index
            %swap3A_795 = arith.constant 192 : index
            %swap3A_796 = tpu.vector_load %arg13[%swap3A_794, %swap3A_795] {strides = array<i32>} : memref<16x256xf32, #tpu.memory_space<vmem>>, vector<1x16xf32>,
            %swap3A_797 = vector.shape_cast %swap3A_796 : vector<1x16xf32> to vector<16xf32>
            %swap3A_798 = vector.shape_cast %add3A_793 : vector<16xf32> to vector<1x16xf32>
            tpu.vector_store %arg13[%swap3A_794, %swap3A_795], %swap3A_798 {strides = array<i32>} : memref<16x256xf32, #tpu.memory_space<vmem>>, vector<1x16xf32>,
            %add3A_799 = arith.constant 0 : i32
            %add3A_800 = arith.addi %add3A_799, %scan3A_249 : i32
            %get3A_801 = arith.index_cast %add3A_800 : i32 to index
            %get3A_802 = arith.constant 208 : index
            %get3A_803 = tpu.vector_load %arg9[%get3A_801, %get3A_802] {strides = array<i32>} : memref<64x256xf32, #tpu.memory_space<vmem>>, vector<1x16xf32>,
            %get3A_804 = vector.shape_cast %get3A_803 : vector<1x16xf32> to vector<16xf32>
            %mul3A_805 = vector.broadcast %squeeze3A : f32 to vector<16xf32>
            %mul3A_806 = arith.mulf %get3A_804, %mul3A_805 : vector<16xf32>
            %add3A_807 = arith.constant 16 : i32
            %add3A_808 = arith.addi %add3A_807, %scan3A_249 : i32
            %get3A_809 = arith.index_cast %add3A_808 : i32 to index
            %get3A_810 = arith.constant 208 : index
            %get3A_811 = tpu.vector_load %arg9[%get3A_809, %get3A_810] {strides = array<i32>} : memref<64x256xf32, #tpu.memory_space<vmem>>, vector<1x16xf32>,
            %get3A_812 = vector.shape_cast %get3A_811 : vector<1x16xf32> to vector<16xf32>
            %mul3A_813 = vector.broadcast %squeeze3A_263 : f32 to vector<16xf32>
            %mul3A_814 = arith.mulf %get3A_812, %mul3A_813 : vector<16xf32>
            %add3A_815 = arith.addf %mul3A_806, %mul3A_814 : vector<16xf32>
            %add3A_816 = arith.constant 32 : i32
            %add3A_817 = arith.addi %add3A_816, %scan3A_249 : i32
            %get3A_818 = arith.index_cast %add3A_817 : i32 to index
            %get3A_819 = arith.constant 208 : index
            %get3A_820 = tpu.vector_load %arg9[%get3A_818, %get3A_819] {strides = array<i32>} : memref<64x256xf32, #tpu.memory_space<vmem>>, vector<1x16xf32>,
            %get3A_821 = vector.shape_cast %get3A_820 : vector<1x16xf32> to vector<16xf32>
            %mul3A_822 = vector.broadcast %squeeze3A_271 : f32 to vector<16xf32>
            %mul3A_823 = arith.mulf %get3A_821, %mul3A_822 : vector<16xf32>
            %add3A_824 = arith.addf %add3A_815, %mul3A_823 : vector<16xf32>
            %add3A_825 = arith.constant 48 : i32
            %add3A_826 = arith.addi %add3A_825, %scan3A_249 : i32
            %get3A_827 = arith.index_cast %add3A_826 : i32 to index
            %get3A_828 = arith.constant 208 : index
            %get3A_829 = tpu.vector_load %arg9[%get3A_827, %get3A_828] {strides = array<i32>} : memref<64x256xf32, #tpu.memory_space<vmem>>, vector<1x16xf32>,
            %get3A_830 = vector.shape_cast %get3A_829 : vector<1x16xf32> to vector<16xf32>
            %mul3A_831 = vector.broadcast %squeeze3A_279 : f32 to vector<16xf32>
            %mul3A_832 = arith.mulf %get3A_830, %mul3A_831 : vector<16xf32>
            %add3A_833 = arith.addf %add3A_824, %mul3A_832 : vector<16xf32>
            %swap3A_834 = arith.index_cast %scan3A_249 : i32 to index
            %swap3A_835 = arith.constant 208 : index
            %swap3A_836 = tpu.vector_load %arg13[%swap3A_834, %swap3A_835] {strides = array<i32>} : memref<16x256xf32, #tpu.memory_space<vmem>>, vector<1x16xf32>,
            %swap3A_837 = vector.shape_cast %swap3A_836 : vector<1x16xf32> to vector<16xf32>
            %swap3A_838 = vector.shape_cast %add3A_833 : vector<16xf32> to vector<1x16xf32>
            tpu.vector_store %arg13[%swap3A_834, %swap3A_835], %swap3A_838 {strides = array<i32>} : memref<16x256xf32, #tpu.memory_space<vmem>>, vector<1x16xf32>,
            %add3A_839 = arith.constant 0 : i32
            %add3A_840 = arith.addi %add3A_839, %scan3A_249 : i32
            %get3A_841 = arith.index_cast %add3A_840 : i32 to index
            %get3A_842 = arith.constant 224 : index
            %get3A_843 = tpu.vector_load %arg9[%get3A_841, %get3A_842] {strides = array<i32>} : memref<64x256xf32, #tpu.memory_space<vmem>>, vector<1x16xf32>,
            %get3A_844 = vector.shape_cast %get3A_843 : vector<1x16xf32> to vector<16xf32>
            %mul3A_845 = vector.broadcast %squeeze3A : f32 to vector<16xf32>
            %mul3A_846 = arith.mulf %get3A_844, %mul3A_845 : vector<16xf32>
            %add3A_847 = arith.constant 16 : i32
            %add3A_848 = arith.addi %add3A_847, %scan3A_249 : i32
            %get3A_849 = arith.index_cast %add3A_848 : i32 to index
            %get3A_850 = arith.constant 224 : index
            %get3A_851 = tpu.vector_load %arg9[%get3A_849, %get3A_850] {strides = array<i32>} : memref<64x256xf32, #tpu.memory_space<vmem>>, vector<1x16xf32>,
            %get3A_852 = vector.shape_cast %get3A_851 : vector<1x16xf32> to vector<16xf32>
            %mul3A_853 = vector.broadcast %squeeze3A_263 : f32 to vector<16xf32>
            %mul3A_854 = arith.mulf %get3A_852, %mul3A_853 : vector<16xf32>
            %add3A_855 = arith.addf %mul3A_846, %mul3A_854 : vector<16xf32>
            %add3A_856 = arith.constant 32 : i32
            %add3A_857 = arith.addi %add3A_856, %scan3A_249 : i32
            %get3A_858 = arith.index_cast %add3A_857 : i32 to index
            %get3A_859 = arith.constant 224 : index
            %get3A_860 = tpu.vector_load %arg9[%get3A_858, %get3A_859] {strides = array<i32>} : memref<64x256xf32, #tpu.memory_space<vmem>>, vector<1x16xf32>,
            %get3A_861 = vector.shape_cast %get3A_860 : vector<1x16xf32> to vector<16xf32>
            %mul3A_862 = vector.broadcast %squeeze3A_271 : f32 to vector<16xf32>
            %mul3A_863 = arith.mulf %get3A_861, %mul3A_862 : vector<16xf32>
            %add3A_864 = arith.addf %add3A_855, %mul3A_863 : vector<16xf32>
            %add3A_865 = arith.constant 48 : i32
            %add3A_866 = arith.addi %add3A_865, %scan3A_249 : i32
            %get3A_867 = arith.index_cast %add3A_866 : i32 to index
            %get3A_868 = arith.constant 224 : index
            %get3A_869 = tpu.vector_load %arg9[%get3A_867, %get3A_868] {strides = array<i32>} : memref<64x256xf32, #tpu.memory_space<vmem>>, vector<1x16xf32>,
            %get3A_870 = vector.shape_cast %get3A_869 : vector<1x16xf32> to vector<16xf32>
            %mul3A_871 = vector.broadcast %squeeze3A_279 : f32 to vector<16xf32>
            %mul3A_872 = arith.mulf %get3A_870, %mul3A_871 : vector<16xf32>
            %add3A_873 = arith.addf %add3A_864, %mul3A_872 : vector<16xf32>
            %swap3A_874 = arith.index_cast %scan3A_249 : i32 to index
            %swap3A_875 = arith.constant 224 : index
            %swap3A_876 = tpu.vector_load %arg13[%swap3A_874, %swap3A_875] {strides = array<i32>} : memref<16x256xf32, #tpu.memory_space<vmem>>, vector<1x16xf32>,
            %swap3A_877 = vector.shape_cast %swap3A_876 : vector<1x16xf32> to vector<16xf32>
            %swap3A_878 = vector.shape_cast %add3A_873 : vector<16xf32> to vector<1x16xf32>
            tpu.vector_store %arg13[%swap3A_874, %swap3A_875], %swap3A_878 {strides = array<i32>} : memref<16x256xf32, #tpu.memory_space<vmem>>, vector<1x16xf32>,
            %add3A_879 = arith.constant 0 : i32
            %add3A_880 = arith.addi %add3A_879, %scan3A_249 : i32
            %get3A_881 = arith.index_cast %add3A_880 : i32 to index
            %get3A_882 = arith.constant 240 : index
            %get3A_883 = tpu.vector_load %arg9[%get3A_881, %get3A_882] {strides = array<i32>} : memref<64x256xf32, #tpu.memory_space<vmem>>, vector<1x16xf32>,
            %get3A_884 = vector.shape_cast %get3A_883 : vector<1x16xf32> to vector<16xf32>
            %mul3A_885 = vector.broadcast %squeeze3A : f32 to vector<16xf32>
            %mul3A_886 = arith.mulf %get3A_884, %mul3A_885 : vector<16xf32>
            %add3A_887 = arith.constant 16 : i32
            %add3A_888 = arith.addi %add3A_887, %scan3A_249 : i32
            %get3A_889 = arith.index_cast %add3A_888 : i32 to index
            %get3A_890 = arith.constant 240 : index
            %get3A_891 = tpu.vector_load %arg9[%get3A_889, %get3A_890] {strides = array<i32>} : memref<64x256xf32, #tpu.memory_space<vmem>>, vector<1x16xf32>,
            %get3A_892 = vector.shape_cast %get3A_891 : vector<1x16xf32> to vector<16xf32>
            %mul3A_893 = vector.broadcast %squeeze3A_263 : f32 to vector<16xf32>
            %mul3A_894 = arith.mulf %get3A_892, %mul3A_893 : vector<16xf32>
            %add3A_895 = arith.addf %mul3A_886, %mul3A_894 : vector<16xf32>
            %add3A_896 = arith.constant 32 : i32
            %add3A_897 = arith.addi %add3A_896, %scan3A_249 : i32
            %get3A_898 = arith.index_cast %add3A_897 : i32 to index
            %get3A_899 = arith.constant 240 : index
            %get3A_900 = tpu.vector_load %arg9[%get3A_898, %get3A_899] {strides = array<i32>} : memref<64x256xf32, #tpu.memory_space<vmem>>, vector<1x16xf32>,
            %get3A_901 = vector.shape_cast %get3A_900 : vector<1x16xf32> to vector<16xf32>
            %mul3A_902 = vector.broadcast %squeeze3A_271 : f32 to vector<16xf32>
            %mul3A_903 = arith.mulf %get3A_901, %mul3A_902 : vector<16xf32>
            %add3A_904 = arith.addf %add3A_895, %mul3A_903 : vector<16xf32>
            %add3A_905 = arith.constant 48 : i32
            %add3A_906 = arith.addi %add3A_905, %scan3A_249 : i32
            %get3A_907 = arith.index_cast %add3A_906 : i32 to index
            %get3A_908 = arith.constant 240 : index
            %get3A_909 = tpu.vector_load %arg9[%get3A_907, %get3A_908] {strides = array<i32>} : memref<64x256xf32, #tpu.memory_space<vmem>>, vector<1x16xf32>,
            %get3A_910 = vector.shape_cast %get3A_909 : vector<1x16xf32> to vector<16xf32>
            %mul3A_911 = vector.broadcast %squeeze3A_279 : f32 to vector<16xf32>
            %mul3A_912 = arith.mulf %get3A_910, %mul3A_911 : vector<16xf32>
            %add3A_913 = arith.addf %add3A_904, %mul3A_912 : vector<16xf32>
            %swap3A_914 = arith.index_cast %scan3A_249 : i32 to index
            %swap3A_915 = arith.constant 240 : index
            %swap3A_916 = tpu.vector_load %arg13[%swap3A_914, %swap3A_915] {strides = array<i32>} : memref<16x256xf32, #tpu.memory_space<vmem>>, vector<1x16xf32>,
            %swap3A_917 = vector.shape_cast %swap3A_916 : vector<1x16xf32> to vector<16xf32>
            %swap3A_918 = vector.shape_cast %add3A_913 : vector<16xf32> to vector<1x16xf32>
            tpu.vector_store %arg13[%swap3A_914, %swap3A_915], %swap3A_918 {strides = array<i32>} : memref<16x256xf32, #tpu.memory_space<vmem>>, vector<1x16xf32>,
          }
          %scan3A_238 = arith.constant 16 : i32
          %mul3A_239 = arith.constant 5120 : i32
          %mul3A_240 = arith.muli %scan3A_151, %mul3A_239 : i32
          %add3A_241 = arith.addi %mul3A_240, %mul3A_2 : i32
          %mul3A_242 = arith.constant 16 : i32
          %mul3A_243 = arith.muli %scan3A_8, %mul3A_242 : i32
          %add3A_244 = arith.addi %add3A_241, %mul3A_243 : i32
          %dma_start3A_245 = arith.constant 0 : i32
          %dma_start3A_246 = tpu.memref_slice %arg4[%add3A_244, %dma_start3A_245] : memref<250880x256xf32, #tpu.memory_space<hbm>> -> memref<16x256xf32, #tpu.memory_space<hbm>>
          %dma_start3A_247 = arith.constant 0 : i32
          %dma_start3A_248 = tpu.memref_slice %arg4[%add3A_244, %dma_start3A_247] : memref<250880x256xf32, #tpu.memory_space<hbm>> -> memref<16x256xf32, #tpu.memory_space<hbm>>
          tpu.enqueue_dma source(%arg13 : memref<16x256xf32, #tpu.memory_space<vmem>>) target(%dma_start3A_248 : memref<16x256xf32, #tpu.memory_space<hbm>>) target_semaphore(%arg19 : memref<!tpu.dma_semaphore, #tpu.memory_space<semaphore_mem>>)
        } else {
        }
        %eq3A_192 = arith.constant 2 : i32
        %eq3A_193 = arith.cmpi eq, %select_n3A_162, %eq3A_192 : i32
        %add3A_194 = arith.constant 3 : i32
        %add3A_195 = arith.addi %scan3A_151, %add3A_194 : i32
        %lt3A_196 = arith.constant 49 : i32
        %lt3A_197 = arith.cmpi slt, %add3A_195, %lt3A_196 : i32
        %and3A_198 = arith.andi %eq3A_193, %lt3A_197 : i1
        %convert_element_type3A_199 = arith.extui %and3A_198 : i1 to i32
        %cond3A_200 = arith.constant 0 : i32
        %cond3A_201 = arith.cmpi ne, %convert_element_type3A_199, %cond3A_200 : i32
        scf.if %cond3A_201 {
          %add3A_222 = arith.constant 3 : i32
          %add3A_223 = arith.addi %scan3A_151, %add3A_222 : i32
          %mul3A_224 = arith.constant 64 : i32
          %mul3A_225 = arith.muli %add3A_223, %mul3A_224 : i32
          %dma_start3A_226 = tpu.memref_slice %arg6[%mul3A_225] : memref<3200xi32, #tpu.memory_space<vmem>> -> memref<64xi32, #tpu.memory_space<vmem>>
          %dma_start3A_227 = arith.constant 0 : i32
          %dma_start3A_228 = arith.constant 0 : i32
          %dma_start3A_229 = tpu.memref_slice %arg2[%dma_start3A_227, %dma_start3A_228] : memref<106250x256xf32, #tpu.memory_space<hbm>> -> memref<106250x256xf32, #tpu.memory_space<hbm>>
          tpu.enqueue_indirect_dma source(%dma_start3A_229 : memref<106250x256xf32, #tpu.memory_space<hbm>>) target(%arg9 : memref<64x256xf32, #tpu.memory_space<vmem>>) offsets(%dma_start3A_226 : memref<64xi32, #tpu.memory_space<vmem>>) semaphore(%arg15 : memref<!tpu.dma_semaphore, #tpu.memory_space<semaphore_mem>>)
        } else {
        }
        %eq3A_202 = arith.constant 2 : i32
        %eq3A_203 = arith.cmpi eq, %select_n3A_162, %eq3A_202 : i32
        %convert_element_type3A_204 = arith.extui %eq3A_203 : i1 to i32
        %cond3A_205 = arith.constant 0 : i32
        %cond3A_206 = arith.cmpi ne, %convert_element_type3A_204, %cond3A_205 : i32
        scf.if %cond3A_206 {
          %mul3A_222 = arith.constant 64 : i32
          %mul3A_223 = arith.muli %scan3A_151, %mul3A_222 : i32
          %dma_wait3A_224 = tpu.memref_slice %arg6[%mul3A_223] : memref<3200xi32, #tpu.memory_space<vmem>> -> memref<64xi32, #tpu.memory_space<vmem>>
          %dma_wait3A_225 = arith.constant 0 : i32
          %dma_wait3A_226 = arith.constant 0 : i32
          %dma_wait3A_227 = tpu.memref_slice %arg2[%dma_wait3A_225, %dma_wait3A_226] : memref<106250x256xf32, #tpu.memory_space<hbm>> -> memref<106250x256xf32, #tpu.memory_space<hbm>>
          tpu.wait_indirect_dma semaphore(%arg16 : memref<!tpu.dma_semaphore, #tpu.memory_space<semaphore_mem>>) src(%dma_wait3A_227 : memref<106250x256xf32, #tpu.memory_space<hbm>>) dst(%arg10 : memref<64x256xf32, #tpu.memory_space<vmem>>)
          %ge3A_228 = arith.constant 2 : i32
          %ge3A_229 = arith.cmpi sge, %scan3A_151, %ge3A_228 : i32
          %convert_element_type3A_230 = arith.extui %ge3A_229 : i1 to i32
          %cond3A_231 = arith.constant 0 : i32
          %cond3A_232 = arith.cmpi ne, %convert_element_type3A_230, %cond3A_231 : i32
          scf.if %cond3A_232 {
            %sub3A_249 = arith.constant 2 : i32
            %sub3A_250 = arith.subi %scan3A_151, %sub3A_249 : i32
            %mul3A_251 = arith.constant 5120 : i32
            %mul3A_252 = arith.muli %sub3A_250, %mul3A_251 : i32
            %add3A_253 = arith.addi %mul3A_252, %mul3A_2 : i32
            %mul3A_254 = arith.constant 16 : i32
            %mul3A_255 = arith.muli %scan3A_8, %mul3A_254 : i32
            %add3A_256 = arith.addi %add3A_253, %mul3A_255 : i32
            %dma_wait3A_257 = arith.constant 0 : i32
            %dma_wait3A_258 = tpu.memref_slice %arg4[%add3A_256, %dma_wait3A_257] : memref<250880x256xf32, #tpu.memory_space<hbm>> -> memref<16x256xf32, #tpu.memory_space<hbm>>
            %dma_wait3A_259 = arith.constant 0 : i32
            %dma_wait3A_260 = tpu.memref_slice %arg4[%add3A_256, %dma_wait3A_259] : memref<250880x256xf32, #tpu.memory_space<hbm>> -> memref<16x256xf32, #tpu.memory_space<hbm>>
            tpu.wait_dma2 semaphore(%arg18 : memref<!tpu.dma_semaphore, #tpu.memory_space<semaphore_mem>>) src(%arg12 : memref<16x256xf32, #tpu.memory_space<vmem>>) dst(%dma_wait3A_260 : memref<16x256xf32, #tpu.memory_space<hbm>>)
          } else {
          }
          %scan3A_233 = arith.constant 0 : i32
          %scan3A_234 = arith.constant 0 : i32
          %scan3A_235 = arith.constant 16 : i32
          %scan3A_236 = arith.addi %scan3A_234, %scan3A_235 : i32
          %scan3A_237 = arith.constant 1 : i32
          scf.for %scan3A_249 = %scan3A_234 to %scan3A_236 step %scan3A_237  : i32 {
            %get3A_250 = arith.constant 0 : i32
            %get3A_251 = arith.index_cast %scan3A_151 : i32 to index
            %get3A_252 = arith.index_cast %get3A_250 : i32 to index
            %get3A_253 = arith.index_cast %scan3A_249 : i32 to index
            %get3A_254 = tpu.vector_load %arg7[%get3A_251, %get3A_252, %get3A_253] {strides = array<i32>} : memref<50x4x32xf32, #tpu.memory_space<vmem>>, vector<1x1x16xf32>,
            %get3A_255 = vector.shape_cast %get3A_254 : vector<1x1x16xf32> to vector<16xf32>
            %slice3A = vector.extract_strided_slice %get3A_255 {offsets = [0], sizes = [1], strides = [1]} : vector<16xf32> to vector<1xf32>
            %squeeze3A = vector.extract %slice3A[0] : f32 from vector<1xf32>
            %get3A_256 = arith.constant 1 : i32
            %get3A_257 = arith.index_cast %scan3A_151 : i32 to index
            %get3A_258 = arith.index_cast %get3A_256 : i32 to index
            %get3A_259 = arith.index_cast %scan3A_249 : i32 to index
            %get3A_260 = tpu.vector_load %arg7[%get3A_257, %get3A_258, %get3A_259] {strides = array<i32>} : memref<50x4x32xf32, #tpu.memory_space<vmem>>, vector<1x1x16xf32>,
            %get3A_261 = vector.shape_cast %get3A_260 : vector<1x1x16xf32> to vector<16xf32>
            %slice3A_262 = vector.extract_strided_slice %get3A_261 {offsets = [0], sizes = [1], strides = [1]} : vector<16xf32> to vector<1xf32>
            %squeeze3A_263 = vector.extract %slice3A_262[0] : f32 from vector<1xf32>
            %get3A_264 = arith.constant 2 : i32
            %get3A_265 = arith.index_cast %scan3A_151 : i32 to index
            %get3A_266 = arith.index_cast %get3A_264 : i32 to index
            %get3A_267 = arith.index_cast %scan3A_249 : i32 to index
            %get3A_268 = tpu.vector_load %arg7[%get3A_265, %get3A_266, %get3A_267] {strides = array<i32>} : memref<50x4x32xf32, #tpu.memory_space<vmem>>, vector<1x1x16xf32>,
            %get3A_269 = vector.shape_cast %get3A_268 : vector<1x1x16xf32> to vector<16xf32>
            %slice3A_270 = vector.extract_strided_slice %get3A_269 {offsets = [0], sizes = [1], strides = [1]} : vector<16xf32> to vector<1xf32>
            %squeeze3A_271 = vector.extract %slice3A_270[0] : f32 from vector<1xf32>
            %get3A_272 = arith.constant 3 : i32
            %get3A_273 = arith.index_cast %scan3A_151 : i32 to index
            %get3A_274 = arith.index_cast %get3A_272 : i32 to index
            %get3A_275 = arith.index_cast %scan3A_249 : i32 to index
            %get3A_276 = tpu.vector_load %arg7[%get3A_273, %get3A_274, %get3A_275] {strides = array<i32>} : memref<50x4x32xf32, #tpu.memory_space<vmem>>, vector<1x1x16xf32>,
            %get3A_277 = vector.shape_cast %get3A_276 : vector<1x1x16xf32> to vector<16xf32>
            %slice3A_278 = vector.extract_strided_slice %get3A_277 {offsets = [0], sizes = [1], strides = [1]} : vector<16xf32> to vector<1xf32>
            %squeeze3A_279 = vector.extract %slice3A_278[0] : f32 from vector<1xf32>
            %add3A_280 = arith.constant 0 : i32
            %add3A_281 = arith.addi %add3A_280, %scan3A_249 : i32
            %get3A_282 = arith.index_cast %add3A_281 : i32 to index
            %get3A_283 = arith.constant 0 : index
            %get3A_284 = tpu.vector_load %arg10[%get3A_282, %get3A_283] {strides = array<i32>} : memref<64x256xf32, #tpu.memory_space<vmem>>, vector<1x16xf32>,
            %get3A_285 = vector.shape_cast %get3A_284 : vector<1x16xf32> to vector<16xf32>
            %mul3A_286 = vector.broadcast %squeeze3A : f32 to vector<16xf32>
            %mul3A_287 = arith.mulf %get3A_285, %mul3A_286 : vector<16xf32>
            %add3A_288 = arith.constant 16 : i32
            %add3A_289 = arith.addi %add3A_288, %scan3A_249 : i32
            %get3A_290 = arith.index_cast %add3A_289 : i32 to index
            %get3A_291 = arith.constant 0 : index
            %get3A_292 = tpu.vector_load %arg10[%get3A_290, %get3A_291] {strides = array<i32>} : memref<64x256xf32, #tpu.memory_space<vmem>>, vector<1x16xf32>,
            %get3A_293 = vector.shape_cast %get3A_292 : vector<1x16xf32> to vector<16xf32>
            %mul3A_294 = vector.broadcast %squeeze3A_263 : f32 to vector<16xf32>
            %mul3A_295 = arith.mulf %get3A_293, %mul3A_294 : vector<16xf32>
            %add3A_296 = arith.addf %mul3A_287, %mul3A_295 : vector<16xf32>
            %add3A_297 = arith.constant 32 : i32
            %add3A_298 = arith.addi %add3A_297, %scan3A_249 : i32
            %get3A_299 = arith.index_cast %add3A_298 : i32 to index
            %get3A_300 = arith.constant 0 : index
            %get3A_301 = tpu.vector_load %arg10[%get3A_299, %get3A_300] {strides = array<i32>} : memref<64x256xf32, #tpu.memory_space<vmem>>, vector<1x16xf32>,
            %get3A_302 = vector.shape_cast %get3A_301 : vector<1x16xf32> to vector<16xf32>
            %mul3A_303 = vector.broadcast %squeeze3A_271 : f32 to vector<16xf32>
            %mul3A_304 = arith.mulf %get3A_302, %mul3A_303 : vector<16xf32>
            %add3A_305 = arith.addf %add3A_296, %mul3A_304 : vector<16xf32>
            %add3A_306 = arith.constant 48 : i32
            %add3A_307 = arith.addi %add3A_306, %scan3A_249 : i32
            %get3A_308 = arith.index_cast %add3A_307 : i32 to index
            %get3A_309 = arith.constant 0 : index
            %get3A_310 = tpu.vector_load %arg10[%get3A_308, %get3A_309] {strides = array<i32>} : memref<64x256xf32, #tpu.memory_space<vmem>>, vector<1x16xf32>,
            %get3A_311 = vector.shape_cast %get3A_310 : vector<1x16xf32> to vector<16xf32>
            %mul3A_312 = vector.broadcast %squeeze3A_279 : f32 to vector<16xf32>
            %mul3A_313 = arith.mulf %get3A_311, %mul3A_312 : vector<16xf32>
            %add3A_314 = arith.addf %add3A_305, %mul3A_313 : vector<16xf32>
            %swap3A = arith.index_cast %scan3A_249 : i32 to index
            %swap3A_315 = arith.constant 0 : index
            %swap3A_316 = tpu.vector_load %arg12[%swap3A, %swap3A_315] {strides = array<i32>} : memref<16x256xf32, #tpu.memory_space<vmem>>, vector<1x16xf32>,
            %swap3A_317 = vector.shape_cast %swap3A_316 : vector<1x16xf32> to vector<16xf32>
            %swap3A_318 = vector.shape_cast %add3A_314 : vector<16xf32> to vector<1x16xf32>
            tpu.vector_store %arg12[%swap3A, %swap3A_315], %swap3A_318 {strides = array<i32>} : memref<16x256xf32, #tpu.memory_space<vmem>>, vector<1x16xf32>,
            %add3A_319 = arith.constant 0 : i32
            %add3A_320 = arith.addi %add3A_319, %scan3A_249 : i32
            %get3A_321 = arith.index_cast %add3A_320 : i32 to index
            %get3A_322 = arith.constant 16 : index
            %get3A_323 = tpu.vector_load %arg10[%get3A_321, %get3A_322] {strides = array<i32>} : memref<64x256xf32, #tpu.memory_space<vmem>>, vector<1x16xf32>,
            %get3A_324 = vector.shape_cast %get3A_323 : vector<1x16xf32> to vector<16xf32>
            %mul3A_325 = vector.broadcast %squeeze3A : f32 to vector<16xf32>
            %mul3A_326 = arith.mulf %get3A_324, %mul3A_325 : vector<16xf32>
            %add3A_327 = arith.constant 16 : i32
            %add3A_328 = arith.addi %add3A_327, %scan3A_249 : i32
            %get3A_329 = arith.index_cast %add3A_328 : i32 to index
            %get3A_330 = arith.constant 16 : index
            %get3A_331 = tpu.vector_load %arg10[%get3A_329, %get3A_330] {strides = array<i32>} : memref<64x256xf32, #tpu.memory_space<vmem>>, vector<1x16xf32>,
            %get3A_332 = vector.shape_cast %get3A_331 : vector<1x16xf32> to vector<16xf32>
            %mul3A_333 = vector.broadcast %squeeze3A_263 : f32 to vector<16xf32>
            %mul3A_334 = arith.mulf %get3A_332, %mul3A_333 : vector<16xf32>
            %add3A_335 = arith.addf %mul3A_326, %mul3A_334 : vector<16xf32>
            %add3A_336 = arith.constant 32 : i32
            %add3A_337 = arith.addi %add3A_336, %scan3A_249 : i32
            %get3A_338 = arith.index_cast %add3A_337 : i32 to index
            %get3A_339 = arith.constant 16 : index
            %get3A_340 = tpu.vector_load %arg10[%get3A_338, %get3A_339] {strides = array<i32>} : memref<64x256xf32, #tpu.memory_space<vmem>>, vector<1x16xf32>,
            %get3A_341 = vector.shape_cast %get3A_340 : vector<1x16xf32> to vector<16xf32>
            %mul3A_342 = vector.broadcast %squeeze3A_271 : f32 to vector<16xf32>
            %mul3A_343 = arith.mulf %get3A_341, %mul3A_342 : vector<16xf32>
            %add3A_344 = arith.addf %add3A_335, %mul3A_343 : vector<16xf32>
            %add3A_345 = arith.constant 48 : i32
            %add3A_346 = arith.addi %add3A_345, %scan3A_249 : i32
            %get3A_347 = arith.index_cast %add3A_346 : i32 to index
            %get3A_348 = arith.constant 16 : index
            %get3A_349 = tpu.vector_load %arg10[%get3A_347, %get3A_348] {strides = array<i32>} : memref<64x256xf32, #tpu.memory_space<vmem>>, vector<1x16xf32>,
            %get3A_350 = vector.shape_cast %get3A_349 : vector<1x16xf32> to vector<16xf32>
            %mul3A_351 = vector.broadcast %squeeze3A_279 : f32 to vector<16xf32>
            %mul3A_352 = arith.mulf %get3A_350, %mul3A_351 : vector<16xf32>
            %add3A_353 = arith.addf %add3A_344, %mul3A_352 : vector<16xf32>
            %swap3A_354 = arith.index_cast %scan3A_249 : i32 to index
            %swap3A_355 = arith.constant 16 : index
            %swap3A_356 = tpu.vector_load %arg12[%swap3A_354, %swap3A_355] {strides = array<i32>} : memref<16x256xf32, #tpu.memory_space<vmem>>, vector<1x16xf32>,
            %swap3A_357 = vector.shape_cast %swap3A_356 : vector<1x16xf32> to vector<16xf32>
            %swap3A_358 = vector.shape_cast %add3A_353 : vector<16xf32> to vector<1x16xf32>
            tpu.vector_store %arg12[%swap3A_354, %swap3A_355], %swap3A_358 {strides = array<i32>} : memref<16x256xf32, #tpu.memory_space<vmem>>, vector<1x16xf32>,
            %add3A_359 = arith.constant 0 : i32
            %add3A_360 = arith.addi %add3A_359, %scan3A_249 : i32
            %get3A_361 = arith.index_cast %add3A_360 : i32 to index
            %get3A_362 = arith.constant 32 : index
            %get3A_363 = tpu.vector_load %arg10[%get3A_361, %get3A_362] {strides = array<i32>} : memref<64x256xf32, #tpu.memory_space<vmem>>, vector<1x16xf32>,
            %get3A_364 = vector.shape_cast %get3A_363 : vector<1x16xf32> to vector<16xf32>
            %mul3A_365 = vector.broadcast %squeeze3A : f32 to vector<16xf32>
            %mul3A_366 = arith.mulf %get3A_364, %mul3A_365 : vector<16xf32>
            %add3A_367 = arith.constant 16 : i32
            %add3A_368 = arith.addi %add3A_367, %scan3A_249 : i32
            %get3A_369 = arith.index_cast %add3A_368 : i32 to index
            %get3A_370 = arith.constant 32 : index
            %get3A_371 = tpu.vector_load %arg10[%get3A_369, %get3A_370] {strides = array<i32>} : memref<64x256xf32, #tpu.memory_space<vmem>>, vector<1x16xf32>,
            %get3A_372 = vector.shape_cast %get3A_371 : vector<1x16xf32> to vector<16xf32>
            %mul3A_373 = vector.broadcast %squeeze3A_263 : f32 to vector<16xf32>
            %mul3A_374 = arith.mulf %get3A_372, %mul3A_373 : vector<16xf32>
            %add3A_375 = arith.addf %mul3A_366, %mul3A_374 : vector<16xf32>
            %add3A_376 = arith.constant 32 : i32
            %add3A_377 = arith.addi %add3A_376, %scan3A_249 : i32
            %get3A_378 = arith.index_cast %add3A_377 : i32 to index
            %get3A_379 = arith.constant 32 : index
            %get3A_380 = tpu.vector_load %arg10[%get3A_378, %get3A_379] {strides = array<i32>} : memref<64x256xf32, #tpu.memory_space<vmem>>, vector<1x16xf32>,
            %get3A_381 = vector.shape_cast %get3A_380 : vector<1x16xf32> to vector<16xf32>
            %mul3A_382 = vector.broadcast %squeeze3A_271 : f32 to vector<16xf32>
            %mul3A_383 = arith.mulf %get3A_381, %mul3A_382 : vector<16xf32>
            %add3A_384 = arith.addf %add3A_375, %mul3A_383 : vector<16xf32>
            %add3A_385 = arith.constant 48 : i32
            %add3A_386 = arith.addi %add3A_385, %scan3A_249 : i32
            %get3A_387 = arith.index_cast %add3A_386 : i32 to index
            %get3A_388 = arith.constant 32 : index
            %get3A_389 = tpu.vector_load %arg10[%get3A_387, %get3A_388] {strides = array<i32>} : memref<64x256xf32, #tpu.memory_space<vmem>>, vector<1x16xf32>,
            %get3A_390 = vector.shape_cast %get3A_389 : vector<1x16xf32> to vector<16xf32>
            %mul3A_391 = vector.broadcast %squeeze3A_279 : f32 to vector<16xf32>
            %mul3A_392 = arith.mulf %get3A_390, %mul3A_391 : vector<16xf32>
            %add3A_393 = arith.addf %add3A_384, %mul3A_392 : vector<16xf32>
            %swap3A_394 = arith.index_cast %scan3A_249 : i32 to index
            %swap3A_395 = arith.constant 32 : index
            %swap3A_396 = tpu.vector_load %arg12[%swap3A_394, %swap3A_395] {strides = array<i32>} : memref<16x256xf32, #tpu.memory_space<vmem>>, vector<1x16xf32>,
            %swap3A_397 = vector.shape_cast %swap3A_396 : vector<1x16xf32> to vector<16xf32>
            %swap3A_398 = vector.shape_cast %add3A_393 : vector<16xf32> to vector<1x16xf32>
            tpu.vector_store %arg12[%swap3A_394, %swap3A_395], %swap3A_398 {strides = array<i32>} : memref<16x256xf32, #tpu.memory_space<vmem>>, vector<1x16xf32>,
            %add3A_399 = arith.constant 0 : i32
            %add3A_400 = arith.addi %add3A_399, %scan3A_249 : i32
            %get3A_401 = arith.index_cast %add3A_400 : i32 to index
            %get3A_402 = arith.constant 48 : index
            %get3A_403 = tpu.vector_load %arg10[%get3A_401, %get3A_402] {strides = array<i32>} : memref<64x256xf32, #tpu.memory_space<vmem>>, vector<1x16xf32>,
            %get3A_404 = vector.shape_cast %get3A_403 : vector<1x16xf32> to vector<16xf32>
            %mul3A_405 = vector.broadcast %squeeze3A : f32 to vector<16xf32>
            %mul3A_406 = arith.mulf %get3A_404, %mul3A_405 : vector<16xf32>
            %add3A_407 = arith.constant 16 : i32
            %add3A_408 = arith.addi %add3A_407, %scan3A_249 : i32
            %get3A_409 = arith.index_cast %add3A_408 : i32 to index
            %get3A_410 = arith.constant 48 : index
            %get3A_411 = tpu.vector_load %arg10[%get3A_409, %get3A_410] {strides = array<i32>} : memref<64x256xf32, #tpu.memory_space<vmem>>, vector<1x16xf32>,
            %get3A_412 = vector.shape_cast %get3A_411 : vector<1x16xf32> to vector<16xf32>
            %mul3A_413 = vector.broadcast %squeeze3A_263 : f32 to vector<16xf32>
            %mul3A_414 = arith.mulf %get3A_412, %mul3A_413 : vector<16xf32>
            %add3A_415 = arith.addf %mul3A_406, %mul3A_414 : vector<16xf32>
            %add3A_416 = arith.constant 32 : i32
            %add3A_417 = arith.addi %add3A_416, %scan3A_249 : i32
            %get3A_418 = arith.index_cast %add3A_417 : i32 to index
            %get3A_419 = arith.constant 48 : index
            %get3A_420 = tpu.vector_load %arg10[%get3A_418, %get3A_419] {strides = array<i32>} : memref<64x256xf32, #tpu.memory_space<vmem>>, vector<1x16xf32>,
            %get3A_421 = vector.shape_cast %get3A_420 : vector<1x16xf32> to vector<16xf32>
            %mul3A_422 = vector.broadcast %squeeze3A_271 : f32 to vector<16xf32>
            %mul3A_423 = arith.mulf %get3A_421, %mul3A_422 : vector<16xf32>
            %add3A_424 = arith.addf %add3A_415, %mul3A_423 : vector<16xf32>
            %add3A_425 = arith.constant 48 : i32
            %add3A_426 = arith.addi %add3A_425, %scan3A_249 : i32
            %get3A_427 = arith.index_cast %add3A_426 : i32 to index
            %get3A_428 = arith.constant 48 : index
            %get3A_429 = tpu.vector_load %arg10[%get3A_427, %get3A_428] {strides = array<i32>} : memref<64x256xf32, #tpu.memory_space<vmem>>, vector<1x16xf32>,
            %get3A_430 = vector.shape_cast %get3A_429 : vector<1x16xf32> to vector<16xf32>
            %mul3A_431 = vector.broadcast %squeeze3A_279 : f32 to vector<16xf32>
            %mul3A_432 = arith.mulf %get3A_430, %mul3A_431 : vector<16xf32>
            %add3A_433 = arith.addf %add3A_424, %mul3A_432 : vector<16xf32>
            %swap3A_434 = arith.index_cast %scan3A_249 : i32 to index
            %swap3A_435 = arith.constant 48 : index
            %swap3A_436 = tpu.vector_load %arg12[%swap3A_434, %swap3A_435] {strides = array<i32>} : memref<16x256xf32, #tpu.memory_space<vmem>>, vector<1x16xf32>,
            %swap3A_437 = vector.shape_cast %swap3A_436 : vector<1x16xf32> to vector<16xf32>
            %swap3A_438 = vector.shape_cast %add3A_433 : vector<16xf32> to vector<1x16xf32>
            tpu.vector_store %arg12[%swap3A_434, %swap3A_435], %swap3A_438 {strides = array<i32>} : memref<16x256xf32, #tpu.memory_space<vmem>>, vector<1x16xf32>,
            %add3A_439 = arith.constant 0 : i32
            %add3A_440 = arith.addi %add3A_439, %scan3A_249 : i32
            %get3A_441 = arith.index_cast %add3A_440 : i32 to index
            %get3A_442 = arith.constant 64 : index
            %get3A_443 = tpu.vector_load %arg10[%get3A_441, %get3A_442] {strides = array<i32>} : memref<64x256xf32, #tpu.memory_space<vmem>>, vector<1x16xf32>,
            %get3A_444 = vector.shape_cast %get3A_443 : vector<1x16xf32> to vector<16xf32>
            %mul3A_445 = vector.broadcast %squeeze3A : f32 to vector<16xf32>
            %mul3A_446 = arith.mulf %get3A_444, %mul3A_445 : vector<16xf32>
            %add3A_447 = arith.constant 16 : i32
            %add3A_448 = arith.addi %add3A_447, %scan3A_249 : i32
            %get3A_449 = arith.index_cast %add3A_448 : i32 to index
            %get3A_450 = arith.constant 64 : index
            %get3A_451 = tpu.vector_load %arg10[%get3A_449, %get3A_450] {strides = array<i32>} : memref<64x256xf32, #tpu.memory_space<vmem>>, vector<1x16xf32>,
            %get3A_452 = vector.shape_cast %get3A_451 : vector<1x16xf32> to vector<16xf32>
            %mul3A_453 = vector.broadcast %squeeze3A_263 : f32 to vector<16xf32>
            %mul3A_454 = arith.mulf %get3A_452, %mul3A_453 : vector<16xf32>
            %add3A_455 = arith.addf %mul3A_446, %mul3A_454 : vector<16xf32>
            %add3A_456 = arith.constant 32 : i32
            %add3A_457 = arith.addi %add3A_456, %scan3A_249 : i32
            %get3A_458 = arith.index_cast %add3A_457 : i32 to index
            %get3A_459 = arith.constant 64 : index
            %get3A_460 = tpu.vector_load %arg10[%get3A_458, %get3A_459] {strides = array<i32>} : memref<64x256xf32, #tpu.memory_space<vmem>>, vector<1x16xf32>,
            %get3A_461 = vector.shape_cast %get3A_460 : vector<1x16xf32> to vector<16xf32>
            %mul3A_462 = vector.broadcast %squeeze3A_271 : f32 to vector<16xf32>
            %mul3A_463 = arith.mulf %get3A_461, %mul3A_462 : vector<16xf32>
            %add3A_464 = arith.addf %add3A_455, %mul3A_463 : vector<16xf32>
            %add3A_465 = arith.constant 48 : i32
            %add3A_466 = arith.addi %add3A_465, %scan3A_249 : i32
            %get3A_467 = arith.index_cast %add3A_466 : i32 to index
            %get3A_468 = arith.constant 64 : index
            %get3A_469 = tpu.vector_load %arg10[%get3A_467, %get3A_468] {strides = array<i32>} : memref<64x256xf32, #tpu.memory_space<vmem>>, vector<1x16xf32>,
            %get3A_470 = vector.shape_cast %get3A_469 : vector<1x16xf32> to vector<16xf32>
            %mul3A_471 = vector.broadcast %squeeze3A_279 : f32 to vector<16xf32>
            %mul3A_472 = arith.mulf %get3A_470, %mul3A_471 : vector<16xf32>
            %add3A_473 = arith.addf %add3A_464, %mul3A_472 : vector<16xf32>
            %swap3A_474 = arith.index_cast %scan3A_249 : i32 to index
            %swap3A_475 = arith.constant 64 : index
            %swap3A_476 = tpu.vector_load %arg12[%swap3A_474, %swap3A_475] {strides = array<i32>} : memref<16x256xf32, #tpu.memory_space<vmem>>, vector<1x16xf32>,
            %swap3A_477 = vector.shape_cast %swap3A_476 : vector<1x16xf32> to vector<16xf32>
            %swap3A_478 = vector.shape_cast %add3A_473 : vector<16xf32> to vector<1x16xf32>
            tpu.vector_store %arg12[%swap3A_474, %swap3A_475], %swap3A_478 {strides = array<i32>} : memref<16x256xf32, #tpu.memory_space<vmem>>, vector<1x16xf32>,
            %add3A_479 = arith.constant 0 : i32
            %add3A_480 = arith.addi %add3A_479, %scan3A_249 : i32
            %get3A_481 = arith.index_cast %add3A_480 : i32 to index
            %get3A_482 = arith.constant 80 : index
            %get3A_483 = tpu.vector_load %arg10[%get3A_481, %get3A_482] {strides = array<i32>} : memref<64x256xf32, #tpu.memory_space<vmem>>, vector<1x16xf32>,
            %get3A_484 = vector.shape_cast %get3A_483 : vector<1x16xf32> to vector<16xf32>
            %mul3A_485 = vector.broadcast %squeeze3A : f32 to vector<16xf32>
            %mul3A_486 = arith.mulf %get3A_484, %mul3A_485 : vector<16xf32>
            %add3A_487 = arith.constant 16 : i32
            %add3A_488 = arith.addi %add3A_487, %scan3A_249 : i32
            %get3A_489 = arith.index_cast %add3A_488 : i32 to index
            %get3A_490 = arith.constant 80 : index
            %get3A_491 = tpu.vector_load %arg10[%get3A_489, %get3A_490] {strides = array<i32>} : memref<64x256xf32, #tpu.memory_space<vmem>>, vector<1x16xf32>,
            %get3A_492 = vector.shape_cast %get3A_491 : vector<1x16xf32> to vector<16xf32>
            %mul3A_493 = vector.broadcast %squeeze3A_263 : f32 to vector<16xf32>
            %mul3A_494 = arith.mulf %get3A_492, %mul3A_493 : vector<16xf32>
            %add3A_495 = arith.addf %mul3A_486, %mul3A_494 : vector<16xf32>
            %add3A_496 = arith.constant 32 : i32
            %add3A_497 = arith.addi %add3A_496, %scan3A_249 : i32
            %get3A_498 = arith.index_cast %add3A_497 : i32 to index
            %get3A_499 = arith.constant 80 : index
            %get3A_500 = tpu.vector_load %arg10[%get3A_498, %get3A_499] {strides = array<i32>} : memref<64x256xf32, #tpu.memory_space<vmem>>, vector<1x16xf32>,
            %get3A_501 = vector.shape_cast %get3A_500 : vector<1x16xf32> to vector<16xf32>
            %mul3A_502 = vector.broadcast %squeeze3A_271 : f32 to vector<16xf32>
            %mul3A_503 = arith.mulf %get3A_501, %mul3A_502 : vector<16xf32>
            %add3A_504 = arith.addf %add3A_495, %mul3A_503 : vector<16xf32>
            %add3A_505 = arith.constant 48 : i32
            %add3A_506 = arith.addi %add3A_505, %scan3A_249 : i32
            %get3A_507 = arith.index_cast %add3A_506 : i32 to index
            %get3A_508 = arith.constant 80 : index
            %get3A_509 = tpu.vector_load %arg10[%get3A_507, %get3A_508] {strides = array<i32>} : memref<64x256xf32, #tpu.memory_space<vmem>>, vector<1x16xf32>,
            %get3A_510 = vector.shape_cast %get3A_509 : vector<1x16xf32> to vector<16xf32>
            %mul3A_511 = vector.broadcast %squeeze3A_279 : f32 to vector<16xf32>
            %mul3A_512 = arith.mulf %get3A_510, %mul3A_511 : vector<16xf32>
            %add3A_513 = arith.addf %add3A_504, %mul3A_512 : vector<16xf32>
            %swap3A_514 = arith.index_cast %scan3A_249 : i32 to index
            %swap3A_515 = arith.constant 80 : index
            %swap3A_516 = tpu.vector_load %arg12[%swap3A_514, %swap3A_515] {strides = array<i32>} : memref<16x256xf32, #tpu.memory_space<vmem>>, vector<1x16xf32>,
            %swap3A_517 = vector.shape_cast %swap3A_516 : vector<1x16xf32> to vector<16xf32>
            %swap3A_518 = vector.shape_cast %add3A_513 : vector<16xf32> to vector<1x16xf32>
            tpu.vector_store %arg12[%swap3A_514, %swap3A_515], %swap3A_518 {strides = array<i32>} : memref<16x256xf32, #tpu.memory_space<vmem>>, vector<1x16xf32>,
            %add3A_519 = arith.constant 0 : i32
            %add3A_520 = arith.addi %add3A_519, %scan3A_249 : i32
            %get3A_521 = arith.index_cast %add3A_520 : i32 to index
            %get3A_522 = arith.constant 96 : index
            %get3A_523 = tpu.vector_load %arg10[%get3A_521, %get3A_522] {strides = array<i32>} : memref<64x256xf32, #tpu.memory_space<vmem>>, vector<1x16xf32>,
            %get3A_524 = vector.shape_cast %get3A_523 : vector<1x16xf32> to vector<16xf32>
            %mul3A_525 = vector.broadcast %squeeze3A : f32 to vector<16xf32>
            %mul3A_526 = arith.mulf %get3A_524, %mul3A_525 : vector<16xf32>
            %add3A_527 = arith.constant 16 : i32
            %add3A_528 = arith.addi %add3A_527, %scan3A_249 : i32
            %get3A_529 = arith.index_cast %add3A_528 : i32 to index
            %get3A_530 = arith.constant 96 : index
            %get3A_531 = tpu.vector_load %arg10[%get3A_529, %get3A_530] {strides = array<i32>} : memref<64x256xf32, #tpu.memory_space<vmem>>, vector<1x16xf32>,
            %get3A_532 = vector.shape_cast %get3A_531 : vector<1x16xf32> to vector<16xf32>
            %mul3A_533 = vector.broadcast %squeeze3A_263 : f32 to vector<16xf32>
            %mul3A_534 = arith.mulf %get3A_532, %mul3A_533 : vector<16xf32>
            %add3A_535 = arith.addf %mul3A_526, %mul3A_534 : vector<16xf32>
            %add3A_536 = arith.constant 32 : i32
            %add3A_537 = arith.addi %add3A_536, %scan3A_249 : i32
            %get3A_538 = arith.index_cast %add3A_537 : i32 to index
            %get3A_539 = arith.constant 96 : index
            %get3A_540 = tpu.vector_load %arg10[%get3A_538, %get3A_539] {strides = array<i32>} : memref<64x256xf32, #tpu.memory_space<vmem>>, vector<1x16xf32>,
            %get3A_541 = vector.shape_cast %get3A_540 : vector<1x16xf32> to vector<16xf32>
            %mul3A_542 = vector.broadcast %squeeze3A_271 : f32 to vector<16xf32>
            %mul3A_543 = arith.mulf %get3A_541, %mul3A_542 : vector<16xf32>
            %add3A_544 = arith.addf %add3A_535, %mul3A_543 : vector<16xf32>
            %add3A_545 = arith.constant 48 : i32
            %add3A_546 = arith.addi %add3A_545, %scan3A_249 : i32
            %get3A_547 = arith.index_cast %add3A_546 : i32 to index
            %get3A_548 = arith.constant 96 : index
            %get3A_549 = tpu.vector_load %arg10[%get3A_547, %get3A_548] {strides = array<i32>} : memref<64x256xf32, #tpu.memory_space<vmem>>, vector<1x16xf32>,
            %get3A_550 = vector.shape_cast %get3A_549 : vector<1x16xf32> to vector<16xf32>
            %mul3A_551 = vector.broadcast %squeeze3A_279 : f32 to vector<16xf32>
            %mul3A_552 = arith.mulf %get3A_550, %mul3A_551 : vector<16xf32>
            %add3A_553 = arith.addf %add3A_544, %mul3A_552 : vector<16xf32>
            %swap3A_554 = arith.index_cast %scan3A_249 : i32 to index
            %swap3A_555 = arith.constant 96 : index
            %swap3A_556 = tpu.vector_load %arg12[%swap3A_554, %swap3A_555] {strides = array<i32>} : memref<16x256xf32, #tpu.memory_space<vmem>>, vector<1x16xf32>,
            %swap3A_557 = vector.shape_cast %swap3A_556 : vector<1x16xf32> to vector<16xf32>
            %swap3A_558 = vector.shape_cast %add3A_553 : vector<16xf32> to vector<1x16xf32>
            tpu.vector_store %arg12[%swap3A_554, %swap3A_555], %swap3A_558 {strides = array<i32>} : memref<16x256xf32, #tpu.memory_space<vmem>>, vector<1x16xf32>,
            %add3A_559 = arith.constant 0 : i32
            %add3A_560 = arith.addi %add3A_559, %scan3A_249 : i32
            %get3A_561 = arith.index_cast %add3A_560 : i32 to index
            %get3A_562 = arith.constant 112 : index
            %get3A_563 = tpu.vector_load %arg10[%get3A_561, %get3A_562] {strides = array<i32>} : memref<64x256xf32, #tpu.memory_space<vmem>>, vector<1x16xf32>,
            %get3A_564 = vector.shape_cast %get3A_563 : vector<1x16xf32> to vector<16xf32>
            %mul3A_565 = vector.broadcast %squeeze3A : f32 to vector<16xf32>
            %mul3A_566 = arith.mulf %get3A_564, %mul3A_565 : vector<16xf32>
            %add3A_567 = arith.constant 16 : i32
            %add3A_568 = arith.addi %add3A_567, %scan3A_249 : i32
            %get3A_569 = arith.index_cast %add3A_568 : i32 to index
            %get3A_570 = arith.constant 112 : index
            %get3A_571 = tpu.vector_load %arg10[%get3A_569, %get3A_570] {strides = array<i32>} : memref<64x256xf32, #tpu.memory_space<vmem>>, vector<1x16xf32>,
            %get3A_572 = vector.shape_cast %get3A_571 : vector<1x16xf32> to vector<16xf32>
            %mul3A_573 = vector.broadcast %squeeze3A_263 : f32 to vector<16xf32>
            %mul3A_574 = arith.mulf %get3A_572, %mul3A_573 : vector<16xf32>
            %add3A_575 = arith.addf %mul3A_566, %mul3A_574 : vector<16xf32>
            %add3A_576 = arith.constant 32 : i32
            %add3A_577 = arith.addi %add3A_576, %scan3A_249 : i32
            %get3A_578 = arith.index_cast %add3A_577 : i32 to index
            %get3A_579 = arith.constant 112 : index
            %get3A_580 = tpu.vector_load %arg10[%get3A_578, %get3A_579] {strides = array<i32>} : memref<64x256xf32, #tpu.memory_space<vmem>>, vector<1x16xf32>,
            %get3A_581 = vector.shape_cast %get3A_580 : vector<1x16xf32> to vector<16xf32>
            %mul3A_582 = vector.broadcast %squeeze3A_271 : f32 to vector<16xf32>
            %mul3A_583 = arith.mulf %get3A_581, %mul3A_582 : vector<16xf32>
            %add3A_584 = arith.addf %add3A_575, %mul3A_583 : vector<16xf32>
            %add3A_585 = arith.constant 48 : i32
            %add3A_586 = arith.addi %add3A_585, %scan3A_249 : i32
            %get3A_587 = arith.index_cast %add3A_586 : i32 to index
            %get3A_588 = arith.constant 112 : index
            %get3A_589 = tpu.vector_load %arg10[%get3A_587, %get3A_588] {strides = array<i32>} : memref<64x256xf32, #tpu.memory_space<vmem>>, vector<1x16xf32>,
            %get3A_590 = vector.shape_cast %get3A_589 : vector<1x16xf32> to vector<16xf32>
            %mul3A_591 = vector.broadcast %squeeze3A_279 : f32 to vector<16xf32>
            %mul3A_592 = arith.mulf %get3A_590, %mul3A_591 : vector<16xf32>
            %add3A_593 = arith.addf %add3A_584, %mul3A_592 : vector<16xf32>
            %swap3A_594 = arith.index_cast %scan3A_249 : i32 to index
            %swap3A_595 = arith.constant 112 : index
            %swap3A_596 = tpu.vector_load %arg12[%swap3A_594, %swap3A_595] {strides = array<i32>} : memref<16x256xf32, #tpu.memory_space<vmem>>, vector<1x16xf32>,
            %swap3A_597 = vector.shape_cast %swap3A_596 : vector<1x16xf32> to vector<16xf32>
            %swap3A_598 = vector.shape_cast %add3A_593 : vector<16xf32> to vector<1x16xf32>
            tpu.vector_store %arg12[%swap3A_594, %swap3A_595], %swap3A_598 {strides = array<i32>} : memref<16x256xf32, #tpu.memory_space<vmem>>, vector<1x16xf32>,
            %add3A_599 = arith.constant 0 : i32
            %add3A_600 = arith.addi %add3A_599, %scan3A_249 : i32
            %get3A_601 = arith.index_cast %add3A_600 : i32 to index
            %get3A_602 = arith.constant 128 : index
            %get3A_603 = tpu.vector_load %arg10[%get3A_601, %get3A_602] {strides = array<i32>} : memref<64x256xf32, #tpu.memory_space<vmem>>, vector<1x16xf32>,
            %get3A_604 = vector.shape_cast %get3A_603 : vector<1x16xf32> to vector<16xf32>
            %mul3A_605 = vector.broadcast %squeeze3A : f32 to vector<16xf32>
            %mul3A_606 = arith.mulf %get3A_604, %mul3A_605 : vector<16xf32>
            %add3A_607 = arith.constant 16 : i32
            %add3A_608 = arith.addi %add3A_607, %scan3A_249 : i32
            %get3A_609 = arith.index_cast %add3A_608 : i32 to index
            %get3A_610 = arith.constant 128 : index
            %get3A_611 = tpu.vector_load %arg10[%get3A_609, %get3A_610] {strides = array<i32>} : memref<64x256xf32, #tpu.memory_space<vmem>>, vector<1x16xf32>,
            %get3A_612 = vector.shape_cast %get3A_611 : vector<1x16xf32> to vector<16xf32>
            %mul3A_613 = vector.broadcast %squeeze3A_263 : f32 to vector<16xf32>
            %mul3A_614 = arith.mulf %get3A_612, %mul3A_613 : vector<16xf32>
            %add3A_615 = arith.addf %mul3A_606, %mul3A_614 : vector<16xf32>
            %add3A_616 = arith.constant 32 : i32
            %add3A_617 = arith.addi %add3A_616, %scan3A_249 : i32
            %get3A_618 = arith.index_cast %add3A_617 : i32 to index
            %get3A_619 = arith.constant 128 : index
            %get3A_620 = tpu.vector_load %arg10[%get3A_618, %get3A_619] {strides = array<i32>} : memref<64x256xf32, #tpu.memory_space<vmem>>, vector<1x16xf32>,
            %get3A_621 = vector.shape_cast %get3A_620 : vector<1x16xf32> to vector<16xf32>
            %mul3A_622 = vector.broadcast %squeeze3A_271 : f32 to vector<16xf32>
            %mul3A_623 = arith.mulf %get3A_621, %mul3A_622 : vector<16xf32>
            %add3A_624 = arith.addf %add3A_615, %mul3A_623 : vector<16xf32>
            %add3A_625 = arith.constant 48 : i32
            %add3A_626 = arith.addi %add3A_625, %scan3A_249 : i32
            %get3A_627 = arith.index_cast %add3A_626 : i32 to index
            %get3A_628 = arith.constant 128 : index
            %get3A_629 = tpu.vector_load %arg10[%get3A_627, %get3A_628] {strides = array<i32>} : memref<64x256xf32, #tpu.memory_space<vmem>>, vector<1x16xf32>,
            %get3A_630 = vector.shape_cast %get3A_629 : vector<1x16xf32> to vector<16xf32>
            %mul3A_631 = vector.broadcast %squeeze3A_279 : f32 to vector<16xf32>
            %mul3A_632 = arith.mulf %get3A_630, %mul3A_631 : vector<16xf32>
            %add3A_633 = arith.addf %add3A_624, %mul3A_632 : vector<16xf32>
            %swap3A_634 = arith.index_cast %scan3A_249 : i32 to index
            %swap3A_635 = arith.constant 128 : index
            %swap3A_636 = tpu.vector_load %arg12[%swap3A_634, %swap3A_635] {strides = array<i32>} : memref<16x256xf32, #tpu.memory_space<vmem>>, vector<1x16xf32>,
            %swap3A_637 = vector.shape_cast %swap3A_636 : vector<1x16xf32> to vector<16xf32>
            %swap3A_638 = vector.shape_cast %add3A_633 : vector<16xf32> to vector<1x16xf32>
            tpu.vector_store %arg12[%swap3A_634, %swap3A_635], %swap3A_638 {strides = array<i32>} : memref<16x256xf32, #tpu.memory_space<vmem>>, vector<1x16xf32>,
            %add3A_639 = arith.constant 0 : i32
            %add3A_640 = arith.addi %add3A_639, %scan3A_249 : i32
            %get3A_641 = arith.index_cast %add3A_640 : i32 to index
            %get3A_642 = arith.constant 144 : index
            %get3A_643 = tpu.vector_load %arg10[%get3A_641, %get3A_642] {strides = array<i32>} : memref<64x256xf32, #tpu.memory_space<vmem>>, vector<1x16xf32>,
            %get3A_644 = vector.shape_cast %get3A_643 : vector<1x16xf32> to vector<16xf32>
            %mul3A_645 = vector.broadcast %squeeze3A : f32 to vector<16xf32>
            %mul3A_646 = arith.mulf %get3A_644, %mul3A_645 : vector<16xf32>
            %add3A_647 = arith.constant 16 : i32
            %add3A_648 = arith.addi %add3A_647, %scan3A_249 : i32
            %get3A_649 = arith.index_cast %add3A_648 : i32 to index
            %get3A_650 = arith.constant 144 : index
            %get3A_651 = tpu.vector_load %arg10[%get3A_649, %get3A_650] {strides = array<i32>} : memref<64x256xf32, #tpu.memory_space<vmem>>, vector<1x16xf32>,
            %get3A_652 = vector.shape_cast %get3A_651 : vector<1x16xf32> to vector<16xf32>
            %mul3A_653 = vector.broadcast %squeeze3A_263 : f32 to vector<16xf32>
            %mul3A_654 = arith.mulf %get3A_652, %mul3A_653 : vector<16xf32>
            %add3A_655 = arith.addf %mul3A_646, %mul3A_654 : vector<16xf32>
            %add3A_656 = arith.constant 32 : i32
            %add3A_657 = arith.addi %add3A_656, %scan3A_249 : i32
            %get3A_658 = arith.index_cast %add3A_657 : i32 to index
            %get3A_659 = arith.constant 144 : index
            %get3A_660 = tpu.vector_load %arg10[%get3A_658, %get3A_659] {strides = array<i32>} : memref<64x256xf32, #tpu.memory_space<vmem>>, vector<1x16xf32>,
            %get3A_661 = vector.shape_cast %get3A_660 : vector<1x16xf32> to vector<16xf32>
            %mul3A_662 = vector.broadcast %squeeze3A_271 : f32 to vector<16xf32>
            %mul3A_663 = arith.mulf %get3A_661, %mul3A_662 : vector<16xf32>
            %add3A_664 = arith.addf %add3A_655, %mul3A_663 : vector<16xf32>
            %add3A_665 = arith.constant 48 : i32
            %add3A_666 = arith.addi %add3A_665, %scan3A_249 : i32
            %get3A_667 = arith.index_cast %add3A_666 : i32 to index
            %get3A_668 = arith.constant 144 : index
            %get3A_669 = tpu.vector_load %arg10[%get3A_667, %get3A_668] {strides = array<i32>} : memref<64x256xf32, #tpu.memory_space<vmem>>, vector<1x16xf32>,
            %get3A_670 = vector.shape_cast %get3A_669 : vector<1x16xf32> to vector<16xf32>
            %mul3A_671 = vector.broadcast %squeeze3A_279 : f32 to vector<16xf32>
            %mul3A_672 = arith.mulf %get3A_670, %mul3A_671 : vector<16xf32>
            %add3A_673 = arith.addf %add3A_664, %mul3A_672 : vector<16xf32>
            %swap3A_674 = arith.index_cast %scan3A_249 : i32 to index
            %swap3A_675 = arith.constant 144 : index
            %swap3A_676 = tpu.vector_load %arg12[%swap3A_674, %swap3A_675] {strides = array<i32>} : memref<16x256xf32, #tpu.memory_space<vmem>>, vector<1x16xf32>,
            %swap3A_677 = vector.shape_cast %swap3A_676 : vector<1x16xf32> to vector<16xf32>
            %swap3A_678 = vector.shape_cast %add3A_673 : vector<16xf32> to vector<1x16xf32>
            tpu.vector_store %arg12[%swap3A_674, %swap3A_675], %swap3A_678 {strides = array<i32>} : memref<16x256xf32, #tpu.memory_space<vmem>>, vector<1x16xf32>,
            %add3A_679 = arith.constant 0 : i32
            %add3A_680 = arith.addi %add3A_679, %scan3A_249 : i32
            %get3A_681 = arith.index_cast %add3A_680 : i32 to index
            %get3A_682 = arith.constant 160 : index
            %get3A_683 = tpu.vector_load %arg10[%get3A_681, %get3A_682] {strides = array<i32>} : memref<64x256xf32, #tpu.memory_space<vmem>>, vector<1x16xf32>,
            %get3A_684 = vector.shape_cast %get3A_683 : vector<1x16xf32> to vector<16xf32>
            %mul3A_685 = vector.broadcast %squeeze3A : f32 to vector<16xf32>
            %mul3A_686 = arith.mulf %get3A_684, %mul3A_685 : vector<16xf32>
            %add3A_687 = arith.constant 16 : i32
            %add3A_688 = arith.addi %add3A_687, %scan3A_249 : i32
            %get3A_689 = arith.index_cast %add3A_688 : i32 to index
            %get3A_690 = arith.constant 160 : index
            %get3A_691 = tpu.vector_load %arg10[%get3A_689, %get3A_690] {strides = array<i32>} : memref<64x256xf32, #tpu.memory_space<vmem>>, vector<1x16xf32>,
            %get3A_692 = vector.shape_cast %get3A_691 : vector<1x16xf32> to vector<16xf32>
            %mul3A_693 = vector.broadcast %squeeze3A_263 : f32 to vector<16xf32>
            %mul3A_694 = arith.mulf %get3A_692, %mul3A_693 : vector<16xf32>
            %add3A_695 = arith.addf %mul3A_686, %mul3A_694 : vector<16xf32>
            %add3A_696 = arith.constant 32 : i32
            %add3A_697 = arith.addi %add3A_696, %scan3A_249 : i32
            %get3A_698 = arith.index_cast %add3A_697 : i32 to index
            %get3A_699 = arith.constant 160 : index
            %get3A_700 = tpu.vector_load %arg10[%get3A_698, %get3A_699] {strides = array<i32>} : memref<64x256xf32, #tpu.memory_space<vmem>>, vector<1x16xf32>,
            %get3A_701 = vector.shape_cast %get3A_700 : vector<1x16xf32> to vector<16xf32>
            %mul3A_702 = vector.broadcast %squeeze3A_271 : f32 to vector<16xf32>
            %mul3A_703 = arith.mulf %get3A_701, %mul3A_702 : vector<16xf32>
            %add3A_704 = arith.addf %add3A_695, %mul3A_703 : vector<16xf32>
            %add3A_705 = arith.constant 48 : i32
            %add3A_706 = arith.addi %add3A_705, %scan3A_249 : i32
            %get3A_707 = arith.index_cast %add3A_706 : i32 to index
            %get3A_708 = arith.constant 160 : index
            %get3A_709 = tpu.vector_load %arg10[%get3A_707, %get3A_708] {strides = array<i32>} : memref<64x256xf32, #tpu.memory_space<vmem>>, vector<1x16xf32>,
            %get3A_710 = vector.shape_cast %get3A_709 : vector<1x16xf32> to vector<16xf32>
            %mul3A_711 = vector.broadcast %squeeze3A_279 : f32 to vector<16xf32>
            %mul3A_712 = arith.mulf %get3A_710, %mul3A_711 : vector<16xf32>
            %add3A_713 = arith.addf %add3A_704, %mul3A_712 : vector<16xf32>
            %swap3A_714 = arith.index_cast %scan3A_249 : i32 to index
            %swap3A_715 = arith.constant 160 : index
            %swap3A_716 = tpu.vector_load %arg12[%swap3A_714, %swap3A_715] {strides = array<i32>} : memref<16x256xf32, #tpu.memory_space<vmem>>, vector<1x16xf32>,
            %swap3A_717 = vector.shape_cast %swap3A_716 : vector<1x16xf32> to vector<16xf32>
            %swap3A_718 = vector.shape_cast %add3A_713 : vector<16xf32> to vector<1x16xf32>
            tpu.vector_store %arg12[%swap3A_714, %swap3A_715], %swap3A_718 {strides = array<i32>} : memref<16x256xf32, #tpu.memory_space<vmem>>, vector<1x16xf32>,
            %add3A_719 = arith.constant 0 : i32
            %add3A_720 = arith.addi %add3A_719, %scan3A_249 : i32
            %get3A_721 = arith.index_cast %add3A_720 : i32 to index
            %get3A_722 = arith.constant 176 : index
            %get3A_723 = tpu.vector_load %arg10[%get3A_721, %get3A_722] {strides = array<i32>} : memref<64x256xf32, #tpu.memory_space<vmem>>, vector<1x16xf32>,
            %get3A_724 = vector.shape_cast %get3A_723 : vector<1x16xf32> to vector<16xf32>
            %mul3A_725 = vector.broadcast %squeeze3A : f32 to vector<16xf32>
            %mul3A_726 = arith.mulf %get3A_724, %mul3A_725 : vector<16xf32>
            %add3A_727 = arith.constant 16 : i32
            %add3A_728 = arith.addi %add3A_727, %scan3A_249 : i32
            %get3A_729 = arith.index_cast %add3A_728 : i32 to index
            %get3A_730 = arith.constant 176 : index
            %get3A_731 = tpu.vector_load %arg10[%get3A_729, %get3A_730] {strides = array<i32>} : memref<64x256xf32, #tpu.memory_space<vmem>>, vector<1x16xf32>,
            %get3A_732 = vector.shape_cast %get3A_731 : vector<1x16xf32> to vector<16xf32>
            %mul3A_733 = vector.broadcast %squeeze3A_263 : f32 to vector<16xf32>
            %mul3A_734 = arith.mulf %get3A_732, %mul3A_733 : vector<16xf32>
            %add3A_735 = arith.addf %mul3A_726, %mul3A_734 : vector<16xf32>
            %add3A_736 = arith.constant 32 : i32
            %add3A_737 = arith.addi %add3A_736, %scan3A_249 : i32
            %get3A_738 = arith.index_cast %add3A_737 : i32 to index
            %get3A_739 = arith.constant 176 : index
            %get3A_740 = tpu.vector_load %arg10[%get3A_738, %get3A_739] {strides = array<i32>} : memref<64x256xf32, #tpu.memory_space<vmem>>, vector<1x16xf32>,
            %get3A_741 = vector.shape_cast %get3A_740 : vector<1x16xf32> to vector<16xf32>
            %mul3A_742 = vector.broadcast %squeeze3A_271 : f32 to vector<16xf32>
            %mul3A_743 = arith.mulf %get3A_741, %mul3A_742 : vector<16xf32>
            %add3A_744 = arith.addf %add3A_735, %mul3A_743 : vector<16xf32>
            %add3A_745 = arith.constant 48 : i32
            %add3A_746 = arith.addi %add3A_745, %scan3A_249 : i32
            %get3A_747 = arith.index_cast %add3A_746 : i32 to index
            %get3A_748 = arith.constant 176 : index
            %get3A_749 = tpu.vector_load %arg10[%get3A_747, %get3A_748] {strides = array<i32>} : memref<64x256xf32, #tpu.memory_space<vmem>>, vector<1x16xf32>,
            %get3A_750 = vector.shape_cast %get3A_749 : vector<1x16xf32> to vector<16xf32>
            %mul3A_751 = vector.broadcast %squeeze3A_279 : f32 to vector<16xf32>
            %mul3A_752 = arith.mulf %get3A_750, %mul3A_751 : vector<16xf32>
            %add3A_753 = arith.addf %add3A_744, %mul3A_752 : vector<16xf32>
            %swap3A_754 = arith.index_cast %scan3A_249 : i32 to index
            %swap3A_755 = arith.constant 176 : index
            %swap3A_756 = tpu.vector_load %arg12[%swap3A_754, %swap3A_755] {strides = array<i32>} : memref<16x256xf32, #tpu.memory_space<vmem>>, vector<1x16xf32>,
            %swap3A_757 = vector.shape_cast %swap3A_756 : vector<1x16xf32> to vector<16xf32>
            %swap3A_758 = vector.shape_cast %add3A_753 : vector<16xf32> to vector<1x16xf32>
            tpu.vector_store %arg12[%swap3A_754, %swap3A_755], %swap3A_758 {strides = array<i32>} : memref<16x256xf32, #tpu.memory_space<vmem>>, vector<1x16xf32>,
            %add3A_759 = arith.constant 0 : i32
            %add3A_760 = arith.addi %add3A_759, %scan3A_249 : i32
            %get3A_761 = arith.index_cast %add3A_760 : i32 to index
            %get3A_762 = arith.constant 192 : index
            %get3A_763 = tpu.vector_load %arg10[%get3A_761, %get3A_762] {strides = array<i32>} : memref<64x256xf32, #tpu.memory_space<vmem>>, vector<1x16xf32>,
            %get3A_764 = vector.shape_cast %get3A_763 : vector<1x16xf32> to vector<16xf32>
            %mul3A_765 = vector.broadcast %squeeze3A : f32 to vector<16xf32>
            %mul3A_766 = arith.mulf %get3A_764, %mul3A_765 : vector<16xf32>
            %add3A_767 = arith.constant 16 : i32
            %add3A_768 = arith.addi %add3A_767, %scan3A_249 : i32
            %get3A_769 = arith.index_cast %add3A_768 : i32 to index
            %get3A_770 = arith.constant 192 : index
            %get3A_771 = tpu.vector_load %arg10[%get3A_769, %get3A_770] {strides = array<i32>} : memref<64x256xf32, #tpu.memory_space<vmem>>, vector<1x16xf32>,
            %get3A_772 = vector.shape_cast %get3A_771 : vector<1x16xf32> to vector<16xf32>
            %mul3A_773 = vector.broadcast %squeeze3A_263 : f32 to vector<16xf32>
            %mul3A_774 = arith.mulf %get3A_772, %mul3A_773 : vector<16xf32>
            %add3A_775 = arith.addf %mul3A_766, %mul3A_774 : vector<16xf32>
            %add3A_776 = arith.constant 32 : i32
            %add3A_777 = arith.addi %add3A_776, %scan3A_249 : i32
            %get3A_778 = arith.index_cast %add3A_777 : i32 to index
            %get3A_779 = arith.constant 192 : index
            %get3A_780 = tpu.vector_load %arg10[%get3A_778, %get3A_779] {strides = array<i32>} : memref<64x256xf32, #tpu.memory_space<vmem>>, vector<1x16xf32>,
            %get3A_781 = vector.shape_cast %get3A_780 : vector<1x16xf32> to vector<16xf32>
            %mul3A_782 = vector.broadcast %squeeze3A_271 : f32 to vector<16xf32>
            %mul3A_783 = arith.mulf %get3A_781, %mul3A_782 : vector<16xf32>
            %add3A_784 = arith.addf %add3A_775, %mul3A_783 : vector<16xf32>
            %add3A_785 = arith.constant 48 : i32
            %add3A_786 = arith.addi %add3A_785, %scan3A_249 : i32
            %get3A_787 = arith.index_cast %add3A_786 : i32 to index
            %get3A_788 = arith.constant 192 : index
            %get3A_789 = tpu.vector_load %arg10[%get3A_787, %get3A_788] {strides = array<i32>} : memref<64x256xf32, #tpu.memory_space<vmem>>, vector<1x16xf32>,
            %get3A_790 = vector.shape_cast %get3A_789 : vector<1x16xf32> to vector<16xf32>
            %mul3A_791 = vector.broadcast %squeeze3A_279 : f32 to vector<16xf32>
            %mul3A_792 = arith.mulf %get3A_790, %mul3A_791 : vector<16xf32>
            %add3A_793 = arith.addf %add3A_784, %mul3A_792 : vector<16xf32>
            %swap3A_794 = arith.index_cast %scan3A_249 : i32 to index
            %swap3A_795 = arith.constant 192 : index
            %swap3A_796 = tpu.vector_load %arg12[%swap3A_794, %swap3A_795] {strides = array<i32>} : memref<16x256xf32, #tpu.memory_space<vmem>>, vector<1x16xf32>,
            %swap3A_797 = vector.shape_cast %swap3A_796 : vector<1x16xf32> to vector<16xf32>
            %swap3A_798 = vector.shape_cast %add3A_793 : vector<16xf32> to vector<1x16xf32>
            tpu.vector_store %arg12[%swap3A_794, %swap3A_795], %swap3A_798 {strides = array<i32>} : memref<16x256xf32, #tpu.memory_space<vmem>>, vector<1x16xf32>,
            %add3A_799 = arith.constant 0 : i32
            %add3A_800 = arith.addi %add3A_799, %scan3A_249 : i32
            %get3A_801 = arith.index_cast %add3A_800 : i32 to index
            %get3A_802 = arith.constant 208 : index
            %get3A_803 = tpu.vector_load %arg10[%get3A_801, %get3A_802] {strides = array<i32>} : memref<64x256xf32, #tpu.memory_space<vmem>>, vector<1x16xf32>,
            %get3A_804 = vector.shape_cast %get3A_803 : vector<1x16xf32> to vector<16xf32>
            %mul3A_805 = vector.broadcast %squeeze3A : f32 to vector<16xf32>
            %mul3A_806 = arith.mulf %get3A_804, %mul3A_805 : vector<16xf32>
            %add3A_807 = arith.constant 16 : i32
            %add3A_808 = arith.addi %add3A_807, %scan3A_249 : i32
            %get3A_809 = arith.index_cast %add3A_808 : i32 to index
            %get3A_810 = arith.constant 208 : index
            %get3A_811 = tpu.vector_load %arg10[%get3A_809, %get3A_810] {strides = array<i32>} : memref<64x256xf32, #tpu.memory_space<vmem>>, vector<1x16xf32>,
            %get3A_812 = vector.shape_cast %get3A_811 : vector<1x16xf32> to vector<16xf32>
            %mul3A_813 = vector.broadcast %squeeze3A_263 : f32 to vector<16xf32>
            %mul3A_814 = arith.mulf %get3A_812, %mul3A_813 : vector<16xf32>
            %add3A_815 = arith.addf %mul3A_806, %mul3A_814 : vector<16xf32>
            %add3A_816 = arith.constant 32 : i32
            %add3A_817 = arith.addi %add3A_816, %scan3A_249 : i32
            %get3A_818 = arith.index_cast %add3A_817 : i32 to index
            %get3A_819 = arith.constant 208 : index
            %get3A_820 = tpu.vector_load %arg10[%get3A_818, %get3A_819] {strides = array<i32>} : memref<64x256xf32, #tpu.memory_space<vmem>>, vector<1x16xf32>,
            %get3A_821 = vector.shape_cast %get3A_820 : vector<1x16xf32> to vector<16xf32>
            %mul3A_822 = vector.broadcast %squeeze3A_271 : f32 to vector<16xf32>
            %mul3A_823 = arith.mulf %get3A_821, %mul3A_822 : vector<16xf32>
            %add3A_824 = arith.addf %add3A_815, %mul3A_823 : vector<16xf32>
            %add3A_825 = arith.constant 48 : i32
            %add3A_826 = arith.addi %add3A_825, %scan3A_249 : i32
            %get3A_827 = arith.index_cast %add3A_826 : i32 to index
            %get3A_828 = arith.constant 208 : index
            %get3A_829 = tpu.vector_load %arg10[%get3A_827, %get3A_828] {strides = array<i32>} : memref<64x256xf32, #tpu.memory_space<vmem>>, vector<1x16xf32>,
            %get3A_830 = vector.shape_cast %get3A_829 : vector<1x16xf32> to vector<16xf32>
            %mul3A_831 = vector.broadcast %squeeze3A_279 : f32 to vector<16xf32>
            %mul3A_832 = arith.mulf %get3A_830, %mul3A_831 : vector<16xf32>
            %add3A_833 = arith.addf %add3A_824, %mul3A_832 : vector<16xf32>
            %swap3A_834 = arith.index_cast %scan3A_249 : i32 to index
            %swap3A_835 = arith.constant 208 : index
            %swap3A_836 = tpu.vector_load %arg12[%swap3A_834, %swap3A_835] {strides = array<i32>} : memref<16x256xf32, #tpu.memory_space<vmem>>, vector<1x16xf32>,
            %swap3A_837 = vector.shape_cast %swap3A_836 : vector<1x16xf32> to vector<16xf32>
            %swap3A_838 = vector.shape_cast %add3A_833 : vector<16xf32> to vector<1x16xf32>
            tpu.vector_store %arg12[%swap3A_834, %swap3A_835], %swap3A_838 {strides = array<i32>} : memref<16x256xf32, #tpu.memory_space<vmem>>, vector<1x16xf32>,
            %add3A_839 = arith.constant 0 : i32
            %add3A_840 = arith.addi %add3A_839, %scan3A_249 : i32
            %get3A_841 = arith.index_cast %add3A_840 : i32 to index
            %get3A_842 = arith.constant 224 : index
            %get3A_843 = tpu.vector_load %arg10[%get3A_841, %get3A_842] {strides = array<i32>} : memref<64x256xf32, #tpu.memory_space<vmem>>, vector<1x16xf32>,
            %get3A_844 = vector.shape_cast %get3A_843 : vector<1x16xf32> to vector<16xf32>
            %mul3A_845 = vector.broadcast %squeeze3A : f32 to vector<16xf32>
            %mul3A_846 = arith.mulf %get3A_844, %mul3A_845 : vector<16xf32>
            %add3A_847 = arith.constant 16 : i32
            %add3A_848 = arith.addi %add3A_847, %scan3A_249 : i32
            %get3A_849 = arith.index_cast %add3A_848 : i32 to index
            %get3A_850 = arith.constant 224 : index
            %get3A_851 = tpu.vector_load %arg10[%get3A_849, %get3A_850] {strides = array<i32>} : memref<64x256xf32, #tpu.memory_space<vmem>>, vector<1x16xf32>,
            %get3A_852 = vector.shape_cast %get3A_851 : vector<1x16xf32> to vector<16xf32>
            %mul3A_853 = vector.broadcast %squeeze3A_263 : f32 to vector<16xf32>
            %mul3A_854 = arith.mulf %get3A_852, %mul3A_853 : vector<16xf32>
            %add3A_855 = arith.addf %mul3A_846, %mul3A_854 : vector<16xf32>
            %add3A_856 = arith.constant 32 : i32
            %add3A_857 = arith.addi %add3A_856, %scan3A_249 : i32
            %get3A_858 = arith.index_cast %add3A_857 : i32 to index
            %get3A_859 = arith.constant 224 : index
            %get3A_860 = tpu.vector_load %arg10[%get3A_858, %get3A_859] {strides = array<i32>} : memref<64x256xf32, #tpu.memory_space<vmem>>, vector<1x16xf32>,
            %get3A_861 = vector.shape_cast %get3A_860 : vector<1x16xf32> to vector<16xf32>
            %mul3A_862 = vector.broadcast %squeeze3A_271 : f32 to vector<16xf32>
            %mul3A_863 = arith.mulf %get3A_861, %mul3A_862 : vector<16xf32>
            %add3A_864 = arith.addf %add3A_855, %mul3A_863 : vector<16xf32>
            %add3A_865 = arith.constant 48 : i32
            %add3A_866 = arith.addi %add3A_865, %scan3A_249 : i32
            %get3A_867 = arith.index_cast %add3A_866 : i32 to index
            %get3A_868 = arith.constant 224 : index
            %get3A_869 = tpu.vector_load %arg10[%get3A_867, %get3A_868] {strides = array<i32>} : memref<64x256xf32, #tpu.memory_space<vmem>>, vector<1x16xf32>,
            %get3A_870 = vector.shape_cast %get3A_869 : vector<1x16xf32> to vector<16xf32>
            %mul3A_871 = vector.broadcast %squeeze3A_279 : f32 to vector<16xf32>
            %mul3A_872 = arith.mulf %get3A_870, %mul3A_871 : vector<16xf32>
            %add3A_873 = arith.addf %add3A_864, %mul3A_872 : vector<16xf32>
            %swap3A_874 = arith.index_cast %scan3A_249 : i32 to index
            %swap3A_875 = arith.constant 224 : index
            %swap3A_876 = tpu.vector_load %arg12[%swap3A_874, %swap3A_875] {strides = array<i32>} : memref<16x256xf32, #tpu.memory_space<vmem>>, vector<1x16xf32>,
            %swap3A_877 = vector.shape_cast %swap3A_876 : vector<1x16xf32> to vector<16xf32>
            %swap3A_878 = vector.shape_cast %add3A_873 : vector<16xf32> to vector<1x16xf32>
            tpu.vector_store %arg12[%swap3A_874, %swap3A_875], %swap3A_878 {strides = array<i32>} : memref<16x256xf32, #tpu.memory_space<vmem>>, vector<1x16xf32>,
            %add3A_879 = arith.constant 0 : i32
            %add3A_880 = arith.addi %add3A_879, %scan3A_249 : i32
            %get3A_881 = arith.index_cast %add3A_880 : i32 to index
            %get3A_882 = arith.constant 240 : index
            %get3A_883 = tpu.vector_load %arg10[%get3A_881, %get3A_882] {strides = array<i32>} : memref<64x256xf32, #tpu.memory_space<vmem>>, vector<1x16xf32>,
            %get3A_884 = vector.shape_cast %get3A_883 : vector<1x16xf32> to vector<16xf32>
            %mul3A_885 = vector.broadcast %squeeze3A : f32 to vector<16xf32>
            %mul3A_886 = arith.mulf %get3A_884, %mul3A_885 : vector<16xf32>
            %add3A_887 = arith.constant 16 : i32
            %add3A_888 = arith.addi %add3A_887, %scan3A_249 : i32
            %get3A_889 = arith.index_cast %add3A_888 : i32 to index
            %get3A_890 = arith.constant 240 : index
            %get3A_891 = tpu.vector_load %arg10[%get3A_889, %get3A_890] {strides = array<i32>} : memref<64x256xf32, #tpu.memory_space<vmem>>, vector<1x16xf32>,
            %get3A_892 = vector.shape_cast %get3A_891 : vector<1x16xf32> to vector<16xf32>
            %mul3A_893 = vector.broadcast %squeeze3A_263 : f32 to vector<16xf32>
            %mul3A_894 = arith.mulf %get3A_892, %mul3A_893 : vector<16xf32>
            %add3A_895 = arith.addf %mul3A_886, %mul3A_894 : vector<16xf32>
            %add3A_896 = arith.constant 32 : i32
            %add3A_897 = arith.addi %add3A_896, %scan3A_249 : i32
            %get3A_898 = arith.index_cast %add3A_897 : i32 to index
            %get3A_899 = arith.constant 240 : index
            %get3A_900 = tpu.vector_load %arg10[%get3A_898, %get3A_899] {strides = array<i32>} : memref<64x256xf32, #tpu.memory_space<vmem>>, vector<1x16xf32>,
            %get3A_901 = vector.shape_cast %get3A_900 : vector<1x16xf32> to vector<16xf32>
            %mul3A_902 = vector.broadcast %squeeze3A_271 : f32 to vector<16xf32>
            %mul3A_903 = arith.mulf %get3A_901, %mul3A_902 : vector<16xf32>
            %add3A_904 = arith.addf %add3A_895, %mul3A_903 : vector<16xf32>
            %add3A_905 = arith.constant 48 : i32
            %add3A_906 = arith.addi %add3A_905, %scan3A_249 : i32
            %get3A_907 = arith.index_cast %add3A_906 : i32 to index
            %get3A_908 = arith.constant 240 : index
            %get3A_909 = tpu.vector_load %arg10[%get3A_907, %get3A_908] {strides = array<i32>} : memref<64x256xf32, #tpu.memory_space<vmem>>, vector<1x16xf32>,
            %get3A_910 = vector.shape_cast %get3A_909 : vector<1x16xf32> to vector<16xf32>
            %mul3A_911 = vector.broadcast %squeeze3A_279 : f32 to vector<16xf32>
            %mul3A_912 = arith.mulf %get3A_910, %mul3A_911 : vector<16xf32>
            %add3A_913 = arith.addf %add3A_904, %mul3A_912 : vector<16xf32>
            %swap3A_914 = arith.index_cast %scan3A_249 : i32 to index
            %swap3A_915 = arith.constant 240 : index
            %swap3A_916 = tpu.vector_load %arg12[%swap3A_914, %swap3A_915] {strides = array<i32>} : memref<16x256xf32, #tpu.memory_space<vmem>>, vector<1x16xf32>,
            %swap3A_917 = vector.shape_cast %swap3A_916 : vector<1x16xf32> to vector<16xf32>
            %swap3A_918 = vector.shape_cast %add3A_913 : vector<16xf32> to vector<1x16xf32>
            tpu.vector_store %arg12[%swap3A_914, %swap3A_915], %swap3A_918 {strides = array<i32>} : memref<16x256xf32, #tpu.memory_space<vmem>>, vector<1x16xf32>,
          }
          %scan3A_238 = arith.constant 16 : i32
          %mul3A_239 = arith.constant 5120 : i32
          %mul3A_240 = arith.muli %scan3A_151, %mul3A_239 : i32
          %add3A_241 = arith.addi %mul3A_240, %mul3A_2 : i32
          %mul3A_242 = arith.constant 16 : i32
          %mul3A_243 = arith.muli %scan3A_8, %mul3A_242 : i32
          %add3A_244 = arith.addi %add3A_241, %mul3A_243 : i32
          %dma_start3A_245 = arith.constant 0 : i32
          %dma_start3A_246 = tpu.memref_slice %arg4[%add3A_244, %dma_start3A_245] : memref<250880x256xf32, #tpu.memory_space<hbm>> -> memref<16x256xf32, #tpu.memory_space<hbm>>
          %dma_start3A_247 = arith.constant 0 : i32
          %dma_start3A_248 = tpu.memref_slice %arg4[%add3A_244, %dma_start3A_247] : memref<250880x256xf32, #tpu.memory_space<hbm>> -> memref<16x256xf32, #tpu.memory_space<hbm>>
          tpu.enqueue_dma source(%arg12 : memref<16x256xf32, #tpu.memory_space<vmem>>) target(%dma_start3A_248 : memref<16x256xf32, #tpu.memory_space<hbm>>) target_semaphore(%arg18 : memref<!tpu.dma_semaphore, #tpu.memory_space<semaphore_mem>>)
        } else {
        }
        %eq3A_207 = arith.constant 3 : i32
        %eq3A_208 = arith.cmpi eq, %select_n3A_162, %eq3A_207 : i32
        %add3A_209 = arith.constant 3 : i32
        %add3A_210 = arith.addi %scan3A_151, %add3A_209 : i32
        %lt3A_211 = arith.constant 49 : i32
        %lt3A_212 = arith.cmpi slt, %add3A_210, %lt3A_211 : i32
        %and3A_213 = arith.andi %eq3A_208, %lt3A_212 : i1
        %convert_element_type3A_214 = arith.extui %and3A_213 : i1 to i32
        %cond3A_215 = arith.constant 0 : i32
        %cond3A_216 = arith.cmpi ne, %convert_element_type3A_214, %cond3A_215 : i32
        scf.if %cond3A_216 {
          %add3A_222 = arith.constant 3 : i32
          %add3A_223 = arith.addi %scan3A_151, %add3A_222 : i32
          %mul3A_224 = arith.constant 64 : i32
          %mul3A_225 = arith.muli %add3A_223, %mul3A_224 : i32
          %dma_start3A_226 = tpu.memref_slice %arg6[%mul3A_225] : memref<3200xi32, #tpu.memory_space<vmem>> -> memref<64xi32, #tpu.memory_space<vmem>>
          %dma_start3A_227 = arith.constant 0 : i32
          %dma_start3A_228 = arith.constant 0 : i32
          %dma_start3A_229 = tpu.memref_slice %arg2[%dma_start3A_227, %dma_start3A_228] : memref<106250x256xf32, #tpu.memory_space<hbm>> -> memref<106250x256xf32, #tpu.memory_space<hbm>>
          tpu.enqueue_indirect_dma source(%dma_start3A_229 : memref<106250x256xf32, #tpu.memory_space<hbm>>) target(%arg10 : memref<64x256xf32, #tpu.memory_space<vmem>>) offsets(%dma_start3A_226 : memref<64xi32, #tpu.memory_space<vmem>>) semaphore(%arg16 : memref<!tpu.dma_semaphore, #tpu.memory_space<semaphore_mem>>)
        } else {
        }
        %eq3A_217 = arith.constant 3 : i32
        %eq3A_218 = arith.cmpi eq, %select_n3A_162, %eq3A_217 : i32
        %convert_element_type3A_219 = arith.extui %eq3A_218 : i1 to i32
        %cond3A_220 = arith.constant 0 : i32
        %cond3A_221 = arith.cmpi ne, %convert_element_type3A_219, %cond3A_220 : i32
        scf.if %cond3A_221 {
          %mul3A_222 = arith.constant 64 : i32
          %mul3A_223 = arith.muli %scan3A_151, %mul3A_222 : i32
          %dma_wait3A_224 = tpu.memref_slice %arg6[%mul3A_223] : memref<3200xi32, #tpu.memory_space<vmem>> -> memref<64xi32, #tpu.memory_space<vmem>>
          %dma_wait3A_225 = arith.constant 0 : i32
          %dma_wait3A_226 = arith.constant 0 : i32
          %dma_wait3A_227 = tpu.memref_slice %arg2[%dma_wait3A_225, %dma_wait3A_226] : memref<106250x256xf32, #tpu.memory_space<hbm>> -> memref<106250x256xf32, #tpu.memory_space<hbm>>
          tpu.wait_indirect_dma semaphore(%arg17 : memref<!tpu.dma_semaphore, #tpu.memory_space<semaphore_mem>>) src(%dma_wait3A_227 : memref<106250x256xf32, #tpu.memory_space<hbm>>) dst(%arg11 : memref<64x256xf32, #tpu.memory_space<vmem>>)
          %ge3A_228 = arith.constant 2 : i32
          %ge3A_229 = arith.cmpi sge, %scan3A_151, %ge3A_228 : i32
          %convert_element_type3A_230 = arith.extui %ge3A_229 : i1 to i32
          %cond3A_231 = arith.constant 0 : i32
          %cond3A_232 = arith.cmpi ne, %convert_element_type3A_230, %cond3A_231 : i32
          scf.if %cond3A_232 {
            %sub3A_249 = arith.constant 2 : i32
            %sub3A_250 = arith.subi %scan3A_151, %sub3A_249 : i32
            %mul3A_251 = arith.constant 5120 : i32
            %mul3A_252 = arith.muli %sub3A_250, %mul3A_251 : i32
            %add3A_253 = arith.addi %mul3A_252, %mul3A_2 : i32
            %mul3A_254 = arith.constant 16 : i32
            %mul3A_255 = arith.muli %scan3A_8, %mul3A_254 : i32
            %add3A_256 = arith.addi %add3A_253, %mul3A_255 : i32
            %dma_wait3A_257 = arith.constant 0 : i32
            %dma_wait3A_258 = tpu.memref_slice %arg4[%add3A_256, %dma_wait3A_257] : memref<250880x256xf32, #tpu.memory_space<hbm>> -> memref<16x256xf32, #tpu.memory_space<hbm>>
            %dma_wait3A_259 = arith.constant 0 : i32
            %dma_wait3A_260 = tpu.memref_slice %arg4[%add3A_256, %dma_wait3A_259] : memref<250880x256xf32, #tpu.memory_space<hbm>> -> memref<16x256xf32, #tpu.memory_space<hbm>>
            tpu.wait_dma2 semaphore(%arg19 : memref<!tpu.dma_semaphore, #tpu.memory_space<semaphore_mem>>) src(%arg13 : memref<16x256xf32, #tpu.memory_space<vmem>>) dst(%dma_wait3A_260 : memref<16x256xf32, #tpu.memory_space<hbm>>)
          } else {
          }
          %scan3A_233 = arith.constant 0 : i32
          %scan3A_234 = arith.constant 0 : i32
          %scan3A_235 = arith.constant 16 : i32
          %scan3A_236 = arith.addi %scan3A_234, %scan3A_235 : i32
          %scan3A_237 = arith.constant 1 : i32
          scf.for %scan3A_249 = %scan3A_234 to %scan3A_236 step %scan3A_237  : i32 {
            %get3A_250 = arith.constant 0 : i32
            %get3A_251 = arith.index_cast %scan3A_151 : i32 to index
            %get3A_252 = arith.index_cast %get3A_250 : i32 to index
            %get3A_253 = arith.index_cast %scan3A_249 : i32 to index
            %get3A_254 = tpu.vector_load %arg7[%get3A_251, %get3A_252, %get3A_253] {strides = array<i32>} : memref<50x4x32xf32, #tpu.memory_space<vmem>>, vector<1x1x16xf32>,
            %get3A_255 = vector.shape_cast %get3A_254 : vector<1x1x16xf32> to vector<16xf32>
            %slice3A = vector.extract_strided_slice %get3A_255 {offsets = [0], sizes = [1], strides = [1]} : vector<16xf32> to vector<1xf32>
            %squeeze3A = vector.extract %slice3A[0] : f32 from vector<1xf32>
            %get3A_256 = arith.constant 1 : i32
            %get3A_257 = arith.index_cast %scan3A_151 : i32 to index
            %get3A_258 = arith.index_cast %get3A_256 : i32 to index
            %get3A_259 = arith.index_cast %scan3A_249 : i32 to index
            %get3A_260 = tpu.vector_load %arg7[%get3A_257, %get3A_258, %get3A_259] {strides = array<i32>} : memref<50x4x32xf32, #tpu.memory_space<vmem>>, vector<1x1x16xf32>,
            %get3A_261 = vector.shape_cast %get3A_260 : vector<1x1x16xf32> to vector<16xf32>
            %slice3A_262 = vector.extract_strided_slice %get3A_261 {offsets = [0], sizes = [1], strides = [1]} : vector<16xf32> to vector<1xf32>
            %squeeze3A_263 = vector.extract %slice3A_262[0] : f32 from vector<1xf32>
            %get3A_264 = arith.constant 2 : i32
            %get3A_265 = arith.index_cast %scan3A_151 : i32 to index
            %get3A_266 = arith.index_cast %get3A_264 : i32 to index
            %get3A_267 = arith.index_cast %scan3A_249 : i32 to index
            %get3A_268 = tpu.vector_load %arg7[%get3A_265, %get3A_266, %get3A_267] {strides = array<i32>} : memref<50x4x32xf32, #tpu.memory_space<vmem>>, vector<1x1x16xf32>,
            %get3A_269 = vector.shape_cast %get3A_268 : vector<1x1x16xf32> to vector<16xf32>
            %slice3A_270 = vector.extract_strided_slice %get3A_269 {offsets = [0], sizes = [1], strides = [1]} : vector<16xf32> to vector<1xf32>
            %squeeze3A_271 = vector.extract %slice3A_270[0] : f32 from vector<1xf32>
            %get3A_272 = arith.constant 3 : i32
            %get3A_273 = arith.index_cast %scan3A_151 : i32 to index
            %get3A_274 = arith.index_cast %get3A_272 : i32 to index
            %get3A_275 = arith.index_cast %scan3A_249 : i32 to index
            %get3A_276 = tpu.vector_load %arg7[%get3A_273, %get3A_274, %get3A_275] {strides = array<i32>} : memref<50x4x32xf32, #tpu.memory_space<vmem>>, vector<1x1x16xf32>,
            %get3A_277 = vector.shape_cast %get3A_276 : vector<1x1x16xf32> to vector<16xf32>
            %slice3A_278 = vector.extract_strided_slice %get3A_277 {offsets = [0], sizes = [1], strides = [1]} : vector<16xf32> to vector<1xf32>
            %squeeze3A_279 = vector.extract %slice3A_278[0] : f32 from vector<1xf32>
            %add3A_280 = arith.constant 0 : i32
            %add3A_281 = arith.addi %add3A_280, %scan3A_249 : i32
            %get3A_282 = arith.index_cast %add3A_281 : i32 to index
            %get3A_283 = arith.constant 0 : index
            %get3A_284 = tpu.vector_load %arg11[%get3A_282, %get3A_283] {strides = array<i32>} : memref<64x256xf32, #tpu.memory_space<vmem>>, vector<1x16xf32>,
            %get3A_285 = vector.shape_cast %get3A_284 : vector<1x16xf32> to vector<16xf32>
            %mul3A_286 = vector.broadcast %squeeze3A : f32 to vector<16xf32>
            %mul3A_287 = arith.mulf %get3A_285, %mul3A_286 : vector<16xf32>
            %add3A_288 = arith.constant 16 : i32
            %add3A_289 = arith.addi %add3A_288, %scan3A_249 : i32
            %get3A_290 = arith.index_cast %add3A_289 : i32 to index
            %get3A_291 = arith.constant 0 : index
            %get3A_292 = tpu.vector_load %arg11[%get3A_290, %get3A_291] {strides = array<i32>} : memref<64x256xf32, #tpu.memory_space<vmem>>, vector<1x16xf32>,
            %get3A_293 = vector.shape_cast %get3A_292 : vector<1x16xf32> to vector<16xf32>
            %mul3A_294 = vector.broadcast %squeeze3A_263 : f32 to vector<16xf32>
            %mul3A_295 = arith.mulf %get3A_293, %mul3A_294 : vector<16xf32>
            %add3A_296 = arith.addf %mul3A_287, %mul3A_295 : vector<16xf32>
            %add3A_297 = arith.constant 32 : i32
            %add3A_298 = arith.addi %add3A_297, %scan3A_249 : i32
            %get3A_299 = arith.index_cast %add3A_298 : i32 to index
            %get3A_300 = arith.constant 0 : index
            %get3A_301 = tpu.vector_load %arg11[%get3A_299, %get3A_300] {strides = array<i32>} : memref<64x256xf32, #tpu.memory_space<vmem>>, vector<1x16xf32>,
            %get3A_302 = vector.shape_cast %get3A_301 : vector<1x16xf32> to vector<16xf32>
            %mul3A_303 = vector.broadcast %squeeze3A_271 : f32 to vector<16xf32>
            %mul3A_304 = arith.mulf %get3A_302, %mul3A_303 : vector<16xf32>
            %add3A_305 = arith.addf %add3A_296, %mul3A_304 : vector<16xf32>
            %add3A_306 = arith.constant 48 : i32
            %add3A_307 = arith.addi %add3A_306, %scan3A_249 : i32
            %get3A_308 = arith.index_cast %add3A_307 : i32 to index
            %get3A_309 = arith.constant 0 : index
            %get3A_310 = tpu.vector_load %arg11[%get3A_308, %get3A_309] {strides = array<i32>} : memref<64x256xf32, #tpu.memory_space<vmem>>, vector<1x16xf32>,
            %get3A_311 = vector.shape_cast %get3A_310 : vector<1x16xf32> to vector<16xf32>
            %mul3A_312 = vector.broadcast %squeeze3A_279 : f32 to vector<16xf32>
            %mul3A_313 = arith.mulf %get3A_311, %mul3A_312 : vector<16xf32>
            %add3A_314 = arith.addf %add3A_305, %mul3A_313 : vector<16xf32>
            %swap3A = arith.index_cast %scan3A_249 : i32 to index
            %swap3A_315 = arith.constant 0 : index
            %swap3A_316 = tpu.vector_load %arg13[%swap3A, %swap3A_315] {strides = array<i32>} : memref<16x256xf32, #tpu.memory_space<vmem>>, vector<1x16xf32>,
            %swap3A_317 = vector.shape_cast %swap3A_316 : vector<1x16xf32> to vector<16xf32>
            %swap3A_318 = vector.shape_cast %add3A_314 : vector<16xf32> to vector<1x16xf32>
            tpu.vector_store %arg13[%swap3A, %swap3A_315], %swap3A_318 {strides = array<i32>} : memref<16x256xf32, #tpu.memory_space<vmem>>, vector<1x16xf32>,
            %add3A_319 = arith.constant 0 : i32
            %add3A_320 = arith.addi %add3A_319, %scan3A_249 : i32
            %get3A_321 = arith.index_cast %add3A_320 : i32 to index
            %get3A_322 = arith.constant 16 : index
            %get3A_323 = tpu.vector_load %arg11[%get3A_321, %get3A_322] {strides = array<i32>} : memref<64x256xf32, #tpu.memory_space<vmem>>, vector<1x16xf32>,
            %get3A_324 = vector.shape_cast %get3A_323 : vector<1x16xf32> to vector<16xf32>
            %mul3A_325 = vector.broadcast %squeeze3A : f32 to vector<16xf32>
            %mul3A_326 = arith.mulf %get3A_324, %mul3A_325 : vector<16xf32>
            %add3A_327 = arith.constant 16 : i32
            %add3A_328 = arith.addi %add3A_327, %scan3A_249 : i32
            %get3A_329 = arith.index_cast %add3A_328 : i32 to index
            %get3A_330 = arith.constant 16 : index
            %get3A_331 = tpu.vector_load %arg11[%get3A_329, %get3A_330] {strides = array<i32>} : memref<64x256xf32, #tpu.memory_space<vmem>>, vector<1x16xf32>,
            %get3A_332 = vector.shape_cast %get3A_331 : vector<1x16xf32> to vector<16xf32>
            %mul3A_333 = vector.broadcast %squeeze3A_263 : f32 to vector<16xf32>
            %mul3A_334 = arith.mulf %get3A_332, %mul3A_333 : vector<16xf32>
            %add3A_335 = arith.addf %mul3A_326, %mul3A_334 : vector<16xf32>
            %add3A_336 = arith.constant 32 : i32
            %add3A_337 = arith.addi %add3A_336, %scan3A_249 : i32
            %get3A_338 = arith.index_cast %add3A_337 : i32 to index
            %get3A_339 = arith.constant 16 : index
            %get3A_340 = tpu.vector_load %arg11[%get3A_338, %get3A_339] {strides = array<i32>} : memref<64x256xf32, #tpu.memory_space<vmem>>, vector<1x16xf32>,
            %get3A_341 = vector.shape_cast %get3A_340 : vector<1x16xf32> to vector<16xf32>
            %mul3A_342 = vector.broadcast %squeeze3A_271 : f32 to vector<16xf32>
            %mul3A_343 = arith.mulf %get3A_341, %mul3A_342 : vector<16xf32>
            %add3A_344 = arith.addf %add3A_335, %mul3A_343 : vector<16xf32>
            %add3A_345 = arith.constant 48 : i32
            %add3A_346 = arith.addi %add3A_345, %scan3A_249 : i32
            %get3A_347 = arith.index_cast %add3A_346 : i32 to index
            %get3A_348 = arith.constant 16 : index
            %get3A_349 = tpu.vector_load %arg11[%get3A_347, %get3A_348] {strides = array<i32>} : memref<64x256xf32, #tpu.memory_space<vmem>>, vector<1x16xf32>,
            %get3A_350 = vector.shape_cast %get3A_349 : vector<1x16xf32> to vector<16xf32>
            %mul3A_351 = vector.broadcast %squeeze3A_279 : f32 to vector<16xf32>
            %mul3A_352 = arith.mulf %get3A_350, %mul3A_351 : vector<16xf32>
            %add3A_353 = arith.addf %add3A_344, %mul3A_352 : vector<16xf32>
            %swap3A_354 = arith.index_cast %scan3A_249 : i32 to index
            %swap3A_355 = arith.constant 16 : index
            %swap3A_356 = tpu.vector_load %arg13[%swap3A_354, %swap3A_355] {strides = array<i32>} : memref<16x256xf32, #tpu.memory_space<vmem>>, vector<1x16xf32>,
            %swap3A_357 = vector.shape_cast %swap3A_356 : vector<1x16xf32> to vector<16xf32>
            %swap3A_358 = vector.shape_cast %add3A_353 : vector<16xf32> to vector<1x16xf32>
            tpu.vector_store %arg13[%swap3A_354, %swap3A_355], %swap3A_358 {strides = array<i32>} : memref<16x256xf32, #tpu.memory_space<vmem>>, vector<1x16xf32>,
            %add3A_359 = arith.constant 0 : i32
            %add3A_360 = arith.addi %add3A_359, %scan3A_249 : i32
            %get3A_361 = arith.index_cast %add3A_360 : i32 to index
            %get3A_362 = arith.constant 32 : index
            %get3A_363 = tpu.vector_load %arg11[%get3A_361, %get3A_362] {strides = array<i32>} : memref<64x256xf32, #tpu.memory_space<vmem>>, vector<1x16xf32>,
            %get3A_364 = vector.shape_cast %get3A_363 : vector<1x16xf32> to vector<16xf32>
            %mul3A_365 = vector.broadcast %squeeze3A : f32 to vector<16xf32>
            %mul3A_366 = arith.mulf %get3A_364, %mul3A_365 : vector<16xf32>
            %add3A_367 = arith.constant 16 : i32
            %add3A_368 = arith.addi %add3A_367, %scan3A_249 : i32
            %get3A_369 = arith.index_cast %add3A_368 : i32 to index
            %get3A_370 = arith.constant 32 : index
            %get3A_371 = tpu.vector_load %arg11[%get3A_369, %get3A_370] {strides = array<i32>} : memref<64x256xf32, #tpu.memory_space<vmem>>, vector<1x16xf32>,
            %get3A_372 = vector.shape_cast %get3A_371 : vector<1x16xf32> to vector<16xf32>
            %mul3A_373 = vector.broadcast %squeeze3A_263 : f32 to vector<16xf32>
            %mul3A_374 = arith.mulf %get3A_372, %mul3A_373 : vector<16xf32>
            %add3A_375 = arith.addf %mul3A_366, %mul3A_374 : vector<16xf32>
            %add3A_376 = arith.constant 32 : i32
            %add3A_377 = arith.addi %add3A_376, %scan3A_249 : i32
            %get3A_378 = arith.index_cast %add3A_377 : i32 to index
            %get3A_379 = arith.constant 32 : index
            %get3A_380 = tpu.vector_load %arg11[%get3A_378, %get3A_379] {strides = array<i32>} : memref<64x256xf32, #tpu.memory_space<vmem>>, vector<1x16xf32>,
            %get3A_381 = vector.shape_cast %get3A_380 : vector<1x16xf32> to vector<16xf32>
            %mul3A_382 = vector.broadcast %squeeze3A_271 : f32 to vector<16xf32>
            %mul3A_383 = arith.mulf %get3A_381, %mul3A_382 : vector<16xf32>
            %add3A_384 = arith.addf %add3A_375, %mul3A_383 : vector<16xf32>
            %add3A_385 = arith.constant 48 : i32
            %add3A_386 = arith.addi %add3A_385, %scan3A_249 : i32
            %get3A_387 = arith.index_cast %add3A_386 : i32 to index
            %get3A_388 = arith.constant 32 : index
            %get3A_389 = tpu.vector_load %arg11[%get3A_387, %get3A_388] {strides = array<i32>} : memref<64x256xf32, #tpu.memory_space<vmem>>, vector<1x16xf32>,
            %get3A_390 = vector.shape_cast %get3A_389 : vector<1x16xf32> to vector<16xf32>
            %mul3A_391 = vector.broadcast %squeeze3A_279 : f32 to vector<16xf32>
            %mul3A_392 = arith.mulf %get3A_390, %mul3A_391 : vector<16xf32>
            %add3A_393 = arith.addf %add3A_384, %mul3A_392 : vector<16xf32>
            %swap3A_394 = arith.index_cast %scan3A_249 : i32 to index
            %swap3A_395 = arith.constant 32 : index
            %swap3A_396 = tpu.vector_load %arg13[%swap3A_394, %swap3A_395] {strides = array<i32>} : memref<16x256xf32, #tpu.memory_space<vmem>>, vector<1x16xf32>,
            %swap3A_397 = vector.shape_cast %swap3A_396 : vector<1x16xf32> to vector<16xf32>
            %swap3A_398 = vector.shape_cast %add3A_393 : vector<16xf32> to vector<1x16xf32>
            tpu.vector_store %arg13[%swap3A_394, %swap3A_395], %swap3A_398 {strides = array<i32>} : memref<16x256xf32, #tpu.memory_space<vmem>>, vector<1x16xf32>,
            %add3A_399 = arith.constant 0 : i32
            %add3A_400 = arith.addi %add3A_399, %scan3A_249 : i32
            %get3A_401 = arith.index_cast %add3A_400 : i32 to index
            %get3A_402 = arith.constant 48 : index
            %get3A_403 = tpu.vector_load %arg11[%get3A_401, %get3A_402] {strides = array<i32>} : memref<64x256xf32, #tpu.memory_space<vmem>>, vector<1x16xf32>,
            %get3A_404 = vector.shape_cast %get3A_403 : vector<1x16xf32> to vector<16xf32>
            %mul3A_405 = vector.broadcast %squeeze3A : f32 to vector<16xf32>
            %mul3A_406 = arith.mulf %get3A_404, %mul3A_405 : vector<16xf32>
            %add3A_407 = arith.constant 16 : i32
            %add3A_408 = arith.addi %add3A_407, %scan3A_249 : i32
            %get3A_409 = arith.index_cast %add3A_408 : i32 to index
            %get3A_410 = arith.constant 48 : index
            %get3A_411 = tpu.vector_load %arg11[%get3A_409, %get3A_410] {strides = array<i32>} : memref<64x256xf32, #tpu.memory_space<vmem>>, vector<1x16xf32>,
            %get3A_412 = vector.shape_cast %get3A_411 : vector<1x16xf32> to vector<16xf32>
            %mul3A_413 = vector.broadcast %squeeze3A_263 : f32 to vector<16xf32>
            %mul3A_414 = arith.mulf %get3A_412, %mul3A_413 : vector<16xf32>
            %add3A_415 = arith.addf %mul3A_406, %mul3A_414 : vector<16xf32>
            %add3A_416 = arith.constant 32 : i32
            %add3A_417 = arith.addi %add3A_416, %scan3A_249 : i32
            %get3A_418 = arith.index_cast %add3A_417 : i32 to index
            %get3A_419 = arith.constant 48 : index
            %get3A_420 = tpu.vector_load %arg11[%get3A_418, %get3A_419] {strides = array<i32>} : memref<64x256xf32, #tpu.memory_space<vmem>>, vector<1x16xf32>,
            %get3A_421 = vector.shape_cast %get3A_420 : vector<1x16xf32> to vector<16xf32>
            %mul3A_422 = vector.broadcast %squeeze3A_271 : f32 to vector<16xf32>
            %mul3A_423 = arith.mulf %get3A_421, %mul3A_422 : vector<16xf32>
            %add3A_424 = arith.addf %add3A_415, %mul3A_423 : vector<16xf32>
            %add3A_425 = arith.constant 48 : i32
            %add3A_426 = arith.addi %add3A_425, %scan3A_249 : i32
            %get3A_427 = arith.index_cast %add3A_426 : i32 to index
            %get3A_428 = arith.constant 48 : index
            %get3A_429 = tpu.vector_load %arg11[%get3A_427, %get3A_428] {strides = array<i32>} : memref<64x256xf32, #tpu.memory_space<vmem>>, vector<1x16xf32>,
            %get3A_430 = vector.shape_cast %get3A_429 : vector<1x16xf32> to vector<16xf32>
            %mul3A_431 = vector.broadcast %squeeze3A_279 : f32 to vector<16xf32>
            %mul3A_432 = arith.mulf %get3A_430, %mul3A_431 : vector<16xf32>
            %add3A_433 = arith.addf %add3A_424, %mul3A_432 : vector<16xf32>
            %swap3A_434 = arith.index_cast %scan3A_249 : i32 to index
            %swap3A_435 = arith.constant 48 : index
            %swap3A_436 = tpu.vector_load %arg13[%swap3A_434, %swap3A_435] {strides = array<i32>} : memref<16x256xf32, #tpu.memory_space<vmem>>, vector<1x16xf32>,
            %swap3A_437 = vector.shape_cast %swap3A_436 : vector<1x16xf32> to vector<16xf32>
            %swap3A_438 = vector.shape_cast %add3A_433 : vector<16xf32> to vector<1x16xf32>
            tpu.vector_store %arg13[%swap3A_434, %swap3A_435], %swap3A_438 {strides = array<i32>} : memref<16x256xf32, #tpu.memory_space<vmem>>, vector<1x16xf32>,
            %add3A_439 = arith.constant 0 : i32
            %add3A_440 = arith.addi %add3A_439, %scan3A_249 : i32
            %get3A_441 = arith.index_cast %add3A_440 : i32 to index
            %get3A_442 = arith.constant 64 : index
            %get3A_443 = tpu.vector_load %arg11[%get3A_441, %get3A_442] {strides = array<i32>} : memref<64x256xf32, #tpu.memory_space<vmem>>, vector<1x16xf32>,
            %get3A_444 = vector.shape_cast %get3A_443 : vector<1x16xf32> to vector<16xf32>
            %mul3A_445 = vector.broadcast %squeeze3A : f32 to vector<16xf32>
            %mul3A_446 = arith.mulf %get3A_444, %mul3A_445 : vector<16xf32>
            %add3A_447 = arith.constant 16 : i32
            %add3A_448 = arith.addi %add3A_447, %scan3A_249 : i32
            %get3A_449 = arith.index_cast %add3A_448 : i32 to index
            %get3A_450 = arith.constant 64 : index
            %get3A_451 = tpu.vector_load %arg11[%get3A_449, %get3A_450] {strides = array<i32>} : memref<64x256xf32, #tpu.memory_space<vmem>>, vector<1x16xf32>,
            %get3A_452 = vector.shape_cast %get3A_451 : vector<1x16xf32> to vector<16xf32>
            %mul3A_453 = vector.broadcast %squeeze3A_263 : f32 to vector<16xf32>
            %mul3A_454 = arith.mulf %get3A_452, %mul3A_453 : vector<16xf32>
            %add3A_455 = arith.addf %mul3A_446, %mul3A_454 : vector<16xf32>
            %add3A_456 = arith.constant 32 : i32
            %add3A_457 = arith.addi %add3A_456, %scan3A_249 : i32
            %get3A_458 = arith.index_cast %add3A_457 : i32 to index
            %get3A_459 = arith.constant 64 : index
            %get3A_460 = tpu.vector_load %arg11[%get3A_458, %get3A_459] {strides = array<i32>} : memref<64x256xf32, #tpu.memory_space<vmem>>, vector<1x16xf32>,
            %get3A_461 = vector.shape_cast %get3A_460 : vector<1x16xf32> to vector<16xf32>
            %mul3A_462 = vector.broadcast %squeeze3A_271 : f32 to vector<16xf32>
            %mul3A_463 = arith.mulf %get3A_461, %mul3A_462 : vector<16xf32>
            %add3A_464 = arith.addf %add3A_455, %mul3A_463 : vector<16xf32>
            %add3A_465 = arith.constant 48 : i32
            %add3A_466 = arith.addi %add3A_465, %scan3A_249 : i32
            %get3A_467 = arith.index_cast %add3A_466 : i32 to index
            %get3A_468 = arith.constant 64 : index
            %get3A_469 = tpu.vector_load %arg11[%get3A_467, %get3A_468] {strides = array<i32>} : memref<64x256xf32, #tpu.memory_space<vmem>>, vector<1x16xf32>,
            %get3A_470 = vector.shape_cast %get3A_469 : vector<1x16xf32> to vector<16xf32>
            %mul3A_471 = vector.broadcast %squeeze3A_279 : f32 to vector<16xf32>
            %mul3A_472 = arith.mulf %get3A_470, %mul3A_471 : vector<16xf32>
            %add3A_473 = arith.addf %add3A_464, %mul3A_472 : vector<16xf32>
            %swap3A_474 = arith.index_cast %scan3A_249 : i32 to index
            %swap3A_475 = arith.constant 64 : index
            %swap3A_476 = tpu.vector_load %arg13[%swap3A_474, %swap3A_475] {strides = array<i32>} : memref<16x256xf32, #tpu.memory_space<vmem>>, vector<1x16xf32>,
            %swap3A_477 = vector.shape_cast %swap3A_476 : vector<1x16xf32> to vector<16xf32>
            %swap3A_478 = vector.shape_cast %add3A_473 : vector<16xf32> to vector<1x16xf32>
            tpu.vector_store %arg13[%swap3A_474, %swap3A_475], %swap3A_478 {strides = array<i32>} : memref<16x256xf32, #tpu.memory_space<vmem>>, vector<1x16xf32>,
            %add3A_479 = arith.constant 0 : i32
            %add3A_480 = arith.addi %add3A_479, %scan3A_249 : i32
            %get3A_481 = arith.index_cast %add3A_480 : i32 to index
            %get3A_482 = arith.constant 80 : index
            %get3A_483 = tpu.vector_load %arg11[%get3A_481, %get3A_482] {strides = array<i32>} : memref<64x256xf32, #tpu.memory_space<vmem>>, vector<1x16xf32>,
            %get3A_484 = vector.shape_cast %get3A_483 : vector<1x16xf32> to vector<16xf32>
            %mul3A_485 = vector.broadcast %squeeze3A : f32 to vector<16xf32>
            %mul3A_486 = arith.mulf %get3A_484, %mul3A_485 : vector<16xf32>
            %add3A_487 = arith.constant 16 : i32
            %add3A_488 = arith.addi %add3A_487, %scan3A_249 : i32
            %get3A_489 = arith.index_cast %add3A_488 : i32 to index
            %get3A_490 = arith.constant 80 : index
            %get3A_491 = tpu.vector_load %arg11[%get3A_489, %get3A_490] {strides = array<i32>} : memref<64x256xf32, #tpu.memory_space<vmem>>, vector<1x16xf32>,
            %get3A_492 = vector.shape_cast %get3A_491 : vector<1x16xf32> to vector<16xf32>
            %mul3A_493 = vector.broadcast %squeeze3A_263 : f32 to vector<16xf32>
            %mul3A_494 = arith.mulf %get3A_492, %mul3A_493 : vector<16xf32>
            %add3A_495 = arith.addf %mul3A_486, %mul3A_494 : vector<16xf32>
            %add3A_496 = arith.constant 32 : i32
            %add3A_497 = arith.addi %add3A_496, %scan3A_249 : i32
            %get3A_498 = arith.index_cast %add3A_497 : i32 to index
            %get3A_499 = arith.constant 80 : index
            %get3A_500 = tpu.vector_load %arg11[%get3A_498, %get3A_499] {strides = array<i32>} : memref<64x256xf32, #tpu.memory_space<vmem>>, vector<1x16xf32>,
            %get3A_501 = vector.shape_cast %get3A_500 : vector<1x16xf32> to vector<16xf32>
            %mul3A_502 = vector.broadcast %squeeze3A_271 : f32 to vector<16xf32>
            %mul3A_503 = arith.mulf %get3A_501, %mul3A_502 : vector<16xf32>
            %add3A_504 = arith.addf %add3A_495, %mul3A_503 : vector<16xf32>
            %add3A_505 = arith.constant 48 : i32
            %add3A_506 = arith.addi %add3A_505, %scan3A_249 : i32
            %get3A_507 = arith.index_cast %add3A_506 : i32 to index
            %get3A_508 = arith.constant 80 : index
            %get3A_509 = tpu.vector_load %arg11[%get3A_507, %get3A_508] {strides = array<i32>} : memref<64x256xf32, #tpu.memory_space<vmem>>, vector<1x16xf32>,
            %get3A_510 = vector.shape_cast %get3A_509 : vector<1x16xf32> to vector<16xf32>
            %mul3A_511 = vector.broadcast %squeeze3A_279 : f32 to vector<16xf32>
            %mul3A_512 = arith.mulf %get3A_510, %mul3A_511 : vector<16xf32>
            %add3A_513 = arith.addf %add3A_504, %mul3A_512 : vector<16xf32>
            %swap3A_514 = arith.index_cast %scan3A_249 : i32 to index
            %swap3A_515 = arith.constant 80 : index
            %swap3A_516 = tpu.vector_load %arg13[%swap3A_514, %swap3A_515] {strides = array<i32>} : memref<16x256xf32, #tpu.memory_space<vmem>>, vector<1x16xf32>,
            %swap3A_517 = vector.shape_cast %swap3A_516 : vector<1x16xf32> to vector<16xf32>
            %swap3A_518 = vector.shape_cast %add3A_513 : vector<16xf32> to vector<1x16xf32>
            tpu.vector_store %arg13[%swap3A_514, %swap3A_515], %swap3A_518 {strides = array<i32>} : memref<16x256xf32, #tpu.memory_space<vmem>>, vector<1x16xf32>,
            %add3A_519 = arith.constant 0 : i32
            %add3A_520 = arith.addi %add3A_519, %scan3A_249 : i32
            %get3A_521 = arith.index_cast %add3A_520 : i32 to index
            %get3A_522 = arith.constant 96 : index
            %get3A_523 = tpu.vector_load %arg11[%get3A_521, %get3A_522] {strides = array<i32>} : memref<64x256xf32, #tpu.memory_space<vmem>>, vector<1x16xf32>,
            %get3A_524 = vector.shape_cast %get3A_523 : vector<1x16xf32> to vector<16xf32>
            %mul3A_525 = vector.broadcast %squeeze3A : f32 to vector<16xf32>
            %mul3A_526 = arith.mulf %get3A_524, %mul3A_525 : vector<16xf32>
            %add3A_527 = arith.constant 16 : i32
            %add3A_528 = arith.addi %add3A_527, %scan3A_249 : i32
            %get3A_529 = arith.index_cast %add3A_528 : i32 to index
            %get3A_530 = arith.constant 96 : index
            %get3A_531 = tpu.vector_load %arg11[%get3A_529, %get3A_530] {strides = array<i32>} : memref<64x256xf32, #tpu.memory_space<vmem>>, vector<1x16xf32>,
            %get3A_532 = vector.shape_cast %get3A_531 : vector<1x16xf32> to vector<16xf32>
            %mul3A_533 = vector.broadcast %squeeze3A_263 : f32 to vector<16xf32>
            %mul3A_534 = arith.mulf %get3A_532, %mul3A_533 : vector<16xf32>
            %add3A_535 = arith.addf %mul3A_526, %mul3A_534 : vector<16xf32>
            %add3A_536 = arith.constant 32 : i32
            %add3A_537 = arith.addi %add3A_536, %scan3A_249 : i32
            %get3A_538 = arith.index_cast %add3A_537 : i32 to index
            %get3A_539 = arith.constant 96 : index
            %get3A_540 = tpu.vector_load %arg11[%get3A_538, %get3A_539] {strides = array<i32>} : memref<64x256xf32, #tpu.memory_space<vmem>>, vector<1x16xf32>,
            %get3A_541 = vector.shape_cast %get3A_540 : vector<1x16xf32> to vector<16xf32>
            %mul3A_542 = vector.broadcast %squeeze3A_271 : f32 to vector<16xf32>
            %mul3A_543 = arith.mulf %get3A_541, %mul3A_542 : vector<16xf32>
            %add3A_544 = arith.addf %add3A_535, %mul3A_543 : vector<16xf32>
            %add3A_545 = arith.constant 48 : i32
            %add3A_546 = arith.addi %add3A_545, %scan3A_249 : i32
            %get3A_547 = arith.index_cast %add3A_546 : i32 to index
            %get3A_548 = arith.constant 96 : index
            %get3A_549 = tpu.vector_load %arg11[%get3A_547, %get3A_548] {strides = array<i32>} : memref<64x256xf32, #tpu.memory_space<vmem>>, vector<1x16xf32>,
            %get3A_550 = vector.shape_cast %get3A_549 : vector<1x16xf32> to vector<16xf32>
            %mul3A_551 = vector.broadcast %squeeze3A_279 : f32 to vector<16xf32>
            %mul3A_552 = arith.mulf %get3A_550, %mul3A_551 : vector<16xf32>
            %add3A_553 = arith.addf %add3A_544, %mul3A_552 : vector<16xf32>
            %swap3A_554 = arith.index_cast %scan3A_249 : i32 to index
            %swap3A_555 = arith.constant 96 : index
            %swap3A_556 = tpu.vector_load %arg13[%swap3A_554, %swap3A_555] {strides = array<i32>} : memref<16x256xf32, #tpu.memory_space<vmem>>, vector<1x16xf32>,
            %swap3A_557 = vector.shape_cast %swap3A_556 : vector<1x16xf32> to vector<16xf32>
            %swap3A_558 = vector.shape_cast %add3A_553 : vector<16xf32> to vector<1x16xf32>
            tpu.vector_store %arg13[%swap3A_554, %swap3A_555], %swap3A_558 {strides = array<i32>} : memref<16x256xf32, #tpu.memory_space<vmem>>, vector<1x16xf32>,
            %add3A_559 = arith.constant 0 : i32
            %add3A_560 = arith.addi %add3A_559, %scan3A_249 : i32
            %get3A_561 = arith.index_cast %add3A_560 : i32 to index
            %get3A_562 = arith.constant 112 : index
            %get3A_563 = tpu.vector_load %arg11[%get3A_561, %get3A_562] {strides = array<i32>} : memref<64x256xf32, #tpu.memory_space<vmem>>, vector<1x16xf32>,
            %get3A_564 = vector.shape_cast %get3A_563 : vector<1x16xf32> to vector<16xf32>
            %mul3A_565 = vector.broadcast %squeeze3A : f32 to vector<16xf32>
            %mul3A_566 = arith.mulf %get3A_564, %mul3A_565 : vector<16xf32>
            %add3A_567 = arith.constant 16 : i32
            %add3A_568 = arith.addi %add3A_567, %scan3A_249 : i32
            %get3A_569 = arith.index_cast %add3A_568 : i32 to index
            %get3A_570 = arith.constant 112 : index
            %get3A_571 = tpu.vector_load %arg11[%get3A_569, %get3A_570] {strides = array<i32>} : memref<64x256xf32, #tpu.memory_space<vmem>>, vector<1x16xf32>,
            %get3A_572 = vector.shape_cast %get3A_571 : vector<1x16xf32> to vector<16xf32>
            %mul3A_573 = vector.broadcast %squeeze3A_263 : f32 to vector<16xf32>
            %mul3A_574 = arith.mulf %get3A_572, %mul3A_573 : vector<16xf32>
            %add3A_575 = arith.addf %mul3A_566, %mul3A_574 : vector<16xf32>
            %add3A_576 = arith.constant 32 : i32
            %add3A_577 = arith.addi %add3A_576, %scan3A_249 : i32
            %get3A_578 = arith.index_cast %add3A_577 : i32 to index
            %get3A_579 = arith.constant 112 : index
            %get3A_580 = tpu.vector_load %arg11[%get3A_578, %get3A_579] {strides = array<i32>} : memref<64x256xf32, #tpu.memory_space<vmem>>, vector<1x16xf32>,
            %get3A_581 = vector.shape_cast %get3A_580 : vector<1x16xf32> to vector<16xf32>
            %mul3A_582 = vector.broadcast %squeeze3A_271 : f32 to vector<16xf32>
            %mul3A_583 = arith.mulf %get3A_581, %mul3A_582 : vector<16xf32>
            %add3A_584 = arith.addf %add3A_575, %mul3A_583 : vector<16xf32>
            %add3A_585 = arith.constant 48 : i32
            %add3A_586 = arith.addi %add3A_585, %scan3A_249 : i32
            %get3A_587 = arith.index_cast %add3A_586 : i32 to index
            %get3A_588 = arith.constant 112 : index
            %get3A_589 = tpu.vector_load %arg11[%get3A_587, %get3A_588] {strides = array<i32>} : memref<64x256xf32, #tpu.memory_space<vmem>>, vector<1x16xf32>,
            %get3A_590 = vector.shape_cast %get3A_589 : vector<1x16xf32> to vector<16xf32>
            %mul3A_591 = vector.broadcast %squeeze3A_279 : f32 to vector<16xf32>
            %mul3A_592 = arith.mulf %get3A_590, %mul3A_591 : vector<16xf32>
            %add3A_593 = arith.addf %add3A_584, %mul3A_592 : vector<16xf32>
            %swap3A_594 = arith.index_cast %scan3A_249 : i32 to index
            %swap3A_595 = arith.constant 112 : index
            %swap3A_596 = tpu.vector_load %arg13[%swap3A_594, %swap3A_595] {strides = array<i32>} : memref<16x256xf32, #tpu.memory_space<vmem>>, vector<1x16xf32>,
            %swap3A_597 = vector.shape_cast %swap3A_596 : vector<1x16xf32> to vector<16xf32>
            %swap3A_598 = vector.shape_cast %add3A_593 : vector<16xf32> to vector<1x16xf32>
            tpu.vector_store %arg13[%swap3A_594, %swap3A_595], %swap3A_598 {strides = array<i32>} : memref<16x256xf32, #tpu.memory_space<vmem>>, vector<1x16xf32>,
            %add3A_599 = arith.constant 0 : i32
            %add3A_600 = arith.addi %add3A_599, %scan3A_249 : i32
            %get3A_601 = arith.index_cast %add3A_600 : i32 to index
            %get3A_602 = arith.constant 128 : index
            %get3A_603 = tpu.vector_load %arg11[%get3A_601, %get3A_602] {strides = array<i32>} : memref<64x256xf32, #tpu.memory_space<vmem>>, vector<1x16xf32>,
            %get3A_604 = vector.shape_cast %get3A_603 : vector<1x16xf32> to vector<16xf32>
            %mul3A_605 = vector.broadcast %squeeze3A : f32 to vector<16xf32>
            %mul3A_606 = arith.mulf %get3A_604, %mul3A_605 : vector<16xf32>
            %add3A_607 = arith.constant 16 : i32
            %add3A_608 = arith.addi %add3A_607, %scan3A_249 : i32
            %get3A_609 = arith.index_cast %add3A_608 : i32 to index
            %get3A_610 = arith.constant 128 : index
            %get3A_611 = tpu.vector_load %arg11[%get3A_609, %get3A_610] {strides = array<i32>} : memref<64x256xf32, #tpu.memory_space<vmem>>, vector<1x16xf32>,
            %get3A_612 = vector.shape_cast %get3A_611 : vector<1x16xf32> to vector<16xf32>
            %mul3A_613 = vector.broadcast %squeeze3A_263 : f32 to vector<16xf32>
            %mul3A_614 = arith.mulf %get3A_612, %mul3A_613 : vector<16xf32>
            %add3A_615 = arith.addf %mul3A_606, %mul3A_614 : vector<16xf32>
            %add3A_616 = arith.constant 32 : i32
            %add3A_617 = arith.addi %add3A_616, %scan3A_249 : i32
            %get3A_618 = arith.index_cast %add3A_617 : i32 to index
            %get3A_619 = arith.constant 128 : index
            %get3A_620 = tpu.vector_load %arg11[%get3A_618, %get3A_619] {strides = array<i32>} : memref<64x256xf32, #tpu.memory_space<vmem>>, vector<1x16xf32>,
            %get3A_621 = vector.shape_cast %get3A_620 : vector<1x16xf32> to vector<16xf32>
            %mul3A_622 = vector.broadcast %squeeze3A_271 : f32 to vector<16xf32>
            %mul3A_623 = arith.mulf %get3A_621, %mul3A_622 : vector<16xf32>
            %add3A_624 = arith.addf %add3A_615, %mul3A_623 : vector<16xf32>
            %add3A_625 = arith.constant 48 : i32
            %add3A_626 = arith.addi %add3A_625, %scan3A_249 : i32
            %get3A_627 = arith.index_cast %add3A_626 : i32 to index
            %get3A_628 = arith.constant 128 : index
            %get3A_629 = tpu.vector_load %arg11[%get3A_627, %get3A_628] {strides = array<i32>} : memref<64x256xf32, #tpu.memory_space<vmem>>, vector<1x16xf32>,
            %get3A_630 = vector.shape_cast %get3A_629 : vector<1x16xf32> to vector<16xf32>
            %mul3A_631 = vector.broadcast %squeeze3A_279 : f32 to vector<16xf32>
            %mul3A_632 = arith.mulf %get3A_630, %mul3A_631 : vector<16xf32>
            %add3A_633 = arith.addf %add3A_624, %mul3A_632 : vector<16xf32>
            %swap3A_634 = arith.index_cast %scan3A_249 : i32 to index
            %swap3A_635 = arith.constant 128 : index
            %swap3A_636 = tpu.vector_load %arg13[%swap3A_634, %swap3A_635] {strides = array<i32>} : memref<16x256xf32, #tpu.memory_space<vmem>>, vector<1x16xf32>,
            %swap3A_637 = vector.shape_cast %swap3A_636 : vector<1x16xf32> to vector<16xf32>
            %swap3A_638 = vector.shape_cast %add3A_633 : vector<16xf32> to vector<1x16xf32>
            tpu.vector_store %arg13[%swap3A_634, %swap3A_635], %swap3A_638 {strides = array<i32>} : memref<16x256xf32, #tpu.memory_space<vmem>>, vector<1x16xf32>,
            %add3A_639 = arith.constant 0 : i32
            %add3A_640 = arith.addi %add3A_639, %scan3A_249 : i32
            %get3A_641 = arith.index_cast %add3A_640 : i32 to index
            %get3A_642 = arith.constant 144 : index
            %get3A_643 = tpu.vector_load %arg11[%get3A_641, %get3A_642] {strides = array<i32>} : memref<64x256xf32, #tpu.memory_space<vmem>>, vector<1x16xf32>,
            %get3A_644 = vector.shape_cast %get3A_643 : vector<1x16xf32> to vector<16xf32>
            %mul3A_645 = vector.broadcast %squeeze3A : f32 to vector<16xf32>
            %mul3A_646 = arith.mulf %get3A_644, %mul3A_645 : vector<16xf32>
            %add3A_647 = arith.constant 16 : i32
            %add3A_648 = arith.addi %add3A_647, %scan3A_249 : i32
            %get3A_649 = arith.index_cast %add3A_648 : i32 to index
            %get3A_650 = arith.constant 144 : index
            %get3A_651 = tpu.vector_load %arg11[%get3A_649, %get3A_650] {strides = array<i32>} : memref<64x256xf32, #tpu.memory_space<vmem>>, vector<1x16xf32>,
            %get3A_652 = vector.shape_cast %get3A_651 : vector<1x16xf32> to vector<16xf32>
            %mul3A_653 = vector.broadcast %squeeze3A_263 : f32 to vector<16xf32>
            %mul3A_654 = arith.mulf %get3A_652, %mul3A_653 : vector<16xf32>
            %add3A_655 = arith.addf %mul3A_646, %mul3A_654 : vector<16xf32>
            %add3A_656 = arith.constant 32 : i32
            %add3A_657 = arith.addi %add3A_656, %scan3A_249 : i32
            %get3A_658 = arith.index_cast %add3A_657 : i32 to index
            %get3A_659 = arith.constant 144 : index
            %get3A_660 = tpu.vector_load %arg11[%get3A_658, %get3A_659] {strides = array<i32>} : memref<64x256xf32, #tpu.memory_space<vmem>>, vector<1x16xf32>,
            %get3A_661 = vector.shape_cast %get3A_660 : vector<1x16xf32> to vector<16xf32>
            %mul3A_662 = vector.broadcast %squeeze3A_271 : f32 to vector<16xf32>
            %mul3A_663 = arith.mulf %get3A_661, %mul3A_662 : vector<16xf32>
            %add3A_664 = arith.addf %add3A_655, %mul3A_663 : vector<16xf32>
            %add3A_665 = arith.constant 48 : i32
            %add3A_666 = arith.addi %add3A_665, %scan3A_249 : i32
            %get3A_667 = arith.index_cast %add3A_666 : i32 to index
            %get3A_668 = arith.constant 144 : index
            %get3A_669 = tpu.vector_load %arg11[%get3A_667, %get3A_668] {strides = array<i32>} : memref<64x256xf32, #tpu.memory_space<vmem>>, vector<1x16xf32>,
            %get3A_670 = vector.shape_cast %get3A_669 : vector<1x16xf32> to vector<16xf32>
            %mul3A_671 = vector.broadcast %squeeze3A_279 : f32 to vector<16xf32>
            %mul3A_672 = arith.mulf %get3A_670, %mul3A_671 : vector<16xf32>
            %add3A_673 = arith.addf %add3A_664, %mul3A_672 : vector<16xf32>
            %swap3A_674 = arith.index_cast %scan3A_249 : i32 to index
            %swap3A_675 = arith.constant 144 : index
            %swap3A_676 = tpu.vector_load %arg13[%swap3A_674, %swap3A_675] {strides = array<i32>} : memref<16x256xf32, #tpu.memory_space<vmem>>, vector<1x16xf32>,
            %swap3A_677 = vector.shape_cast %swap3A_676 : vector<1x16xf32> to vector<16xf32>
            %swap3A_678 = vector.shape_cast %add3A_673 : vector<16xf32> to vector<1x16xf32>
            tpu.vector_store %arg13[%swap3A_674, %swap3A_675], %swap3A_678 {strides = array<i32>} : memref<16x256xf32, #tpu.memory_space<vmem>>, vector<1x16xf32>,
            %add3A_679 = arith.constant 0 : i32
            %add3A_680 = arith.addi %add3A_679, %scan3A_249 : i32
            %get3A_681 = arith.index_cast %add3A_680 : i32 to index
            %get3A_682 = arith.constant 160 : index
            %get3A_683 = tpu.vector_load %arg11[%get3A_681, %get3A_682] {strides = array<i32>} : memref<64x256xf32, #tpu.memory_space<vmem>>, vector<1x16xf32>,
            %get3A_684 = vector.shape_cast %get3A_683 : vector<1x16xf32> to vector<16xf32>
            %mul3A_685 = vector.broadcast %squeeze3A : f32 to vector<16xf32>
            %mul3A_686 = arith.mulf %get3A_684, %mul3A_685 : vector<16xf32>
            %add3A_687 = arith.constant 16 : i32
            %add3A_688 = arith.addi %add3A_687, %scan3A_249 : i32
            %get3A_689 = arith.index_cast %add3A_688 : i32 to index
            %get3A_690 = arith.constant 160 : index
            %get3A_691 = tpu.vector_load %arg11[%get3A_689, %get3A_690] {strides = array<i32>} : memref<64x256xf32, #tpu.memory_space<vmem>>, vector<1x16xf32>,
            %get3A_692 = vector.shape_cast %get3A_691 : vector<1x16xf32> to vector<16xf32>
            %mul3A_693 = vector.broadcast %squeeze3A_263 : f32 to vector<16xf32>
            %mul3A_694 = arith.mulf %get3A_692, %mul3A_693 : vector<16xf32>
            %add3A_695 = arith.addf %mul3A_686, %mul3A_694 : vector<16xf32>
            %add3A_696 = arith.constant 32 : i32
            %add3A_697 = arith.addi %add3A_696, %scan3A_249 : i32
            %get3A_698 = arith.index_cast %add3A_697 : i32 to index
            %get3A_699 = arith.constant 160 : index
            %get3A_700 = tpu.vector_load %arg11[%get3A_698, %get3A_699] {strides = array<i32>} : memref<64x256xf32, #tpu.memory_space<vmem>>, vector<1x16xf32>,
            %get3A_701 = vector.shape_cast %get3A_700 : vector<1x16xf32> to vector<16xf32>
            %mul3A_702 = vector.broadcast %squeeze3A_271 : f32 to vector<16xf32>
            %mul3A_703 = arith.mulf %get3A_701, %mul3A_702 : vector<16xf32>
            %add3A_704 = arith.addf %add3A_695, %mul3A_703 : vector<16xf32>
            %add3A_705 = arith.constant 48 : i32
            %add3A_706 = arith.addi %add3A_705, %scan3A_249 : i32
            %get3A_707 = arith.index_cast %add3A_706 : i32 to index
            %get3A_708 = arith.constant 160 : index
            %get3A_709 = tpu.vector_load %arg11[%get3A_707, %get3A_708] {strides = array<i32>} : memref<64x256xf32, #tpu.memory_space<vmem>>, vector<1x16xf32>,
            %get3A_710 = vector.shape_cast %get3A_709 : vector<1x16xf32> to vector<16xf32>
            %mul3A_711 = vector.broadcast %squeeze3A_279 : f32 to vector<16xf32>
            %mul3A_712 = arith.mulf %get3A_710, %mul3A_711 : vector<16xf32>
            %add3A_713 = arith.addf %add3A_704, %mul3A_712 : vector<16xf32>
            %swap3A_714 = arith.index_cast %scan3A_249 : i32 to index
            %swap3A_715 = arith.constant 160 : index
            %swap3A_716 = tpu.vector_load %arg13[%swap3A_714, %swap3A_715] {strides = array<i32>} : memref<16x256xf32, #tpu.memory_space<vmem>>, vector<1x16xf32>,
            %swap3A_717 = vector.shape_cast %swap3A_716 : vector<1x16xf32> to vector<16xf32>
            %swap3A_718 = vector.shape_cast %add3A_713 : vector<16xf32> to vector<1x16xf32>
            tpu.vector_store %arg13[%swap3A_714, %swap3A_715], %swap3A_718 {strides = array<i32>} : memref<16x256xf32, #tpu.memory_space<vmem>>, vector<1x16xf32>,
            %add3A_719 = arith.constant 0 : i32
            %add3A_720 = arith.addi %add3A_719, %scan3A_249 : i32
            %get3A_721 = arith.index_cast %add3A_720 : i32 to index
            %get3A_722 = arith.constant 176 : index
            %get3A_723 = tpu.vector_load %arg11[%get3A_721, %get3A_722] {strides = array<i32>} : memref<64x256xf32, #tpu.memory_space<vmem>>, vector<1x16xf32>,
            %get3A_724 = vector.shape_cast %get3A_723 : vector<1x16xf32> to vector<16xf32>
            %mul3A_725 = vector.broadcast %squeeze3A : f32 to vector<16xf32>
            %mul3A_726 = arith.mulf %get3A_724, %mul3A_725 : vector<16xf32>
            %add3A_727 = arith.constant 16 : i32
            %add3A_728 = arith.addi %add3A_727, %scan3A_249 : i32
            %get3A_729 = arith.index_cast %add3A_728 : i32 to index
            %get3A_730 = arith.constant 176 : index
            %get3A_731 = tpu.vector_load %arg11[%get3A_729, %get3A_730] {strides = array<i32>} : memref<64x256xf32, #tpu.memory_space<vmem>>, vector<1x16xf32>,
            %get3A_732 = vector.shape_cast %get3A_731 : vector<1x16xf32> to vector<16xf32>
            %mul3A_733 = vector.broadcast %squeeze3A_263 : f32 to vector<16xf32>
            %mul3A_734 = arith.mulf %get3A_732, %mul3A_733 : vector<16xf32>
            %add3A_735 = arith.addf %mul3A_726, %mul3A_734 : vector<16xf32>
            %add3A_736 = arith.constant 32 : i32
            %add3A_737 = arith.addi %add3A_736, %scan3A_249 : i32
            %get3A_738 = arith.index_cast %add3A_737 : i32 to index
            %get3A_739 = arith.constant 176 : index
            %get3A_740 = tpu.vector_load %arg11[%get3A_738, %get3A_739] {strides = array<i32>} : memref<64x256xf32, #tpu.memory_space<vmem>>, vector<1x16xf32>,
            %get3A_741 = vector.shape_cast %get3A_740 : vector<1x16xf32> to vector<16xf32>
            %mul3A_742 = vector.broadcast %squeeze3A_271 : f32 to vector<16xf32>
            %mul3A_743 = arith.mulf %get3A_741, %mul3A_742 : vector<16xf32>
            %add3A_744 = arith.addf %add3A_735, %mul3A_743 : vector<16xf32>
            %add3A_745 = arith.constant 48 : i32
            %add3A_746 = arith.addi %add3A_745, %scan3A_249 : i32
            %get3A_747 = arith.index_cast %add3A_746 : i32 to index
            %get3A_748 = arith.constant 176 : index
            %get3A_749 = tpu.vector_load %arg11[%get3A_747, %get3A_748] {strides = array<i32>} : memref<64x256xf32, #tpu.memory_space<vmem>>, vector<1x16xf32>,
            %get3A_750 = vector.shape_cast %get3A_749 : vector<1x16xf32> to vector<16xf32>
            %mul3A_751 = vector.broadcast %squeeze3A_279 : f32 to vector<16xf32>
            %mul3A_752 = arith.mulf %get3A_750, %mul3A_751 : vector<16xf32>
            %add3A_753 = arith.addf %add3A_744, %mul3A_752 : vector<16xf32>
            %swap3A_754 = arith.index_cast %scan3A_249 : i32 to index
            %swap3A_755 = arith.constant 176 : index
            %swap3A_756 = tpu.vector_load %arg13[%swap3A_754, %swap3A_755] {strides = array<i32>} : memref<16x256xf32, #tpu.memory_space<vmem>>, vector<1x16xf32>,
            %swap3A_757 = vector.shape_cast %swap3A_756 : vector<1x16xf32> to vector<16xf32>
            %swap3A_758 = vector.shape_cast %add3A_753 : vector<16xf32> to vector<1x16xf32>
            tpu.vector_store %arg13[%swap3A_754, %swap3A_755], %swap3A_758 {strides = array<i32>} : memref<16x256xf32, #tpu.memory_space<vmem>>, vector<1x16xf32>,
            %add3A_759 = arith.constant 0 : i32
            %add3A_760 = arith.addi %add3A_759, %scan3A_249 : i32
            %get3A_761 = arith.index_cast %add3A_760 : i32 to index
            %get3A_762 = arith.constant 192 : index
            %get3A_763 = tpu.vector_load %arg11[%get3A_761, %get3A_762] {strides = array<i32>} : memref<64x256xf32, #tpu.memory_space<vmem>>, vector<1x16xf32>,
            %get3A_764 = vector.shape_cast %get3A_763 : vector<1x16xf32> to vector<16xf32>
            %mul3A_765 = vector.broadcast %squeeze3A : f32 to vector<16xf32>
            %mul3A_766 = arith.mulf %get3A_764, %mul3A_765 : vector<16xf32>
            %add3A_767 = arith.constant 16 : i32
            %add3A_768 = arith.addi %add3A_767, %scan3A_249 : i32
            %get3A_769 = arith.index_cast %add3A_768 : i32 to index
            %get3A_770 = arith.constant 192 : index
            %get3A_771 = tpu.vector_load %arg11[%get3A_769, %get3A_770] {strides = array<i32>} : memref<64x256xf32, #tpu.memory_space<vmem>>, vector<1x16xf32>,
            %get3A_772 = vector.shape_cast %get3A_771 : vector<1x16xf32> to vector<16xf32>
            %mul3A_773 = vector.broadcast %squeeze3A_263 : f32 to vector<16xf32>
            %mul3A_774 = arith.mulf %get3A_772, %mul3A_773 : vector<16xf32>
            %add3A_775 = arith.addf %mul3A_766, %mul3A_774 : vector<16xf32>
            %add3A_776 = arith.constant 32 : i32
            %add3A_777 = arith.addi %add3A_776, %scan3A_249 : i32
            %get3A_778 = arith.index_cast %add3A_777 : i32 to index
            %get3A_779 = arith.constant 192 : index
            %get3A_780 = tpu.vector_load %arg11[%get3A_778, %get3A_779] {strides = array<i32>} : memref<64x256xf32, #tpu.memory_space<vmem>>, vector<1x16xf32>,
            %get3A_781 = vector.shape_cast %get3A_780 : vector<1x16xf32> to vector<16xf32>
            %mul3A_782 = vector.broadcast %squeeze3A_271 : f32 to vector<16xf32>
            %mul3A_783 = arith.mulf %get3A_781, %mul3A_782 : vector<16xf32>
            %add3A_784 = arith.addf %add3A_775, %mul3A_783 : vector<16xf32>
            %add3A_785 = arith.constant 48 : i32
            %add3A_786 = arith.addi %add3A_785, %scan3A_249 : i32
            %get3A_787 = arith.index_cast %add3A_786 : i32 to index
            %get3A_788 = arith.constant 192 : index
            %get3A_789 = tpu.vector_load %arg11[%get3A_787, %get3A_788] {strides = array<i32>} : memref<64x256xf32, #tpu.memory_space<vmem>>, vector<1x16xf32>,
            %get3A_790 = vector.shape_cast %get3A_789 : vector<1x16xf32> to vector<16xf32>
            %mul3A_791 = vector.broadcast %squeeze3A_279 : f32 to vector<16xf32>
            %mul3A_792 = arith.mulf %get3A_790, %mul3A_791 : vector<16xf32>
            %add3A_793 = arith.addf %add3A_784, %mul3A_792 : vector<16xf32>
            %swap3A_794 = arith.index_cast %scan3A_249 : i32 to index
            %swap3A_795 = arith.constant 192 : index
            %swap3A_796 = tpu.vector_load %arg13[%swap3A_794, %swap3A_795] {strides = array<i32>} : memref<16x256xf32, #tpu.memory_space<vmem>>, vector<1x16xf32>,
            %swap3A_797 = vector.shape_cast %swap3A_796 : vector<1x16xf32> to vector<16xf32>
            %swap3A_798 = vector.shape_cast %add3A_793 : vector<16xf32> to vector<1x16xf32>
            tpu.vector_store %arg13[%swap3A_794, %swap3A_795], %swap3A_798 {strides = array<i32>} : memref<16x256xf32, #tpu.memory_space<vmem>>, vector<1x16xf32>,
            %add3A_799 = arith.constant 0 : i32
            %add3A_800 = arith.addi %add3A_799, %scan3A_249 : i32
            %get3A_801 = arith.index_cast %add3A_800 : i32 to index
            %get3A_802 = arith.constant 208 : index
            %get3A_803 = tpu.vector_load %arg11[%get3A_801, %get3A_802] {strides = array<i32>} : memref<64x256xf32, #tpu.memory_space<vmem>>, vector<1x16xf32>,
            %get3A_804 = vector.shape_cast %get3A_803 : vector<1x16xf32> to vector<16xf32>
            %mul3A_805 = vector.broadcast %squeeze3A : f32 to vector<16xf32>
            %mul3A_806 = arith.mulf %get3A_804, %mul3A_805 : vector<16xf32>
            %add3A_807 = arith.constant 16 : i32
            %add3A_808 = arith.addi %add3A_807, %scan3A_249 : i32
            %get3A_809 = arith.index_cast %add3A_808 : i32 to index
            %get3A_810 = arith.constant 208 : index
            %get3A_811 = tpu.vector_load %arg11[%get3A_809, %get3A_810] {strides = array<i32>} : memref<64x256xf32, #tpu.memory_space<vmem>>, vector<1x16xf32>,
            %get3A_812 = vector.shape_cast %get3A_811 : vector<1x16xf32> to vector<16xf32>
            %mul3A_813 = vector.broadcast %squeeze3A_263 : f32 to vector<16xf32>
            %mul3A_814 = arith.mulf %get3A_812, %mul3A_813 : vector<16xf32>
            %add3A_815 = arith.addf %mul3A_806, %mul3A_814 : vector<16xf32>
            %add3A_816 = arith.constant 32 : i32
            %add3A_817 = arith.addi %add3A_816, %scan3A_249 : i32
            %get3A_818 = arith.index_cast %add3A_817 : i32 to index
            %get3A_819 = arith.constant 208 : index
            %get3A_820 = tpu.vector_load %arg11[%get3A_818, %get3A_819] {strides = array<i32>} : memref<64x256xf32, #tpu.memory_space<vmem>>, vector<1x16xf32>,
            %get3A_821 = vector.shape_cast %get3A_820 : vector<1x16xf32> to vector<16xf32>
            %mul3A_822 = vector.broadcast %squeeze3A_271 : f32 to vector<16xf32>
            %mul3A_823 = arith.mulf %get3A_821, %mul3A_822 : vector<16xf32>
            %add3A_824 = arith.addf %add3A_815, %mul3A_823 : vector<16xf32>
            %add3A_825 = arith.constant 48 : i32
            %add3A_826 = arith.addi %add3A_825, %scan3A_249 : i32
            %get3A_827 = arith.index_cast %add3A_826 : i32 to index
            %get3A_828 = arith.constant 208 : index
            %get3A_829 = tpu.vector_load %arg11[%get3A_827, %get3A_828] {strides = array<i32>} : memref<64x256xf32, #tpu.memory_space<vmem>>, vector<1x16xf32>,
            %get3A_830 = vector.shape_cast %get3A_829 : vector<1x16xf32> to vector<16xf32>
            %mul3A_831 = vector.broadcast %squeeze3A_279 : f32 to vector<16xf32>
            %mul3A_832 = arith.mulf %get3A_830, %mul3A_831 : vector<16xf32>
            %add3A_833 = arith.addf %add3A_824, %mul3A_832 : vector<16xf32>
            %swap3A_834 = arith.index_cast %scan3A_249 : i32 to index
            %swap3A_835 = arith.constant 208 : index
            %swap3A_836 = tpu.vector_load %arg13[%swap3A_834, %swap3A_835] {strides = array<i32>} : memref<16x256xf32, #tpu.memory_space<vmem>>, vector<1x16xf32>,
            %swap3A_837 = vector.shape_cast %swap3A_836 : vector<1x16xf32> to vector<16xf32>
            %swap3A_838 = vector.shape_cast %add3A_833 : vector<16xf32> to vector<1x16xf32>
            tpu.vector_store %arg13[%swap3A_834, %swap3A_835], %swap3A_838 {strides = array<i32>} : memref<16x256xf32, #tpu.memory_space<vmem>>, vector<1x16xf32>,
            %add3A_839 = arith.constant 0 : i32
            %add3A_840 = arith.addi %add3A_839, %scan3A_249 : i32
            %get3A_841 = arith.index_cast %add3A_840 : i32 to index
            %get3A_842 = arith.constant 224 : index
            %get3A_843 = tpu.vector_load %arg11[%get3A_841, %get3A_842] {strides = array<i32>} : memref<64x256xf32, #tpu.memory_space<vmem>>, vector<1x16xf32>,
            %get3A_844 = vector.shape_cast %get3A_843 : vector<1x16xf32> to vector<16xf32>
            %mul3A_845 = vector.broadcast %squeeze3A : f32 to vector<16xf32>
            %mul3A_846 = arith.mulf %get3A_844, %mul3A_845 : vector<16xf32>
            %add3A_847 = arith.constant 16 : i32
            %add3A_848 = arith.addi %add3A_847, %scan3A_249 : i32
            %get3A_849 = arith.index_cast %add3A_848 : i32 to index
            %get3A_850 = arith.constant 224 : index
            %get3A_851 = tpu.vector_load %arg11[%get3A_849, %get3A_850] {strides = array<i32>} : memref<64x256xf32, #tpu.memory_space<vmem>>, vector<1x16xf32>,
            %get3A_852 = vector.shape_cast %get3A_851 : vector<1x16xf32> to vector<16xf32>
            %mul3A_853 = vector.broadcast %squeeze3A_263 : f32 to vector<16xf32>
            %mul3A_854 = arith.mulf %get3A_852, %mul3A_853 : vector<16xf32>
            %add3A_855 = arith.addf %mul3A_846, %mul3A_854 : vector<16xf32>
            %add3A_856 = arith.constant 32 : i32
            %add3A_857 = arith.addi %add3A_856, %scan3A_249 : i32
            %get3A_858 = arith.index_cast %add3A_857 : i32 to index
            %get3A_859 = arith.constant 224 : index
            %get3A_860 = tpu.vector_load %arg11[%get3A_858, %get3A_859] {strides = array<i32>} : memref<64x256xf32, #tpu.memory_space<vmem>>, vector<1x16xf32>,
            %get3A_861 = vector.shape_cast %get3A_860 : vector<1x16xf32> to vector<16xf32>
            %mul3A_862 = vector.broadcast %squeeze3A_271 : f32 to vector<16xf32>
            %mul3A_863 = arith.mulf %get3A_861, %mul3A_862 : vector<16xf32>
            %add3A_864 = arith.addf %add3A_855, %mul3A_863 : vector<16xf32>
            %add3A_865 = arith.constant 48 : i32
            %add3A_866 = arith.addi %add3A_865, %scan3A_249 : i32
            %get3A_867 = arith.index_cast %add3A_866 : i32 to index
            %get3A_868 = arith.constant 224 : index
            %get3A_869 = tpu.vector_load %arg11[%get3A_867, %get3A_868] {strides = array<i32>} : memref<64x256xf32, #tpu.memory_space<vmem>>, vector<1x16xf32>,
            %get3A_870 = vector.shape_cast %get3A_869 : vector<1x16xf32> to vector<16xf32>
            %mul3A_871 = vector.broadcast %squeeze3A_279 : f32 to vector<16xf32>
            %mul3A_872 = arith.mulf %get3A_870, %mul3A_871 : vector<16xf32>
            %add3A_873 = arith.addf %add3A_864, %mul3A_872 : vector<16xf32>
            %swap3A_874 = arith.index_cast %scan3A_249 : i32 to index
            %swap3A_875 = arith.constant 224 : index
            %swap3A_876 = tpu.vector_load %arg13[%swap3A_874, %swap3A_875] {strides = array<i32>} : memref<16x256xf32, #tpu.memory_space<vmem>>, vector<1x16xf32>,
            %swap3A_877 = vector.shape_cast %swap3A_876 : vector<1x16xf32> to vector<16xf32>
            %swap3A_878 = vector.shape_cast %add3A_873 : vector<16xf32> to vector<1x16xf32>
            tpu.vector_store %arg13[%swap3A_874, %swap3A_875], %swap3A_878 {strides = array<i32>} : memref<16x256xf32, #tpu.memory_space<vmem>>, vector<1x16xf32>,
            %add3A_879 = arith.constant 0 : i32
            %add3A_880 = arith.addi %add3A_879, %scan3A_249 : i32
            %get3A_881 = arith.index_cast %add3A_880 : i32 to index
            %get3A_882 = arith.constant 240 : index
            %get3A_883 = tpu.vector_load %arg11[%get3A_881, %get3A_882] {strides = array<i32>} : memref<64x256xf32, #tpu.memory_space<vmem>>, vector<1x16xf32>,
            %get3A_884 = vector.shape_cast %get3A_883 : vector<1x16xf32> to vector<16xf32>
            %mul3A_885 = vector.broadcast %squeeze3A : f32 to vector<16xf32>
            %mul3A_886 = arith.mulf %get3A_884, %mul3A_885 : vector<16xf32>
            %add3A_887 = arith.constant 16 : i32
            %add3A_888 = arith.addi %add3A_887, %scan3A_249 : i32
            %get3A_889 = arith.index_cast %add3A_888 : i32 to index
            %get3A_890 = arith.constant 240 : index
            %get3A_891 = tpu.vector_load %arg11[%get3A_889, %get3A_890] {strides = array<i32>} : memref<64x256xf32, #tpu.memory_space<vmem>>, vector<1x16xf32>,
            %get3A_892 = vector.shape_cast %get3A_891 : vector<1x16xf32> to vector<16xf32>
            %mul3A_893 = vector.broadcast %squeeze3A_263 : f32 to vector<16xf32>
            %mul3A_894 = arith.mulf %get3A_892, %mul3A_893 : vector<16xf32>
            %add3A_895 = arith.addf %mul3A_886, %mul3A_894 : vector<16xf32>
            %add3A_896 = arith.constant 32 : i32
            %add3A_897 = arith.addi %add3A_896, %scan3A_249 : i32
            %get3A_898 = arith.index_cast %add3A_897 : i32 to index
            %get3A_899 = arith.constant 240 : index
            %get3A_900 = tpu.vector_load %arg11[%get3A_898, %get3A_899] {strides = array<i32>} : memref<64x256xf32, #tpu.memory_space<vmem>>, vector<1x16xf32>,
            %get3A_901 = vector.shape_cast %get3A_900 : vector<1x16xf32> to vector<16xf32>
            %mul3A_902 = vector.broadcast %squeeze3A_271 : f32 to vector<16xf32>
            %mul3A_903 = arith.mulf %get3A_901, %mul3A_902 : vector<16xf32>
            %add3A_904 = arith.addf %add3A_895, %mul3A_903 : vector<16xf32>
            %add3A_905 = arith.constant 48 : i32
            %add3A_906 = arith.addi %add3A_905, %scan3A_249 : i32
            %get3A_907 = arith.index_cast %add3A_906 : i32 to index
            %get3A_908 = arith.constant 240 : index
            %get3A_909 = tpu.vector_load %arg11[%get3A_907, %get3A_908] {strides = array<i32>} : memref<64x256xf32, #tpu.memory_space<vmem>>, vector<1x16xf32>,
            %get3A_910 = vector.shape_cast %get3A_909 : vector<1x16xf32> to vector<16xf32>
            %mul3A_911 = vector.broadcast %squeeze3A_279 : f32 to vector<16xf32>
            %mul3A_912 = arith.mulf %get3A_910, %mul3A_911 : vector<16xf32>
            %add3A_913 = arith.addf %add3A_904, %mul3A_912 : vector<16xf32>
            %swap3A_914 = arith.index_cast %scan3A_249 : i32 to index
            %swap3A_915 = arith.constant 240 : index
            %swap3A_916 = tpu.vector_load %arg13[%swap3A_914, %swap3A_915] {strides = array<i32>} : memref<16x256xf32, #tpu.memory_space<vmem>>, vector<1x16xf32>,
            %swap3A_917 = vector.shape_cast %swap3A_916 : vector<1x16xf32> to vector<16xf32>
            %swap3A_918 = vector.shape_cast %add3A_913 : vector<16xf32> to vector<1x16xf32>
            tpu.vector_store %arg13[%swap3A_914, %swap3A_915], %swap3A_918 {strides = array<i32>} : memref<16x256xf32, #tpu.memory_space<vmem>>, vector<1x16xf32>,
          }
          %scan3A_238 = arith.constant 16 : i32
          %mul3A_239 = arith.constant 5120 : i32
          %mul3A_240 = arith.muli %scan3A_151, %mul3A_239 : i32
          %add3A_241 = arith.addi %mul3A_240, %mul3A_2 : i32
          %mul3A_242 = arith.constant 16 : i32
          %mul3A_243 = arith.muli %scan3A_8, %mul3A_242 : i32
          %add3A_244 = arith.addi %add3A_241, %mul3A_243 : i32
          %dma_start3A_245 = arith.constant 0 : i32
          %dma_start3A_246 = tpu.memref_slice %arg4[%add3A_244, %dma_start3A_245] : memref<250880x256xf32, #tpu.memory_space<hbm>> -> memref<16x256xf32, #tpu.memory_space<hbm>>
          %dma_start3A_247 = arith.constant 0 : i32
          %dma_start3A_248 = tpu.memref_slice %arg4[%add3A_244, %dma_start3A_247] : memref<250880x256xf32, #tpu.memory_space<hbm>> -> memref<16x256xf32, #tpu.memory_space<hbm>>
          tpu.enqueue_dma source(%arg13 : memref<16x256xf32, #tpu.memory_space<vmem>>) target(%dma_start3A_248 : memref<16x256xf32, #tpu.memory_space<hbm>>) target_semaphore(%arg19 : memref<!tpu.dma_semaphore, #tpu.memory_space<semaphore_mem>>)
        } else {
        }
      }
      %scan3A_133 = arith.constant 49 : i32
      %add3A_134 = arith.constant 240640 : i32
      %add3A_135 = arith.addi %add3A_134, %mul3A_2 : i32
      %mul3A_136 = arith.constant 16 : i32
      %mul3A_137 = arith.muli %scan3A_8, %mul3A_136 : i32
      %add3A_138 = arith.addi %add3A_135, %mul3A_137 : i32
      %dma_wait3A = arith.constant 0 : i32
      %dma_wait3A_139 = tpu.memref_slice %arg4[%add3A_138, %dma_wait3A] : memref<250880x256xf32, #tpu.memory_space<hbm>> -> memref<16x256xf32, #tpu.memory_space<hbm>>
      %dma_wait3A_140 = arith.constant 0 : i32
      %dma_wait3A_141 = tpu.memref_slice %arg4[%add3A_138, %dma_wait3A_140] : memref<250880x256xf32, #tpu.memory_space<hbm>> -> memref<16x256xf32, #tpu.memory_space<hbm>>
      tpu.wait_dma2 semaphore(%arg19 : memref<!tpu.dma_semaphore, #tpu.memory_space<semaphore_mem>>) src(%arg13 : memref<16x256xf32, #tpu.memory_space<vmem>>) dst(%dma_wait3A_141 : memref<16x256xf32, #tpu.memory_space<hbm>>)
      %add3A_142 = arith.constant 245760 : i32
      %add3A_143 = arith.addi %add3A_142, %mul3A_2 : i32
      %mul3A_144 = arith.constant 16 : i32
      %mul3A_145 = arith.muli %scan3A_8, %mul3A_144 : i32
      %add3A_146 = arith.addi %add3A_143, %mul3A_145 : i32
      %dma_wait3A_147 = arith.constant 0 : i32
      %dma_wait3A_148 = tpu.memref_slice %arg4[%add3A_146, %dma_wait3A_147] : memref<250880x256xf32, #tpu.memory_space<hbm>> -> memref<16x256xf32, #tpu.memory_space<hbm>>
      %dma_wait3A_149 = arith.constant 0 : i32
      %dma_wait3A_150 = tpu.memref_slice %arg4[%add3A_146, %dma_wait3A_149] : memref<250880x256xf32, #tpu.memory_space<hbm>> -> memref<16x256xf32, #tpu.memory_space<hbm>>
      tpu.wait_dma2 semaphore(%arg18 : memref<!tpu.dma_semaphore, #tpu.memory_space<semaphore_mem>>) src(%arg12 : memref<16x256xf32, #tpu.memory_space<vmem>>) dst(%dma_wait3A_150 : memref<16x256xf32, #tpu.memory_space<hbm>>)
    }
    %scan3A_7 = arith.constant 10 : i32
    return
  }
}

</mosaic_0001>

<sc_bundles>
// kernel: kernel.3.cloned.1.call-start
scs
__scs_entry_jumppad:
0x0: {  	(pc) =	sbr.rel $0x88, $3  }
0x1: {  	(tag) =	ssettag $0x0;
	lr =	simm.s32 $0x1  }
0x2: {  	[smem:$0x3F9C] =	sst lr;
	_ =	strace $0xD0000000  }
0x3: {  	_ = 	snop  }
0x4: {  	_ = 	snop  }
0x5: {  	_ = 	snop  }
0x6: {  	_ = 	snop  }
0x7: {  	_ = 	snop  }
__scs_overlays_trampoline_lowered:
0x8: {  	[smem:$0x3FAB] =	sst s0  }
0x9: {  	[smem:$0x3FAC] =	sst s1  }
0xa: {  	[smem:$0x3FAD] =	sst s2  }
0xb: {  	[smem:$0x3FAE] =	sst s3  }
0xc: {  	[smem:$0x3FAF] =	sst s4  }
0xd: {  	[smem:$0x3FB0] =	sst s5  }
0xe: {  	[smem:$0x3FB1] =	sst s6  }
0xf: {  	[smem:$0x3FB2] =	sst s7  }
0x10: {  	[smem:$0x3FB3] =	sst s8  }
0x11: {  	[smem:$0x3FB4] =	sst s9;
	s0 =	simm.s32 @!p0 $0x0  }
0x12: {  	s1 =	sld [smem:$0x3F9A];
	s0 =	simm.s32 @p0 $0x1  }
0x13: {  	[smem:$0x3FB5] =	sst s0;
	s0 =	simm.s32 @!p1 $0x0  }
0x14: {  	s2 =	sld [smem:$0x3F99];
	s0 =	simm.s32 @p1 $0x1  }
0x15: {  	[smem:$0x3FB6] =	sst s0;
	s0 =	simm.s32 @!p2 $0x0  }
0x16: {  	s3 =	sld [smem:$0x3FDB];
	s0 =	simm.s32 @p2 $0x1  }
0x17: {  	s4 =	simm.s32 $0x1BF5;
	[smem:$0x3FB8] =	sst s0  }
0x18: {  	s0 =	sld [smem:$0x3F9B];
	_ =	swait.ge [sflag:s4], $0x0  }
0x19: {  	s7 =	sld [smem:$0x3F9C]  }
0x1a: {  	s8 =	sadd.s32 $0xFFFFE003, lr  }
0x1b: {  	s9 =	sadd.s32 $0xFFFFFEF7, lr;
	s5 =	simm.s32 $0xFFFFFFFF;
	p2 =	slt.u32 s8, $0xFFFFF086  }
0x1c: {  	p1 =	slt.u32 s9, $0xF7A;
	s5 =	simm.s32 @!p2 $0x0  }
0x1d: {  	s5 =	simm.s32 @p1 $0x1;
	p0 =	seq.s32 s7, s2  }
0x1e: {  	s7 =	smul.u32 @!p0 $0xF7A, s2;
	p2 =	seq.s32 @!p0 s5, $0x0  }
0x1f: {  	s9 =	smul.u32 $0xF7A, s1;
	s8 =	simm.s32 @!p0 $0x1BF5;
	p2 =	por !p2, p0  }
0x20: {  	[sflag:s8] =	ssyncset.s32 @!p0 $0xFFFFF086;
	s6 =	sadd.s32 @!p0 s3, s7;
	s7 =	simm.s32 @!p0 $0x108  }
0x21: {  	s3 =	sadd.s32 s3, s9;
	s6 =	sadd.s32 @!p0 $0x88, s6;
	s7 =	simm.s32 @p2 $0x1082  }
0x22: {  	[simem:s7], [sflag:s8] =	dma.local @!p0 [hbm:s6], $0xF7A  }
0x23: {  	s9 =	sor.u32 $0xD0000000, s2;
	s6 =	simm.s32 $0x108;
	_ =	swait.ge @!p0 [sflag:s8], $0x0  }
0x24: {  	s3 =	sadd.s32 $0x88, s3;
	s6 =	simm.s32 @!p1 $0x1082;
	[sflag:s4] =	ssyncset.s32 $0xFFFFF086  }
0x25: {  	[simem:s6], [sflag:s4] =	dma.local [hbm:s3], $0xF7A  }
0x26: {  	[smem:$0x3F9C] =	sst s1;
	(tag) =	ssettag s2;
	_ =	strace s9  }
0x27: {  	s1 =	sld [smem:$0x3FAC]  }
0x28: {  	s2 =	sld [smem:$0x3FAD]  }
0x29: {  	s4 =	sld [smem:$0x3FAF]  }
0x2a: {  	p0 =	seq.s32 s5, $0x0;
	s5 =	sld [smem:$0x3FB0]  }
0x2b: {  	s6 =	sld [smem:$0x3FB1]  }
0x2c: {  	s7 =	sld [smem:$0x3FB2]  }
0x2d: {  	s3 =	simm.s32 $0x108;
	s8 =	sld [smem:$0x3FB3]  }
0x2e: {  	s3 =	simm.s32 @!p0 $0x1082;
	s9 =	sld [smem:$0x3FB4]  }
0x2f: {  	lr =	sadd.s32 s0, s3;
	s0 =	sld [smem:$0x3FAB]  }
0x30: {  	s3 =	sld [smem:$0x3FAE]  }
0x31: {  	[smem:$0x3FB7] =	sst s10  }
0x32: {  	s10 =	sld [smem:$0x3FB5];
	_ =	sdelay $0x3  }
0x33: {  	p0 =	seq.s32 s10, $0x1;
	s10 =	sld [smem:$0x3FB7];
	_ =	sdelay $0x3  }
0x34: {  	[smem:$0x3FB7] =	sst s10  }
0x35: {  	s10 =	sld [smem:$0x3FB6];
	_ =	sdelay $0x3  }
0x36: {  	p1 =	seq.s32 s10, $0x1;
	s10 =	sld [smem:$0x3FB7];
	_ =	sdelay $0x3  }
0x37: {  	[smem:$0x3FB7] =	sst s10  }
0x38: {  	s10 =	sld [smem:$0x3FB8]  }
0x39: {  	_ = 	snop;
	(pc) =	sbr.ind lr, $3  }
0x3a: {  	_ = 	snop  }
0x3b: {  	_ = 	snop  }
0x3c: {  	p2 =	seq.s32 s10, $0x1;
	s10 =	sld [smem:$0x3FB7]  }
0x3d: {  	_ =	shalt  }
0x3e: {  	_ =	shalt  }
0x3f: {  	_ =	shalt  }
0x40: {  	_ =	shalt  }
0x41: {  	_ =	shalt  }
0x42: {  	_ =	shalt  }
0x43: {  	_ =	shalt  }
0x44: {  	_ =	shalt  }
0x45: {  	_ =	shalt  }
0x46: {  	_ =	shalt  }
0x47: {  	_ =	shalt  }
0x48: {  	_ =	shalt  }
0x49: {  	_ =	shalt  }
0x4a: {  	_ =	shalt  }
0x4b: {  	_ =	shalt  }
0x4c: {  	_ =	shalt  }
0x4d: {  	_ =	shalt  }
0x4e: {  	_ =	shalt  }
0x4f: {  	_ =	shalt  }
0x50: {  	_ =	shalt  }
0x51: {  	_ =	shalt  }
0x52: {  	_ =	shalt  }
0x53: {  	_ =	shalt  }
0x54: {  	_ =	shalt  }
0x55: {  	_ =	shalt  }
0x56: {  	_ =	shalt  }
0x57: {  	_ =	shalt  }
0x58: {  	_ =	shalt  }
0x59: {  	_ =	shalt  }
0x5a: {  	_ =	shalt  }
0x5b: {  	_ =	shalt  }
0x5c: {  	_ =	shalt  }
0x5d: {  	_ =	shalt  }
0x5e: {  	_ =	shalt  }
0x5f: {  	_ =	shalt  }
0x60: {  	_ =	shalt  }
0x61: {  	_ =	shalt  }
0x62: {  	_ =	shalt  }
0x63: {  	_ =	shalt  }
0x64: {  	_ =	shalt  }
0x65: {  	_ =	shalt  }
0x66: {  	_ =	shalt  }
0x67: {  	_ =	shalt  }
0x68: {  	_ =	shalt  }
0x69: {  	_ =	shalt  }
0x6a: {  	_ =	shalt  }
0x6b: {  	_ =	shalt  }
0x6c: {  	_ =	shalt  }
0x6d: {  	_ =	shalt  }
0x6e: {  	_ =	shalt  }
0x6f: {  	_ =	shalt  }
0x70: {  	_ =	shalt  }
0x71: {  	_ =	shalt  }
0x72: {  	_ =	shalt  }
0x73: {  	_ =	shalt  }
0x74: {  	_ =	shalt  }
0x75: {  	_ =	shalt  }
0x76: {  	_ =	shalt  }
0x77: {  	_ =	shalt  }
0x78: {  	_ =	shalt  }
0x79: {  	_ =	shalt  }
0x7a: {  	_ =	shalt  }
0x7b: {  	_ =	shalt  }
0x7c: {  	_ =	shalt  }
0x7d: {  	_ =	shalt  }
0x7e: {  	_ =	shalt  }
0x7f: {  	_ =	shalt  }
0x80: {  	_ =	shalt  }
0x81: {  	_ =	shalt  }
0x82: {  	_ =	shalt  }
0x83: {  	_ =	shalt  }
0x84: {  	_ =	shalt  }
0x85: {  	_ =	shalt  }
0x86: {  	_ =	shalt  }
0x87: {  	_ =	shalt  }
.Lfunc_end0:
.L_simem_size_0:
called_computation_lowered:
.L_overlay_start_0:
0x88: {  	s2 =	sld [smem:$0x3FD9]  }
0x89: {  	s3 =	sld [smem:$0x3FFE];
	_ =	sdelay $0x1  }
0x8a: {  	s1 =	srdreg.scid  }
0x8b: {  	s0 =	sand.u32 $0x1, s1  }
0x8c: {  	s17 =	sshll.u32 s0, $0xA;
	s2 =	sadd.s32 s3, s2  }
0x8d: {  	s2 =	sadd.s32 s2, s17  }
0x8e: {  	[smem:$0x3FC3] =	sst s2  }
0x8f: {  	_ = 	snop  }
0x90: {  	s2 =	sld [smem:$0x3FD0];
	(tm) =	ssettm $0x1  }
0x91: {  	s18 =	sld [smem:$0x3FFB];
	_ =	sdelay $0x3  }
0x92: {  	_ =	strace s18  }
0x93: {  	s3 =	sld [smem:$0x3FFC];
	_ =	sdelay $0x3  }
0x94: {  	_ =	strace s3  }
0x95: {  	s3 =	sld [smem:$0x3FFD];
	_ =	sdelay $0x3  }
0x96: {  	_ =	strace s3  }
0x97: {  	_ =	strace $0x8FFFFFFF  }
0x98: {  	s19 =	sld [smem:$0x3FDB];
	_ =	sdelay $0x1  }
0x99: {  	s4 =	simm.s32 $_scs_section_size  }
0x9a: {  	s5 =	simm.s32 $_size__tile_overlayer_lowered;
	s6 =	simm.s32 $_tile_overlayer_lowered  }
0x9b: {  	s22 =	simm.s32 $0x1BFF;
	s21 =	sshll.u32 s6, $0x1;
	s3 =	sadd.s32 s4, s19  }
0x9c: {  	s7 =	simm.s32 $0x0;
	s20 =	sshll.u32 s5, $0x1;
	s5 =	sadd.s32 s21, s3  }
0x9d: {  	[timem:s7], [sflag:s22] =	dma.local [hbm:s5], s20  }
0x9e: {  	_ =	swait.ge [sflag:s22], s20  }
0x9f: {  	s4 =	ssub.s32 $0x0, s20;
	[sflag:s22] =	ssyncset.done $0x0  }
0xa0: {  	[sflag:s22] =	ssyncadd.s32 s4;
	_ =	sdelay $0x1  }
0xa1: {  	s23 =	simm.s32 $0x1B8B  }
0xa2: {  	_ =	swait.ge [sflag:s23], $0x1  }
0xa3: {  	[sflag:s23] =	ssyncset.done $0x0  }
0xa4: {  	s25 =	simm.s32 $0x1B8E;
	s24 =	sld [smem:$0x3FFE];
	[sflag:s23] =	ssyncadd.s32 $0xFFFFFFFF  }
0xa5: {  	s26 =	simm.s32 $execute0_lowered;
	[smem:$0x3FD2] =	sst s25  }
0xa6: {  	s5 =	sshll.u32 s26, $0x1;
	_ =	strace $0x80000046;
	[dreg:$0x1] =	wrdreg $0xFFFFFFFF  }
0xa7: {  	s28 =	simm.s32 $_size_execute0_lowered;
	s3 =	sadd.s32 s3, s5;
	[dreg:$0x0] =	wrdreg $0x0  }
0xa8: {  	s5 =	sshll.u32 s28, $0x1;
	[dreg:$0x2] =	wrdreg s3  }
0xa9: {  	[dreg:$0x3] =	wrdreg s5  }
0xaa: {  	[dreg:$0x4] =	wrdreg $0xC0  }
0xab: {  	_ =	task [dreg:s7], $0x5FFFF  }
0xac: {  	[dreg:$0x1] =	wrdreg $0xFFFFFFFF  }
0xad: {  	[dreg:$0x0] =	wrdreg $0x60  }
0xae: {  	[dreg:$0x2] =	wrdreg s2  }
0xaf: {  	[dreg:$0x3] =	wrdreg s24  }
0xb0: {  	[dreg:$0x4] =	wrdreg $0x9  }
0xb1: {  	_ =	task.clear_ibuf [dreg:s7], $0x5FFFF;
	_ =	strace $0x90000046  }
0xb2: {  	s29 =	simm.s32 $0x9;
	_ =	strace $0x80000048  }
0xb3: {  	_ =	swait.ge [sflag:s29], $0x1  }
0xb4: {  	[sflag:s29] =	ssyncadd.s32 $0xFFFFFFFF  }
0xb5: {  	_ =	strace $0x90000048  }
0xb6: {  	_ =	sfence  }
0xb7: {  	s30 =	sld [smem:$0x0];
	_ =	sdelay $0x2  }
0xb8: {  	s31 =	sshll.u32 s1, $0xD;
	s1 =	sshrl.u32 s1, $0x2  }
0xb9: {  	s3 =	sand.u32 $0x4000, s31;
	s1 =	sadd.s32 s1, s30  }
0xba: {  	s0 =	sor.u32 s3, s0;
	s1 =	sshll.u32 s1, $0x11  }
0xbb: {  	s0 =	sor.u32 s1, s0  }
0xbc: {  	s0 =	sadd.s32 $0x8F2B, s0  }
0xbd: {  	[sflag:s0] =	ssyncadd.remote.s32 $0x1  }
0xbe: {  	_ =	sfence.sel $0xFFFF  }
0xbf: {  	[dreg:$0x0] =	wrdreg $0xFFFFFFFF;
	(pc) =	sbr.abs _section_cstart, $3  }
0xc0: {  	[dreg:$0x1] =	wrdreg $0xFFFFFFFF  }
0xc1: {  	_ =	task.clear_ibuf [dreg:s7], $0x2FFFF;
	_ =	strace $0x9FFFFFFF  }
0xc2: {  	(tm) =	ssettm $0x7FFFFFFF  }
0xc3: {  	_ =	shalt  }
tec
execute0_lowered:
.L_overlay_start_1:
0x0: {  	(tag) =	ssettag $0x1  }
0x1: {  	s1 =	rddreg [dreg:$0x0];
	s3 =	simm.s32 $0x0  }
0x2: {  	[smem:$0x7FF] =	sst s3  }
0x3: {  	s0 =	rddreg [dreg:$0x1];
	v0 =	vimm.f32 $7.000000000e+00;
	_ =	strace $0x80000047  }
0x4: {  	s2 =	srdreg.scid;
	s4 =	stileid.u32;
	s7 =	simm.s32 $0x14080;
	(erf) = vrcp.f32 v0  }
0x5: {  	s8 =	simm.s32 $0x14880;
	s9 =	simm.s32 $0x15880;
	s10 =	simm.s32 $0x16080  }
0x6: {  	s11 =	simm.s32 $0x16880;
	s2 =	sand.u32 $0x1, s2;
	s4 =	sshll.u32 s4, $0x1  }
0x7: {  	s12 =	simm.s32 $0x17080;
	s5 =	ssub.s32 $0x2, s2;
	s2 =	sor.u32 s2, s4  }
0x8: {  	s13 =	simm.s32 $0x1;
	s30 =	sshll.u32 s2, $0x8;
	s2 =	smul.u32 $0xA0, s2  }
.Ltmp0:
0x9: {  	s14 =	simm.s32 $0x17880;
	s15 =	simm.s32 $0x6;
	(pc) =	sbr.rel .LBB2_1-.Ltmp0, $4  }
0xa: {  	v1 =	vimm.s32 $0xC8;
	v2 =	vimm.s32 $0x4;
	s16 =	simm.s32 $0x5;
	s4 =	sadd.s32 $0x2000, s0;
	s6 =	sshrl.u32 s5, $0x1  }
0xb: {  	v3 =	vimm.s32 $0x19A28;
	v8 =	vlaneseq.u32;
	v4 =	vimm.f32 $0.0e+00;
	s5 =	ssub.s32 s5, s6;
	s0 =	sadd.s32 s0, s30;
	[dreg:$0x3] =	wrdreg s2  }
0xc: {  	vm0 =	vmmov $0xffff;
	v5 =	vand.u32 $0x7, v8;
	v7 =	vshrl.u32 v8, $0x3;
	s6 =	simm.s32 $0x13880;
	[dreg:$0x4] =	wrdreg s0;
	s31 =	smax.u32 s5, $0x1  }
0xd: {  	v8 =	vor.u32 $0x8, v8;
	v7 =	vmul.u32 $0x8, v7;
	v0 =	vimm.s32 $0x0;
	s5 =	simm.s32 $0x15080;
	s2 =	simm.s32 $0x0;
	[dreg:$0x5] =	wrdreg s31;
	v6 =	vpop (erf)  }
.LBB2_31:
0xe: {  	s2 =	rddreg [dreg:$0x6]  }
0xf: {  	s0 =	rddreg [dreg:$0x5];
	s2 =	sadd.s32 $0x1, s2  }
0x10: {  	p0 =	sne.s32 s2, s0  }
.Ltmp1:
0x11: {  	_ = 	snop;
	(pc) =	sbr.rel @!p0 .LBB2_32-.Ltmp1, $1  }
0x12: {  	_ =	sdelay $0x3  }
.LBB2_1:
0x13: {  	[dreg:$0x6] =	wrdreg s2  }
.Ltmp2:
0x14: {  	s0 =	rddreg [dreg:$0x4];
	s31 =	simm.s32 $0x7;
	(pc) =	sbr.rel .LBB2_2-.Ltmp2, $4  }
0x15: {  	[tilespmem:s3], [sflag:$0x7] =	stream.linear.gather [hbm4b:s0+s3], $0x800, $0x38;
	[tilespmem:$0x19880] =	vst v63  }
0x16: {  	_ =	swait.ge [sflag:s31], $0x800  }
0x17: {  	[sflag:s31] =	ssyncset.done $0x0  }
0x18: {  	s21 =	simm.s32 $0x0;
	[sflag:s31] =	ssyncadd.s32 $0xFFFFF800  }
.LBB2_30:
0x19: {  	s21 =	sadd.s32 $0x1, s21  }
0x1a: {  	_ =	swait.ge [sflag:s15], $0x1000;
	p0 =	sne.s32 s21, $0xA  }
.Ltmp3:
0x1b: {  	[sflag:s15] =	ssyncset.done $0x0;
	(pc) =	sbr.rel @!p0 .LBB2_31-.Ltmp3, $4  }
0x1c: {  	[sflag:s15] =	ssyncadd.s32 $0xFFFFF000  }
0x1d: {  	_ =	swait.ge [sflag:s16], $0x1000  }
0x1e: {  	[sflag:s16] =	ssyncset.done $0x0  }
0x1f: {  	[sflag:s16] =	ssyncadd.s32 $0xFFFFF000  }
.LBB2_2:
0x20: {  	s23 =	sshll.u32 s21, $0x4;
	s0 =	sshll.u32 s21, $0x7  }
0x21: {  	s2 =	sand.u32 $0x70, s23;
	s0 =	sand.u32 $0x400, s0  }
0x22: {  	s0 =	sor.u32 s2, s0  }
0x23: {  	v9 =	vld [tilespmem:s0+$0x80]  }
0x24: {  	v10 =	vld [tilespmem:s0+$0x100]  }
0x25: {  	v11 =	vld [tilespmem:s0+$0x180]  }
0x26: {  	v12 =	vld [tilespmem:s0+$0x200];
	_ =	sdelay $0x4  }
0x27: {  	v13 =	vsub.f32 v11, v9;
	v14 =	vsub.f32 v12, v10;
	_ =	sdelay $0x1  }
0x28: {  	v13 =	vmul.f32 v14, v13;
	_ =	sdelay $0x1  }
0x29: {  	v13 =	vmax.f32 v13, $9.999999960e-13  }
0x2a: {  	vm1 =	vge.f32 v13, $1.254398730e+04;
	vm2 =	vge.f32 v13, $5.017597660e+04  }
0x2b: {  	v14 =	vsel vm1, $0x1, v0;
	v15 =	vsel vm2, $0x1, v0;
	vm1 =	vge.f32 v13, $2.007039530e+05  }
0x2c: {  	v13 =	vadd.s32 v15, v14;
	v14 =	vsel vm1, $0x1, v0  }
0x2d: {  	v14 =	vadd.s32 v14, v13  }
0x2e: {  	v13 =	vshll.u32 v2, v14  }
0x2f: {  	v13 =	vcvt.s32.f32 v13;
	_ =	sdelay $0x1  }
0x30: {  	(erf) = vrcp.f32 v13;
	_ =	sdelay $0x7  }
0x31: {  	s19 =	simm.s32 $0x0  }
0x32: {  	s2 =	smin.u32 s19, $0x30;
	v13 =	vpop (erf)  }
0x33: {  	s17 =	smul.u32 $0x25, s2;
	v10 =	vmul.f32 v13, v10;
	v12 =	vmul.f32 v13, v12  }
0x34: {  	s22 =	simm.s32 $0x1  }
0x35: {  	s20 =	smin.u32 s22, $0x30;
	s17 =	sshrl.u32 s17, $0x8;
	v16 =	vadd.f32 $-5.000000000e-01, v10;
	v10 =	vadd.f32 $-5.000000000e-01, v12  }
0x36: {  	s22 =	smul.u32 $0x25, s20;
	s18 =	scvt.s32.f32 s17;
	v11 =	vmul.f32 v13, v11;
	v12 =	vmul.f32 v13, v9  }
0x37: {  	s17 =	smul.u32 $0xFFFFFFF9, s17;
	v10 =	vsub.f32 v10, v16  }
0x38: {  	s18 =	sadd.f32 $5.000000000e-01, s18;
	v11 =	vadd.f32 $-5.000000000e-01, v11;
	v18 =	vadd.f32 $-5.000000000e-01, v12;
	v12 =	vld [tilespmem:s0+$0x0];
	s0 =	sshrl.u32 s22, $0x8  }
0x39: {  	s2 =	sadd.s32 s2, s17;
	s24 =	smul.u32 $0xFFFFFFF9, s0;
	s0 =	scvt.s32.f32 s0;
	v17 =	vmul.f32 v10, v6  }
0x3a: {  	s2 =	scvt.s32.f32 s2;
	vm1 =	veq.s32 v14, $0x0;
	v11 =	vsub.f32 v11, v18  }
0x3b: {  	vm2 =	veq.s32 v14, $0x1;
	v9 =	vshrl.u32 v1, v14;
	s17 =	sadd.s32 s20, s24;
	s0 =	sadd.f32 $5.000000000e-01, s0;
	v13 =	vmul.f32 s18, v17  }
0x3c: {  	s28 =	simm.s32 $0x2;
	s2 =	sadd.f32 $5.000000000e-01, s2;
	vm3 =	veq.s32 v14, $0x2;
	v10 =	vcvt.s32.f32 v9;
	v19 =	vmul.f32 v11, v6;
	s25 =	scvt.s32.f32 s17  }
0x3d: {  	v14 =	vsel vm3, $0x186A0, v3;
	v24 =	vmul.f32 s0, v17;
	s0 =	smin.u32 s28, $0x30;
	v20 =	vadd.f32 v13, v16  }
0x3e: {  	v12 =	vtrunc.f32 v12;
	v13 =	vadd.f32 $-1.000000000e+00, v10;
	v23 =	vmul.f32 s2, v19;
	s26 =	sadd.f32 $5.000000000e-01, s25;
	s29 =	smul.u32 $0x25, s0  }
0x3f: {  	v22 =	vcvt.f32.s32 v12;
	v26 =	vadd.f32 v24, v16;
	v15 =	vmax.f32 v20, $0.0e+00  }
0x40: {  	v23 =	vadd.f32 v23, v18;
	v24 =	vmul.f32 s26, v19;
	vm3 =	vgt.f32 v20, $-1.000000000e+00;
	s2 =	sshrl.u32 s29, $0x8  }
0x41: {  	v21 =	vmin.f32 v13, v15;
	v15 =	vsel vm2, $0x13880, v14;
	v14 =	vadd.s32 $0xFFFFFFFE, v9;
	s30 =	smul.u32 $0xFFFFFFF9, s2;
	s2 =	scvt.s32.f32 s2  }
0x42: {  	v28 =	vmax.f32 v26, $0.0e+00;
	v11 =	vtrunc.f32 v21;
	v12 =	vsel vm1, $0x0, v15  }
0x43: {  	v15 =	vmul.u32 v22, v9;
	v27 =	vmax.f32 v23, $0.0e+00;
	v11 =	vcvt.f32.s32 v11;
	s2 =	sadd.f32 $5.000000000e-01, s2  }
0x44: {  	vm2 =	vlt.f32 v23, v10;
	vm4 =	vgt.f32 v23, $-1.000000000e+00;
	v27 =	vmin.f32 v13, v27  }
0x45: {  	vm3 =	vmand vm3, vm4;
	vm1 =	vlt.s32 v11, v14;
	v31 =	vmul.f32 s2, v17  }
0x46: {  	v22 =	vsel vm1, v11, v14;
	v11 =	vadd.s32 $0x1, v9;
	vm1 =	vlt.f32 v20, v10  }
0x47: {  	s0 =	sadd.s32 s0, s30;
	v20 =	vmin.f32 v13, v28;
	v28 =	vtrunc.f32 v27;
	v25 =	vcvt.s32.f32 v22  }
0x48: {  	s0 =	scvt.s32.f32 s0;
	v29 =	vtrunc.f32 v20;
	v28 =	vcvt.f32.s32 v28;
	v30 =	vadd.s32 v15, v22  }
0x49: {  	v22 =	vadd.f32 v24, v18;
	vm3 =	vmand vm3, vm1;
	v24 =	vcvt.f32.s32 v29  }
0x4a: {  	s0 =	sadd.f32 $5.000000000e-01, s0;
	v29 =	vmul.u32 v9, v30;
	vm4 =	vmand vm2, vm3;
	vm5 =	vlt.s32 v28, v14  }
0x4b: {  	vm3 =	vgt.f32 v26, $-1.000000000e+00;
	v23 =	vsub.f32 v21, v25;
	v21 =	vsel vm5, v28, v14  }
0x4c: {  	vm2 =	vlt.f32 v26, v10;
	v26 =	vmul.f32 s0, v19;
	v28 =	vcvt.s32.f32 v21  }
0x4d: {  	vm1 =	vlt.f32 v22, v10;
	vm6 =	vlt.s32 v24, v14;
	v25 =	vadd.s32 v12, v29  }
0x4e: {  	v24 =	vsel vm6, v24, v14;
	v29 =	vadd.s32 v21, v25;
	v21 =	vsub.f32 v27, v28  }
0x4f: {  	v30 =	vadd.s32 $0x1, v29;
	v33 =	vadd.s32 v9, v29;
	v28 =	vsub.f32 $1.000000000e+00, v23  }
0x50: {  	s31 =	simm.s32 $0x820;
	v25 =	vcvt.s32.f32 v24;
	v32 =	vadd.s32 v11, v29;
	v34 =	vsub.f32 $1.000000000e+00, v21  }
0x51: {  	[tilespmem:s31+$0xFFFFFFE0] =	vst v29;
	v35 =	vmul.f32 v21, v28;
	v27 =	vmul.f32 v21, v23;
	v21 =	vadd.f32 v31, v16  }
0x52: {  	v29 =	vsel vm4, $0x3F800000, v4;
	[tilespmem:s31+$0x10] =	vst v32;
	v28 =	vmul.f32 v34, v28;
	v31 =	vmul.f32 v34, v23  }
0x53: {  	s22 =	simm.s32 $0x3;
	[tilespmem:s31+$0xFFFFFFF0] =	vst v30;
	v32 =	vmax.f32 v21, $0.0e+00;
	v23 =	vadd.f32 v26, v18;
	v26 =	vmax.f32 v22, $0.0e+00  }
0x54: {  	s17 =	simm.s32 $0x1580;
	s2 =	simm.s32 $0x1580;
	s0 =	simm.s32 $0x860;
	[tilespmem:s31+$0x0] =	vst v33;
	v30 =	vmul.f32 v35, v29;
	v26 =	vmin.f32 v13, v26;
	v28 =	vmul.f32 v28, v29  }
.LBB2_3:
0x55: {  	s18 =	smov.u32 s22  }
0x56: {  	s24 =	smin.u32 s22, $0x30;
	v32 =	vmin.f32 v13, v32;
	v33 =	vtrunc.f32 v26;
	v31 =	vmul.f32 v31, v29;
	s2 =	sadd.s32 $0x200, s2;
	s18 =	sadd.s32 $0x1, s22  }
0x57: {  	p0 =	sne.s32 s22, $0x31;
	v24 =	vadd.s32 v15, v24;
	s25 =	smul.u32 $0x25, s24;
	v34 =	vtrunc.f32 v32;
	v33 =	vcvt.f32.s32 v33;
	[tilespmem:s17+$0xFFFFFF80] =	vst v30  }
0x58: {  	v27 =	vmul.f32 v27, v29;
	v24 =	vmul.u32 v9, v24;
	v30 =	vcvt.f32.s32 v34;
	[tilespmem:s17+$0x0] =	vst v31  }
0x59: {  	vm4 =	vgt.f32 v22, $-1.000000000e+00;
	v29 =	vsub.f32 v20, v25;
	v20 =	vmovc v32;
	s22 =	sshrl.u32 s25, $0x8;
	vm5 =	vlt.s32 v33, v14;
	[tilespmem:s17+$0xFFFFFF00] =	vst v28  }
0x5a: {  	v25 =	vadd.s32 v12, v24;
	s25 =	smul.u32 $0xFFFFFFF9, s22;
	s22 =	scvt.s32.f32 s22;
	vm6 =	vlt.s32 v30, v14;
	v31 =	vsel vm5, v33, v14;
	[tilespmem:s17+$0x80] =	vst v27;
	s17 =	smov.u32 s2  }
0x5b: {  	v22 =	vmovc v23;
	v24 =	vsel vm6, v30, v14;
	v27 =	vcvt.s32.f32 v31;
	v28 =	vadd.s32 v31, v25  }
0x5c: {  	vm3 =	vmand vm3, vm4;
	s24 =	sadd.s32 s24, s25;
	s22 =	sadd.f32 $5.000000000e-01, s22;
	v23 =	vadd.s32 $0x1, v28;
	v30 =	vadd.s32 v9, v28  }
0x5d: {  	v31 =	vsub.f32 $1.000000000e+00, v29;
	v25 =	vcvt.s32.f32 v24;
	s24 =	scvt.s32.f32 s24;
	v26 =	vsub.f32 v26, v27  }
0x5e: {  	vm2 =	vmand vm3, vm2;
	v33 =	vadd.s32 v11, v28;
	v32 =	vmul.f32 s22, v17  }
0x5f: {  	s22 =	sadd.f32 $5.000000000e-01, s24;
	v34 =	vsub.f32 $1.000000000e+00, v26;
	v35 =	vmul.f32 v26, v31;
	v27 =	vmul.f32 v26, v29;
	[tilespmem:s0+$0xFFFFFFE0] =	vst v28  }
.Ltmp4:
0x60: {  	vm4 =	vmand vm1, vm2;
	vm1 =	vlt.f32 v22, v10;
	v26 =	vadd.f32 v32, v16;
	[tilespmem:s0+$0x10] =	vst v33;
	(pc) =	sbr.rel @p0 .LBB2_3-.Ltmp4, $4  }
0x61: {  	vm3 =	vgt.f32 v21, $-1.000000000e+00;
	vm2 =	vlt.f32 v21, v10;
	v28 =	vmul.f32 s22, v19;
	[tilespmem:s0+$0xFFFFFFF0] =	vst v23  }
0x62: {  	v32 =	vmax.f32 v26, $0.0e+00;
	v21 =	vmovc v26;
	[tilespmem:s0+$0x0] =	vst v30;
	v30 =	vmul.f32 v34, v31;
	v31 =	vmul.f32 v34, v29  }
0x63: {  	v26 =	vmax.f32 v22, $0.0e+00;
	v23 =	vadd.f32 v28, v18;
	v29 =	vsel vm4, $0x3F800000, v4  }
0x64: {  	s22 =	smov.u32 s18;
	v26 =	vmin.f32 v13, v26;
	s0 =	sadd.s32 $0x40, s0;
	v28 =	vmul.f32 v30, v29;
	v30 =	vmul.f32 v35, v29  }
0x65: {  	v16 =	vmin.f32 v13, v32  }
0x66: {  	v17 =	vtrunc.f32 v26;
	v18 =	vmul.f32 v31, v29;
	v24 =	vadd.s32 v15, v24  }
0x67: {  	v27 =	vmul.f32 v27, v29;
	vm4 =	vgt.f32 v22, $-1.000000000e+00;
	v20 =	vsub.f32 v20, v25  }
0x68: {  	v45 =	vmax.f32 v23, $0.0e+00;
	vm15 =	vlt.f32 v21, v10;
	v17 =	vcvt.f32.s32 v17  }
0x69: {  	v19 =	vtrunc.f32 v16;
	v24 =	vmul.u32 v9, v24;
	vm3 =	vmand vm3, vm4  }
0x6a: {  	v47 =	vmin.f32 v13, v45;
	v19 =	vcvt.f32.s32 v19;
	vm5 =	vlt.s32 v17, v14  }
0x6b: {  	v44 =	vsub.f32 $1.000000000e+00, v20;
	vm3 =	vmand vm3, vm2;
	v17 =	vsel vm5, v17, v14  }
0x6c: {  	v50 =	vtrunc.f32 v47;
	vm2 =	vlt.f32 v23, v10;
	v41 =	vcvt.s32.f32 v17  }
0x6d: {  	[tilespmem:s17+$0xFFFFFF80] =	vst v30;
	v40 =	vadd.s32 v12, v24;
	v51 =	vcvt.f32.s32 v50;
	vm1 =	vmand vm1, vm3  }
0x6e: {  	[tilespmem:s17+$0xFFFFFF00] =	vst v28;
	vm3 =	vgt.f32 v21, $-1.000000000e+00;
	vm6 =	vlt.s32 v19, v14;
	v24 =	vsub.f32 v26, v41  }
0x6f: {  	[tilespmem:s17+$0x0] =	vst v18;
	v52 =	vsel vm1, $0x3F800000, v4;
	v19 =	vsel vm6, v19, v14;
	v17 =	vadd.s32 v17, v40  }
0x70: {  	[tilespmem:s17+$0x80] =	vst v27;
	vm1 =	vlt.s32 v51, v14;
	v43 =	vcvt.s32.f32 v19;
	v48 =	vsub.f32 $1.000000000e+00, v24  }
0x71: {  	v46 =	vadd.s32 v11, v17;
	[tilespmem:s0+$0xFFFFFFE0] =	vst v17;
	v14 =	vsel vm1, v51, v14;
	v49 =	vmul.f32 v24, v44  }
0x72: {  	v22 =	vadd.s32 $0x1, v17;
	[tilespmem:s0+$0x10] =	vst v46;
	v56 =	vcvt.s32.f32 v14;
	v10 =	vmul.f32 v48, v20  }
0x73: {  	v42 =	vadd.s32 v9, v17;
	[tilespmem:s0+$0xFFFFFFF0] =	vst v22;
	v53 =	vmul.f32 v48, v44;
	v54 =	vmul.f32 v49, v52  }
0x74: {  	s2 =	sadd.s32 $0x200, s2;
	v55 =	vadd.s32 v15, v19;
	[tilespmem:s0+$0x0] =	vst v42;
	v24 =	vmul.f32 v24, v20;
	v10 =	vmul.f32 v10, v52  }
0x75: {  	v15 =	vmul.u32 v9, v55;
	v16 =	vsub.f32 v16, v43;
	v18 =	vmul.f32 v53, v52;
	[tilespmem:s2+$0xFFFFFF80] =	vst v54  }
0x76: {  	vm1 =	vgt.f32 v23, $-1.000000000e+00;
	v13 =	vsub.f32 v47, v56;
	[tilespmem:s2+$0x0] =	vst v10;
	v10 =	vmul.f32 v24, v52  }
0x77: {  	vm1 =	vmand vm3, vm1;
	v57 =	vadd.s32 v12, v15;
	v58 =	vsub.f32 $1.000000000e+00, v16;
	[tilespmem:s2+$0xFFFFFF00] =	vst v18  }
0x78: {  	s26 =	sadd.s32 $0x40, s0;
	vm1 =	vmand vm1, vm15;
	v59 =	vsub.f32 $1.000000000e+00, v13;
	[tilespmem:s2+$0x80] =	vst v10;
	v10 =	vadd.s32 v14, v57  }
0x79: {  	vm1 =	vmand vm2, vm1;
	v60 =	vmul.f32 v13, v58;
	v11 =	vadd.s32 v11, v10;
	[tilespmem:s26+$0xFFFFFFE0] =	vst v10  }
0x7a: {  	v62 =	vsel vm1, $0x3F800000, v4;
	v61 =	vadd.s32 $0x1, v10;
	[tilespmem:s26+$0x10] =	vst v11;
	v11 =	vmul.f32 v59, v16  }
0x7b: {  	v63 =	vmul.f32 v60, v62;
	v9 =	vadd.s32 v9, v10;
	v10 =	vmul.f32 v59, v58;
	[tilespmem:s26+$0xFFFFFFF0] =	vst v61  }
0x7c: {  	v13 =	vmul.f32 v13, v16;
	s2 =	sadd.s32 $0x200, s2;
	[tilespmem:s26+$0x0] =	vst v9;
	v9 =	vmul.f32 v11, v62  }
0x7d: {  	v10 =	vmul.f32 v10, v62;
	[tilespmem:s2+$0xFFFFFF80] =	vst v63  }
0x7e: {  	[tilespmem:s2+$0x0] =	vst v9;
	v9 =	vmul.f32 v13, v62  }
0x7f: {  	[tilespmem:s2+$0xFFFFFF00] =	vst v10  }
0x80: {  	[tilespmem:s2+$0x80] =	vst v9  }
0x81: {  	v9 =	vld [tilespmem:$0x800];
	_ =	sdelay $0x4  }
0x82: {  	v10 =	vshll.u32 v9, $0x1  }
0x83: {  	v9 =	vand.u32 $0x7, v9;
	v10 =	vand.u32 $0xFFFFFFF0, v10  }
0x84: {  	v9 =	vor.u32 v9, v10  }
0x85: {  	v10 =	vperm.xlane v9, v5;
	_ =	sdelay $0x1  }
0x86: {  	v9 =	vperm.xlane v9, v8;
	v10 =	vadd.s32 v7, v10;
	_ =	sdelay $0x1  }
0x87: {  	v9 =	vadd.s32 v7, v9;
	_ =	sdelay $0x1  }
0x88: {  	s22 =	simm.s32 $0x0;
	s28 =	simm.s32 $0x7880  }
0x89: {  	[tilespmem:s28], [sflag:$0x1] =	stream.indirect_vreg.gather [hbm4b:s1+s22], $0x80, v10, vm0, $0xb8;
	[tilespmem:$0x19880] =	vst v63  }
0x8a: {  	s29 =	simm.s32 $0x8080  }
0x8b: {  	[tilespmem:s29], [sflag:$0x1] =	stream.indirect_vreg.gather [hbm4b:s1+s22], $0x80, v9, vm0, $0xb8;
	[tilespmem:$0x19880] =	vst v63  }
0x8c: {  	v9 =	vld [tilespmem:$0x810];
	_ =	sdelay $0x4  }
0x8d: {  	v10 =	vshll.u32 v9, $0x1  }
0x8e: {  	v9 =	vand.u32 $0x7, v9;
	v10 =	vand.u32 $0xFFFFFFF0, v10  }
0x8f: {  	v9 =	vor.u32 v9, v10  }
0x90: {  	v10 =	vperm.xlane v9, v5;
	_ =	sdelay $0x1  }
0x91: {  	v9 =	vperm.xlane v9, v8;
	v10 =	vadd.s32 v7, v10;
	_ =	sdelay $0x1  }
0x92: {  	v9 =	vadd.s32 v7, v9;
	_ =	sdelay $0x1  }
0x93: {  	s30 =	simm.s32 $0x8880  }
0x94: {  	[tilespmem:s30], [sflag:$0x1] =	stream.indirect_vreg.gather [hbm4b:s1+s22], $0x80, v10, vm0, $0xb8;
	[tilespmem:$0x19880] =	vst v63  }
0x95: {  	s2 =	simm.s32 $0x9080  }
0x96: {  	[tilespmem:s2], [sflag:$0x1] =	stream.indirect_vreg.gather [hbm4b:s1+s22], $0x80, v9, vm0, $0xb8;
	[tilespmem:$0x19880] =	vst v63  }
0x97: {  	v9 =	vld [tilespmem:$0x820];
	_ =	sdelay $0x4  }
0x98: {  	v10 =	vshll.u32 v9, $0x1  }
0x99: {  	v9 =	vand.u32 $0x7, v9;
	v10 =	vand.u32 $0xFFFFFFF0, v10  }
0x9a: {  	v9 =	vor.u32 v9, v10  }
0x9b: {  	v10 =	vperm.xlane v9, v5;
	_ =	sdelay $0x1  }
0x9c: {  	v9 =	vperm.xlane v9, v8;
	v10 =	vadd.s32 v7, v10;
	_ =	sdelay $0x1  }
0x9d: {  	v9 =	vadd.s32 v7, v9;
	_ =	sdelay $0x1  }
0x9e: {  	s17 =	simm.s32 $0x9880  }
0x9f: {  	[tilespmem:s17], [sflag:$0x1] =	stream.indirect_vreg.gather [hbm4b:s1+s22], $0x80, v10, vm0, $0xb8;
	[tilespmem:$0x19880] =	vst v63  }
0xa0: {  	s18 =	simm.s32 $0xA080  }
0xa1: {  	[tilespmem:s18], [sflag:$0x1] =	stream.indirect_vreg.gather [hbm4b:s1+s22], $0x80, v9, vm0, $0xb8;
	[tilespmem:$0x19880] =	vst v63  }
0xa2: {  	v9 =	vld [tilespmem:$0x830];
	_ =	sdelay $0x4  }
0xa3: {  	v10 =	vshll.u32 v9, $0x1  }
0xa4: {  	v9 =	vand.u32 $0x7, v9;
	v10 =	vand.u32 $0xFFFFFFF0, v10  }
0xa5: {  	v9 =	vor.u32 v9, v10  }
0xa6: {  	v10 =	vperm.xlane v9, v5;
	_ =	sdelay $0x1  }
0xa7: {  	v9 =	vperm.xlane v9, v8;
	v10 =	vadd.s32 v7, v10;
	_ =	sdelay $0x1  }
0xa8: {  	v9 =	vadd.s32 v7, v9;
	_ =	sdelay $0x1  }
0xa9: {  	s19 =	simm.s32 $0xA880  }
0xaa: {  	[tilespmem:s19], [sflag:$0x1] =	stream.indirect_vreg.gather [hbm4b:s1+s22], $0x80, v10, vm0, $0xb8;
	[tilespmem:$0x19880] =	vst v63  }
0xab: {  	s20 =	simm.s32 $0xB080  }
0xac: {  	[tilespmem:s20], [sflag:$0x1] =	stream.indirect_vreg.gather [hbm4b:s1+s22], $0x80, v9, vm0, $0xb8;
	[tilespmem:$0x19880] =	vst v63  }
0xad: {  	v9 =	vld [tilespmem:$0x840];
	_ =	sdelay $0x4  }
0xae: {  	v10 =	vshll.u32 v9, $0x1  }
0xaf: {  	v9 =	vand.u32 $0x7, v9;
	v10 =	vand.u32 $0xFFFFFFF0, v10  }
0xb0: {  	v9 =	vor.u32 v9, v10  }
0xb1: {  	v10 =	vperm.xlane v9, v5;
	_ =	sdelay $0x1  }
0xb2: {  	v9 =	vperm.xlane v9, v8;
	v10 =	vadd.s32 v7, v10;
	_ =	sdelay $0x1  }
0xb3: {  	v9 =	vadd.s32 v7, v9;
	_ =	sdelay $0x1  }
0xb4: {  	s24 =	simm.s32 $0xB880  }
0xb5: {  	[tilespmem:s24], [sflag:$0x2] =	stream.indirect_vreg.gather [hbm4b:s1+s22], $0x80, v10, vm0, $0xb8;
	[tilespmem:$0x19880] =	vst v63  }
0xb6: {  	s25 =	simm.s32 $0xC080  }
0xb7: {  	[tilespmem:s25], [sflag:$0x2] =	stream.indirect_vreg.gather [hbm4b:s1+s22], $0x80, v9, vm0, $0xb8;
	[tilespmem:$0x19880] =	vst v63  }
0xb8: {  	v9 =	vld [tilespmem:$0x850];
	_ =	sdelay $0x4  }
0xb9: {  	v10 =	vshll.u32 v9, $0x1  }
0xba: {  	v9 =	vand.u32 $0x7, v9;
	v10 =	vand.u32 $0xFFFFFFF0, v10  }
0xbb: {  	v9 =	vor.u32 v9, v10  }
0xbc: {  	v10 =	vperm.xlane v9, v5;
	_ =	sdelay $0x1  }
0xbd: {  	v9 =	vperm.xlane v9, v8;
	v10 =	vadd.s32 v7, v10;
	_ =	sdelay $0x1  }
0xbe: {  	v9 =	vadd.s32 v7, v9;
	_ =	sdelay $0x1  }
0xbf: {  	s26 =	simm.s32 $0xC880  }
0xc0: {  	[tilespmem:s26], [sflag:$0x2] =	stream.indirect_vreg.gather [hbm4b:s1+s22], $0x80, v10, vm0, $0xb8;
	[tilespmem:$0x19880] =	vst v63  }
0xc1: {  	s28 =	simm.s32 $0xD080  }
0xc2: {  	[tilespmem:s28], [sflag:$0x2] =	stream.indirect_vreg.gather [hbm4b:s1+s22], $0x80, v9, vm0, $0xb8;
	[tilespmem:$0x19880] =	vst v63  }
0xc3: {  	v9 =	vld [tilespmem:$0x860];
	_ =	sdelay $0x4  }
0xc4: {  	v10 =	vshll.u32 v9, $0x1  }
0xc5: {  	v9 =	vand.u32 $0x7, v9;
	v10 =	vand.u32 $0xFFFFFFF0, v10  }
0xc6: {  	v9 =	vor.u32 v9, v10  }
0xc7: {  	v10 =	vperm.xlane v9, v5;
	_ =	sdelay $0x1  }
0xc8: {  	v9 =	vperm.xlane v9, v8;
	v10 =	vadd.s32 v7, v10;
	_ =	sdelay $0x1  }
0xc9: {  	v9 =	vadd.s32 v7, v9;
	_ =	sdelay $0x1  }
0xca: {  	s29 =	simm.s32 $0xD880  }
0xcb: {  	[tilespmem:s29], [sflag:$0x2] =	stream.indirect_vreg.gather [hbm4b:s1+s22], $0x80, v10, vm0, $0xb8;
	[tilespmem:$0x19880] =	vst v63  }
0xcc: {  	s30 =	simm.s32 $0xE080  }
0xcd: {  	[tilespmem:s30], [sflag:$0x2] =	stream.indirect_vreg.gather [hbm4b:s1+s22], $0x80, v9, vm0, $0xb8;
	[tilespmem:$0x19880] =	vst v63  }
0xce: {  	v9 =	vld [tilespmem:$0x870];
	_ =	sdelay $0x4  }
0xcf: {  	v10 =	vshll.u32 v9, $0x1  }
0xd0: {  	v9 =	vand.u32 $0x7, v9;
	v10 =	vand.u32 $0xFFFFFFF0, v10  }
0xd1: {  	v9 =	vor.u32 v9, v10  }
0xd2: {  	v10 =	vperm.xlane v9, v5;
	_ =	sdelay $0x1  }
0xd3: {  	v9 =	vperm.xlane v9, v8;
	v10 =	vadd.s32 v7, v10;
	_ =	sdelay $0x1  }
0xd4: {  	v9 =	vadd.s32 v7, v9;
	_ =	sdelay $0x1  }
0xd5: {  	s2 =	simm.s32 $0xE880  }
0xd6: {  	[tilespmem:s2], [sflag:$0x2] =	stream.indirect_vreg.gather [hbm4b:s1+s22], $0x80, v10, vm0, $0xb8;
	[tilespmem:$0x19880] =	vst v63  }
0xd7: {  	s17 =	simm.s32 $0xF080  }
0xd8: {  	[tilespmem:s17], [sflag:$0x2] =	stream.indirect_vreg.gather [hbm4b:s1+s22], $0x80, v9, vm0, $0xb8;
	[tilespmem:$0x19880] =	vst v63  }
0xd9: {  	v9 =	vld [tilespmem:$0x880];
	_ =	sdelay $0x4  }
0xda: {  	v10 =	vshll.u32 v9, $0x1  }
0xdb: {  	v9 =	vand.u32 $0x7, v9;
	v10 =	vand.u32 $0xFFFFFFF0, v10  }
0xdc: {  	v9 =	vor.u32 v9, v10  }
0xdd: {  	v10 =	vperm.xlane v9, v5;
	_ =	sdelay $0x1  }
0xde: {  	v9 =	vperm.xlane v9, v8;
	v10 =	vadd.s32 v7, v10;
	_ =	sdelay $0x1  }
0xdf: {  	v9 =	vadd.s32 v7, v9;
	_ =	sdelay $0x1  }
0xe0: {  	s18 =	simm.s32 $0xF880  }
0xe1: {  	[tilespmem:s18], [sflag:$0x3] =	stream.indirect_vreg.gather [hbm4b:s1+s22], $0x80, v10, vm0, $0xb8;
	[tilespmem:$0x19880] =	vst v63  }
0xe2: {  	s19 =	simm.s32 $0x10080  }
0xe3: {  	[tilespmem:s19], [sflag:$0x3] =	stream.indirect_vreg.gather [hbm4b:s1+s22], $0x80, v9, vm0, $0xb8;
	[tilespmem:$0x19880] =	vst v63  }
0xe4: {  	v9 =	vld [tilespmem:$0x890];
	_ =	sdelay $0x4  }
0xe5: {  	v10 =	vshll.u32 v9, $0x1  }
0xe6: {  	v9 =	vand.u32 $0x7, v9;
	v10 =	vand.u32 $0xFFFFFFF0, v10  }
0xe7: {  	v9 =	vor.u32 v9, v10  }
0xe8: {  	v10 =	vperm.xlane v9, v5;
	_ =	sdelay $0x1  }
0xe9: {  	v9 =	vperm.xlane v9, v8;
	v10 =	vadd.s32 v7, v10;
	_ =	sdelay $0x1  }
0xea: {  	v9 =	vadd.s32 v7, v9;
	_ =	sdelay $0x1  }
0xeb: {  	s20 =	simm.s32 $0x10880  }
0xec: {  	[tilespmem:s20], [sflag:$0x3] =	stream.indirect_vreg.gather [hbm4b:s1+s22], $0x80, v10, vm0, $0xb8;
	[tilespmem:$0x19880] =	vst v63  }
0xed: {  	s24 =	simm.s32 $0x11080  }
0xee: {  	[tilespmem:s24], [sflag:$0x3] =	stream.indirect_vreg.gather [hbm4b:s1+s22], $0x80, v9, vm0, $0xb8;
	[tilespmem:$0x19880] =	vst v63  }
0xef: {  	v9 =	vld [tilespmem:$0x8A0];
	_ =	sdelay $0x4  }
0xf0: {  	v10 =	vshll.u32 v9, $0x1  }
0xf1: {  	v9 =	vand.u32 $0x7, v9;
	v10 =	vand.u32 $0xFFFFFFF0, v10  }
0xf2: {  	v9 =	vor.u32 v9, v10  }
0xf3: {  	v10 =	vperm.xlane v9, v5;
	_ =	sdelay $0x1  }
0xf4: {  	v9 =	vperm.xlane v9, v8;
	v10 =	vadd.s32 v7, v10;
	_ =	sdelay $0x1  }
0xf5: {  	v9 =	vadd.s32 v7, v9;
	_ =	sdelay $0x1  }
0xf6: {  	s25 =	simm.s32 $0x11880  }
0xf7: {  	[tilespmem:s25], [sflag:$0x3] =	stream.indirect_vreg.gather [hbm4b:s1+s22], $0x80, v10, vm0, $0xb8;
	[tilespmem:$0x19880] =	vst v63  }
0xf8: {  	s26 =	simm.s32 $0x12080  }
0xf9: {  	[tilespmem:s26], [sflag:$0x3] =	stream.indirect_vreg.gather [hbm4b:s1+s22], $0x80, v9, vm0, $0xb8;
	[tilespmem:$0x19880] =	vst v63  }
0xfa: {  	v9 =	vld [tilespmem:$0x8B0];
	_ =	sdelay $0x4  }
0xfb: {  	v10 =	vshll.u32 v9, $0x1  }
0xfc: {  	v9 =	vand.u32 $0x7, v9;
	v10 =	vand.u32 $0xFFFFFFF0, v10  }
0xfd: {  	v9 =	vor.u32 v9, v10  }
0xfe: {  	v10 =	vperm.xlane v9, v5;
	_ =	sdelay $0x1  }
0xff: {  	v9 =	vperm.xlane v9, v8;
	v10 =	vadd.s32 v7, v10;
	_ =	sdelay $0x1  }
0x100: {  	v9 =	vadd.s32 v7, v9  }
.Ltmp5:
0x101: {  	_ = 	snop;
	(pc) =	sbr.rel .LBB2_5-.Ltmp5, $4  }
0x102: {  	s28 =	simm.s32 $0x12880;
	s30 =	rddreg [dreg:$0x3]  }
0x103: {  	[tilespmem:s28], [sflag:$0x3] =	stream.indirect_vreg.gather [hbm4b:s1+s22], $0x80, v10, vm0, $0xb8;
	[tilespmem:$0x19880] =	vst v63  }
0x104: {  	s31 =	simm.s32 $0x1580;
	s29 =	simm.s32 $0x13080;
	s23 =	sadd.s32 s30, s23  }
0x105: {  	[tilespmem:s29], [sflag:$0x3] =	stream.indirect_vreg.gather [hbm4b:s1+s22], $0x80, v9, vm0, $0xb8;
	[tilespmem:$0x19880] =	vst v63  }
.LBB2_29:
0x106: {  	s22 =	sadd.s32 $0x1, s22  }
0x107: {  	p0 =	sne.s32 s22, $0x31  }
.Ltmp6:
0x108: {  	_ = 	snop;
	(pc) =	sbr.rel @!p0 .LBB2_30-.Ltmp6, $2  }
0x109: {  	_ =	sdelay $0x2  }
0x10a: {  	s31 =	sadd.s32 $0x200, s31  }
.LBB2_5:
0x10b: {  	s26 =	sand.u32 $0x3, s22;
	p0 =	sgt.u32 s22, $0x2D  }
0x10c: {  	p1 =	sne.s32 @!p0 s26, $0x0  }
0x10d: {  	p1 =	por p0, p1  }
.Ltmp7:
0x10e: {  	_ = 	snop;
	(pc) =	sbr.rel @p1 .LBB2_7-.Ltmp7, $2  }
0x10f: {  	_ =	sdelay $0x2  }
0x110: {  	s0 =	sadd.s32 $0x3, s22  }
0x111: {  	s0 =	sshll.u32 s0, $0x6  }
0x112: {  	s0 =	sand.u32 $0x3FFFFFC0, s0  }
0x113: {  	v9 =	vld [tilespmem:s0+$0x800];
	_ =	sdelay $0x4  }
0x114: {  	v10 =	vshll.u32 v9, $0x1  }
0x115: {  	v9 =	vand.u32 $0x7, v9;
	v10 =	vand.u32 $0xFFFFFFF0, v10  }
0x116: {  	v9 =	vor.u32 v9, v10  }
0x117: {  	v10 =	vperm.xlane v9, v5;
	_ =	sdelay $0x1  }
0x118: {  	v9 =	vperm.xlane v9, v8;
	v10 =	vadd.s32 v7, v10;
	_ =	sdelay $0x1  }
0x119: {  	v9 =	vadd.s32 v7, v9;
	_ =	sdelay $0x2  }
0x11a: {  	[tilespmem:s6], [sflag:$0x4] =	stream.indirect_vreg.gather [hbm4b:s1+s3], $0x80, v10, vm0, $0xb8;
	[tilespmem:$0x19880] =	vst v63  }
0x11b: {  	_ = 	snop  }
0x11c: {  	[tilespmem:s7], [sflag:$0x4] =	stream.indirect_vreg.gather [hbm4b:s1+s3], $0x80, v9, vm0, $0xb8;
	[tilespmem:$0x19880] =	vst v63  }
0x11d: {  	v9 =	vld [tilespmem:s0+$0x810];
	_ =	sdelay $0x4  }
0x11e: {  	v10 =	vshll.u32 v9, $0x1  }
0x11f: {  	v9 =	vand.u32 $0x7, v9;
	v10 =	vand.u32 $0xFFFFFFF0, v10  }
0x120: {  	v9 =	vor.u32 v9, v10  }
0x121: {  	v10 =	vperm.xlane v9, v5;
	_ =	sdelay $0x1  }
0x122: {  	v9 =	vperm.xlane v9, v8;
	v10 =	vadd.s32 v7, v10;
	_ =	sdelay $0x1  }
0x123: {  	v9 =	vadd.s32 v7, v9;
	_ =	sdelay $0x2  }
0x124: {  	[tilespmem:s8], [sflag:$0x4] =	stream.indirect_vreg.gather [hbm4b:s1+s3], $0x80, v10, vm0, $0xb8;
	[tilespmem:$0x19880] =	vst v63  }
0x125: {  	_ = 	snop  }
0x126: {  	[tilespmem:s5], [sflag:$0x4] =	stream.indirect_vreg.gather [hbm4b:s1+s3], $0x80, v9, vm0, $0xb8;
	[tilespmem:$0x19880] =	vst v63  }
0x127: {  	v9 =	vld [tilespmem:s0+$0x820];
	_ =	sdelay $0x4  }
0x128: {  	v10 =	vshll.u32 v9, $0x1  }
0x129: {  	v9 =	vand.u32 $0x7, v9;
	v10 =	vand.u32 $0xFFFFFFF0, v10  }
0x12a: {  	v9 =	vor.u32 v9, v10  }
0x12b: {  	v10 =	vperm.xlane v9, v5;
	_ =	sdelay $0x1  }
0x12c: {  	v9 =	vperm.xlane v9, v8;
	v10 =	vadd.s32 v7, v10;
	_ =	sdelay $0x1  }
0x12d: {  	v9 =	vadd.s32 v7, v9;
	_ =	sdelay $0x2  }
0x12e: {  	[tilespmem:s9], [sflag:$0x4] =	stream.indirect_vreg.gather [hbm4b:s1+s3], $0x80, v10, vm0, $0xb8;
	[tilespmem:$0x19880] =	vst v63  }
0x12f: {  	_ = 	snop  }
0x130: {  	[tilespmem:s10], [sflag:$0x4] =	stream.indirect_vreg.gather [hbm4b:s1+s3], $0x80, v9, vm0, $0xb8;
	[tilespmem:$0x19880] =	vst v63  }
0x131: {  	v9 =	vld [tilespmem:s0+$0x830];
	_ =	sdelay $0x4  }
0x132: {  	v10 =	vshll.u32 v9, $0x1  }
0x133: {  	v9 =	vand.u32 $0x7, v9;
	v10 =	vand.u32 $0xFFFFFFF0, v10  }
0x134: {  	v9 =	vor.u32 v9, v10  }
0x135: {  	v10 =	vperm.xlane v9, v5;
	_ =	sdelay $0x1  }
0x136: {  	v9 =	vperm.xlane v9, v8;
	v10 =	vadd.s32 v7, v10;
	_ =	sdelay $0x1  }
0x137: {  	v9 =	vadd.s32 v7, v9;
	_ =	sdelay $0x2  }
0x138: {  	[tilespmem:s11], [sflag:$0x4] =	stream.indirect_vreg.gather [hbm4b:s1+s3], $0x80, v10, vm0, $0xb8;
	[tilespmem:$0x19880] =	vst v63  }
0x139: {  	_ = 	snop  }
0x13a: {  	[tilespmem:s12], [sflag:$0x4] =	stream.indirect_vreg.gather [hbm4b:s1+s3], $0x80, v9, vm0, $0xb8;
	[tilespmem:$0x19880] =	vst v63  }
.LBB2_8:
0x13b: {  	_ =	swait.ge [sflag:s13], $0x4000  }
0x13c: {  	p0 =	slt.u32 s22, $0x2;
	[sflag:s13] =	ssyncset.done $0x0  }
0x13d: {  	s0 =	simm.s32 @!p0 $0x5;
	[sflag:s13] =	ssyncadd.s32 $0xFFFFC000  }
0x13e: {  	s26 =	simm.s32 $0x0;
	_ =	swait.ge @!p0 [sflag:s0], $0x1000  }
0x13f: {  	s2 =	sand.u32 $0x800, s26;
	s17 =	sand.u32 $0x380, s26;
	[sflag:s0] =	ssyncset.done @!p0 $0x0  }
0x140: {  	s25 =	sor.u32 s17, s2;
	[sflag:s0] =	ssyncadd.s32 @!p0 $0xFFFFF000  }
0x141: {  	v14 =	vld [tilespmem:s25+$0x98A0]  }
0x142: {  	v15 =	vld [tilespmem:s25+$0x98D0]  }
0x143: {  	v12 =	vld [tilespmem:s25+$0x88D0]  }
0x144: {  	v16 =	vld [tilespmem:s25+$0x88A0]  }
0x145: {  	v17 =	vld [tilespmem:s25+$0x98C0]  }
0x146: {  	v18 =	vld [tilespmem:s25+$0x88F0]  }
0x147: {  	v19 =	vld [tilespmem:s25+$0x98F0]  }
0x148: {  	v20 =	vld [tilespmem:s25+$0x88E0]  }
0x149: {  	v21 =	vld [tilespmem:s25+$0x78E0]  }
0x14a: {  	v22 =	vld [tilespmem:s25+$0x88C0]  }
0x14b: {  	v23 =	vld [tilespmem:s25+$0x78D0]  }
0x14c: {  	v24 =	vld [tilespmem:s25+$0x7880]  }
0x14d: {  	v25 =	vld [tilespmem:s25+$0x78A0]  }
0x14e: {  	v9 =	vld.msk [tilespmem:s31+$0xFFFFFF00 ss:$0x0], $0xffff  }
0x14f: {  	v26 =	vld [tilespmem:s25+$0x7890]  }
0x150: {  	v10 =	vld.msk [tilespmem:s31+$0xFFFFFF80 ss:$0x0], $0xffff  }
0x151: {  	v27 =	vld [tilespmem:s25+$0x78B0]  }
0x152: {  	v28 =	vld [tilespmem:s25+$0x78C0]  }
0x153: {  	v11 =	vld.msk [tilespmem:s31+$0x0 ss:$0x0], $0xffff  }
0x154: {  	v29 =	vld [tilespmem:s25+$0x78F0];
	v26 =	vmul.f32 v26, v9  }
0x155: {  	v30 =	vld [tilespmem:s25+$0x8880];
	v25 =	vmul.f32 v25, v9;
	v24 =	vmul.f32 v24, v9  }
0x156: {  	v31 =	vld [tilespmem:s25+$0x8890];
	v23 =	vmul.f32 v23, v9;
	v27 =	vmul.f32 v27, v9  }
0x157: {  	v33 =	vld [tilespmem:s25+$0x98B0];
	v32 =	vmul.f32 v12, v10;
	v28 =	vmul.f32 v28, v9  }
0x158: {  	v34 =	vld [tilespmem:s25+$0x88B0];
	v22 =	vmul.f32 v22, v10;
	v21 =	vmul.f32 v21, v9  }
0x159: {  	v35 =	vld [tilespmem:s25+$0x9890];
	v20 =	vmul.f32 v20, v10;
	v29 =	vmul.f32 v29, v9  }
0x15a: {  	v59 =	vld [tilespmem:s25+$0x9880];
	v19 =	vmul.f32 v19, v11;
	v30 =	vmul.f32 v30, v10  }
0x15b: {  	v61 =	vld [tilespmem:s25+$0xA890];
	v18 =	vmul.f32 v18, v10;
	v60 =	vmul.f32 v31, v10  }
0x15c: {  	v44 =	vld [tilespmem:s25+$0x98E0];
	v17 =	vmul.f32 v17, v11;
	v33 =	vmul.f32 v33, v11  }
0x15d: {  	v12 =	vld.msk [tilespmem:s31+$0x80 ss:$0x0], $0xffff;
	v15 =	vmul.f32 v15, v11;
	v14 =	vmul.f32 v14, v11  }
0x15e: {  	v62 =	vld [tilespmem:s25+$0xA880];
	v63 =	vmul.f32 v34, v10;
	v41 =	vmul.f32 v35, v11  }
0x15f: {  	v40 =	vld [tilespmem:s25+$0xA8D0];
	v16 =	vmul.f32 v16, v10;
	v23 =	vadd.f32 v32, v23;
	v22 =	vadd.f32 v22, v28  }
0x160: {  	v36 =	vld [tilespmem:s25+$0xA8A0];
	v43 =	vmul.f32 v59, v11;
	v20 =	vadd.f32 v20, v21;
	v26 =	vadd.f32 v60, v26  }
0x161: {  	v13 =	vld [tilespmem:s25+$0xA8B0];
	v53 =	vmul.f32 v44, v11;
	v24 =	vadd.f32 v30, v24;
	v18 =	vadd.f32 v18, v29  }
0x162: {  	v42 =	vld [tilespmem:s25+$0xA8F0];
	v16 =	vadd.f32 v16, v25;
	v45 =	vadd.f32 v41, v26;
	v46 =	vmul.f32 v61, v12  }
0x163: {  	v47 =	vld [tilespmem:s25+$0xA8C0];
	v27 =	vadd.f32 v63, v27;
	v24 =	vadd.f32 v43, v24;
	v21 =	vmul.f32 v62, v12  }
0x164: {  	v48 =	vld [tilespmem:s25+$0xA8E0];
	v15 =	vadd.f32 v15, v23;
	v49 =	vmul.f32 v40, v12;
	v23 =	vadd.f32 v46, v45  }
0x165: {  	v14 =	vadd.f32 v14, v16;
	v50 =	vmul.f32 v36, v12;
	v51 =	vadd.f32 v21, v24  }
0x166: {  	v54 =	vadd.f32 v33, v27;
	v13 =	vmul.f32 v13, v12;
	v15 =	vadd.f32 v49, v15;
	[tilespmem:s25+$0x17890] =	vst v23  }
0x167: {  	v18 =	vadd.f32 v19, v18;
	v52 =	vmul.f32 v42, v12;
	v14 =	vadd.f32 v50, v14;
	[tilespmem:s25+$0x17880] =	vst v51  }
0x168: {  	v55 =	vadd.f32 v17, v22;
	v56 =	vmul.f32 v47, v12;
	v13 =	vadd.f32 v13, v54;
	[tilespmem:s25+$0x178D0] =	vst v15  }
0x169: {  	v57 =	vadd.f32 v53, v20;
	v58 =	vmul.f32 v48, v12;
	v15 =	vadd.f32 v52, v18;
	[tilespmem:s25+$0x178A0] =	vst v14  }
0x16a: {  	v14 =	vadd.f32 v56, v55;
	[tilespmem:s25+$0x178B0] =	vst v13  }
0x16b: {  	s24 =	sand.u32 $0xFFFFF800, s26;
	[tilespmem:s25+$0x178F0] =	vst v15;
	v15 =	vadd.f32 v58, v57  }
0x16c: {  	s30 =	sadd.s32 $0x0, s24;
	[tilespmem:s25+$0x178C0] =	vst v14  }
0x16d: {  	s24 =	sor.u32 $0x1400, s30;
	v13 =	vld [tilespmem:s25+$0x7C80];
	[tilespmem:s25+$0x178E0] =	vst v15  }
0x16e: {  	v14 =	vld [tilespmem:s24+$0x7880]  }
0x16f: {  	s0 =	sor.u32 $0x2400, s30  }
0x170: {  	v15 =	vld [tilespmem:s0+$0x7880]  }
0x171: {  	s2 =	sor.u32 $0x3400, s30  }
0x172: {  	v59 =	vld [tilespmem:s2+$0x7880]  }
0x173: {  	v13 =	vmul.f32 v13, v9;
	v14 =	vmul.f32 v14, v10;
	_ =	sdelay $0x1  }
0x174: {  	v13 =	vadd.f32 v14, v13;
	v14 =	vmul.f32 v15, v11;
	_ =	sdelay $0x1  }
0x175: {  	v13 =	vadd.f32 v14, v13;
	v14 =	vmul.f32 v59, v12;
	_ =	sdelay $0x1  }
0x176: {  	v13 =	vadd.f32 v14, v13;
	_ =	sdelay $0x1  }
0x177: {  	[tilespmem:s25+$0x17C80] =	vst v13;
	v13 =	vld [tilespmem:s25+$0x7C90]  }
0x178: {  	v14 =	vld [tilespmem:s24+$0x7890];
	_ =	sdelay $0x1  }
0x179: {  	v15 =	vld [tilespmem:s0+$0x7890];
	_ =	sdelay $0x1  }
0x17a: {  	v60 =	vld [tilespmem:s2+$0x7890]  }
0x17b: {  	v13 =	vmul.f32 v13, v9;
	v14 =	vmul.f32 v14, v10;
	_ =	sdelay $0x1  }
0x17c: {  	v15 =	vmul.f32 v15, v11;
	v13 =	vadd.f32 v14, v13;
	_ =	sdelay $0x1  }
0x17d: {  	v14 =	vmul.f32 v60, v12;
	v13 =	vadd.f32 v15, v13;
	_ =	sdelay $0x1  }
0x17e: {  	v13 =	vadd.f32 v14, v13;
	_ =	sdelay $0x1  }
0x17f: {  	[tilespmem:s25+$0x17C90] =	vst v13;
	v13 =	vld [tilespmem:s25+$0x7CA0]  }
0x180: {  	v14 =	vld [tilespmem:s24+$0x78A0];
	_ =	sdelay $0x1  }
0x181: {  	v15 =	vld [tilespmem:s0+$0x78A0];
	_ =	sdelay $0x1  }
0x182: {  	v61 =	vld [tilespmem:s2+$0x78A0]  }
0x183: {  	v13 =	vmul.f32 v13, v9;
	v14 =	vmul.f32 v14, v10;
	_ =	sdelay $0x1  }
0x184: {  	v15 =	vmul.f32 v15, v11;
	v13 =	vadd.f32 v14, v13;
	_ =	sdelay $0x1  }
0x185: {  	v14 =	vmul.f32 v61, v12;
	v13 =	vadd.f32 v15, v13;
	_ =	sdelay $0x1  }
0x186: {  	v13 =	vadd.f32 v14, v13;
	_ =	sdelay $0x1  }
0x187: {  	[tilespmem:s25+$0x17CA0] =	vst v13;
	v13 =	vld [tilespmem:s25+$0x7CB0]  }
0x188: {  	v14 =	vld [tilespmem:s24+$0x78B0];
	_ =	sdelay $0x1  }
0x189: {  	v15 =	vld [tilespmem:s0+$0x78B0];
	_ =	sdelay $0x1  }
0x18a: {  	v62 =	vld [tilespmem:s2+$0x78B0]  }
0x18b: {  	v13 =	vmul.f32 v13, v9;
	v14 =	vmul.f32 v14, v10;
	_ =	sdelay $0x1  }
0x18c: {  	v15 =	vmul.f32 v15, v11;
	v13 =	vadd.f32 v14, v13;
	_ =	sdelay $0x1  }
0x18d: {  	v14 =	vmul.f32 v62, v12;
	v13 =	vadd.f32 v15, v13;
	_ =	sdelay $0x1  }
0x18e: {  	v13 =	vadd.f32 v14, v13;
	_ =	sdelay $0x1  }
0x18f: {  	[tilespmem:s25+$0x17CB0] =	vst v13;
	v13 =	vld [tilespmem:s25+$0x7CC0]  }
0x190: {  	v14 =	vld [tilespmem:s24+$0x78C0];
	_ =	sdelay $0x1  }
0x191: {  	v15 =	vld [tilespmem:s0+$0x78C0];
	_ =	sdelay $0x1  }
0x192: {  	v63 =	vld [tilespmem:s2+$0x78C0]  }
0x193: {  	v13 =	vmul.f32 v13, v9;
	v14 =	vmul.f32 v14, v10;
	_ =	sdelay $0x1  }
0x194: {  	v15 =	vmul.f32 v15, v11;
	v13 =	vadd.f32 v14, v13;
	_ =	sdelay $0x1  }
0x195: {  	v14 =	vmul.f32 v63, v12;
	v13 =	vadd.f32 v15, v13;
	_ =	sdelay $0x1  }
0x196: {  	v13 =	vadd.f32 v14, v13;
	_ =	sdelay $0x1  }
0x197: {  	[tilespmem:s25+$0x17CC0] =	vst v13;
	v13 =	vld [tilespmem:s25+$0x7CD0]  }
0x198: {  	s28 =	simm.s32 $0x100;
	s29 =	smov.u32 s31;
	v14 =	vld [tilespmem:s24+$0x78D0]  }
.LBB2_9:
0x199: {  	p0 =	sne.s32 s28, $0xF00;
	v15 =	vld [tilespmem:s0+$0x78D0];
	s26 =	sadd.s32 $0x80, s26;
	s29 =	sadd.s32 $0x1, s29  }
0x19a: {  	s17 =	smov.u32 s28;
	s28 =	sadd.s32 $0x100, s28;
	v16 =	vld [tilespmem:s2+$0x78D0];
	_ =	sdelay $0x2  }
0x19b: {  	v13 =	vmul.f32 v13, v9;
	v14 =	vmul.f32 v14, v10  }
0x19c: {  	v15 =	vmul.f32 v15, v11  }
0x19d: {  	v13 =	vadd.f32 v14, v13;
	v14 =	vmul.f32 v16, v12;
	_ =	sdelay $0x1  }
0x19e: {  	v13 =	vadd.f32 v15, v13;
	_ =	sdelay $0x1  }
0x19f: {  	v13 =	vadd.f32 v14, v13;
	_ =	sdelay $0x1  }
0x1a0: {  	[tilespmem:s25+$0x17CD0] =	vst v13;
	v13 =	vld [tilespmem:s25+$0x7CE0]  }
0x1a1: {  	v14 =	vld [tilespmem:s24+$0x78E0]  }
0x1a2: {  	v15 =	vld [tilespmem:s0+$0x78E0]  }
0x1a3: {  	v16 =	vld [tilespmem:s2+$0x78E0];
	_ =	sdelay $0x1  }
0x1a4: {  	s18 =	sand.u32 $0x800, s17;
	s30 =	sand.u32 $0x380, s26  }
0x1a5: {  	s18 =	sor.u32 s30, s18;
	v13 =	vmul.f32 v13, v9;
	v14 =	vmul.f32 v14, v10  }
0x1a6: {  	v15 =	vmul.f32 v15, v11  }
0x1a7: {  	v13 =	vadd.f32 v14, v13;
	v14 =	vmul.f32 v16, v12  }
0x1a8: {  	v16 =	vld [tilespmem:s25+$0x7CF0]  }
0x1a9: {  	v17 =	vld [tilespmem:s18+$0x98E0];
	v13 =	vadd.f32 v15, v13  }
0x1aa: {  	v15 =	vld [tilespmem:s18+$0xA8A0]  }
0x1ab: {  	v18 =	vld [tilespmem:s18+$0xA8B0];
	v13 =	vadd.f32 v14, v13  }
0x1ac: {  	v14 =	vld [tilespmem:s18+$0x98A0]  }
0x1ad: {  	v19 =	vld [tilespmem:s18+$0x98D0];
	[tilespmem:s25+$0x17CE0] =	vst v13  }
0x1ae: {  	v13 =	vld [tilespmem:s24+$0x78F0]  }
0x1af: {  	v20 =	vld [tilespmem:s0+$0x78F0]  }
0x1b0: {  	v21 =	vld [tilespmem:s2+$0x78F0]  }
0x1b1: {  	v22 =	vld [tilespmem:s18+$0x88D0]  }
0x1b2: {  	v23 =	vld [tilespmem:s18+$0x88A0]  }
0x1b3: {  	v9 =	vmul.f32 v16, v9;
	v24 =	vld [tilespmem:s18+$0x98C0];
	v10 =	vmul.f32 v13, v10  }
0x1b4: {  	v13 =	vld [tilespmem:s18+$0x88F0];
	v11 =	vmul.f32 v20, v11  }
0x1b5: {  	v16 =	vld [tilespmem:s18+$0x98F0];
	v9 =	vadd.f32 v10, v9;
	v10 =	vmul.f32 v21, v12  }
0x1b6: {  	v20 =	vld [tilespmem:s18+$0x88E0]  }
0x1b7: {  	v21 =	vld [tilespmem:s18+$0x78E0];
	v9 =	vadd.f32 v11, v9  }
0x1b8: {  	v12 =	vld [tilespmem:s18+$0x88C0]  }
0x1b9: {  	v25 =	vld [tilespmem:s18+$0x78D0];
	v9 =	vadd.f32 v10, v9  }
0x1ba: {  	v26 =	vld [tilespmem:s18+$0x7880]  }
0x1bb: {  	v27 =	vld [tilespmem:s18+$0x78A0];
	[tilespmem:s25+$0x17CF0] =	vst v9;
	s25 =	smov.u32 s18  }
0x1bc: {  	v9 =	vld.msk [tilespmem:s29+$0xFFFFFF00 ss:$0x0], $0xffff  }
0x1bd: {  	v28 =	vld [tilespmem:s25+$0x7890]  }
0x1be: {  	v10 =	vld.msk [tilespmem:s29+$0xFFFFFF80 ss:$0x0], $0xffff  }
0x1bf: {  	v29 =	vld [tilespmem:s25+$0x78B0]  }
0x1c0: {  	v30 =	vld [tilespmem:s25+$0x78C0]  }
0x1c1: {  	v11 =	vld.msk [tilespmem:s29+$0x0 ss:$0x0], $0xffff  }
0x1c2: {  	v27 =	vmul.f32 v27, v9;
	v28 =	vmul.f32 v28, v9;
	v31 =	vld [tilespmem:s25+$0x78F0]  }
0x1c3: {  	v26 =	vmul.f32 v26, v9;
	v25 =	vmul.f32 v25, v9;
	v32 =	vld [tilespmem:s25+$0x8880]  }
0x1c4: {  	v22 =	vmul.f32 v22, v10;
	v33 =	vld [tilespmem:s25+$0x8890];
	v29 =	vmul.f32 v29, v9  }
0x1c5: {  	v35 =	vmul.f32 v12, v10;
	v34 =	vld [tilespmem:s25+$0x98B0];
	v30 =	vmul.f32 v30, v9  }
0x1c6: {  	v21 =	vmul.f32 v21, v9;
	v20 =	vmul.f32 v20, v10;
	v22 =	vadd.f32 v22, v25;
	v12 =	vld.msk [tilespmem:s29+$0x80 ss:$0x0], $0xffff  }
0x1c7: {  	v16 =	vmul.f32 v16, v11;
	v25 =	vld [tilespmem:s25+$0x88B0];
	v30 =	vadd.f32 v35, v30;
	v31 =	vmul.f32 v31, v9  }
0x1c8: {  	v13 =	vmul.f32 v13, v10;
	v32 =	vmul.f32 v32, v10;
	v35 =	vld [tilespmem:s25+$0xA8F0]  }
0x1c9: {  	v24 =	vmul.f32 v24, v11;
	v33 =	vmul.f32 v33, v10;
	v36 =	vld [tilespmem:s25+$0x9890]  }
0x1ca: {  	v20 =	vadd.f32 v20, v21;
	v19 =	vmul.f32 v19, v11;
	v37 =	vld [tilespmem:s25+$0x9880];
	v34 =	vmul.f32 v34, v11  }
0x1cb: {  	v14 =	vmul.f32 v14, v11;
	v13 =	vadd.f32 v13, v31;
	v21 =	vadd.f32 v32, v26;
	v26 =	vld [tilespmem:s25+$0xA890]  }
0x1cc: {  	v19 =	vadd.f32 v19, v22;
	v18 =	vmul.f32 v18, v12;
	v31 =	vld [tilespmem:s25+$0xA880];
	v25 =	vmul.f32 v25, v10  }
0x1cd: {  	v17 =	vmul.f32 v17, v11;
	v22 =	vmul.f32 v23, v10;
	v13 =	vadd.f32 v16, v13;
	v23 =	vld [tilespmem:s25+$0xA8D0]  }
0x1ce: {  	v16 =	vadd.f32 v33, v28;
	v33 =	vmul.f32 v35, v12;
	v28 =	vmul.f32 v36, v11;
	v32 =	vld [tilespmem:s25+$0xA8C0]  }
0x1cf: {  	v22 =	vadd.f32 v22, v27;
	v15 =	vmul.f32 v15, v12;
	v35 =	vmul.f32 v37, v11;
	v27 =	vld [tilespmem:s25+$0xA8E0]  }
0x1d0: {  	v25 =	vadd.f32 v25, v29;
	v16 =	vadd.f32 v28, v16;
	v26 =	vmul.f32 v26, v12  }
0x1d1: {  	v14 =	vadd.f32 v14, v22;
	v21 =	vadd.f32 v35, v21;
	v28 =	vmul.f32 v31, v12  }
0x1d2: {  	v22 =	vadd.f32 v34, v25;
	v16 =	vadd.f32 v26, v16;
	v23 =	vmul.f32 v23, v12  }
0x1d3: {  	v24 =	vadd.f32 v24, v30;
	v21 =	vadd.f32 v28, v21;
	v25 =	vmul.f32 v32, v12  }
0x1d4: {  	v17 =	vadd.f32 v17, v20;
	[tilespmem:s25+$0x17890] =	vst v16;
	v16 =	vadd.f32 v23, v19;
	v19 =	vmul.f32 v27, v12  }
0x1d5: {  	v14 =	vadd.f32 v15, v14;
	[tilespmem:s25+$0x17880] =	vst v21;
	v15 =	vadd.f32 v25, v24  }
0x1d6: {  	v13 =	vadd.f32 v33, v13;
	[tilespmem:s25+$0x178D0] =	vst v16;
	v16 =	vadd.f32 v19, v17  }
0x1d7: {  	[tilespmem:s25+$0x178A0] =	vst v14;
	v14 =	vadd.f32 v18, v22  }
0x1d8: {  	[tilespmem:s25+$0x178F0] =	vst v13  }
0x1d9: {  	s0 =	sand.u32 $0xFFFFF800, s17;
	[tilespmem:s25+$0x178B0] =	vst v14  }
0x1da: {  	s2 =	sadd.s32 s0, s26;
	[tilespmem:s25+$0x178C0] =	vst v15  }
0x1db: {  	s24 =	sor.u32 $0x1400, s2;
	[tilespmem:s25+$0x178E0] =	vst v16;
	v13 =	vld [tilespmem:s25+$0x7C80]  }
0x1dc: {  	v14 =	vld [tilespmem:s24+$0x7880]  }
0x1dd: {  	s0 =	sor.u32 $0x2400, s2  }
0x1de: {  	v15 =	vld [tilespmem:s0+$0x7880]  }
0x1df: {  	s2 =	sor.u32 $0x3400, s2  }
0x1e0: {  	v16 =	vld [tilespmem:s2+$0x7880]  }
0x1e1: {  	v13 =	vmul.f32 v13, v9;
	v14 =	vmul.f32 v14, v10;
	_ =	sdelay $0x1  }
0x1e2: {  	v13 =	vadd.f32 v14, v13;
	v14 =	vmul.f32 v15, v11;
	_ =	sdelay $0x1  }
0x1e3: {  	v13 =	vadd.f32 v14, v13;
	v14 =	vmul.f32 v16, v12;
	_ =	sdelay $0x1  }
0x1e4: {  	v13 =	vadd.f32 v14, v13;
	_ =	sdelay $0x1  }
0x1e5: {  	[tilespmem:s25+$0x17C80] =	vst v13;
	v13 =	vld [tilespmem:s25+$0x7C90]  }
0x1e6: {  	v14 =	vld [tilespmem:s24+$0x7890]  }
0x1e7: {  	v15 =	vld [tilespmem:s0+$0x7890]  }
0x1e8: {  	v16 =	vld [tilespmem:s2+$0x7890];
	_ =	sdelay $0x2  }
0x1e9: {  	v13 =	vmul.f32 v13, v9;
	v14 =	vmul.f32 v14, v10  }
0x1ea: {  	v15 =	vmul.f32 v15, v11  }
0x1eb: {  	v13 =	vadd.f32 v14, v13;
	v14 =	vmul.f32 v16, v12;
	_ =	sdelay $0x1  }
0x1ec: {  	v13 =	vadd.f32 v15, v13;
	_ =	sdelay $0x1  }
0x1ed: {  	v13 =	vadd.f32 v14, v13;
	_ =	sdelay $0x1  }
0x1ee: {  	[tilespmem:s25+$0x17C90] =	vst v13;
	v13 =	vld [tilespmem:s25+$0x7CA0]  }
0x1ef: {  	v14 =	vld [tilespmem:s24+$0x78A0]  }
0x1f0: {  	v15 =	vld [tilespmem:s0+$0x78A0]  }
0x1f1: {  	v16 =	vld [tilespmem:s2+$0x78A0];
	_ =	sdelay $0x2  }
0x1f2: {  	v13 =	vmul.f32 v13, v9;
	v14 =	vmul.f32 v14, v10  }
0x1f3: {  	v15 =	vmul.f32 v15, v11  }
0x1f4: {  	v13 =	vadd.f32 v14, v13;
	v14 =	vmul.f32 v16, v12;
	_ =	sdelay $0x1  }
0x1f5: {  	v13 =	vadd.f32 v15, v13;
	_ =	sdelay $0x1  }
0x1f6: {  	v13 =	vadd.f32 v14, v13;
	_ =	sdelay $0x1  }
0x1f7: {  	[tilespmem:s25+$0x17CA0] =	vst v13;
	v13 =	vld [tilespmem:s25+$0x7CB0]  }
0x1f8: {  	v14 =	vld [tilespmem:s24+$0x78B0]  }
0x1f9: {  	v15 =	vld [tilespmem:s0+$0x78B0]  }
0x1fa: {  	v16 =	vld [tilespmem:s2+$0x78B0];
	_ =	sdelay $0x2  }
0x1fb: {  	v13 =	vmul.f32 v13, v9;
	v14 =	vmul.f32 v14, v10  }
0x1fc: {  	v15 =	vmul.f32 v15, v11  }
0x1fd: {  	v13 =	vadd.f32 v14, v13;
	v14 =	vmul.f32 v16, v12;
	_ =	sdelay $0x1  }
0x1fe: {  	v13 =	vadd.f32 v15, v13;
	_ =	sdelay $0x1  }
0x1ff: {  	v13 =	vadd.f32 v14, v13;
	_ =	sdelay $0x1  }
0x200: {  	[tilespmem:s25+$0x17CB0] =	vst v13;
	v13 =	vld [tilespmem:s25+$0x7CC0]  }
0x201: {  	v14 =	vld [tilespmem:s24+$0x78C0]  }
0x202: {  	v15 =	vld [tilespmem:s0+$0x78C0]  }
0x203: {  	v16 =	vld [tilespmem:s2+$0x78C0];
	_ =	sdelay $0x2  }
0x204: {  	v13 =	vmul.f32 v13, v9;
	v14 =	vmul.f32 v14, v10  }
0x205: {  	v15 =	vmul.f32 v15, v11  }
0x206: {  	v13 =	vadd.f32 v14, v13;
	v14 =	vmul.f32 v16, v12;
	_ =	sdelay $0x1  }
0x207: {  	v13 =	vadd.f32 v15, v13  }
.Ltmp8:
0x208: {  	(pc) =	sbr.rel @p0 .LBB2_9-.Ltmp8, $3  }
0x209: {  	v13 =	vadd.f32 v14, v13;
	_ =	sdelay $0x1  }
0x20a: {  	[tilespmem:s25+$0x17CC0] =	vst v13;
	v13 =	vld [tilespmem:s25+$0x7CD0]  }
0x20b: {  	v14 =	vld [tilespmem:s24+$0x78D0]  }
0x20c: {  	_ = 	snop  }
0x20d: {  	v15 =	vld [tilespmem:s0+$0x78D0];
	_ =	sdelay $0x1  }
0x20e: {  	v16 =	vld [tilespmem:s2+$0x78D0]  }
0x20f: {  	v13 =	vmul.f32 v13, v9;
	v14 =	vmul.f32 v14, v10;
	_ =	sdelay $0x1  }
0x210: {  	v15 =	vmul.f32 v15, v11;
	v13 =	vadd.f32 v14, v13;
	_ =	sdelay $0x1  }
0x211: {  	v55 =	vmul.f32 v16, v12;
	v13 =	vadd.f32 v15, v13;
	_ =	sdelay $0x1  }
0x212: {  	v13 =	vadd.f32 v55, v13;
	_ =	sdelay $0x1  }
0x213: {  	v56 =	vld [tilespmem:s25+$0x7CE0];
	[tilespmem:s25+$0x17CD0] =	vst v13  }
0x214: {  	v57 =	vld [tilespmem:s24+$0x78E0];
	_ =	sdelay $0x1  }
0x215: {  	v58 =	vld [tilespmem:s0+$0x78E0];
	_ =	sdelay $0x1  }
0x216: {  	v59 =	vld [tilespmem:s2+$0x78E0]  }
0x217: {  	v13 =	vmul.f32 v56, v9;
	v14 =	vmul.f32 v57, v10;
	_ =	sdelay $0x1  }
0x218: {  	v15 =	vmul.f32 v58, v11;
	v13 =	vadd.f32 v14, v13;
	_ =	sdelay $0x1  }
0x219: {  	v60 =	vmul.f32 v59, v12;
	v13 =	vadd.f32 v15, v13;
	_ =	sdelay $0x1  }
0x21a: {  	v13 =	vadd.f32 v60, v13;
	_ =	sdelay $0x1  }
0x21b: {  	v61 =	vld [tilespmem:s25+$0x7CF0];
	[tilespmem:s25+$0x17CE0] =	vst v13  }
0x21c: {  	v13 =	vld [tilespmem:s24+$0x78F0];
	_ =	sdelay $0x1  }
0x21d: {  	v62 =	vld [tilespmem:s0+$0x78F0];
	_ =	sdelay $0x1  }
0x21e: {  	v63 =	vld [tilespmem:s2+$0x78F0]  }
0x21f: {  	v9 =	vmul.f32 v61, v9;
	v10 =	vmul.f32 v13, v10;
	_ =	sdelay $0x1  }
0x220: {  	v11 =	vmul.f32 v62, v11;
	v9 =	vadd.f32 v10, v9;
	_ =	sdelay $0x1  }
0x221: {  	s30 =	smul.u32 $0x1400, s22;
	v10 =	vmul.f32 v63, v12;
	v9 =	vadd.f32 v11, v9  }
.Ltmp9:
0x222: {  	_ = 	snop;
	(pc) =	sbr.rel .LBB2_29-.Ltmp9, $4  }
0x223: {  	s0 =	sadd.s32 s30, s23;
	v9 =	vadd.f32 v10, v9  }
0x224: {  	s0 =	sshll.u32 s0, $0x5  }
0x225: {  	s0 =	sadd.s32 s4, s0;
	[tilespmem:s25+$0x17CF0] =	vst v9  }
0x226: {  	[hbm4b:s0+s3] =	stream.linear.scatter [tilespmem:s14], [sflag:$0x5], $0x1000, $0x38;
	[tilespmem:$0x19880] =	vst v63  }
.LBB2_7:
0x227: {  	p1 =	sne.s32 s26, $0x0  }
.Ltmp10:
0x228: {  	_ = 	snop;
	(pc) =	sbr.rel @!p1 .LBB2_8-.Ltmp10, $1  }
0x229: {  	_ =	sdelay $0x3  }
0x22a: {  	p1 =	sne.s32 @!p0 s26, $0x1  }
0x22b: {  	p1 =	por p0, p1  }
.Ltmp11:
0x22c: {  	_ = 	snop;
	(pc) =	sbr.rel @p1 .LBB2_13-.Ltmp11, $3  }
0x22d: {  	_ =	sdelay $0x1  }
0x22e: {  	s0 =	sshll.u32 s0, $0x6  }
0x22f: {  	s25 =	sand.u32 $0x3FFFFFC0, s0  }
0x230: {  	v9 =	vld [tilespmem:s25+$0x800];
	_ =	sdelay $0x4  }
0x231: {  	v10 =	vshll.u32 v9, $0x1  }
0x232: {  	v9 =	vand.u32 $0x7, v9;
	v10 =	vand.u32 $0xFFFFFFF0, v10  }
0x233: {  	v9 =	vor.u32 v9, v10  }
0x234: {  	v10 =	vperm.xlane v9, v5;
	_ =	sdelay $0x1  }
0x235: {  	v9 =	vperm.xlane v9, v8;
	v10 =	vadd.s32 v7, v10;
	_ =	sdelay $0x1  }
0x236: {  	v9 =	vadd.s32 v7, v9;
	_ =	sdelay $0x1  }
0x237: {  	s0 =	simm.s32 $0x7880  }
0x238: {  	[tilespmem:s0], [sflag:$0x1] =	stream.indirect_vreg.gather [hbm4b:s1+s3], $0x80, v10, vm0, $0xb8;
	[tilespmem:$0x19880] =	vst v63  }
0x239: {  	s18 =	simm.s32 $0x8080  }
0x23a: {  	[tilespmem:s18], [sflag:$0x1] =	stream.indirect_vreg.gather [hbm4b:s1+s3], $0x80, v9, vm0, $0xb8;
	[tilespmem:$0x19880] =	vst v63  }
0x23b: {  	v9 =	vld [tilespmem:s25+$0x810];
	_ =	sdelay $0x4  }
0x23c: {  	v10 =	vshll.u32 v9, $0x1  }
0x23d: {  	v9 =	vand.u32 $0x7, v9;
	v10 =	vand.u32 $0xFFFFFFF0, v10  }
0x23e: {  	v9 =	vor.u32 v9, v10  }
0x23f: {  	v10 =	vperm.xlane v9, v5;
	_ =	sdelay $0x1  }
0x240: {  	v9 =	vperm.xlane v9, v8;
	v10 =	vadd.s32 v7, v10;
	_ =	sdelay $0x1  }
0x241: {  	v9 =	vadd.s32 v7, v9;
	_ =	sdelay $0x1  }
0x242: {  	s19 =	simm.s32 $0x8880  }
0x243: {  	[tilespmem:s19], [sflag:$0x1] =	stream.indirect_vreg.gather [hbm4b:s1+s3], $0x80, v10, vm0, $0xb8;
	[tilespmem:$0x19880] =	vst v63  }
0x244: {  	s20 =	simm.s32 $0x9080  }
0x245: {  	[tilespmem:s20], [sflag:$0x1] =	stream.indirect_vreg.gather [hbm4b:s1+s3], $0x80, v9, vm0, $0xb8;
	[tilespmem:$0x19880] =	vst v63  }
0x246: {  	v9 =	vld [tilespmem:s25+$0x820];
	_ =	sdelay $0x4  }
0x247: {  	v10 =	vshll.u32 v9, $0x1  }
0x248: {  	v9 =	vand.u32 $0x7, v9;
	v10 =	vand.u32 $0xFFFFFFF0, v10  }
0x249: {  	v9 =	vor.u32 v9, v10  }
0x24a: {  	v10 =	vperm.xlane v9, v5;
	_ =	sdelay $0x1  }
0x24b: {  	v9 =	vperm.xlane v9, v8;
	v10 =	vadd.s32 v7, v10;
	_ =	sdelay $0x1  }
0x24c: {  	v9 =	vadd.s32 v7, v9;
	_ =	sdelay $0x1  }
0x24d: {  	s24 =	simm.s32 $0x9880  }
0x24e: {  	[tilespmem:s24], [sflag:$0x1] =	stream.indirect_vreg.gather [hbm4b:s1+s3], $0x80, v10, vm0, $0xb8;
	[tilespmem:$0x19880] =	vst v63  }
0x24f: {  	s28 =	simm.s32 $0xA080  }
0x250: {  	[tilespmem:s28], [sflag:$0x1] =	stream.indirect_vreg.gather [hbm4b:s1+s3], $0x80, v9, vm0, $0xb8;
	[tilespmem:$0x19880] =	vst v63  }
0x251: {  	v9 =	vld [tilespmem:s25+$0x830];
	_ =	sdelay $0x4  }
0x252: {  	v10 =	vshll.u32 v9, $0x1  }
0x253: {  	v9 =	vand.u32 $0x7, v9;
	v10 =	vand.u32 $0xFFFFFFF0, v10  }
0x254: {  	v9 =	vor.u32 v9, v10  }
0x255: {  	v10 =	vperm.xlane v9, v5;
	_ =	sdelay $0x1  }
0x256: {  	v9 =	vperm.xlane v9, v8;
	v10 =	vadd.s32 v7, v10;
	_ =	sdelay $0x1  }
0x257: {  	v9 =	vadd.s32 v7, v9;
	_ =	sdelay $0x1  }
0x258: {  	s29 =	simm.s32 $0xA880  }
0x259: {  	[tilespmem:s29], [sflag:$0x1] =	stream.indirect_vreg.gather [hbm4b:s1+s3], $0x80, v10, vm0, $0xb8;
	[tilespmem:$0x19880] =	vst v63  }
0x25a: {  	s30 =	simm.s32 $0xB080  }
0x25b: {  	[tilespmem:s30], [sflag:$0x1] =	stream.indirect_vreg.gather [hbm4b:s1+s3], $0x80, v9, vm0, $0xb8;
	[tilespmem:$0x19880] =	vst v63  }
.LBB2_14:
0x25c: {  	s0 =	simm.s32 $0x2  }
0x25d: {  	_ =	swait.ge [sflag:s0], $0x4000  }
0x25e: {  	p1 =	slt.u32 s22, $0x2;
	[sflag:s0] =	ssyncset.done $0x0  }
0x25f: {  	[sflag:s0] =	ssyncadd.s32 $0xFFFFC000;
	s0 =	simm.s32 @!p1 $0x6  }
0x260: {  	s29 =	simm.s32 $0x0;
	_ =	swait.ge @!p1 [sflag:s0], $0x1000  }
0x261: {  	s2 =	sand.u32 $0x800, s29;
	s17 =	sand.u32 $0x380, s29;
	[sflag:s0] =	ssyncset.done @!p1 $0x0  }
0x262: {  	s28 =	sor.u32 s17, s2;
	[sflag:s0] =	ssyncadd.s32 @!p1 $0xFFFFF000  }
0x263: {  	v14 =	vld [tilespmem:s28+$0xD8A0]  }
0x264: {  	v15 =	vld [tilespmem:s28+$0xD8D0]  }
0x265: {  	v12 =	vld [tilespmem:s28+$0xC8D0]  }
0x266: {  	v16 =	vld [tilespmem:s28+$0xC8A0]  }
0x267: {  	v17 =	vld [tilespmem:s28+$0xD8C0]  }
0x268: {  	v18 =	vld [tilespmem:s28+$0xC8F0]  }
0x269: {  	v19 =	vld [tilespmem:s28+$0xD8F0]  }
0x26a: {  	v20 =	vld [tilespmem:s28+$0xC8E0]  }
0x26b: {  	v21 =	vld [tilespmem:s28+$0xB8E0]  }
0x26c: {  	v22 =	vld [tilespmem:s28+$0xC8C0]  }
0x26d: {  	v23 =	vld [tilespmem:s28+$0xB8D0]  }
0x26e: {  	v24 =	vld [tilespmem:s28+$0xB880]  }
0x26f: {  	v25 =	vld [tilespmem:s28+$0xB8A0]  }
0x270: {  	v9 =	vld.msk [tilespmem:s31+$0xFFFFFF00 ss:$0x0], $0xffff  }
0x271: {  	v26 =	vld [tilespmem:s28+$0xB890]  }
0x272: {  	v10 =	vld.msk [tilespmem:s31+$0xFFFFFF80 ss:$0x0], $0xffff  }
0x273: {  	v27 =	vld [tilespmem:s28+$0xB8B0]  }
0x274: {  	v28 =	vld [tilespmem:s28+$0xB8C0]  }
0x275: {  	v11 =	vld.msk [tilespmem:s31+$0x0 ss:$0x0], $0xffff  }
0x276: {  	v29 =	vld [tilespmem:s28+$0xB8F0];
	v26 =	vmul.f32 v26, v9  }
0x277: {  	v30 =	vld [tilespmem:s28+$0xC880];
	v25 =	vmul.f32 v25, v9;
	v24 =	vmul.f32 v24, v9  }
0x278: {  	v31 =	vld [tilespmem:s28+$0xC890];
	v23 =	vmul.f32 v23, v9;
	v27 =	vmul.f32 v27, v9  }
0x279: {  	v33 =	vld [tilespmem:s28+$0xD8B0];
	v32 =	vmul.f32 v12, v10;
	v28 =	vmul.f32 v28, v9  }
0x27a: {  	v34 =	vld [tilespmem:s28+$0xC8B0];
	v22 =	vmul.f32 v22, v10;
	v21 =	vmul.f32 v21, v9  }
0x27b: {  	v35 =	vld [tilespmem:s28+$0xD890];
	v20 =	vmul.f32 v20, v10;
	v29 =	vmul.f32 v29, v9  }
0x27c: {  	v59 =	vld [tilespmem:s28+$0xD880];
	v19 =	vmul.f32 v19, v11;
	v30 =	vmul.f32 v30, v10  }
0x27d: {  	v61 =	vld [tilespmem:s28+$0xE890];
	v18 =	vmul.f32 v18, v10;
	v60 =	vmul.f32 v31, v10  }
0x27e: {  	v44 =	vld [tilespmem:s28+$0xD8E0];
	v17 =	vmul.f32 v17, v11;
	v33 =	vmul.f32 v33, v11  }
0x27f: {  	v12 =	vld.msk [tilespmem:s31+$0x80 ss:$0x0], $0xffff;
	v15 =	vmul.f32 v15, v11;
	v14 =	vmul.f32 v14, v11  }
0x280: {  	v62 =	vld [tilespmem:s28+$0xE880];
	v63 =	vmul.f32 v34, v10;
	v41 =	vmul.f32 v35, v11  }
0x281: {  	v40 =	vld [tilespmem:s28+$0xE8D0];
	v16 =	vmul.f32 v16, v10;
	v23 =	vadd.f32 v32, v23;
	v22 =	vadd.f32 v22, v28  }
0x282: {  	v36 =	vld [tilespmem:s28+$0xE8A0];
	v43 =	vmul.f32 v59, v11;
	v20 =	vadd.f32 v20, v21;
	v26 =	vadd.f32 v60, v26  }
0x283: {  	v13 =	vld [tilespmem:s28+$0xE8B0];
	v53 =	vmul.f32 v44, v11;
	v24 =	vadd.f32 v30, v24;
	v18 =	vadd.f32 v18, v29  }
0x284: {  	v42 =	vld [tilespmem:s28+$0xE8F0];
	v16 =	vadd.f32 v16, v25;
	v45 =	vadd.f32 v41, v26;
	v46 =	vmul.f32 v61, v12  }
0x285: {  	v47 =	vld [tilespmem:s28+$0xE8C0];
	v27 =	vadd.f32 v63, v27;
	v24 =	vadd.f32 v43, v24;
	v21 =	vmul.f32 v62, v12  }
0x286: {  	v48 =	vld [tilespmem:s28+$0xE8E0];
	v15 =	vadd.f32 v15, v23;
	v49 =	vmul.f32 v40, v12;
	v23 =	vadd.f32 v46, v45  }
0x287: {  	v14 =	vadd.f32 v14, v16;
	v50 =	vmul.f32 v36, v12;
	v51 =	vadd.f32 v21, v24  }
0x288: {  	v54 =	vadd.f32 v33, v27;
	v13 =	vmul.f32 v13, v12;
	v15 =	vadd.f32 v49, v15;
	[tilespmem:s28+$0x18890] =	vst v23  }
0x289: {  	v18 =	vadd.f32 v19, v18;
	v52 =	vmul.f32 v42, v12;
	v14 =	vadd.f32 v50, v14;
	[tilespmem:s28+$0x18880] =	vst v51  }
0x28a: {  	v55 =	vadd.f32 v17, v22;
	v56 =	vmul.f32 v47, v12;
	v13 =	vadd.f32 v13, v54;
	[tilespmem:s28+$0x188D0] =	vst v15  }
0x28b: {  	v57 =	vadd.f32 v53, v20;
	v58 =	vmul.f32 v48, v12;
	v15 =	vadd.f32 v52, v18;
	[tilespmem:s28+$0x188A0] =	vst v14  }
0x28c: {  	v14 =	vadd.f32 v56, v55;
	[tilespmem:s28+$0x188B0] =	vst v13  }
0x28d: {  	s20 =	sand.u32 $0xFFFFF800, s29;
	[tilespmem:s28+$0x188F0] =	vst v15;
	v15 =	vadd.f32 v58, v57  }
0x28e: {  	s24 =	sadd.s32 $0x0, s20;
	[tilespmem:s28+$0x188C0] =	vst v14  }
0x28f: {  	s0 =	sor.u32 $0x1400, s24;
	v13 =	vld [tilespmem:s28+$0xBC80];
	[tilespmem:s28+$0x188E0] =	vst v15  }
0x290: {  	v14 =	vld [tilespmem:s0+$0xB880]  }
0x291: {  	s2 =	sor.u32 $0x2400, s24  }
0x292: {  	v15 =	vld [tilespmem:s2+$0xB880]  }
0x293: {  	s18 =	sor.u32 $0x3400, s24  }
0x294: {  	v59 =	vld [tilespmem:s18+$0xB880]  }
0x295: {  	v13 =	vmul.f32 v13, v9;
	v14 =	vmul.f32 v14, v10;
	_ =	sdelay $0x1  }
0x296: {  	v13 =	vadd.f32 v14, v13;
	v14 =	vmul.f32 v15, v11;
	_ =	sdelay $0x1  }
0x297: {  	v13 =	vadd.f32 v14, v13;
	v14 =	vmul.f32 v59, v12;
	_ =	sdelay $0x1  }
0x298: {  	v13 =	vadd.f32 v14, v13;
	_ =	sdelay $0x1  }
0x299: {  	[tilespmem:s28+$0x18C80] =	vst v13;
	v13 =	vld [tilespmem:s28+$0xBC90]  }
0x29a: {  	v14 =	vld [tilespmem:s0+$0xB890];
	_ =	sdelay $0x1  }
0x29b: {  	v15 =	vld [tilespmem:s2+$0xB890];
	_ =	sdelay $0x1  }
0x29c: {  	v60 =	vld [tilespmem:s18+$0xB890]  }
0x29d: {  	v13 =	vmul.f32 v13, v9;
	v14 =	vmul.f32 v14, v10;
	_ =	sdelay $0x1  }
0x29e: {  	v15 =	vmul.f32 v15, v11;
	v13 =	vadd.f32 v14, v13;
	_ =	sdelay $0x1  }
0x29f: {  	v14 =	vmul.f32 v60, v12;
	v13 =	vadd.f32 v15, v13;
	_ =	sdelay $0x1  }
0x2a0: {  	v13 =	vadd.f32 v14, v13;
	_ =	sdelay $0x1  }
0x2a1: {  	[tilespmem:s28+$0x18C90] =	vst v13;
	v13 =	vld [tilespmem:s28+$0xBCA0]  }
0x2a2: {  	v14 =	vld [tilespmem:s0+$0xB8A0];
	_ =	sdelay $0x1  }
0x2a3: {  	v15 =	vld [tilespmem:s2+$0xB8A0];
	_ =	sdelay $0x1  }
0x2a4: {  	v61 =	vld [tilespmem:s18+$0xB8A0]  }
0x2a5: {  	v13 =	vmul.f32 v13, v9;
	v14 =	vmul.f32 v14, v10;
	_ =	sdelay $0x1  }
0x2a6: {  	v15 =	vmul.f32 v15, v11;
	v13 =	vadd.f32 v14, v13;
	_ =	sdelay $0x1  }
0x2a7: {  	v14 =	vmul.f32 v61, v12;
	v13 =	vadd.f32 v15, v13;
	_ =	sdelay $0x1  }
0x2a8: {  	v13 =	vadd.f32 v14, v13;
	_ =	sdelay $0x1  }
0x2a9: {  	[tilespmem:s28+$0x18CA0] =	vst v13;
	v13 =	vld [tilespmem:s28+$0xBCB0]  }
0x2aa: {  	v14 =	vld [tilespmem:s0+$0xB8B0];
	_ =	sdelay $0x1  }
0x2ab: {  	v15 =	vld [tilespmem:s2+$0xB8B0];
	_ =	sdelay $0x1  }
0x2ac: {  	v62 =	vld [tilespmem:s18+$0xB8B0]  }
0x2ad: {  	v13 =	vmul.f32 v13, v9;
	v14 =	vmul.f32 v14, v10;
	_ =	sdelay $0x1  }
0x2ae: {  	v15 =	vmul.f32 v15, v11;
	v13 =	vadd.f32 v14, v13;
	_ =	sdelay $0x1  }
0x2af: {  	v14 =	vmul.f32 v62, v12;
	v13 =	vadd.f32 v15, v13;
	_ =	sdelay $0x1  }
0x2b0: {  	v13 =	vadd.f32 v14, v13;
	_ =	sdelay $0x1  }
0x2b1: {  	[tilespmem:s28+$0x18CB0] =	vst v13;
	v13 =	vld [tilespmem:s28+$0xBCC0]  }
0x2b2: {  	v14 =	vld [tilespmem:s0+$0xB8C0];
	_ =	sdelay $0x1  }
0x2b3: {  	v15 =	vld [tilespmem:s2+$0xB8C0];
	_ =	sdelay $0x1  }
0x2b4: {  	v63 =	vld [tilespmem:s18+$0xB8C0]  }
0x2b5: {  	v13 =	vmul.f32 v13, v9;
	v14 =	vmul.f32 v14, v10;
	_ =	sdelay $0x1  }
0x2b6: {  	v15 =	vmul.f32 v15, v11;
	v13 =	vadd.f32 v14, v13;
	_ =	sdelay $0x1  }
0x2b7: {  	v14 =	vmul.f32 v63, v12;
	v13 =	vadd.f32 v15, v13;
	_ =	sdelay $0x1  }
0x2b8: {  	v13 =	vadd.f32 v14, v13;
	_ =	sdelay $0x1  }
0x2b9: {  	[tilespmem:s28+$0x18CC0] =	vst v13;
	v13 =	vld [tilespmem:s28+$0xBCD0]  }
0x2ba: {  	s30 =	simm.s32 $0x100;
	s24 =	smov.u32 s31;
	v14 =	vld [tilespmem:s0+$0xB8D0]  }
.LBB2_15:
0x2bb: {  	p1 =	sne.s32 s30, $0xF00;
	v15 =	vld [tilespmem:s2+$0xB8D0];
	s29 =	sadd.s32 $0x80, s29;
	s24 =	sadd.s32 $0x1, s24  }
0x2bc: {  	s17 =	smov.u32 s30;
	s30 =	sadd.s32 $0x100, s30;
	v16 =	vld [tilespmem:s18+$0xB8D0];
	_ =	sdelay $0x2  }
0x2bd: {  	v13 =	vmul.f32 v13, v9;
	v14 =	vmul.f32 v14, v10  }
0x2be: {  	v15 =	vmul.f32 v15, v11  }
0x2bf: {  	v13 =	vadd.f32 v14, v13;
	v14 =	vmul.f32 v16, v12;
	_ =	sdelay $0x1  }
0x2c0: {  	v13 =	vadd.f32 v15, v13;
	_ =	sdelay $0x1  }
0x2c1: {  	v13 =	vadd.f32 v14, v13;
	_ =	sdelay $0x1  }
0x2c2: {  	[tilespmem:s28+$0x18CD0] =	vst v13;
	v13 =	vld [tilespmem:s28+$0xBCE0]  }
0x2c3: {  	v14 =	vld [tilespmem:s0+$0xB8E0]  }
0x2c4: {  	v15 =	vld [tilespmem:s2+$0xB8E0]  }
0x2c5: {  	v16 =	vld [tilespmem:s18+$0xB8E0];
	_ =	sdelay $0x1  }
0x2c6: {  	s19 =	sand.u32 $0x800, s17;
	s20 =	sand.u32 $0x380, s29  }
0x2c7: {  	s19 =	sor.u32 s20, s19;
	v13 =	vmul.f32 v13, v9;
	v14 =	vmul.f32 v14, v10  }
0x2c8: {  	v15 =	vmul.f32 v15, v11  }
0x2c9: {  	v13 =	vadd.f32 v14, v13;
	v14 =	vmul.f32 v16, v12  }
0x2ca: {  	v16 =	vld [tilespmem:s28+$0xBCF0]  }
0x2cb: {  	v17 =	vld [tilespmem:s19+$0xD8E0];
	v13 =	vadd.f32 v15, v13  }
0x2cc: {  	v15 =	vld [tilespmem:s19+$0xE8A0]  }
0x2cd: {  	v18 =	vld [tilespmem:s19+$0xE8B0];
	v13 =	vadd.f32 v14, v13  }
0x2ce: {  	v14 =	vld [tilespmem:s19+$0xD8A0]  }
0x2cf: {  	v19 =	vld [tilespmem:s19+$0xD8D0];
	[tilespmem:s28+$0x18CE0] =	vst v13  }
0x2d0: {  	v13 =	vld [tilespmem:s0+$0xB8F0]  }
0x2d1: {  	v20 =	vld [tilespmem:s2+$0xB8F0]  }
0x2d2: {  	v21 =	vld [tilespmem:s18+$0xB8F0]  }
0x2d3: {  	v22 =	vld [tilespmem:s19+$0xC8D0]  }
0x2d4: {  	v23 =	vld [tilespmem:s19+$0xC8A0]  }
0x2d5: {  	v9 =	vmul.f32 v16, v9;
	v24 =	vld [tilespmem:s19+$0xD8C0];
	v10 =	vmul.f32 v13, v10  }
0x2d6: {  	v13 =	vld [tilespmem:s19+$0xC8F0];
	v11 =	vmul.f32 v20, v11  }
0x2d7: {  	v16 =	vld [tilespmem:s19+$0xD8F0];
	v9 =	vadd.f32 v10, v9;
	v10 =	vmul.f32 v21, v12  }
0x2d8: {  	v20 =	vld [tilespmem:s19+$0xC8E0]  }
0x2d9: {  	v21 =	vld [tilespmem:s19+$0xB8E0];
	v9 =	vadd.f32 v11, v9  }
0x2da: {  	v12 =	vld [tilespmem:s19+$0xC8C0]  }
0x2db: {  	v25 =	vld [tilespmem:s19+$0xB8D0];
	v9 =	vadd.f32 v10, v9  }
0x2dc: {  	v26 =	vld [tilespmem:s19+$0xB880]  }
0x2dd: {  	v27 =	vld [tilespmem:s19+$0xB8A0];
	[tilespmem:s28+$0x18CF0] =	vst v9;
	s28 =	smov.u32 s19  }
0x2de: {  	v9 =	vld.msk [tilespmem:s24+$0xFFFFFF00 ss:$0x0], $0xffff  }
0x2df: {  	v28 =	vld [tilespmem:s28+$0xB890]  }
0x2e0: {  	v10 =	vld.msk [tilespmem:s24+$0xFFFFFF80 ss:$0x0], $0xffff  }
0x2e1: {  	v29 =	vld [tilespmem:s28+$0xB8B0]  }
0x2e2: {  	v30 =	vld [tilespmem:s28+$0xB8C0]  }
0x2e3: {  	v11 =	vld.msk [tilespmem:s24+$0x0 ss:$0x0], $0xffff  }
0x2e4: {  	v27 =	vmul.f32 v27, v9;
	v28 =	vmul.f32 v28, v9;
	v31 =	vld [tilespmem:s28+$0xB8F0]  }
0x2e5: {  	v26 =	vmul.f32 v26, v9;
	v25 =	vmul.f32 v25, v9;
	v32 =	vld [tilespmem:s28+$0xC880]  }
0x2e6: {  	v22 =	vmul.f32 v22, v10;
	v33 =	vld [tilespmem:s28+$0xC890];
	v29 =	vmul.f32 v29, v9  }
0x2e7: {  	v35 =	vmul.f32 v12, v10;
	v34 =	vld [tilespmem:s28+$0xD8B0];
	v30 =	vmul.f32 v30, v9  }
0x2e8: {  	v21 =	vmul.f32 v21, v9;
	v20 =	vmul.f32 v20, v10;
	v22 =	vadd.f32 v22, v25;
	v12 =	vld.msk [tilespmem:s24+$0x80 ss:$0x0], $0xffff  }
0x2e9: {  	v16 =	vmul.f32 v16, v11;
	v25 =	vld [tilespmem:s28+$0xC8B0];
	v30 =	vadd.f32 v35, v30;
	v31 =	vmul.f32 v31, v9  }
0x2ea: {  	v13 =	vmul.f32 v13, v10;
	v32 =	vmul.f32 v32, v10;
	v35 =	vld [tilespmem:s28+$0xE8F0]  }
0x2eb: {  	v24 =	vmul.f32 v24, v11;
	v33 =	vmul.f32 v33, v10;
	v36 =	vld [tilespmem:s28+$0xD890]  }
0x2ec: {  	v20 =	vadd.f32 v20, v21;
	v19 =	vmul.f32 v19, v11;
	v37 =	vld [tilespmem:s28+$0xD880];
	v34 =	vmul.f32 v34, v11  }
0x2ed: {  	v14 =	vmul.f32 v14, v11;
	v13 =	vadd.f32 v13, v31;
	v21 =	vadd.f32 v32, v26;
	v26 =	vld [tilespmem:s28+$0xE890]  }
0x2ee: {  	v19 =	vadd.f32 v19, v22;
	v18 =	vmul.f32 v18, v12;
	v31 =	vld [tilespmem:s28+$0xE880];
	v25 =	vmul.f32 v25, v10  }
0x2ef: {  	v17 =	vmul.f32 v17, v11;
	v22 =	vmul.f32 v23, v10;
	v13 =	vadd.f32 v16, v13;
	v23 =	vld [tilespmem:s28+$0xE8D0]  }
0x2f0: {  	v16 =	vadd.f32 v33, v28;
	v33 =	vmul.f32 v35, v12;
	v28 =	vmul.f32 v36, v11;
	v32 =	vld [tilespmem:s28+$0xE8C0]  }
0x2f1: {  	v22 =	vadd.f32 v22, v27;
	v15 =	vmul.f32 v15, v12;
	v35 =	vmul.f32 v37, v11;
	v27 =	vld [tilespmem:s28+$0xE8E0]  }
0x2f2: {  	v25 =	vadd.f32 v25, v29;
	v16 =	vadd.f32 v28, v16;
	v26 =	vmul.f32 v26, v12  }
0x2f3: {  	v14 =	vadd.f32 v14, v22;
	v21 =	vadd.f32 v35, v21;
	v28 =	vmul.f32 v31, v12  }
0x2f4: {  	v22 =	vadd.f32 v34, v25;
	v16 =	vadd.f32 v26, v16;
	v23 =	vmul.f32 v23, v12  }
0x2f5: {  	v24 =	vadd.f32 v24, v30;
	v21 =	vadd.f32 v28, v21;
	v25 =	vmul.f32 v32, v12  }
0x2f6: {  	v17 =	vadd.f32 v17, v20;
	[tilespmem:s28+$0x18890] =	vst v16;
	v16 =	vadd.f32 v23, v19;
	v19 =	vmul.f32 v27, v12  }
0x2f7: {  	v14 =	vadd.f32 v15, v14;
	[tilespmem:s28+$0x18880] =	vst v21;
	v15 =	vadd.f32 v25, v24  }
0x2f8: {  	v13 =	vadd.f32 v33, v13;
	[tilespmem:s28+$0x188D0] =	vst v16;
	v16 =	vadd.f32 v19, v17  }
0x2f9: {  	[tilespmem:s28+$0x188A0] =	vst v14;
	v14 =	vadd.f32 v18, v22  }
0x2fa: {  	[tilespmem:s28+$0x188F0] =	vst v13  }
0x2fb: {  	s0 =	sand.u32 $0xFFFFF800, s17;
	[tilespmem:s28+$0x188B0] =	vst v14  }
0x2fc: {  	s17 =	sadd.s32 s0, s29;
	[tilespmem:s28+$0x188C0] =	vst v15  }
0x2fd: {  	s0 =	sor.u32 $0x1400, s17;
	[tilespmem:s28+$0x188E0] =	vst v16;
	v13 =	vld [tilespmem:s28+$0xBC80]  }
0x2fe: {  	v14 =	vld [tilespmem:s0+$0xB880]  }
0x2ff: {  	s2 =	sor.u32 $0x2400, s17  }
0x300: {  	v15 =	vld [tilespmem:s2+$0xB880]  }
0x301: {  	s18 =	sor.u32 $0x3400, s17  }
0x302: {  	v16 =	vld [tilespmem:s18+$0xB880]  }
0x303: {  	v13 =	vmul.f32 v13, v9;
	v14 =	vmul.f32 v14, v10;
	_ =	sdelay $0x1  }
0x304: {  	v13 =	vadd.f32 v14, v13;
	v14 =	vmul.f32 v15, v11;
	_ =	sdelay $0x1  }
0x305: {  	v13 =	vadd.f32 v14, v13;
	v14 =	vmul.f32 v16, v12;
	_ =	sdelay $0x1  }
0x306: {  	v13 =	vadd.f32 v14, v13;
	_ =	sdelay $0x1  }
0x307: {  	[tilespmem:s28+$0x18C80] =	vst v13;
	v13 =	vld [tilespmem:s28+$0xBC90]  }
0x308: {  	v14 =	vld [tilespmem:s0+$0xB890]  }
0x309: {  	v15 =	vld [tilespmem:s2+$0xB890]  }
0x30a: {  	v16 =	vld [tilespmem:s18+$0xB890];
	_ =	sdelay $0x2  }
0x30b: {  	v13 =	vmul.f32 v13, v9;
	v14 =	vmul.f32 v14, v10  }
0x30c: {  	v15 =	vmul.f32 v15, v11  }
0x30d: {  	v13 =	vadd.f32 v14, v13;
	v14 =	vmul.f32 v16, v12;
	_ =	sdelay $0x1  }
0x30e: {  	v13 =	vadd.f32 v15, v13;
	_ =	sdelay $0x1  }
0x30f: {  	v13 =	vadd.f32 v14, v13;
	_ =	sdelay $0x1  }
0x310: {  	[tilespmem:s28+$0x18C90] =	vst v13;
	v13 =	vld [tilespmem:s28+$0xBCA0]  }
0x311: {  	v14 =	vld [tilespmem:s0+$0xB8A0]  }
0x312: {  	v15 =	vld [tilespmem:s2+$0xB8A0]  }
0x313: {  	v16 =	vld [tilespmem:s18+$0xB8A0];
	_ =	sdelay $0x2  }
0x314: {  	v13 =	vmul.f32 v13, v9;
	v14 =	vmul.f32 v14, v10  }
0x315: {  	v15 =	vmul.f32 v15, v11  }
0x316: {  	v13 =	vadd.f32 v14, v13;
	v14 =	vmul.f32 v16, v12;
	_ =	sdelay $0x1  }
0x317: {  	v13 =	vadd.f32 v15, v13;
	_ =	sdelay $0x1  }
0x318: {  	v13 =	vadd.f32 v14, v13;
	_ =	sdelay $0x1  }
0x319: {  	[tilespmem:s28+$0x18CA0] =	vst v13;
	v13 =	vld [tilespmem:s28+$0xBCB0]  }
0x31a: {  	v14 =	vld [tilespmem:s0+$0xB8B0]  }
0x31b: {  	v15 =	vld [tilespmem:s2+$0xB8B0]  }
0x31c: {  	v16 =	vld [tilespmem:s18+$0xB8B0];
	_ =	sdelay $0x2  }
0x31d: {  	v13 =	vmul.f32 v13, v9;
	v14 =	vmul.f32 v14, v10  }
0x31e: {  	v15 =	vmul.f32 v15, v11  }
0x31f: {  	v13 =	vadd.f32 v14, v13;
	v14 =	vmul.f32 v16, v12;
	_ =	sdelay $0x1  }
0x320: {  	v13 =	vadd.f32 v15, v13;
	_ =	sdelay $0x1  }
0x321: {  	v13 =	vadd.f32 v14, v13;
	_ =	sdelay $0x1  }
0x322: {  	[tilespmem:s28+$0x18CB0] =	vst v13;
	v13 =	vld [tilespmem:s28+$0xBCC0]  }
0x323: {  	v14 =	vld [tilespmem:s0+$0xB8C0]  }
0x324: {  	v15 =	vld [tilespmem:s2+$0xB8C0]  }
0x325: {  	v16 =	vld [tilespmem:s18+$0xB8C0];
	_ =	sdelay $0x2  }
0x326: {  	v13 =	vmul.f32 v13, v9;
	v14 =	vmul.f32 v14, v10  }
0x327: {  	v15 =	vmul.f32 v15, v11  }
0x328: {  	v13 =	vadd.f32 v14, v13;
	v14 =	vmul.f32 v16, v12;
	_ =	sdelay $0x1  }
0x329: {  	v13 =	vadd.f32 v15, v13  }
.Ltmp12:
0x32a: {  	(pc) =	sbr.rel @p1 .LBB2_15-.Ltmp12, $3  }
0x32b: {  	v13 =	vadd.f32 v14, v13;
	_ =	sdelay $0x1  }
0x32c: {  	[tilespmem:s28+$0x18CC0] =	vst v13;
	v13 =	vld [tilespmem:s28+$0xBCD0]  }
0x32d: {  	v14 =	vld [tilespmem:s0+$0xB8D0]  }
0x32e: {  	_ = 	snop  }
0x32f: {  	v15 =	vld [tilespmem:s2+$0xB8D0];
	_ =	sdelay $0x1  }
0x330: {  	v16 =	vld [tilespmem:s18+$0xB8D0]  }
0x331: {  	v13 =	vmul.f32 v13, v9;
	v14 =	vmul.f32 v14, v10;
	_ =	sdelay $0x1  }
0x332: {  	v15 =	vmul.f32 v15, v11;
	v13 =	vadd.f32 v14, v13;
	_ =	sdelay $0x1  }
0x333: {  	v55 =	vmul.f32 v16, v12;
	v13 =	vadd.f32 v15, v13;
	_ =	sdelay $0x1  }
0x334: {  	v13 =	vadd.f32 v55, v13;
	_ =	sdelay $0x1  }
0x335: {  	v56 =	vld [tilespmem:s28+$0xBCE0];
	[tilespmem:s28+$0x18CD0] =	vst v13  }
0x336: {  	v57 =	vld [tilespmem:s0+$0xB8E0];
	_ =	sdelay $0x1  }
0x337: {  	v58 =	vld [tilespmem:s2+$0xB8E0];
	_ =	sdelay $0x1  }
0x338: {  	v59 =	vld [tilespmem:s18+$0xB8E0]  }
0x339: {  	v13 =	vmul.f32 v56, v9;
	v14 =	vmul.f32 v57, v10;
	_ =	sdelay $0x1  }
0x33a: {  	v15 =	vmul.f32 v58, v11;
	v13 =	vadd.f32 v14, v13;
	_ =	sdelay $0x1  }
0x33b: {  	v60 =	vmul.f32 v59, v12;
	v13 =	vadd.f32 v15, v13;
	_ =	sdelay $0x1  }
0x33c: {  	v13 =	vadd.f32 v60, v13;
	_ =	sdelay $0x1  }
0x33d: {  	v61 =	vld [tilespmem:s28+$0xBCF0];
	[tilespmem:s28+$0x18CE0] =	vst v13  }
0x33e: {  	v13 =	vld [tilespmem:s0+$0xB8F0];
	_ =	sdelay $0x1  }
0x33f: {  	v62 =	vld [tilespmem:s2+$0xB8F0];
	_ =	sdelay $0x1  }
0x340: {  	v63 =	vld [tilespmem:s18+$0xB8F0]  }
0x341: {  	v9 =	vmul.f32 v61, v9;
	v10 =	vmul.f32 v13, v10;
	_ =	sdelay $0x1  }
0x342: {  	v11 =	vmul.f32 v62, v11;
	v9 =	vadd.f32 v10, v9;
	_ =	sdelay $0x1  }
0x343: {  	s29 =	smul.u32 $0x1400, s22;
	v10 =	vmul.f32 v63, v12;
	v9 =	vadd.f32 v11, v9;
	_ =	sdelay $0x1  }
0x344: {  	s0 =	sadd.s32 s29, s23;
	v9 =	vadd.f32 v10, v9  }
0x345: {  	s0 =	sshll.u32 s0, $0x5  }
0x346: {  	s30 =	simm.s32 $0x18880;
	s0 =	sadd.s32 s4, s0;
	[tilespmem:s28+$0x18CF0] =	vst v9  }
0x347: {  	[hbm4b:s0+s3] =	stream.linear.scatter [tilespmem:s30], [sflag:$0x6], $0x1000, $0x38;
	[tilespmem:$0x19880] =	vst v63  }
.LBB2_17:
0x348: {  	p1 =	sne.s32 @!p0 s26, $0x2  }
0x349: {  	p1 =	por p0, p1  }
.Ltmp13:
0x34a: {  	_ = 	snop;
	(pc) =	sbr.rel @p1 .LBB2_19-.Ltmp13, $1  }
0x34b: {  	_ =	sdelay $0x3  }
0x34c: {  	v9 =	vld [tilespmem:s25+$0x800];
	_ =	sdelay $0x4  }
0x34d: {  	v10 =	vshll.u32 v9, $0x1  }
0x34e: {  	v9 =	vand.u32 $0x7, v9;
	v10 =	vand.u32 $0xFFFFFFF0, v10  }
0x34f: {  	v9 =	vor.u32 v9, v10  }
0x350: {  	v10 =	vperm.xlane v9, v5;
	_ =	sdelay $0x1  }
0x351: {  	v9 =	vperm.xlane v9, v8;
	v10 =	vadd.s32 v7, v10;
	_ =	sdelay $0x1  }
0x352: {  	v9 =	vadd.s32 v7, v9;
	_ =	sdelay $0x1  }
0x353: {  	s0 =	simm.s32 $0xB880  }
0x354: {  	[tilespmem:s0], [sflag:$0x2] =	stream.indirect_vreg.gather [hbm4b:s1+s3], $0x80, v10, vm0, $0xb8;
	[tilespmem:$0x19880] =	vst v63  }
0x355: {  	s18 =	simm.s32 $0xC080  }
0x356: {  	[tilespmem:s18], [sflag:$0x2] =	stream.indirect_vreg.gather [hbm4b:s1+s3], $0x80, v9, vm0, $0xb8;
	[tilespmem:$0x19880] =	vst v63  }
0x357: {  	v9 =	vld [tilespmem:s25+$0x810];
	_ =	sdelay $0x4  }
0x358: {  	v10 =	vshll.u32 v9, $0x1  }
0x359: {  	v9 =	vand.u32 $0x7, v9;
	v10 =	vand.u32 $0xFFFFFFF0, v10  }
0x35a: {  	v9 =	vor.u32 v9, v10  }
0x35b: {  	v10 =	vperm.xlane v9, v5;
	_ =	sdelay $0x1  }
0x35c: {  	v9 =	vperm.xlane v9, v8;
	v10 =	vadd.s32 v7, v10;
	_ =	sdelay $0x1  }
0x35d: {  	v9 =	vadd.s32 v7, v9;
	_ =	sdelay $0x1  }
0x35e: {  	s19 =	simm.s32 $0xC880  }
0x35f: {  	[tilespmem:s19], [sflag:$0x2] =	stream.indirect_vreg.gather [hbm4b:s1+s3], $0x80, v10, vm0, $0xb8;
	[tilespmem:$0x19880] =	vst v63  }
0x360: {  	s20 =	simm.s32 $0xD080  }
0x361: {  	[tilespmem:s20], [sflag:$0x2] =	stream.indirect_vreg.gather [hbm4b:s1+s3], $0x80, v9, vm0, $0xb8;
	[tilespmem:$0x19880] =	vst v63  }
0x362: {  	v9 =	vld [tilespmem:s25+$0x820];
	_ =	sdelay $0x4  }
0x363: {  	v10 =	vshll.u32 v9, $0x1  }
0x364: {  	v9 =	vand.u32 $0x7, v9;
	v10 =	vand.u32 $0xFFFFFFF0, v10  }
0x365: {  	v9 =	vor.u32 v9, v10  }
0x366: {  	v10 =	vperm.xlane v9, v5;
	_ =	sdelay $0x1  }
0x367: {  	v9 =	vperm.xlane v9, v8;
	v10 =	vadd.s32 v7, v10;
	_ =	sdelay $0x1  }
0x368: {  	v9 =	vadd.s32 v7, v9;
	_ =	sdelay $0x1  }
0x369: {  	s24 =	simm.s32 $0xD880  }
0x36a: {  	[tilespmem:s24], [sflag:$0x2] =	stream.indirect_vreg.gather [hbm4b:s1+s3], $0x80, v10, vm0, $0xb8;
	[tilespmem:$0x19880] =	vst v63  }
0x36b: {  	s28 =	simm.s32 $0xE080  }
0x36c: {  	[tilespmem:s28], [sflag:$0x2] =	stream.indirect_vreg.gather [hbm4b:s1+s3], $0x80, v9, vm0, $0xb8;
	[tilespmem:$0x19880] =	vst v63  }
0x36d: {  	v9 =	vld [tilespmem:s25+$0x830];
	_ =	sdelay $0x4  }
0x36e: {  	v10 =	vshll.u32 v9, $0x1  }
0x36f: {  	v9 =	vand.u32 $0x7, v9;
	v10 =	vand.u32 $0xFFFFFFF0, v10  }
0x370: {  	v9 =	vor.u32 v9, v10  }
0x371: {  	v10 =	vperm.xlane v9, v5;
	_ =	sdelay $0x1  }
0x372: {  	v9 =	vperm.xlane v9, v8;
	v10 =	vadd.s32 v7, v10;
	_ =	sdelay $0x1  }
0x373: {  	v9 =	vadd.s32 v7, v9;
	_ =	sdelay $0x1  }
0x374: {  	s29 =	simm.s32 $0xE880  }
0x375: {  	[tilespmem:s29], [sflag:$0x2] =	stream.indirect_vreg.gather [hbm4b:s1+s3], $0x80, v10, vm0, $0xb8;
	[tilespmem:$0x19880] =	vst v63  }
0x376: {  	s30 =	simm.s32 $0xF080  }
0x377: {  	[tilespmem:s30], [sflag:$0x2] =	stream.indirect_vreg.gather [hbm4b:s1+s3], $0x80, v9, vm0, $0xb8;
	[tilespmem:$0x19880] =	vst v63  }
.LBB2_20:
0x378: {  	s0 =	simm.s32 $0x3  }
0x379: {  	_ =	swait.ge [sflag:s0], $0x4000  }
0x37a: {  	[sflag:s0] =	ssyncset.done $0x0  }
0x37b: {  	[sflag:s0] =	ssyncadd.s32 $0xFFFFC000  }
0x37c: {  	s29 =	simm.s32 $0x0;
	_ =	swait.ge [sflag:s16], $0x1000  }
0x37d: {  	s20 =	sand.u32 $0x800, s29;
	s2 =	sand.u32 $0x380, s29;
	[sflag:s16] =	ssyncset.done $0x0  }
0x37e: {  	s28 =	sor.u32 s2, s20;
	[sflag:s16] =	ssyncadd.s32 $0xFFFFF000  }
0x37f: {  	v14 =	vld [tilespmem:s28+$0x118A0]  }
0x380: {  	v15 =	vld [tilespmem:s28+$0x118D0]  }
0x381: {  	v12 =	vld [tilespmem:s28+$0x108D0]  }
0x382: {  	v16 =	vld [tilespmem:s28+$0x108A0]  }
0x383: {  	v17 =	vld [tilespmem:s28+$0x118C0]  }
0x384: {  	v18 =	vld [tilespmem:s28+$0x108F0]  }
0x385: {  	v19 =	vld [tilespmem:s28+$0x118F0]  }
0x386: {  	v20 =	vld [tilespmem:s28+$0x108E0]  }
0x387: {  	v21 =	vld [tilespmem:s28+$0xF8E0]  }
0x388: {  	v22 =	vld [tilespmem:s28+$0x108C0]  }
0x389: {  	v23 =	vld [tilespmem:s28+$0xF8D0]  }
0x38a: {  	v24 =	vld [tilespmem:s28+$0xF880]  }
0x38b: {  	v25 =	vld [tilespmem:s28+$0xF8A0]  }
0x38c: {  	v9 =	vld.msk [tilespmem:s31+$0xFFFFFF00 ss:$0x0], $0xffff  }
0x38d: {  	v26 =	vld [tilespmem:s28+$0xF890]  }
0x38e: {  	v10 =	vld.msk [tilespmem:s31+$0xFFFFFF80 ss:$0x0], $0xffff  }
0x38f: {  	v27 =	vld [tilespmem:s28+$0xF8B0]  }
0x390: {  	v28 =	vld [tilespmem:s28+$0xF8C0]  }
0x391: {  	v11 =	vld.msk [tilespmem:s31+$0x0 ss:$0x0], $0xffff  }
0x392: {  	v29 =	vld [tilespmem:s28+$0xF8F0];
	v26 =	vmul.f32 v26, v9  }
0x393: {  	v30 =	vld [tilespmem:s28+$0x10880];
	v25 =	vmul.f32 v25, v9;
	v24 =	vmul.f32 v24, v9  }
0x394: {  	v31 =	vld [tilespmem:s28+$0x10890];
	v23 =	vmul.f32 v23, v9;
	v27 =	vmul.f32 v27, v9  }
0x395: {  	v33 =	vld [tilespmem:s28+$0x118B0];
	v32 =	vmul.f32 v12, v10;
	v28 =	vmul.f32 v28, v9  }
0x396: {  	v34 =	vld [tilespmem:s28+$0x108B0];
	v22 =	vmul.f32 v22, v10;
	v21 =	vmul.f32 v21, v9  }
0x397: {  	v35 =	vld [tilespmem:s28+$0x11890];
	v20 =	vmul.f32 v20, v10;
	v29 =	vmul.f32 v29, v9  }
0x398: {  	v59 =	vld [tilespmem:s28+$0x11880];
	v19 =	vmul.f32 v19, v11;
	v30 =	vmul.f32 v30, v10  }
0x399: {  	v61 =	vld [tilespmem:s28+$0x12890];
	v18 =	vmul.f32 v18, v10;
	v60 =	vmul.f32 v31, v10  }
0x39a: {  	v44 =	vld [tilespmem:s28+$0x118E0];
	v17 =	vmul.f32 v17, v11;
	v33 =	vmul.f32 v33, v11  }
0x39b: {  	v12 =	vld.msk [tilespmem:s31+$0x80 ss:$0x0], $0xffff;
	v15 =	vmul.f32 v15, v11;
	v14 =	vmul.f32 v14, v11  }
0x39c: {  	v62 =	vld [tilespmem:s28+$0x12880];
	v63 =	vmul.f32 v34, v10;
	v41 =	vmul.f32 v35, v11  }
0x39d: {  	v40 =	vld [tilespmem:s28+$0x128D0];
	v16 =	vmul.f32 v16, v10;
	v23 =	vadd.f32 v32, v23;
	v22 =	vadd.f32 v22, v28  }
0x39e: {  	v36 =	vld [tilespmem:s28+$0x128A0];
	v43 =	vmul.f32 v59, v11;
	v20 =	vadd.f32 v20, v21;
	v26 =	vadd.f32 v60, v26  }
0x39f: {  	v13 =	vld [tilespmem:s28+$0x128B0];
	v53 =	vmul.f32 v44, v11;
	v24 =	vadd.f32 v30, v24;
	v18 =	vadd.f32 v18, v29  }
0x3a0: {  	v42 =	vld [tilespmem:s28+$0x128F0];
	v16 =	vadd.f32 v16, v25;
	v45 =	vadd.f32 v41, v26;
	v46 =	vmul.f32 v61, v12  }
0x3a1: {  	v47 =	vld [tilespmem:s28+$0x128C0];
	v27 =	vadd.f32 v63, v27;
	v24 =	vadd.f32 v43, v24;
	v21 =	vmul.f32 v62, v12  }
0x3a2: {  	v48 =	vld [tilespmem:s28+$0x128E0];
	v15 =	vadd.f32 v15, v23;
	v49 =	vmul.f32 v40, v12;
	v23 =	vadd.f32 v46, v45  }
0x3a3: {  	v14 =	vadd.f32 v14, v16;
	v50 =	vmul.f32 v36, v12;
	v51 =	vadd.f32 v21, v24  }
0x3a4: {  	v54 =	vadd.f32 v33, v27;
	v13 =	vmul.f32 v13, v12;
	v15 =	vadd.f32 v49, v15;
	[tilespmem:s28+$0x17890] =	vst v23  }
0x3a5: {  	v18 =	vadd.f32 v19, v18;
	v52 =	vmul.f32 v42, v12;
	v14 =	vadd.f32 v50, v14;
	[tilespmem:s28+$0x17880] =	vst v51  }
0x3a6: {  	v55 =	vadd.f32 v17, v22;
	v56 =	vmul.f32 v47, v12;
	v13 =	vadd.f32 v13, v54;
	[tilespmem:s28+$0x178D0] =	vst v15  }
0x3a7: {  	v57 =	vadd.f32 v53, v20;
	v58 =	vmul.f32 v48, v12;
	v15 =	vadd.f32 v52, v18;
	[tilespmem:s28+$0x178A0] =	vst v14  }
0x3a8: {  	v14 =	vadd.f32 v56, v55;
	[tilespmem:s28+$0x178B0] =	vst v13  }
0x3a9: {  	s24 =	sand.u32 $0xFFFFF800, s29;
	[tilespmem:s28+$0x178F0] =	vst v15;
	v15 =	vadd.f32 v58, v57  }
0x3aa: {  	s17 =	sadd.s32 $0x0, s24;
	[tilespmem:s28+$0x178C0] =	vst v14  }
0x3ab: {  	s0 =	sor.u32 $0x1400, s17;
	v13 =	vld [tilespmem:s28+$0xFC80];
	[tilespmem:s28+$0x178E0] =	vst v15  }
0x3ac: {  	v14 =	vld [tilespmem:s0+$0xF880]  }
0x3ad: {  	s2 =	sor.u32 $0x2400, s17  }
0x3ae: {  	v15 =	vld [tilespmem:s2+$0xF880]  }
0x3af: {  	s18 =	sor.u32 $0x3400, s17  }
0x3b0: {  	v59 =	vld [tilespmem:s18+$0xF880]  }
0x3b1: {  	v13 =	vmul.f32 v13, v9;
	v14 =	vmul.f32 v14, v10;
	_ =	sdelay $0x1  }
0x3b2: {  	v13 =	vadd.f32 v14, v13;
	v14 =	vmul.f32 v15, v11;
	_ =	sdelay $0x1  }
0x3b3: {  	v13 =	vadd.f32 v14, v13;
	v14 =	vmul.f32 v59, v12;
	_ =	sdelay $0x1  }
0x3b4: {  	v13 =	vadd.f32 v14, v13;
	_ =	sdelay $0x1  }
0x3b5: {  	[tilespmem:s28+$0x17C80] =	vst v13;
	v13 =	vld [tilespmem:s28+$0xFC90]  }
0x3b6: {  	v14 =	vld [tilespmem:s0+$0xF890];
	_ =	sdelay $0x1  }
0x3b7: {  	v15 =	vld [tilespmem:s2+$0xF890];
	_ =	sdelay $0x1  }
0x3b8: {  	v60 =	vld [tilespmem:s18+$0xF890]  }
0x3b9: {  	v13 =	vmul.f32 v13, v9;
	v14 =	vmul.f32 v14, v10;
	_ =	sdelay $0x1  }
0x3ba: {  	v15 =	vmul.f32 v15, v11;
	v13 =	vadd.f32 v14, v13;
	_ =	sdelay $0x1  }
0x3bb: {  	v14 =	vmul.f32 v60, v12;
	v13 =	vadd.f32 v15, v13;
	_ =	sdelay $0x1  }
0x3bc: {  	v13 =	vadd.f32 v14, v13;
	_ =	sdelay $0x1  }
0x3bd: {  	[tilespmem:s28+$0x17C90] =	vst v13;
	v13 =	vld [tilespmem:s28+$0xFCA0]  }
0x3be: {  	v14 =	vld [tilespmem:s0+$0xF8A0];
	_ =	sdelay $0x1  }
0x3bf: {  	v15 =	vld [tilespmem:s2+$0xF8A0];
	_ =	sdelay $0x1  }
0x3c0: {  	v61 =	vld [tilespmem:s18+$0xF8A0]  }
0x3c1: {  	v13 =	vmul.f32 v13, v9;
	v14 =	vmul.f32 v14, v10;
	_ =	sdelay $0x1  }
0x3c2: {  	v15 =	vmul.f32 v15, v11;
	v13 =	vadd.f32 v14, v13;
	_ =	sdelay $0x1  }
0x3c3: {  	v14 =	vmul.f32 v61, v12;
	v13 =	vadd.f32 v15, v13;
	_ =	sdelay $0x1  }
0x3c4: {  	v13 =	vadd.f32 v14, v13;
	_ =	sdelay $0x1  }
0x3c5: {  	[tilespmem:s28+$0x17CA0] =	vst v13;
	v13 =	vld [tilespmem:s28+$0xFCB0]  }
0x3c6: {  	v14 =	vld [tilespmem:s0+$0xF8B0];
	_ =	sdelay $0x1  }
0x3c7: {  	v15 =	vld [tilespmem:s2+$0xF8B0];
	_ =	sdelay $0x1  }
0x3c8: {  	v62 =	vld [tilespmem:s18+$0xF8B0]  }
0x3c9: {  	v13 =	vmul.f32 v13, v9;
	v14 =	vmul.f32 v14, v10;
	_ =	sdelay $0x1  }
0x3ca: {  	v15 =	vmul.f32 v15, v11;
	v13 =	vadd.f32 v14, v13;
	_ =	sdelay $0x1  }
0x3cb: {  	v14 =	vmul.f32 v62, v12;
	v13 =	vadd.f32 v15, v13;
	_ =	sdelay $0x1  }
0x3cc: {  	v13 =	vadd.f32 v14, v13;
	_ =	sdelay $0x1  }
0x3cd: {  	[tilespmem:s28+$0x17CB0] =	vst v13;
	v13 =	vld [tilespmem:s28+$0xFCC0]  }
0x3ce: {  	v14 =	vld [tilespmem:s0+$0xF8C0];
	_ =	sdelay $0x1  }
0x3cf: {  	v15 =	vld [tilespmem:s2+$0xF8C0];
	_ =	sdelay $0x1  }
0x3d0: {  	v63 =	vld [tilespmem:s18+$0xF8C0]  }
0x3d1: {  	v13 =	vmul.f32 v13, v9;
	v14 =	vmul.f32 v14, v10;
	_ =	sdelay $0x1  }
0x3d2: {  	v15 =	vmul.f32 v15, v11;
	v13 =	vadd.f32 v14, v13;
	_ =	sdelay $0x1  }
0x3d3: {  	v14 =	vmul.f32 v63, v12;
	v13 =	vadd.f32 v15, v13;
	_ =	sdelay $0x1  }
0x3d4: {  	v13 =	vadd.f32 v14, v13;
	_ =	sdelay $0x1  }
0x3d5: {  	[tilespmem:s28+$0x17CC0] =	vst v13;
	v13 =	vld [tilespmem:s28+$0xFCD0]  }
0x3d6: {  	s30 =	simm.s32 $0x100;
	s24 =	smov.u32 s31;
	v14 =	vld [tilespmem:s0+$0xF8D0]  }
.LBB2_21:
0x3d7: {  	p1 =	sne.s32 s30, $0xF00;
	v15 =	vld [tilespmem:s2+$0xF8D0];
	s29 =	sadd.s32 $0x80, s29;
	s24 =	sadd.s32 $0x1, s24  }
0x3d8: {  	s17 =	smov.u32 s30;
	s30 =	sadd.s32 $0x100, s30;
	v16 =	vld [tilespmem:s18+$0xF8D0];
	_ =	sdelay $0x2  }
0x3d9: {  	v13 =	vmul.f32 v13, v9;
	v14 =	vmul.f32 v14, v10  }
0x3da: {  	v15 =	vmul.f32 v15, v11  }
0x3db: {  	v13 =	vadd.f32 v14, v13;
	v14 =	vmul.f32 v16, v12;
	_ =	sdelay $0x1  }
0x3dc: {  	v13 =	vadd.f32 v15, v13;
	_ =	sdelay $0x1  }
0x3dd: {  	v13 =	vadd.f32 v14, v13;
	_ =	sdelay $0x1  }
0x3de: {  	[tilespmem:s28+$0x17CD0] =	vst v13;
	v13 =	vld [tilespmem:s28+$0xFCE0]  }
0x3df: {  	v14 =	vld [tilespmem:s0+$0xF8E0]  }
0x3e0: {  	v15 =	vld [tilespmem:s2+$0xF8E0]  }
0x3e1: {  	v16 =	vld [tilespmem:s18+$0xF8E0];
	_ =	sdelay $0x1  }
0x3e2: {  	s19 =	sand.u32 $0x800, s17;
	s20 =	sand.u32 $0x380, s29  }
0x3e3: {  	s19 =	sor.u32 s20, s19;
	v13 =	vmul.f32 v13, v9;
	v14 =	vmul.f32 v14, v10  }
0x3e4: {  	v15 =	vmul.f32 v15, v11  }
0x3e5: {  	v13 =	vadd.f32 v14, v13;
	v14 =	vmul.f32 v16, v12  }
0x3e6: {  	v16 =	vld [tilespmem:s28+$0xFCF0]  }
0x3e7: {  	v17 =	vld [tilespmem:s19+$0x118E0];
	v13 =	vadd.f32 v15, v13  }
0x3e8: {  	v15 =	vld [tilespmem:s19+$0x128A0]  }
0x3e9: {  	v18 =	vld [tilespmem:s19+$0x128B0];
	v13 =	vadd.f32 v14, v13  }
0x3ea: {  	v14 =	vld [tilespmem:s19+$0x118A0]  }
0x3eb: {  	v19 =	vld [tilespmem:s19+$0x118D0];
	[tilespmem:s28+$0x17CE0] =	vst v13  }
0x3ec: {  	v13 =	vld [tilespmem:s0+$0xF8F0]  }
0x3ed: {  	v20 =	vld [tilespmem:s2+$0xF8F0]  }
0x3ee: {  	v21 =	vld [tilespmem:s18+$0xF8F0]  }
0x3ef: {  	v22 =	vld [tilespmem:s19+$0x108D0]  }
0x3f0: {  	v23 =	vld [tilespmem:s19+$0x108A0]  }
0x3f1: {  	v9 =	vmul.f32 v16, v9;
	v24 =	vld [tilespmem:s19+$0x118C0];
	v10 =	vmul.f32 v13, v10  }
0x3f2: {  	v13 =	vld [tilespmem:s19+$0x108F0];
	v11 =	vmul.f32 v20, v11  }
0x3f3: {  	v16 =	vld [tilespmem:s19+$0x118F0];
	v9 =	vadd.f32 v10, v9;
	v10 =	vmul.f32 v21, v12  }
0x3f4: {  	v20 =	vld [tilespmem:s19+$0x108E0]  }
0x3f5: {  	v21 =	vld [tilespmem:s19+$0xF8E0];
	v9 =	vadd.f32 v11, v9  }
0x3f6: {  	v12 =	vld [tilespmem:s19+$0x108C0]  }
0x3f7: {  	v25 =	vld [tilespmem:s19+$0xF8D0];
	v9 =	vadd.f32 v10, v9  }
0x3f8: {  	v26 =	vld [tilespmem:s19+$0xF880]  }
0x3f9: {  	v27 =	vld [tilespmem:s19+$0xF8A0];
	[tilespmem:s28+$0x17CF0] =	vst v9;
	s28 =	smov.u32 s19  }
0x3fa: {  	v9 =	vld.msk [tilespmem:s24+$0xFFFFFF00 ss:$0x0], $0xffff  }
0x3fb: {  	v28 =	vld [tilespmem:s28+$0xF890]  }
0x3fc: {  	v10 =	vld.msk [tilespmem:s24+$0xFFFFFF80 ss:$0x0], $0xffff  }
0x3fd: {  	v29 =	vld [tilespmem:s28+$0xF8B0]  }
0x3fe: {  	v30 =	vld [tilespmem:s28+$0xF8C0]  }
0x3ff: {  	v11 =	vld.msk [tilespmem:s24+$0x0 ss:$0x0], $0xffff  }
0x400: {  	v27 =	vmul.f32 v27, v9;
	v28 =	vmul.f32 v28, v9;
	v31 =	vld [tilespmem:s28+$0xF8F0]  }
0x401: {  	v26 =	vmul.f32 v26, v9;
	v25 =	vmul.f32 v25, v9;
	v32 =	vld [tilespmem:s28+$0x10880]  }
0x402: {  	v22 =	vmul.f32 v22, v10;
	v33 =	vld [tilespmem:s28+$0x10890];
	v29 =	vmul.f32 v29, v9  }
0x403: {  	v35 =	vmul.f32 v12, v10;
	v34 =	vld [tilespmem:s28+$0x118B0];
	v30 =	vmul.f32 v30, v9  }
0x404: {  	v21 =	vmul.f32 v21, v9;
	v20 =	vmul.f32 v20, v10;
	v22 =	vadd.f32 v22, v25;
	v12 =	vld.msk [tilespmem:s24+$0x80 ss:$0x0], $0xffff  }
0x405: {  	v16 =	vmul.f32 v16, v11;
	v25 =	vld [tilespmem:s28+$0x108B0];
	v30 =	vadd.f32 v35, v30;
	v31 =	vmul.f32 v31, v9  }
0x406: {  	v13 =	vmul.f32 v13, v10;
	v32 =	vmul.f32 v32, v10;
	v35 =	vld [tilespmem:s28+$0x128F0]  }
0x407: {  	v24 =	vmul.f32 v24, v11;
	v33 =	vmul.f32 v33, v10;
	v36 =	vld [tilespmem:s28+$0x11890]  }
0x408: {  	v20 =	vadd.f32 v20, v21;
	v19 =	vmul.f32 v19, v11;
	v37 =	vld [tilespmem:s28+$0x11880];
	v34 =	vmul.f32 v34, v11  }
0x409: {  	v14 =	vmul.f32 v14, v11;
	v13 =	vadd.f32 v13, v31;
	v21 =	vadd.f32 v32, v26;
	v26 =	vld [tilespmem:s28+$0x12890]  }
0x40a: {  	v19 =	vadd.f32 v19, v22;
	v18 =	vmul.f32 v18, v12;
	v31 =	vld [tilespmem:s28+$0x12880];
	v25 =	vmul.f32 v25, v10  }
0x40b: {  	v17 =	vmul.f32 v17, v11;
	v22 =	vmul.f32 v23, v10;
	v13 =	vadd.f32 v16, v13;
	v23 =	vld [tilespmem:s28+$0x128D0]  }
0x40c: {  	v16 =	vadd.f32 v33, v28;
	v33 =	vmul.f32 v35, v12;
	v28 =	vmul.f32 v36, v11;
	v32 =	vld [tilespmem:s28+$0x128C0]  }
0x40d: {  	v22 =	vadd.f32 v22, v27;
	v15 =	vmul.f32 v15, v12;
	v35 =	vmul.f32 v37, v11;
	v27 =	vld [tilespmem:s28+$0x128E0]  }
0x40e: {  	v25 =	vadd.f32 v25, v29;
	v16 =	vadd.f32 v28, v16;
	v26 =	vmul.f32 v26, v12  }
0x40f: {  	v14 =	vadd.f32 v14, v22;
	v21 =	vadd.f32 v35, v21;
	v28 =	vmul.f32 v31, v12  }
0x410: {  	v22 =	vadd.f32 v34, v25;
	v16 =	vadd.f32 v26, v16;
	v23 =	vmul.f32 v23, v12  }
0x411: {  	v24 =	vadd.f32 v24, v30;
	v21 =	vadd.f32 v28, v21;
	v25 =	vmul.f32 v32, v12  }
0x412: {  	v17 =	vadd.f32 v17, v20;
	[tilespmem:s28+$0x17890] =	vst v16;
	v16 =	vadd.f32 v23, v19;
	v19 =	vmul.f32 v27, v12  }
0x413: {  	v14 =	vadd.f32 v15, v14;
	[tilespmem:s28+$0x17880] =	vst v21;
	v15 =	vadd.f32 v25, v24  }
0x414: {  	v13 =	vadd.f32 v33, v13;
	[tilespmem:s28+$0x178D0] =	vst v16;
	v16 =	vadd.f32 v19, v17  }
0x415: {  	[tilespmem:s28+$0x178A0] =	vst v14;
	v14 =	vadd.f32 v18, v22  }
0x416: {  	[tilespmem:s28+$0x178F0] =	vst v13  }
0x417: {  	s0 =	sand.u32 $0xFFFFF800, s17;
	[tilespmem:s28+$0x178B0] =	vst v14  }
0x418: {  	s17 =	sadd.s32 s0, s29;
	[tilespmem:s28+$0x178C0] =	vst v15  }
0x419: {  	s0 =	sor.u32 $0x1400, s17;
	[tilespmem:s28+$0x178E0] =	vst v16;
	v13 =	vld [tilespmem:s28+$0xFC80]  }
0x41a: {  	v14 =	vld [tilespmem:s0+$0xF880]  }
0x41b: {  	s2 =	sor.u32 $0x2400, s17  }
0x41c: {  	v15 =	vld [tilespmem:s2+$0xF880]  }
0x41d: {  	s18 =	sor.u32 $0x3400, s17  }
0x41e: {  	v16 =	vld [tilespmem:s18+$0xF880]  }
0x41f: {  	v13 =	vmul.f32 v13, v9;
	v14 =	vmul.f32 v14, v10;
	_ =	sdelay $0x1  }
0x420: {  	v13 =	vadd.f32 v14, v13;
	v14 =	vmul.f32 v15, v11;
	_ =	sdelay $0x1  }
0x421: {  	v13 =	vadd.f32 v14, v13;
	v14 =	vmul.f32 v16, v12;
	_ =	sdelay $0x1  }
0x422: {  	v13 =	vadd.f32 v14, v13;
	_ =	sdelay $0x1  }
0x423: {  	[tilespmem:s28+$0x17C80] =	vst v13;
	v13 =	vld [tilespmem:s28+$0xFC90]  }
0x424: {  	v14 =	vld [tilespmem:s0+$0xF890]  }
0x425: {  	v15 =	vld [tilespmem:s2+$0xF890]  }
0x426: {  	v16 =	vld [tilespmem:s18+$0xF890];
	_ =	sdelay $0x2  }
0x427: {  	v13 =	vmul.f32 v13, v9;
	v14 =	vmul.f32 v14, v10  }
0x428: {  	v15 =	vmul.f32 v15, v11  }
0x429: {  	v13 =	vadd.f32 v14, v13;
	v14 =	vmul.f32 v16, v12;
	_ =	sdelay $0x1  }
0x42a: {  	v13 =	vadd.f32 v15, v13;
	_ =	sdelay $0x1  }
0x42b: {  	v13 =	vadd.f32 v14, v13;
	_ =	sdelay $0x1  }
0x42c: {  	[tilespmem:s28+$0x17C90] =	vst v13;
	v13 =	vld [tilespmem:s28+$0xFCA0]  }
0x42d: {  	v14 =	vld [tilespmem:s0+$0xF8A0]  }
0x42e: {  	v15 =	vld [tilespmem:s2+$0xF8A0]  }
0x42f: {  	v16 =	vld [tilespmem:s18+$0xF8A0];
	_ =	sdelay $0x2  }
0x430: {  	v13 =	vmul.f32 v13, v9;
	v14 =	vmul.f32 v14, v10  }
0x431: {  	v15 =	vmul.f32 v15, v11  }
0x432: {  	v13 =	vadd.f32 v14, v13;
	v14 =	vmul.f32 v16, v12;
	_ =	sdelay $0x1  }
0x433: {  	v13 =	vadd.f32 v15, v13;
	_ =	sdelay $0x1  }
0x434: {  	v13 =	vadd.f32 v14, v13;
	_ =	sdelay $0x1  }
0x435: {  	[tilespmem:s28+$0x17CA0] =	vst v13;
	v13 =	vld [tilespmem:s28+$0xFCB0]  }
0x436: {  	v14 =	vld [tilespmem:s0+$0xF8B0]  }
0x437: {  	v15 =	vld [tilespmem:s2+$0xF8B0]  }
0x438: {  	v16 =	vld [tilespmem:s18+$0xF8B0];
	_ =	sdelay $0x2  }
0x439: {  	v13 =	vmul.f32 v13, v9;
	v14 =	vmul.f32 v14, v10  }
0x43a: {  	v15 =	vmul.f32 v15, v11  }
0x43b: {  	v13 =	vadd.f32 v14, v13;
	v14 =	vmul.f32 v16, v12;
	_ =	sdelay $0x1  }
0x43c: {  	v13 =	vadd.f32 v15, v13;
	_ =	sdelay $0x1  }
0x43d: {  	v13 =	vadd.f32 v14, v13;
	_ =	sdelay $0x1  }
0x43e: {  	[tilespmem:s28+$0x17CB0] =	vst v13;
	v13 =	vld [tilespmem:s28+$0xFCC0]  }
0x43f: {  	v14 =	vld [tilespmem:s0+$0xF8C0]  }
0x440: {  	v15 =	vld [tilespmem:s2+$0xF8C0]  }
0x441: {  	v16 =	vld [tilespmem:s18+$0xF8C0];
	_ =	sdelay $0x2  }
0x442: {  	v13 =	vmul.f32 v13, v9;
	v14 =	vmul.f32 v14, v10  }
0x443: {  	v15 =	vmul.f32 v15, v11  }
0x444: {  	v13 =	vadd.f32 v14, v13;
	v14 =	vmul.f32 v16, v12;
	_ =	sdelay $0x1  }
0x445: {  	v13 =	vadd.f32 v15, v13  }
.Ltmp14:
0x446: {  	(pc) =	sbr.rel @p1 .LBB2_21-.Ltmp14, $3  }
0x447: {  	v13 =	vadd.f32 v14, v13;
	_ =	sdelay $0x1  }
0x448: {  	[tilespmem:s28+$0x17CC0] =	vst v13;
	v13 =	vld [tilespmem:s28+$0xFCD0]  }
0x449: {  	v14 =	vld [tilespmem:s0+$0xF8D0]  }
0x44a: {  	_ = 	snop  }
0x44b: {  	v15 =	vld [tilespmem:s2+$0xF8D0];
	_ =	sdelay $0x1  }
0x44c: {  	v16 =	vld [tilespmem:s18+$0xF8D0]  }
0x44d: {  	v13 =	vmul.f32 v13, v9;
	v14 =	vmul.f32 v14, v10;
	_ =	sdelay $0x1  }
0x44e: {  	v15 =	vmul.f32 v15, v11;
	v13 =	vadd.f32 v14, v13;
	_ =	sdelay $0x1  }
0x44f: {  	v55 =	vmul.f32 v16, v12;
	v13 =	vadd.f32 v15, v13;
	_ =	sdelay $0x1  }
0x450: {  	v13 =	vadd.f32 v55, v13;
	_ =	sdelay $0x1  }
0x451: {  	v56 =	vld [tilespmem:s28+$0xFCE0];
	[tilespmem:s28+$0x17CD0] =	vst v13  }
0x452: {  	v57 =	vld [tilespmem:s0+$0xF8E0];
	_ =	sdelay $0x1  }
0x453: {  	v58 =	vld [tilespmem:s2+$0xF8E0];
	_ =	sdelay $0x1  }
0x454: {  	v59 =	vld [tilespmem:s18+$0xF8E0]  }
0x455: {  	v13 =	vmul.f32 v56, v9;
	v14 =	vmul.f32 v57, v10;
	_ =	sdelay $0x1  }
0x456: {  	v15 =	vmul.f32 v58, v11;
	v13 =	vadd.f32 v14, v13;
	_ =	sdelay $0x1  }
0x457: {  	v60 =	vmul.f32 v59, v12;
	v13 =	vadd.f32 v15, v13;
	_ =	sdelay $0x1  }
0x458: {  	v13 =	vadd.f32 v60, v13;
	_ =	sdelay $0x1  }
0x459: {  	v61 =	vld [tilespmem:s28+$0xFCF0];
	[tilespmem:s28+$0x17CE0] =	vst v13  }
0x45a: {  	v13 =	vld [tilespmem:s0+$0xF8F0];
	_ =	sdelay $0x1  }
0x45b: {  	v62 =	vld [tilespmem:s2+$0xF8F0];
	_ =	sdelay $0x1  }
0x45c: {  	v63 =	vld [tilespmem:s18+$0xF8F0]  }
0x45d: {  	v9 =	vmul.f32 v61, v9;
	v10 =	vmul.f32 v13, v10;
	_ =	sdelay $0x1  }
0x45e: {  	v11 =	vmul.f32 v62, v11;
	v9 =	vadd.f32 v10, v9;
	_ =	sdelay $0x1  }
0x45f: {  	s30 =	smul.u32 $0x1400, s22;
	v10 =	vmul.f32 v63, v12;
	v9 =	vadd.f32 v11, v9;
	_ =	sdelay $0x1  }
0x460: {  	s0 =	sadd.s32 s30, s23;
	v9 =	vadd.f32 v10, v9  }
0x461: {  	s0 =	sshll.u32 s0, $0x5  }
0x462: {  	s0 =	sadd.s32 s4, s0;
	[tilespmem:s28+$0x17CF0] =	vst v9  }
0x463: {  	[hbm4b:s0+s3] =	stream.linear.scatter [tilespmem:s14], [sflag:$0x5], $0x1000, $0x38;
	[tilespmem:$0x19880] =	vst v63  }
.LBB2_23:
0x464: {  	p1 =	sne.s32 @!p0 s26, $0x3  }
0x465: {  	p0 =	por p0, p1  }
.Ltmp15:
0x466: {  	_ = 	snop;
	(pc) =	sbr.rel @p0 .LBB2_25-.Ltmp15, $1  }
0x467: {  	_ =	sdelay $0x3  }
0x468: {  	v9 =	vld [tilespmem:s25+$0x800];
	_ =	sdelay $0x4  }
0x469: {  	v10 =	vshll.u32 v9, $0x1  }
0x46a: {  	v9 =	vand.u32 $0x7, v9;
	v10 =	vand.u32 $0xFFFFFFF0, v10  }
0x46b: {  	v9 =	vor.u32 v9, v10  }
0x46c: {  	v10 =	vperm.xlane v9, v5;
	_ =	sdelay $0x1  }
0x46d: {  	v9 =	vperm.xlane v9, v8;
	v10 =	vadd.s32 v7, v10;
	_ =	sdelay $0x1  }
0x46e: {  	v9 =	vadd.s32 v7, v9;
	_ =	sdelay $0x1  }
0x46f: {  	s0 =	simm.s32 $0xF880  }
0x470: {  	[tilespmem:s0], [sflag:$0x3] =	stream.indirect_vreg.gather [hbm4b:s1+s3], $0x80, v10, vm0, $0xb8;
	[tilespmem:$0x19880] =	vst v63  }
0x471: {  	s19 =	simm.s32 $0x10080  }
0x472: {  	[tilespmem:s19], [sflag:$0x3] =	stream.indirect_vreg.gather [hbm4b:s1+s3], $0x80, v9, vm0, $0xb8;
	[tilespmem:$0x19880] =	vst v63  }
0x473: {  	v9 =	vld [tilespmem:s25+$0x810];
	_ =	sdelay $0x4  }
0x474: {  	v10 =	vshll.u32 v9, $0x1  }
0x475: {  	v9 =	vand.u32 $0x7, v9;
	v10 =	vand.u32 $0xFFFFFFF0, v10  }
0x476: {  	v9 =	vor.u32 v9, v10  }
0x477: {  	v10 =	vperm.xlane v9, v5;
	_ =	sdelay $0x1  }
0x478: {  	v9 =	vperm.xlane v9, v8;
	v10 =	vadd.s32 v7, v10;
	_ =	sdelay $0x1  }
0x479: {  	v9 =	vadd.s32 v7, v9;
	_ =	sdelay $0x1  }
0x47a: {  	s20 =	simm.s32 $0x10880  }
0x47b: {  	[tilespmem:s20], [sflag:$0x3] =	stream.indirect_vreg.gather [hbm4b:s1+s3], $0x80, v10, vm0, $0xb8;
	[tilespmem:$0x19880] =	vst v63  }
0x47c: {  	s24 =	simm.s32 $0x11080  }
0x47d: {  	[tilespmem:s24], [sflag:$0x3] =	stream.indirect_vreg.gather [hbm4b:s1+s3], $0x80, v9, vm0, $0xb8;
	[tilespmem:$0x19880] =	vst v63  }
0x47e: {  	v9 =	vld [tilespmem:s25+$0x820];
	_ =	sdelay $0x4  }
0x47f: {  	v10 =	vshll.u32 v9, $0x1  }
0x480: {  	v9 =	vand.u32 $0x7, v9;
	v10 =	vand.u32 $0xFFFFFFF0, v10  }
0x481: {  	v9 =	vor.u32 v9, v10  }
0x482: {  	v10 =	vperm.xlane v9, v5;
	_ =	sdelay $0x1  }
0x483: {  	v9 =	vperm.xlane v9, v8;
	v10 =	vadd.s32 v7, v10;
	_ =	sdelay $0x1  }
0x484: {  	v9 =	vadd.s32 v7, v9;
	_ =	sdelay $0x1  }
0x485: {  	s26 =	simm.s32 $0x11880  }
0x486: {  	[tilespmem:s26], [sflag:$0x3] =	stream.indirect_vreg.gather [hbm4b:s1+s3], $0x80, v10, vm0, $0xb8;
	[tilespmem:$0x19880] =	vst v63  }
0x487: {  	s28 =	simm.s32 $0x12080  }
0x488: {  	[tilespmem:s28], [sflag:$0x3] =	stream.indirect_vreg.gather [hbm4b:s1+s3], $0x80, v9, vm0, $0xb8;
	[tilespmem:$0x19880] =	vst v63  }
0x489: {  	v9 =	vld [tilespmem:s25+$0x830];
	_ =	sdelay $0x4  }
0x48a: {  	v10 =	vshll.u32 v9, $0x1  }
0x48b: {  	v9 =	vand.u32 $0x7, v9;
	v10 =	vand.u32 $0xFFFFFFF0, v10  }
0x48c: {  	v9 =	vor.u32 v9, v10  }
0x48d: {  	v10 =	vperm.xlane v9, v5;
	_ =	sdelay $0x1  }
0x48e: {  	v9 =	vperm.xlane v9, v8;
	v10 =	vadd.s32 v7, v10;
	_ =	sdelay $0x1  }
0x48f: {  	v9 =	vadd.s32 v7, v9;
	_ =	sdelay $0x1  }
0x490: {  	s29 =	simm.s32 $0x12880  }
0x491: {  	[tilespmem:s29], [sflag:$0x3] =	stream.indirect_vreg.gather [hbm4b:s1+s3], $0x80, v10, vm0, $0xb8;
	[tilespmem:$0x19880] =	vst v63  }
0x492: {  	s30 =	simm.s32 $0x13080  }
0x493: {  	[tilespmem:s30], [sflag:$0x3] =	stream.indirect_vreg.gather [hbm4b:s1+s3], $0x80, v9, vm0, $0xb8;
	[tilespmem:$0x19880] =	vst v63  }
.LBB2_26:
0x494: {  	s0 =	simm.s32 $0x4  }
0x495: {  	_ =	swait.ge [sflag:s0], $0x4000  }
0x496: {  	[sflag:s0] =	ssyncset.done $0x0  }
0x497: {  	[sflag:s0] =	ssyncadd.s32 $0xFFFFC000  }
0x498: {  	s26 =	simm.s32 $0x0;
	_ =	swait.ge [sflag:s15], $0x1000  }
0x499: {  	s29 =	sand.u32 $0x800, s26;
	s2 =	sand.u32 $0x380, s26;
	[sflag:s15] =	ssyncset.done $0x0  }
0x49a: {  	s25 =	sor.u32 s2, s29;
	[sflag:s15] =	ssyncadd.s32 $0xFFFFF000  }
0x49b: {  	v14 =	vld [tilespmem:s25+$0x158A0]  }
0x49c: {  	v15 =	vld [tilespmem:s25+$0x158D0]  }
0x49d: {  	v12 =	vld [tilespmem:s25+$0x148D0]  }
0x49e: {  	v16 =	vld [tilespmem:s25+$0x148A0]  }
0x49f: {  	v17 =	vld [tilespmem:s25+$0x158C0]  }
0x4a0: {  	v18 =	vld [tilespmem:s25+$0x148F0]  }
0x4a1: {  	v19 =	vld [tilespmem:s25+$0x158F0]  }
0x4a2: {  	v20 =	vld [tilespmem:s25+$0x148E0]  }
0x4a3: {  	v21 =	vld [tilespmem:s25+$0x138E0]  }
0x4a4: {  	v22 =	vld [tilespmem:s25+$0x148C0]  }
0x4a5: {  	v23 =	vld [tilespmem:s25+$0x138D0]  }
0x4a6: {  	v24 =	vld [tilespmem:s25+$0x13880]  }
0x4a7: {  	v25 =	vld [tilespmem:s25+$0x138A0]  }
0x4a8: {  	v9 =	vld.msk [tilespmem:s31+$0xFFFFFF00 ss:$0x0], $0xffff  }
0x4a9: {  	v26 =	vld [tilespmem:s25+$0x13890]  }
0x4aa: {  	v10 =	vld.msk [tilespmem:s31+$0xFFFFFF80 ss:$0x0], $0xffff  }
0x4ab: {  	v27 =	vld [tilespmem:s25+$0x138B0]  }
0x4ac: {  	v28 =	vld [tilespmem:s25+$0x138C0]  }
0x4ad: {  	v11 =	vld.msk [tilespmem:s31+$0x0 ss:$0x0], $0xffff  }
0x4ae: {  	v29 =	vld [tilespmem:s25+$0x138F0];
	v26 =	vmul.f32 v26, v9  }
0x4af: {  	v30 =	vld [tilespmem:s25+$0x14880];
	v25 =	vmul.f32 v25, v9;
	v24 =	vmul.f32 v24, v9  }
0x4b0: {  	v31 =	vld [tilespmem:s25+$0x14890];
	v23 =	vmul.f32 v23, v9;
	v27 =	vmul.f32 v27, v9  }
0x4b1: {  	v33 =	vld [tilespmem:s25+$0x158B0];
	v32 =	vmul.f32 v12, v10;
	v28 =	vmul.f32 v28, v9  }
0x4b2: {  	v34 =	vld [tilespmem:s25+$0x148B0];
	v22 =	vmul.f32 v22, v10;
	v21 =	vmul.f32 v21, v9  }
0x4b3: {  	v35 =	vld [tilespmem:s25+$0x15890];
	v20 =	vmul.f32 v20, v10;
	v29 =	vmul.f32 v29, v9  }
0x4b4: {  	v59 =	vld [tilespmem:s25+$0x15880];
	v19 =	vmul.f32 v19, v11;
	v30 =	vmul.f32 v30, v10  }
0x4b5: {  	v61 =	vld [tilespmem:s25+$0x16890];
	v18 =	vmul.f32 v18, v10;
	v60 =	vmul.f32 v31, v10  }
0x4b6: {  	v44 =	vld [tilespmem:s25+$0x158E0];
	v17 =	vmul.f32 v17, v11;
	v33 =	vmul.f32 v33, v11  }
0x4b7: {  	v12 =	vld.msk [tilespmem:s31+$0x80 ss:$0x0], $0xffff;
	v15 =	vmul.f32 v15, v11;
	v14 =	vmul.f32 v14, v11  }
0x4b8: {  	v62 =	vld [tilespmem:s25+$0x16880];
	v63 =	vmul.f32 v34, v10;
	v41 =	vmul.f32 v35, v11  }
0x4b9: {  	v40 =	vld [tilespmem:s25+$0x168D0];
	v16 =	vmul.f32 v16, v10;
	v23 =	vadd.f32 v32, v23;
	v22 =	vadd.f32 v22, v28  }
0x4ba: {  	v36 =	vld [tilespmem:s25+$0x168A0];
	v43 =	vmul.f32 v59, v11;
	v20 =	vadd.f32 v20, v21;
	v26 =	vadd.f32 v60, v26  }
0x4bb: {  	v13 =	vld [tilespmem:s25+$0x168B0];
	v53 =	vmul.f32 v44, v11;
	v24 =	vadd.f32 v30, v24;
	v18 =	vadd.f32 v18, v29  }
0x4bc: {  	v42 =	vld [tilespmem:s25+$0x168F0];
	v16 =	vadd.f32 v16, v25;
	v45 =	vadd.f32 v41, v26;
	v46 =	vmul.f32 v61, v12  }
0x4bd: {  	v47 =	vld [tilespmem:s25+$0x168C0];
	v27 =	vadd.f32 v63, v27;
	v24 =	vadd.f32 v43, v24;
	v21 =	vmul.f32 v62, v12  }
0x4be: {  	v48 =	vld [tilespmem:s25+$0x168E0];
	v15 =	vadd.f32 v15, v23;
	v49 =	vmul.f32 v40, v12;
	v23 =	vadd.f32 v46, v45  }
0x4bf: {  	v14 =	vadd.f32 v14, v16;
	v50 =	vmul.f32 v36, v12;
	v51 =	vadd.f32 v21, v24  }
0x4c0: {  	v54 =	vadd.f32 v33, v27;
	v13 =	vmul.f32 v13, v12;
	v15 =	vadd.f32 v49, v15;
	[tilespmem:s25+$0x18890] =	vst v23  }
0x4c1: {  	v18 =	vadd.f32 v19, v18;
	v52 =	vmul.f32 v42, v12;
	v14 =	vadd.f32 v50, v14;
	[tilespmem:s25+$0x18880] =	vst v51  }
0x4c2: {  	v55 =	vadd.f32 v17, v22;
	v56 =	vmul.f32 v47, v12;
	v13 =	vadd.f32 v13, v54;
	[tilespmem:s25+$0x188D0] =	vst v15  }
0x4c3: {  	v57 =	vadd.f32 v53, v20;
	v58 =	vmul.f32 v48, v12;
	v15 =	vadd.f32 v52, v18;
	[tilespmem:s25+$0x188A0] =	vst v14  }
0x4c4: {  	v14 =	vadd.f32 v56, v55;
	[tilespmem:s25+$0x188B0] =	vst v13  }
0x4c5: {  	s30 =	sand.u32 $0xFFFFF800, s26;
	[tilespmem:s25+$0x188F0] =	vst v15;
	v15 =	vadd.f32 v58, v57  }
0x4c6: {  	s17 =	sadd.s32 $0x0, s30;
	[tilespmem:s25+$0x188C0] =	vst v14  }
0x4c7: {  	s0 =	sor.u32 $0x1400, s17;
	v13 =	vld [tilespmem:s25+$0x13C80];
	[tilespmem:s25+$0x188E0] =	vst v15  }
0x4c8: {  	v14 =	vld [tilespmem:s0+$0x13880]  }
0x4c9: {  	s2 =	sor.u32 $0x2400, s17  }
0x4ca: {  	v15 =	vld [tilespmem:s2+$0x13880]  }
0x4cb: {  	s18 =	sor.u32 $0x3400, s17  }
0x4cc: {  	v59 =	vld [tilespmem:s18+$0x13880]  }
0x4cd: {  	v13 =	vmul.f32 v13, v9;
	v14 =	vmul.f32 v14, v10;
	_ =	sdelay $0x1  }
0x4ce: {  	v13 =	vadd.f32 v14, v13;
	v14 =	vmul.f32 v15, v11;
	_ =	sdelay $0x1  }
0x4cf: {  	v13 =	vadd.f32 v14, v13;
	v14 =	vmul.f32 v59, v12;
	_ =	sdelay $0x1  }
0x4d0: {  	v13 =	vadd.f32 v14, v13;
	_ =	sdelay $0x1  }
0x4d1: {  	[tilespmem:s25+$0x18C80] =	vst v13;
	v13 =	vld [tilespmem:s25+$0x13C90]  }
0x4d2: {  	v14 =	vld [tilespmem:s0+$0x13890];
	_ =	sdelay $0x1  }
0x4d3: {  	v15 =	vld [tilespmem:s2+$0x13890];
	_ =	sdelay $0x1  }
0x4d4: {  	v60 =	vld [tilespmem:s18+$0x13890]  }
0x4d5: {  	v13 =	vmul.f32 v13, v9;
	v14 =	vmul.f32 v14, v10;
	_ =	sdelay $0x1  }
0x4d6: {  	v15 =	vmul.f32 v15, v11;
	v13 =	vadd.f32 v14, v13;
	_ =	sdelay $0x1  }
0x4d7: {  	v14 =	vmul.f32 v60, v12;
	v13 =	vadd.f32 v15, v13;
	_ =	sdelay $0x1  }
0x4d8: {  	v13 =	vadd.f32 v14, v13;
	_ =	sdelay $0x1  }
0x4d9: {  	[tilespmem:s25+$0x18C90] =	vst v13;
	v13 =	vld [tilespmem:s25+$0x13CA0]  }
0x4da: {  	v14 =	vld [tilespmem:s0+$0x138A0];
	_ =	sdelay $0x1  }
0x4db: {  	v15 =	vld [tilespmem:s2+$0x138A0];
	_ =	sdelay $0x1  }
0x4dc: {  	v61 =	vld [tilespmem:s18+$0x138A0]  }
0x4dd: {  	v13 =	vmul.f32 v13, v9;
	v14 =	vmul.f32 v14, v10;
	_ =	sdelay $0x1  }
0x4de: {  	v15 =	vmul.f32 v15, v11;
	v13 =	vadd.f32 v14, v13;
	_ =	sdelay $0x1  }
0x4df: {  	v14 =	vmul.f32 v61, v12;
	v13 =	vadd.f32 v15, v13;
	_ =	sdelay $0x1  }
0x4e0: {  	v13 =	vadd.f32 v14, v13;
	_ =	sdelay $0x1  }
0x4e1: {  	[tilespmem:s25+$0x18CA0] =	vst v13;
	v13 =	vld [tilespmem:s25+$0x13CB0]  }
0x4e2: {  	v14 =	vld [tilespmem:s0+$0x138B0];
	_ =	sdelay $0x1  }
0x4e3: {  	v15 =	vld [tilespmem:s2+$0x138B0];
	_ =	sdelay $0x1  }
0x4e4: {  	v62 =	vld [tilespmem:s18+$0x138B0]  }
0x4e5: {  	v13 =	vmul.f32 v13, v9;
	v14 =	vmul.f32 v14, v10;
	_ =	sdelay $0x1  }
0x4e6: {  	v15 =	vmul.f32 v15, v11;
	v13 =	vadd.f32 v14, v13;
	_ =	sdelay $0x1  }
0x4e7: {  	v14 =	vmul.f32 v62, v12;
	v13 =	vadd.f32 v15, v13;
	_ =	sdelay $0x1  }
0x4e8: {  	v13 =	vadd.f32 v14, v13;
	_ =	sdelay $0x1  }
0x4e9: {  	[tilespmem:s25+$0x18CB0] =	vst v13;
	v13 =	vld [tilespmem:s25+$0x13CC0]  }
0x4ea: {  	v14 =	vld [tilespmem:s0+$0x138C0];
	_ =	sdelay $0x1  }
0x4eb: {  	v15 =	vld [tilespmem:s2+$0x138C0];
	_ =	sdelay $0x1  }
0x4ec: {  	v63 =	vld [tilespmem:s18+$0x138C0]  }
0x4ed: {  	v13 =	vmul.f32 v13, v9;
	v14 =	vmul.f32 v14, v10;
	_ =	sdelay $0x1  }
0x4ee: {  	v15 =	vmul.f32 v15, v11;
	v13 =	vadd.f32 v14, v13;
	_ =	sdelay $0x1  }
0x4ef: {  	v14 =	vmul.f32 v63, v12;
	v13 =	vadd.f32 v15, v13;
	_ =	sdelay $0x1  }
0x4f0: {  	v13 =	vadd.f32 v14, v13;
	_ =	sdelay $0x1  }
0x4f1: {  	[tilespmem:s25+$0x18CC0] =	vst v13;
	v13 =	vld [tilespmem:s25+$0x13CD0]  }
0x4f2: {  	s28 =	simm.s32 $0x100;
	s24 =	smov.u32 s31;
	v14 =	vld [tilespmem:s0+$0x138D0]  }
.LBB2_27:
0x4f3: {  	p0 =	sne.s32 s28, $0xF00;
	v15 =	vld [tilespmem:s2+$0x138D0];
	s26 =	sadd.s32 $0x80, s26;
	s24 =	sadd.s32 $0x1, s24  }
0x4f4: {  	s17 =	smov.u32 s28;
	s28 =	sadd.s32 $0x100, s28;
	v16 =	vld [tilespmem:s18+$0x138D0];
	_ =	sdelay $0x2  }
0x4f5: {  	v13 =	vmul.f32 v13, v9;
	v14 =	vmul.f32 v14, v10  }
0x4f6: {  	v15 =	vmul.f32 v15, v11  }
0x4f7: {  	v13 =	vadd.f32 v14, v13;
	v14 =	vmul.f32 v16, v12;
	_ =	sdelay $0x1  }
0x4f8: {  	v13 =	vadd.f32 v15, v13;
	_ =	sdelay $0x1  }
0x4f9: {  	v13 =	vadd.f32 v14, v13;
	_ =	sdelay $0x1  }
0x4fa: {  	[tilespmem:s25+$0x18CD0] =	vst v13;
	v13 =	vld [tilespmem:s25+$0x13CE0]  }
0x4fb: {  	v14 =	vld [tilespmem:s0+$0x138E0]  }
0x4fc: {  	v15 =	vld [tilespmem:s2+$0x138E0]  }
0x4fd: {  	v16 =	vld [tilespmem:s18+$0x138E0];
	_ =	sdelay $0x1  }
0x4fe: {  	s19 =	sand.u32 $0x800, s17;
	s20 =	sand.u32 $0x380, s26  }
0x4ff: {  	s19 =	sor.u32 s20, s19;
	v13 =	vmul.f32 v13, v9;
	v14 =	vmul.f32 v14, v10  }
0x500: {  	v15 =	vmul.f32 v15, v11  }
0x501: {  	v13 =	vadd.f32 v14, v13;
	v14 =	vmul.f32 v16, v12  }
0x502: {  	v16 =	vld [tilespmem:s25+$0x13CF0]  }
0x503: {  	v17 =	vld [tilespmem:s19+$0x158E0];
	v13 =	vadd.f32 v15, v13  }
0x504: {  	v15 =	vld [tilespmem:s19+$0x168A0]  }
0x505: {  	v18 =	vld [tilespmem:s19+$0x168B0];
	v13 =	vadd.f32 v14, v13  }
0x506: {  	v14 =	vld [tilespmem:s19+$0x158A0]  }
0x507: {  	v19 =	vld [tilespmem:s19+$0x158D0];
	[tilespmem:s25+$0x18CE0] =	vst v13  }
0x508: {  	v13 =	vld [tilespmem:s0+$0x138F0]  }
0x509: {  	v20 =	vld [tilespmem:s2+$0x138F0]  }
0x50a: {  	v21 =	vld [tilespmem:s18+$0x138F0]  }
0x50b: {  	v22 =	vld [tilespmem:s19+$0x148D0]  }
0x50c: {  	v23 =	vld [tilespmem:s19+$0x148A0]  }
0x50d: {  	v9 =	vmul.f32 v16, v9;
	v24 =	vld [tilespmem:s19+$0x158C0];
	v10 =	vmul.f32 v13, v10  }
0x50e: {  	v13 =	vld [tilespmem:s19+$0x148F0];
	v11 =	vmul.f32 v20, v11  }
0x50f: {  	v16 =	vld [tilespmem:s19+$0x158F0];
	v9 =	vadd.f32 v10, v9;
	v10 =	vmul.f32 v21, v12  }
0x510: {  	v20 =	vld [tilespmem:s19+$0x148E0]  }
0x511: {  	v21 =	vld [tilespmem:s19+$0x138E0];
	v9 =	vadd.f32 v11, v9  }
0x512: {  	v12 =	vld [tilespmem:s19+$0x148C0]  }
0x513: {  	v25 =	vld [tilespmem:s19+$0x138D0];
	v9 =	vadd.f32 v10, v9  }
0x514: {  	v26 =	vld [tilespmem:s19+$0x13880]  }
0x515: {  	v27 =	vld [tilespmem:s19+$0x138A0];
	[tilespmem:s25+$0x18CF0] =	vst v9;
	s25 =	smov.u32 s19  }
0x516: {  	v9 =	vld.msk [tilespmem:s24+$0xFFFFFF00 ss:$0x0], $0xffff  }
0x517: {  	v28 =	vld [tilespmem:s25+$0x13890]  }
0x518: {  	v10 =	vld.msk [tilespmem:s24+$0xFFFFFF80 ss:$0x0], $0xffff  }
0x519: {  	v29 =	vld [tilespmem:s25+$0x138B0]  }
0x51a: {  	v30 =	vld [tilespmem:s25+$0x138C0]  }
0x51b: {  	v11 =	vld.msk [tilespmem:s24+$0x0 ss:$0x0], $0xffff  }
0x51c: {  	v27 =	vmul.f32 v27, v9;
	v28 =	vmul.f32 v28, v9;
	v31 =	vld [tilespmem:s25+$0x138F0]  }
0x51d: {  	v26 =	vmul.f32 v26, v9;
	v25 =	vmul.f32 v25, v9;
	v32 =	vld [tilespmem:s25+$0x14880]  }
0x51e: {  	v22 =	vmul.f32 v22, v10;
	v33 =	vld [tilespmem:s25+$0x14890];
	v29 =	vmul.f32 v29, v9  }
0x51f: {  	v35 =	vmul.f32 v12, v10;
	v34 =	vld [tilespmem:s25+$0x158B0];
	v30 =	vmul.f32 v30, v9  }
0x520: {  	v21 =	vmul.f32 v21, v9;
	v20 =	vmul.f32 v20, v10;
	v22 =	vadd.f32 v22, v25;
	v12 =	vld.msk [tilespmem:s24+$0x80 ss:$0x0], $0xffff  }
0x521: {  	v16 =	vmul.f32 v16, v11;
	v25 =	vld [tilespmem:s25+$0x148B0];
	v30 =	vadd.f32 v35, v30;
	v31 =	vmul.f32 v31, v9  }
0x522: {  	v13 =	vmul.f32 v13, v10;
	v32 =	vmul.f32 v32, v10;
	v35 =	vld [tilespmem:s25+$0x168F0]  }
0x523: {  	v24 =	vmul.f32 v24, v11;
	v33 =	vmul.f32 v33, v10;
	v36 =	vld [tilespmem:s25+$0x15890]  }
0x524: {  	v20 =	vadd.f32 v20, v21;
	v19 =	vmul.f32 v19, v11;
	v37 =	vld [tilespmem:s25+$0x15880];
	v34 =	vmul.f32 v34, v11  }
0x525: {  	v14 =	vmul.f32 v14, v11;
	v13 =	vadd.f32 v13, v31;
	v21 =	vadd.f32 v32, v26;
	v26 =	vld [tilespmem:s25+$0x16890]  }
0x526: {  	v19 =	vadd.f32 v19, v22;
	v18 =	vmul.f32 v18, v12;
	v31 =	vld [tilespmem:s25+$0x16880];
	v25 =	vmul.f32 v25, v10  }
0x527: {  	v17 =	vmul.f32 v17, v11;
	v22 =	vmul.f32 v23, v10;
	v13 =	vadd.f32 v16, v13;
	v23 =	vld [tilespmem:s25+$0x168D0]  }
0x528: {  	v16 =	vadd.f32 v33, v28;
	v33 =	vmul.f32 v35, v12;
	v28 =	vmul.f32 v36, v11;
	v32 =	vld [tilespmem:s25+$0x168C0]  }
0x529: {  	v22 =	vadd.f32 v22, v27;
	v15 =	vmul.f32 v15, v12;
	v35 =	vmul.f32 v37, v11;
	v27 =	vld [tilespmem:s25+$0x168E0]  }
0x52a: {  	v25 =	vadd.f32 v25, v29;
	v16 =	vadd.f32 v28, v16;
	v26 =	vmul.f32 v26, v12  }
0x52b: {  	v14 =	vadd.f32 v14, v22;
	v21 =	vadd.f32 v35, v21;
	v28 =	vmul.f32 v31, v12  }
0x52c: {  	v22 =	vadd.f32 v34, v25;
	v16 =	vadd.f32 v26, v16;
	v23 =	vmul.f32 v23, v12  }
0x52d: {  	v24 =	vadd.f32 v24, v30;
	v21 =	vadd.f32 v28, v21;
	v25 =	vmul.f32 v32, v12  }
0x52e: {  	v17 =	vadd.f32 v17, v20;
	[tilespmem:s25+$0x18890] =	vst v16;
	v16 =	vadd.f32 v23, v19;
	v19 =	vmul.f32 v27, v12  }
0x52f: {  	v14 =	vadd.f32 v15, v14;
	[tilespmem:s25+$0x18880] =	vst v21;
	v15 =	vadd.f32 v25, v24  }
0x530: {  	v13 =	vadd.f32 v33, v13;
	[tilespmem:s25+$0x188D0] =	vst v16;
	v16 =	vadd.f32 v19, v17  }
0x531: {  	[tilespmem:s25+$0x188A0] =	vst v14;
	v14 =	vadd.f32 v18, v22  }
0x532: {  	[tilespmem:s25+$0x188F0] =	vst v13  }
0x533: {  	s0 =	sand.u32 $0xFFFFF800, s17;
	[tilespmem:s25+$0x188B0] =	vst v14  }
0x534: {  	s17 =	sadd.s32 s0, s26;
	[tilespmem:s25+$0x188C0] =	vst v15  }
0x535: {  	s0 =	sor.u32 $0x1400, s17;
	[tilespmem:s25+$0x188E0] =	vst v16;
	v13 =	vld [tilespmem:s25+$0x13C80]  }
0x536: {  	v14 =	vld [tilespmem:s0+$0x13880]  }
0x537: {  	s2 =	sor.u32 $0x2400, s17  }
0x538: {  	v15 =	vld [tilespmem:s2+$0x13880]  }
0x539: {  	s18 =	sor.u32 $0x3400, s17  }
0x53a: {  	v16 =	vld [tilespmem:s18+$0x13880]  }
0x53b: {  	v13 =	vmul.f32 v13, v9;
	v14 =	vmul.f32 v14, v10;
	_ =	sdelay $0x1  }
0x53c: {  	v13 =	vadd.f32 v14, v13;
	v14 =	vmul.f32 v15, v11;
	_ =	sdelay $0x1  }
0x53d: {  	v13 =	vadd.f32 v14, v13;
	v14 =	vmul.f32 v16, v12;
	_ =	sdelay $0x1  }
0x53e: {  	v13 =	vadd.f32 v14, v13;
	_ =	sdelay $0x1  }
0x53f: {  	[tilespmem:s25+$0x18C80] =	vst v13;
	v13 =	vld [tilespmem:s25+$0x13C90]  }
0x540: {  	v14 =	vld [tilespmem:s0+$0x13890]  }
0x541: {  	v15 =	vld [tilespmem:s2+$0x13890]  }
0x542: {  	v16 =	vld [tilespmem:s18+$0x13890];
	_ =	sdelay $0x2  }
0x543: {  	v13 =	vmul.f32 v13, v9;
	v14 =	vmul.f32 v14, v10  }
0x544: {  	v15 =	vmul.f32 v15, v11  }
0x545: {  	v13 =	vadd.f32 v14, v13;
	v14 =	vmul.f32 v16, v12;
	_ =	sdelay $0x1  }
0x546: {  	v13 =	vadd.f32 v15, v13;
	_ =	sdelay $0x1  }
0x547: {  	v13 =	vadd.f32 v14, v13;
	_ =	sdelay $0x1  }
0x548: {  	[tilespmem:s25+$0x18C90] =	vst v13;
	v13 =	vld [tilespmem:s25+$0x13CA0]  }
0x549: {  	v14 =	vld [tilespmem:s0+$0x138A0]  }
0x54a: {  	v15 =	vld [tilespmem:s2+$0x138A0]  }
0x54b: {  	v16 =	vld [tilespmem:s18+$0x138A0];
	_ =	sdelay $0x2  }
0x54c: {  	v13 =	vmul.f32 v13, v9;
	v14 =	vmul.f32 v14, v10  }
0x54d: {  	v15 =	vmul.f32 v15, v11  }
0x54e: {  	v13 =	vadd.f32 v14, v13;
	v14 =	vmul.f32 v16, v12;
	_ =	sdelay $0x1  }
0x54f: {  	v13 =	vadd.f32 v15, v13;
	_ =	sdelay $0x1  }
0x550: {  	v13 =	vadd.f32 v14, v13;
	_ =	sdelay $0x1  }
0x551: {  	[tilespmem:s25+$0x18CA0] =	vst v13;
	v13 =	vld [tilespmem:s25+$0x13CB0]  }
0x552: {  	v14 =	vld [tilespmem:s0+$0x138B0]  }
0x553: {  	v15 =	vld [tilespmem:s2+$0x138B0]  }
0x554: {  	v16 =	vld [tilespmem:s18+$0x138B0];
	_ =	sdelay $0x2  }
0x555: {  	v13 =	vmul.f32 v13, v9;
	v14 =	vmul.f32 v14, v10  }
0x556: {  	v15 =	vmul.f32 v15, v11  }
0x557: {  	v13 =	vadd.f32 v14, v13;
	v14 =	vmul.f32 v16, v12;
	_ =	sdelay $0x1  }
0x558: {  	v13 =	vadd.f32 v15, v13;
	_ =	sdelay $0x1  }
0x559: {  	v13 =	vadd.f32 v14, v13;
	_ =	sdelay $0x1  }
0x55a: {  	[tilespmem:s25+$0x18CB0] =	vst v13;
	v13 =	vld [tilespmem:s25+$0x13CC0]  }
0x55b: {  	v14 =	vld [tilespmem:s0+$0x138C0]  }
0x55c: {  	v15 =	vld [tilespmem:s2+$0x138C0]  }
0x55d: {  	v16 =	vld [tilespmem:s18+$0x138C0];
	_ =	sdelay $0x2  }
0x55e: {  	v13 =	vmul.f32 v13, v9;
	v14 =	vmul.f32 v14, v10  }
0x55f: {  	v15 =	vmul.f32 v15, v11  }
0x560: {  	v13 =	vadd.f32 v14, v13;
	v14 =	vmul.f32 v16, v12;
	_ =	sdelay $0x1  }
0x561: {  	v13 =	vadd.f32 v15, v13  }
.Ltmp16:
0x562: {  	(pc) =	sbr.rel @p0 .LBB2_27-.Ltmp16, $3  }
0x563: {  	v13 =	vadd.f32 v14, v13;
	_ =	sdelay $0x1  }
0x564: {  	[tilespmem:s25+$0x18CC0] =	vst v13;
	v13 =	vld [tilespmem:s25+$0x13CD0]  }
0x565: {  	v14 =	vld [tilespmem:s0+$0x138D0]  }
0x566: {  	_ = 	snop  }
0x567: {  	v15 =	vld [tilespmem:s2+$0x138D0];
	_ =	sdelay $0x1  }
0x568: {  	v16 =	vld [tilespmem:s18+$0x138D0]  }
0x569: {  	v13 =	vmul.f32 v13, v9;
	v14 =	vmul.f32 v14, v10;
	_ =	sdelay $0x1  }
0x56a: {  	v15 =	vmul.f32 v15, v11;
	v13 =	vadd.f32 v14, v13;
	_ =	sdelay $0x1  }
0x56b: {  	v55 =	vmul.f32 v16, v12;
	v13 =	vadd.f32 v15, v13;
	_ =	sdelay $0x1  }
0x56c: {  	v13 =	vadd.f32 v55, v13;
	_ =	sdelay $0x1  }
0x56d: {  	v56 =	vld [tilespmem:s25+$0x13CE0];
	[tilespmem:s25+$0x18CD0] =	vst v13  }
0x56e: {  	v57 =	vld [tilespmem:s0+$0x138E0];
	_ =	sdelay $0x1  }
0x56f: {  	v58 =	vld [tilespmem:s2+$0x138E0];
	_ =	sdelay $0x1  }
0x570: {  	v59 =	vld [tilespmem:s18+$0x138E0]  }
0x571: {  	v13 =	vmul.f32 v56, v9;
	v14 =	vmul.f32 v57, v10;
	_ =	sdelay $0x1  }
0x572: {  	v15 =	vmul.f32 v58, v11;
	v13 =	vadd.f32 v14, v13;
	_ =	sdelay $0x1  }
0x573: {  	v60 =	vmul.f32 v59, v12;
	v13 =	vadd.f32 v15, v13;
	_ =	sdelay $0x1  }
0x574: {  	v13 =	vadd.f32 v60, v13;
	_ =	sdelay $0x1  }
0x575: {  	v61 =	vld [tilespmem:s25+$0x13CF0];
	[tilespmem:s25+$0x18CE0] =	vst v13  }
0x576: {  	v13 =	vld [tilespmem:s0+$0x138F0];
	_ =	sdelay $0x1  }
0x577: {  	v62 =	vld [tilespmem:s2+$0x138F0];
	_ =	sdelay $0x1  }
0x578: {  	v63 =	vld [tilespmem:s18+$0x138F0]  }
0x579: {  	v9 =	vmul.f32 v61, v9;
	v10 =	vmul.f32 v13, v10;
	_ =	sdelay $0x1  }
0x57a: {  	v11 =	vmul.f32 v62, v11;
	v9 =	vadd.f32 v10, v9;
	_ =	sdelay $0x1  }
0x57b: {  	s29 =	smul.u32 $0x1400, s22;
	v10 =	vmul.f32 v63, v12;
	v9 =	vadd.f32 v11, v9  }
.Ltmp17:
0x57c: {  	_ = 	snop;
	(pc) =	sbr.rel .LBB2_29-.Ltmp17, $4  }
0x57d: {  	s0 =	sadd.s32 s29, s23;
	v9 =	vadd.f32 v10, v9  }
0x57e: {  	s0 =	sshll.u32 s0, $0x5  }
0x57f: {  	s30 =	simm.s32 $0x18880;
	s0 =	sadd.s32 s4, s0;
	[tilespmem:s25+$0x18CF0] =	vst v9  }
0x580: {  	[hbm4b:s0+s3] =	stream.linear.scatter [tilespmem:s30], [sflag:$0x6], $0x1000, $0x38;
	[tilespmem:$0x19880] =	vst v63  }
.LBB2_13:
0x581: {  	p1 =	sne.s32 s26, $0x1  }
.Ltmp18:
0x582: {  	_ = 	snop;
	(pc) =	sbr.rel @p1 .LBB2_17-.Ltmp18, $4  }
.Ltmp19:
0x583: {  	_ = 	snop;
	(pc) =	sbr.rel @!p1 .LBB2_14-.Ltmp19, $4  }
0x584: {  	_ = 	snop  }
0x585: {  	_ = 	snop  }
0x586: {  	_ = 	snop  }
0x587: {  	_ = 	snop  }
.LBB2_19:
0x588: {  	p1 =	sne.s32 s26, $0x2  }
.Ltmp20:
0x589: {  	_ = 	snop;
	(pc) =	sbr.rel @p1 .LBB2_23-.Ltmp20, $4  }
.Ltmp21:
0x58a: {  	_ = 	snop;
	(pc) =	sbr.rel @!p1 .LBB2_20-.Ltmp21, $4  }
0x58b: {  	_ = 	snop  }
0x58c: {  	_ = 	snop  }
0x58d: {  	_ = 	snop  }
0x58e: {  	_ = 	snop  }
.LBB2_25:
0x58f: {  	p0 =	sne.s32 s26, $0x3  }
.Ltmp22:
0x590: {  	_ = 	snop;
	(pc) =	sbr.rel @p0 .LBB2_29-.Ltmp22, $4  }
.Ltmp23:
0x591: {  	_ = 	snop;
	(pc) =	sbr.rel @!p0 .LBB2_26-.Ltmp23, $4  }
0x592: {  	_ = 	snop  }
0x593: {  	_ = 	snop  }
0x594: {  	_ = 	snop  }
0x595: {  	_ = 	snop  }
.LBB2_32:
0x596: {  	_ =	sfence.sel $0x180000  }
0x597: {  	[bflag:$0x0] =	sbarrier.arrive $0xFFFF  }
0x598: {  	_ =	strace $0x90000047  }
0x599: {  	s0 =	stileid.u32;
	[bflag:$0x2] =	sbarrier.arrive $0xFFFF  }
0x59a: {  	p0 =	sne.s32 s0, $0x0;
	s0 =	rddreg [dreg:$0x2]  }
0x59b: {  	s0 =	sadd.s32 @!p0 $0x100000, s0  }
0x59c: {  	[sflag:s0] =	ssyncadd.tile.s32 @!p0 $0x1;
	_ =	shalt  }
.Lfunc_end2:
_tile_overlayer_lowered:
.L_overlay_start_2:
0x59d: {  	(tag) =	ssettag $0x2  }
0x59e: {  	s0 =	rddreg [dreg:$0x0];
	s2 =	stileid.u32  }
0x59f: {  	s1 =	rddreg [dreg:$0x1];
	p0 =	sne.s32 s2, $0x0  }
0x5a0: {  	s3 =	rddreg [dreg:$0x2];
	[bflag:$0x3] =	sbarrier.arrive $0xFFFF;
	s2 =	simm.s32 @!p0 $0x1C07  }
0x5a1: {  	[timem:s3], [sflag:s2] =	dma.local @!p0 [hbm:s0], s1  }
0x5a2: {  	s0 =	simm.s32 @!p0 $0x7  }
0x5a3: {  	_ =	swait.ge @!p0 [sflag:s0], s1  }
0x5a4: {  	s1 =	ssub.s32 @!p0 $0x0, s1;
	[sflag:s0] =	ssyncset.done @!p0 $0x0  }
0x5a5: {  	[sflag:s0] =	ssyncadd.s32 @!p0 s1  }
0x5a6: {  	[bflag:$0x3] =	sbarrier.arrive $0xFFFF  }
0x5a7: {  	_ =	shalt  }

</sc_bundles>
